<compile_context>
chip_gen: v7x
topology: tpu7x:2x2x1
jax: 0.10.2.dev20260603
libtpu: 0.0.44.dev20260713+nightly
codegen_flags: <defaults>
</compile_context>

<pallas_src>
import functools

import jax
import jax.numpy as jnp
from jax import lax
from jax.experimental import pallas as pl
from jax.experimental.pallas import tpu as pltpu
from jax.experimental.pallas import tpu_sc as plsc

_B = 16384
_L = 50
_D = 32
_NC = 2
_NS = 16
_NW = _NC * _NS
_BPW = _B // _NW
_C = 4
_CR = _C * _L
_S0 = 96
_S1 = _CR - _S0
_NCHUNK = _BPW // _C
_IPW = _BPW * _L

_mesh = plsc.VectorSubcoreMesh(core_axis_name="c", subcore_axis_name="s")


@functools.partial(
    pl.kernel,
    mesh=_mesh,
    compiler_params=pltpu.CompilerParams(
        needs_layout_passes=False, use_tc_tiling_on_sc=True),
    out_type=jax.ShapeDtypeStruct((_B * _L,), jnp.int32),
    scratch_types=[
        pltpu.VMEM((_BPW, _L), jnp.int32),
        pltpu.VMEM((_IPW,), jnp.int32),
        pltpu.SemaphoreType.DMA,
    ],
)
def _flatten_sc(ng_hbm, out_hbm, ng_v, flat_v, sem):
    wid = lax.axis_index("s") * _NC + lax.axis_index("c")
    r0 = wid * _BPW
    pltpu.async_copy(ng_hbm.at[pl.ds(r0, _BPW)], ng_v, sem).wait()
    iota = lax.iota(jnp.int32, 16)

    def row(r, carry):
        base = r * _L
        for off in (0, 16, 32, 34):
            v = ng_v[r, pl.ds(off, 16)]
            plsc.store_scatter(flat_v, [base + off + iota], v)
        return carry

    lax.fori_loop(0, _BPW, row, 0)
    pltpu.async_copy(flat_v, out_hbm.at[pl.ds(wid * _IPW, _IPW)], sem).wait()


@functools.partial(
    pl.kernel,
    mesh=_mesh,
    compiler_params=pltpu.CompilerParams(
        needs_layout_passes=False, use_tc_tiling_on_sc=False),
    out_type=jax.ShapeDtypeStruct((_B, 128), jnp.float32),
    scratch_types=[
        pltpu.VMEM((_IPW,), jnp.int32),
        pltpu.VMEM((_CR, _D), jnp.float32),
        pltpu.VMEM((_CR, _D), jnp.float32),
        pltpu.VMEM((_BPW, 128), jnp.float32),
        pltpu.SemaphoreType.DMA,
        pltpu.SemaphoreType.DMA,
    ],
)
def _embed_mean(idx_hbm, table_hbm, out_hbm,
                idx_v, rows0, rows1, out_v, sem0, sem1):
    wid = lax.axis_index("s") * _NC + lax.axis_index("c")

    pltpu.sync_copy(idx_hbm.at[pl.ds(wid * _IPW, _IPW)], idx_v)

    row_b = (rows0, rows1)
    sem_b = (sem0, sem1)

    def load_chunk(g, buf):
        base = g * _CR
        pltpu.async_copy(
            table_hbm.at[idx_v.at[pl.ds(base, _S0)]],
            row_b[buf].at[pl.ds(0, _S0)], sem_b[buf])
        pltpu.async_copy(
            table_hbm.at[idx_v.at[pl.ds(base + _S0, _S1)]],
            row_b[buf].at[pl.ds(_S0, _S1)], sem_b[buf])

    def wait_chunk(g, buf):
        base = g * _CR
        pltpu.make_async_copy(
            table_hbm.at[idx_v.at[pl.ds(base, _S0)]],
            row_b[buf].at[pl.ds(0, _S0)], sem_b[buf]).wait()
        pltpu.make_async_copy(
            table_hbm.at[idx_v.at[pl.ds(base + _S0, _S1)]],
            row_b[buf].at[pl.ds(_S0, _S1)], sem_b[buf]).wait()

    inv = jnp.float32(1.0 / _L)

    def reduce_chunk(g, buf):
        rows = row_b[buf]
        for i in range(_C):
            r0 = i * _L
            a0 = jnp.zeros((16,), jnp.float32)
            a1 = jnp.zeros((16,), jnp.float32)
            b0 = jnp.zeros((16,), jnp.float32)
            b1 = jnp.zeros((16,), jnp.float32)
            for j in range(_L // 2):
                ra = r0 + 2 * j
                rb = ra + 1
                a0 = a0 + rows[ra, pl.ds(0, 16)]
                a1 = a1 + rows[ra, pl.ds(16, 16)]
                b0 = b0 + rows[rb, pl.ds(0, 16)]
                b1 = b1 + rows[rb, pl.ds(16, 16)]
            bag = g * _C + i
            out_v[bag, pl.ds(0, 16)] = (a0 + b0) * inv
            out_v[bag, pl.ds(16, 16)] = (a1 + b1) * inv

    load_chunk(0, 0)

    def pair(p, carry):
        for half in range(2):
            g = 2 * p + half
            cur = half
            nxt = 1 - half

            @pl.when(g + 1 < _NCHUNK)
            def _():
                load_chunk(g + 1, nxt)

            wait_chunk(g, cur)
            reduce_chunk(g, cur)
        return carry

    lax.fori_loop(0, _NCHUNK // 2, pair, 0)

    pltpu.sync_copy(out_v, out_hbm.at[pl.ds(wid * _BPW, _BPW)])


def kernel(ngrams, weight):
    ng = _flatten_sc(ngrams.astype(jnp.int32))
    return _embed_mean(ng, weight)[:, :_D]

# --- scband reference (transcript-rebuilt; emitter-appended) ---
"""Pipeline reference for scband-property-embedding-85358180041106 (READ-ONLY COPY).

The authoritative reference and input builder live on the scoring server;
editing this copy changes nothing except your own understanding.
"""

import jax, jax.numpy as jnp
import numpy as np

N_VOCAB = 1000000
N_EMBED = 32
BATCH = 16384
BAG_LEN = 50

def setup_inputs(seed: int = 0) -> dict:
    key = jax.random.key(seed)
    k1, k2 = jax.random.split(key)
    ngrams = jax.random.randint(k1, (BATCH, BAG_LEN), 0, N_VOCAB, dtype=jnp.int64 if jax.config.jax_enable_x64 else jnp.int32)
    weight = jax.random.normal(k2, (N_VOCAB, N_EMBED), dtype=jnp.float32)
    return {"ngrams": ngrams, "weight": weight}

def reference(ngrams, weight):
    # Equivalent to: ngrams list of B equal-length bags -> cat + offsets -> EmbeddingBag(mode='mean')
    # With equal-length bags of length L, this reduces to gather + mean over the bag dimension.
    emb = jnp.take(weight, ngrams, axis=0)   # [B, L, D] gather
    out = jnp.mean(emb, axis=1)              # [B, D] mean pooling per bag
    return out

if __name__ == "__main__":
    import jax
    _d = setup_inputs()
    print(jax.jit(kernel)(*tuple(_d.values())))

</pallas_src>

<mosaic_0001>
#map = affine_map<(d0, d1) -> (0, 0)>
#map1 = affine_map<(d0, d1) -> (0)>
module attributes {stable_mosaic.version = 14 : i64} {
  func.func @_flatten_sc(%arg0: i32, %arg1: i32, %arg2: memref<16384x50xi32, #tpu.memory_space<hbm>>, %arg3: memref<819200xi32, #tpu.memory_space<hbm>>, %arg4: memref<512x50xi32, #tpu.memory_space<vmem>>, %arg5: memref<25600xi32, #tpu.memory_space<vmem>>, %arg6: memref<!tpu.dma_semaphore, #tpu.memory_space<semaphore_mem>>) attributes {dimension_semantics = [#tpu.dimension_semantics<core_parallel>, #tpu.dimension_semantics<subcore_parallel>], iteration_bounds = array<i64: 2, 16>, scalar_prefetch = 0 : i64, scratch_operands = 3 : i64, tpu.core_type = #tpu.core_type<sc_vector_subcore>, window_params = [{transform_indices = #map}, {transform_indices = #map1}]} {
    %mul3A = arith.constant 2 : i32
    %mul3A_0 = arith.muli %arg1, %mul3A : i32
    %add3A = arith.addi %mul3A_0, %arg0 : i32
    %mul3A_1 = arith.constant 512 : i32
    %mul3A_2 = arith.muli %add3A, %mul3A_1 : i32
    %dma_start3A = arith.constant 0 : i32
    %dma_start3A_3 = tpu.memref_slice %arg2[%mul3A_2, %dma_start3A] : memref<16384x50xi32, #tpu.memory_space<hbm>> -> memref<512x50xi32, #tpu.memory_space<hbm>>
    %dma_start3A_4 = arith.constant 0 : i32
    %dma_start3A_5 = tpu.memref_slice %arg2[%mul3A_2, %dma_start3A_4] : memref<16384x50xi32, #tpu.memory_space<hbm>> -> memref<512x50xi32, #tpu.memory_space<hbm>>
    tpu.enqueue_dma source(%dma_start3A_5 : memref<512x50xi32, #tpu.memory_space<hbm>>) target(%arg4 : memref<512x50xi32, #tpu.memory_space<vmem>>) target_semaphore(%arg6 : memref<!tpu.dma_semaphore, #tpu.memory_space<semaphore_mem>>)
    %dma_wait3A = arith.constant 0 : i32
    %dma_wait3A_6 = tpu.memref_slice %arg2[%mul3A_2, %dma_wait3A] : memref<16384x50xi32, #tpu.memory_space<hbm>> -> memref<512x50xi32, #tpu.memory_space<hbm>>
    %dma_wait3A_7 = arith.constant 0 : i32
    %dma_wait3A_8 = tpu.memref_slice %arg2[%mul3A_2, %dma_wait3A_7] : memref<16384x50xi32, #tpu.memory_space<hbm>> -> memref<512x50xi32, #tpu.memory_space<hbm>>
    tpu.wait_dma2 semaphore(%arg6 : memref<!tpu.dma_semaphore, #tpu.memory_space<semaphore_mem>>) src(%dma_wait3A_8 : memref<512x50xi32, #tpu.memory_space<hbm>>) dst(%arg4 : memref<512x50xi32, #tpu.memory_space<vmem>>)
    %iota3A = tpu.iota {dimensions = array<i32: 0>} : vector<16xi32>
    %scan3A = arith.constant 0 : i32
    %scan3A_9 = arith.constant 0 : i32
    %scan3A_10 = arith.constant 512 : i32
    %scan3A_11 = arith.addi %scan3A_9, %scan3A_10 : i32
    %scan3A_12 = arith.constant 1 : i32
    scf.for %scan3A_20 = %scan3A_9 to %scan3A_11 step %scan3A_12  : i32 {
      %mul3A_21 = arith.constant 50 : i32
      %mul3A_22 = arith.muli %scan3A_20, %mul3A_21 : i32
      %get3A = arith.index_cast %scan3A_20 : i32 to index
      %get3A_23 = arith.constant 0 : index
      %get3A_24 = tpu.vector_load %arg4[%get3A, %get3A_23] {strides = array<i32>} : memref<512x50xi32, #tpu.memory_space<vmem>>, vector<16xi32>,
      %add3A_25 = arith.constant 0 : i32
      %add3A_26 = arith.addi %mul3A_22, %add3A_25 : i32
      %add3A_27 = vector.broadcast %add3A_26 : i32 to vector<16xi32>
      %add3A_28 = arith.addi %add3A_27, %iota3A : vector<16xi32>
      tpu.vector_store_idx %arg5[%add3A_28], %get3A_24 : memref<25600xi32, #tpu.memory_space<vmem>>[vector<16xi32>], vector<16xi32>,
      %get3A_29 = arith.index_cast %scan3A_20 : i32 to index
      %get3A_30 = arith.constant 16 : index
      %get3A_31 = tpu.vector_load %arg4[%get3A_29, %get3A_30] {strides = array<i32>} : memref<512x50xi32, #tpu.memory_space<vmem>>, vector<16xi32>,
      %add3A_32 = arith.constant 16 : i32
      %add3A_33 = arith.addi %mul3A_22, %add3A_32 : i32
      %add3A_34 = vector.broadcast %add3A_33 : i32 to vector<16xi32>
      %add3A_35 = arith.addi %add3A_34, %iota3A : vector<16xi32>
      tpu.vector_store_idx %arg5[%add3A_35], %get3A_31 : memref<25600xi32, #tpu.memory_space<vmem>>[vector<16xi32>], vector<16xi32>,
      %get3A_36 = arith.index_cast %scan3A_20 : i32 to index
      %get3A_37 = arith.constant 32 : index
      %get3A_38 = tpu.vector_load %arg4[%get3A_36, %get3A_37] {strides = array<i32>} : memref<512x50xi32, #tpu.memory_space<vmem>>, vector<16xi32>,
      %add3A_39 = arith.constant 32 : i32
      %add3A_40 = arith.addi %mul3A_22, %add3A_39 : i32
      %add3A_41 = vector.broadcast %add3A_40 : i32 to vector<16xi32>
      %add3A_42 = arith.addi %add3A_41, %iota3A : vector<16xi32>
      tpu.vector_store_idx %arg5[%add3A_42], %get3A_38 : memref<25600xi32, #tpu.memory_space<vmem>>[vector<16xi32>], vector<16xi32>,
      %get3A_43 = arith.index_cast %scan3A_20 : i32 to index
      %get3A_44 = arith.constant 34 : index
      %get3A_45 = tpu.vector_load %arg4[%get3A_43, %get3A_44] {strides = array<i32>} : memref<512x50xi32, #tpu.memory_space<vmem>>, vector<16xi32>,
      %add3A_46 = arith.constant 34 : i32
      %add3A_47 = arith.addi %mul3A_22, %add3A_46 : i32
      %add3A_48 = vector.broadcast %add3A_47 : i32 to vector<16xi32>
      %add3A_49 = arith.addi %add3A_48, %iota3A : vector<16xi32>
      tpu.vector_store_idx %arg5[%add3A_49], %get3A_45 : memref<25600xi32, #tpu.memory_space<vmem>>[vector<16xi32>], vector<16xi32>,
    }
    %scan3A_13 = arith.constant 512 : i32
    %mul3A_14 = arith.constant 25600 : i32
    %mul3A_15 = arith.muli %add3A, %mul3A_14 : i32
    %dma_start3A_16 = tpu.memref_slice %arg3[%mul3A_15] : memref<819200xi32, #tpu.memory_space<hbm>> -> memref<25600xi32, #tpu.memory_space<hbm>>
    %dma_start3A_17 = tpu.memref_slice %arg3[%mul3A_15] : memref<819200xi32, #tpu.memory_space<hbm>> -> memref<25600xi32, #tpu.memory_space<hbm>>
    tpu.enqueue_dma source(%arg5 : memref<25600xi32, #tpu.memory_space<vmem>>) target(%dma_start3A_17 : memref<25600xi32, #tpu.memory_space<hbm>>) target_semaphore(%arg6 : memref<!tpu.dma_semaphore, #tpu.memory_space<semaphore_mem>>)
    %dma_wait3A_18 = tpu.memref_slice %arg3[%mul3A_15] : memref<819200xi32, #tpu.memory_space<hbm>> -> memref<25600xi32, #tpu.memory_space<hbm>>
    %dma_wait3A_19 = tpu.memref_slice %arg3[%mul3A_15] : memref<819200xi32, #tpu.memory_space<hbm>> -> memref<25600xi32, #tpu.memory_space<hbm>>
    tpu.wait_dma2 semaphore(%arg6 : memref<!tpu.dma_semaphore, #tpu.memory_space<semaphore_mem>>) src(%arg5 : memref<25600xi32, #tpu.memory_space<vmem>>) dst(%dma_wait3A_19 : memref<25600xi32, #tpu.memory_space<hbm>>)
    return
  }
}

#map = affine_map<(d0, d1) -> (0)>
#map1 = affine_map<(d0, d1) -> (0, 0)>
module attributes {stable_mosaic.version = 14 : i64} {
  func.func @_embed_mean(%arg0: i32, %arg1: i32, %arg2: memref<819200xi32, #tpu.memory_space<hbm>>, %arg3: memref<1000000x32xf32, #tpu.memory_space<hbm>>, %arg4: memref<16384x128xf32, #tpu.memory_space<hbm>>, %arg5: memref<25600xi32, #tpu.memory_space<vmem>>, %arg6: memref<200x32xf32, #tpu.memory_space<vmem>>, %arg7: memref<200x32xf32, #tpu.memory_space<vmem>>, %arg8: memref<512x128xf32, #tpu.memory_space<vmem>>, %arg9: memref<!tpu.dma_semaphore, #tpu.memory_space<semaphore_mem>>, %arg10: memref<!tpu.dma_semaphore, #tpu.memory_space<semaphore_mem>>) attributes {dimension_semantics = [#tpu.dimension_semantics<core_parallel>, #tpu.dimension_semantics<subcore_parallel>], iteration_bounds = array<i64: 2, 16>, scalar_prefetch = 0 : i64, scratch_operands = 6 : i64, tpu.core_type = #tpu.core_type<sc_vector_subcore>, window_params = [{transform_indices = #map}, {transform_indices = #map1}, {transform_indices = #map1}]} {
    %mul3A = arith.constant 2 : i32
    %mul3A_0 = arith.muli %arg1, %mul3A : i32
    %add3A = arith.addi %mul3A_0, %arg0 : i32
    %mul3A_1 = arith.constant 25600 : i32
    %mul3A_2 = arith.muli %add3A, %mul3A_1 : i32
    "tpu.region"() ({
      %run_scoped3A = tpu.sem_alloc : memref<!tpu.dma_semaphore, #tpu.memory_space<semaphore_mem>>
      %dma_start3A_26 = tpu.memref_slice %arg2[%mul3A_2] : memref<819200xi32, #tpu.memory_space<hbm>> -> memref<25600xi32, #tpu.memory_space<hbm>>
      %dma_start3A_27 = tpu.memref_slice %arg2[%mul3A_2] : memref<819200xi32, #tpu.memory_space<hbm>> -> memref<25600xi32, #tpu.memory_space<hbm>>
      tpu.enqueue_dma source(%dma_start3A_27 : memref<25600xi32, #tpu.memory_space<hbm>>) target(%arg5 : memref<25600xi32, #tpu.memory_space<vmem>>) target_semaphore(%run_scoped3A : memref<!tpu.dma_semaphore, #tpu.memory_space<semaphore_mem>>)
      %dma_wait3A = tpu.memref_slice %arg2[%mul3A_2] : memref<819200xi32, #tpu.memory_space<hbm>> -> memref<25600xi32, #tpu.memory_space<hbm>>
      %dma_wait3A_28 = tpu.memref_slice %arg2[%mul3A_2] : memref<819200xi32, #tpu.memory_space<hbm>> -> memref<25600xi32, #tpu.memory_space<hbm>>
      tpu.wait_dma2 semaphore(%run_scoped3A : memref<!tpu.dma_semaphore, #tpu.memory_space<semaphore_mem>>) src(%dma_wait3A_28 : memref<25600xi32, #tpu.memory_space<hbm>>) dst(%arg5 : memref<25600xi32, #tpu.memory_space<vmem>>)
      tpu.yield
    }) : () -> ()
    %dma_start3A = arith.constant 0 : i32
    %dma_start3A_3 = arith.constant 0 : i32
    %dma_start3A_4 = tpu.memref_slice %arg6[%dma_start3A, %dma_start3A_3] : memref<200x32xf32, #tpu.memory_space<vmem>> -> memref<96x32xf32, #tpu.memory_space<vmem>>
    %dma_start3A_5 = arith.constant 0 : i32
    %dma_start3A_6 = tpu.memref_slice %arg5[%dma_start3A_5] : memref<25600xi32, #tpu.memory_space<vmem>> -> memref<96xi32, #tpu.memory_space<vmem>>
    %dma_start3A_7 = arith.constant 0 : i32
    %dma_start3A_8 = arith.constant 0 : i32
    %dma_start3A_9 = tpu.memref_slice %arg3[%dma_start3A_7, %dma_start3A_8] : memref<1000000x32xf32, #tpu.memory_space<hbm>> -> memref<1000000x32xf32, #tpu.memory_space<hbm>>
    tpu.enqueue_indirect_dma source(%dma_start3A_9 : memref<1000000x32xf32, #tpu.memory_space<hbm>>) target(%dma_start3A_4 : memref<96x32xf32, #tpu.memory_space<vmem>>) offsets(%dma_start3A_6 : memref<96xi32, #tpu.memory_space<vmem>>) semaphore(%arg9 : memref<!tpu.dma_semaphore, #tpu.memory_space<semaphore_mem>>)
    %dma_start3A_10 = arith.constant 96 : i32
    %dma_start3A_11 = arith.constant 0 : i32
    %dma_start3A_12 = tpu.memref_slice %arg6[%dma_start3A_10, %dma_start3A_11] : memref<200x32xf32, #tpu.memory_space<vmem>> -> memref<104x32xf32, #tpu.memory_space<vmem>>
    %dma_start3A_13 = arith.constant 96 : i32
    %dma_start3A_14 = tpu.memref_slice %arg5[%dma_start3A_13] : memref<25600xi32, #tpu.memory_space<vmem>> -> memref<104xi32, #tpu.memory_space<vmem>>
    %dma_start3A_15 = arith.constant 0 : i32
    %dma_start3A_16 = arith.constant 0 : i32
    %dma_start3A_17 = tpu.memref_slice %arg3[%dma_start3A_15, %dma_start3A_16] : memref<1000000x32xf32, #tpu.memory_space<hbm>> -> memref<1000000x32xf32, #tpu.memory_space<hbm>>
    tpu.enqueue_indirect_dma source(%dma_start3A_17 : memref<1000000x32xf32, #tpu.memory_space<hbm>>) target(%dma_start3A_12 : memref<104x32xf32, #tpu.memory_space<vmem>>) offsets(%dma_start3A_14 : memref<104xi32, #tpu.memory_space<vmem>>) semaphore(%arg9 : memref<!tpu.dma_semaphore, #tpu.memory_space<semaphore_mem>>)
    %scan3A = arith.constant 0 : i32
    %scan3A_18 = arith.constant 2.000000e-02 : f32
    %scan3A_19 = arith.constant 0 : i32
    %scan3A_20 = arith.constant 64 : i32
    %scan3A_21 = arith.addi %scan3A_19, %scan3A_20 : i32
    %scan3A_22 = arith.constant 1 : i32
    scf.for %scan3A_26 = %scan3A_19 to %scan3A_21 step %scan3A_22  : i32 {
      %mul3A_27 = arith.constant 2 : i32
      %mul3A_28 = arith.muli %mul3A_27, %scan3A_26 : i32
      %add3A_29 = arith.constant 0 : i32
      %add3A_30 = arith.addi %mul3A_28, %add3A_29 : i32
      %add3A_31 = arith.constant 1 : i32
      %add3A_32 = arith.addi %add3A_30, %add3A_31 : i32
      %lt3A = arith.constant 128 : i32
      %lt3A_33 = arith.cmpi slt, %add3A_32, %lt3A : i32
      %convert_element_type3A = arith.extui %lt3A_33 : i1 to i32
      %cond3A = arith.constant 0 : i32
      %cond3A_34 = arith.cmpi ne, %convert_element_type3A, %cond3A : i32
      scf.if %cond3A_34 {
        %add3A_4270 = arith.constant 1 : i32
        %add3A_4271 = arith.addi %add3A_30, %add3A_4270 : i32
        %mul3A_4272 = arith.constant 200 : i32
        %mul3A_4273 = arith.muli %add3A_4271, %mul3A_4272 : i32
        %dma_start3A_4274 = arith.constant 0 : i32
        %dma_start3A_4275 = arith.constant 0 : i32
        %dma_start3A_4276 = tpu.memref_slice %arg7[%dma_start3A_4274, %dma_start3A_4275] : memref<200x32xf32, #tpu.memory_space<vmem>> -> memref<96x32xf32, #tpu.memory_space<vmem>>
        %dma_start3A_4277 = tpu.memref_slice %arg5[%mul3A_4273] : memref<25600xi32, #tpu.memory_space<vmem>> -> memref<96xi32, #tpu.memory_space<vmem>>
        %dma_start3A_4278 = arith.constant 0 : i32
        %dma_start3A_4279 = arith.constant 0 : i32
        %dma_start3A_4280 = tpu.memref_slice %arg3[%dma_start3A_4278, %dma_start3A_4279] : memref<1000000x32xf32, #tpu.memory_space<hbm>> -> memref<1000000x32xf32, #tpu.memory_space<hbm>>
        tpu.enqueue_indirect_dma source(%dma_start3A_4280 : memref<1000000x32xf32, #tpu.memory_space<hbm>>) target(%dma_start3A_4276 : memref<96x32xf32, #tpu.memory_space<vmem>>) offsets(%dma_start3A_4277 : memref<96xi32, #tpu.memory_space<vmem>>) semaphore(%arg10 : memref<!tpu.dma_semaphore, #tpu.memory_space<semaphore_mem>>)
        %add3A_4281 = arith.constant 96 : i32
        %add3A_4282 = arith.addi %mul3A_4273, %add3A_4281 : i32
        %dma_start3A_4283 = arith.constant 96 : i32
        %dma_start3A_4284 = arith.constant 0 : i32
        %dma_start3A_4285 = tpu.memref_slice %arg7[%dma_start3A_4283, %dma_start3A_4284] : memref<200x32xf32, #tpu.memory_space<vmem>> -> memref<104x32xf32, #tpu.memory_space<vmem>>
        %dma_start3A_4286 = tpu.memref_slice %arg5[%add3A_4282] : memref<25600xi32, #tpu.memory_space<vmem>> -> memref<104xi32, #tpu.memory_space<vmem>>
        %dma_start3A_4287 = arith.constant 0 : i32
        %dma_start3A_4288 = arith.constant 0 : i32
        %dma_start3A_4289 = tpu.memref_slice %arg3[%dma_start3A_4287, %dma_start3A_4288] : memref<1000000x32xf32, #tpu.memory_space<hbm>> -> memref<1000000x32xf32, #tpu.memory_space<hbm>>
        tpu.enqueue_indirect_dma source(%dma_start3A_4289 : memref<1000000x32xf32, #tpu.memory_space<hbm>>) target(%dma_start3A_4285 : memref<104x32xf32, #tpu.memory_space<vmem>>) offsets(%dma_start3A_4286 : memref<104xi32, #tpu.memory_space<vmem>>) semaphore(%arg10 : memref<!tpu.dma_semaphore, #tpu.memory_space<semaphore_mem>>)
      } else {
      }
      %mul3A_35 = arith.constant 200 : i32
      %mul3A_36 = arith.muli %add3A_30, %mul3A_35 : i32
      %dma_wait3A = arith.constant 0 : i32
      %dma_wait3A_37 = arith.constant 0 : i32
      %dma_wait3A_38 = tpu.memref_slice %arg6[%dma_wait3A, %dma_wait3A_37] : memref<200x32xf32, #tpu.memory_space<vmem>> -> memref<96x32xf32, #tpu.memory_space<vmem>>
      %dma_wait3A_39 = tpu.memref_slice %arg5[%mul3A_36] : memref<25600xi32, #tpu.memory_space<vmem>> -> memref<96xi32, #tpu.memory_space<vmem>>
      %dma_wait3A_40 = arith.constant 0 : i32
      %dma_wait3A_41 = arith.constant 0 : i32
      %dma_wait3A_42 = tpu.memref_slice %arg3[%dma_wait3A_40, %dma_wait3A_41] : memref<1000000x32xf32, #tpu.memory_space<hbm>> -> memref<1000000x32xf32, #tpu.memory_space<hbm>>
      tpu.wait_indirect_dma semaphore(%arg9 : memref<!tpu.dma_semaphore, #tpu.memory_space<semaphore_mem>>) src(%dma_wait3A_42 : memref<1000000x32xf32, #tpu.memory_space<hbm>>) dst(%dma_wait3A_38 : memref<96x32xf32, #tpu.memory_space<vmem>>)
      %add3A_43 = arith.constant 96 : i32
      %add3A_44 = arith.addi %mul3A_36, %add3A_43 : i32
      %dma_wait3A_45 = arith.constant 96 : i32
      %dma_wait3A_46 = arith.constant 0 : i32
      %dma_wait3A_47 = tpu.memref_slice %arg6[%dma_wait3A_45, %dma_wait3A_46] : memref<200x32xf32, #tpu.memory_space<vmem>> -> memref<104x32xf32, #tpu.memory_space<vmem>>
      %dma_wait3A_48 = tpu.memref_slice %arg5[%add3A_44] : memref<25600xi32, #tpu.memory_space<vmem>> -> memref<104xi32, #tpu.memory_space<vmem>>
      %dma_wait3A_49 = arith.constant 0 : i32
      %dma_wait3A_50 = arith.constant 0 : i32
      %dma_wait3A_51 = tpu.memref_slice %arg3[%dma_wait3A_49, %dma_wait3A_50] : memref<1000000x32xf32, #tpu.memory_space<hbm>> -> memref<1000000x32xf32, #tpu.memory_space<hbm>>
      tpu.wait_indirect_dma semaphore(%arg9 : memref<!tpu.dma_semaphore, #tpu.memory_space<semaphore_mem>>) src(%dma_wait3A_51 : memref<1000000x32xf32, #tpu.memory_space<hbm>>) dst(%dma_wait3A_47 : memref<104x32xf32, #tpu.memory_space<vmem>>)
      %broadcast_in_dim3A = arith.constant 0.000000e+00 : f32
      %broadcast_in_dim3A_52 = vector.broadcast %broadcast_in_dim3A : f32 to vector<16xf32>
      %broadcast_in_dim3A_53 = arith.constant 0.000000e+00 : f32
      %broadcast_in_dim3A_54 = vector.broadcast %broadcast_in_dim3A_53 : f32 to vector<16xf32>
      %broadcast_in_dim3A_55 = arith.constant 0.000000e+00 : f32
      %broadcast_in_dim3A_56 = vector.broadcast %broadcast_in_dim3A_55 : f32 to vector<16xf32>
      %broadcast_in_dim3A_57 = arith.constant 0.000000e+00 : f32
      %broadcast_in_dim3A_58 = vector.broadcast %broadcast_in_dim3A_57 : f32 to vector<16xf32>
      %get3A = arith.constant 0 : i32
      %get3A_59 = arith.index_cast %get3A : i32 to index
      %get3A_60 = arith.constant 0 : index
      %get3A_61 = tpu.vector_load %arg6[%get3A_59, %get3A_60] {strides = array<i32>} : memref<200x32xf32, #tpu.memory_space<vmem>>, vector<16xf32>,
      %add3A_62 = arith.addf %broadcast_in_dim3A_52, %get3A_61 : vector<16xf32>
      %get3A_63 = arith.constant 0 : i32
      %get3A_64 = arith.index_cast %get3A_63 : i32 to index
      %get3A_65 = arith.constant 16 : index
      %get3A_66 = tpu.vector_load %arg6[%get3A_64, %get3A_65] {strides = array<i32>} : memref<200x32xf32, #tpu.memory_space<vmem>>, vector<16xf32>,
      %add3A_67 = arith.addf %broadcast_in_dim3A_54, %get3A_66 : vector<16xf32>
      %get3A_68 = arith.constant 1 : i32
      %get3A_69 = arith.index_cast %get3A_68 : i32 to index
      %get3A_70 = arith.constant 0 : index
      %get3A_71 = tpu.vector_load %arg6[%get3A_69, %get3A_70] {strides = array<i32>} : memref<200x32xf32, #tpu.memory_space<vmem>>, vector<16xf32>,
      %add3A_72 = arith.addf %broadcast_in_dim3A_56, %get3A_71 : vector<16xf32>
      %get3A_73 = arith.constant 1 : i32
      %get3A_74 = arith.index_cast %get3A_73 : i32 to index
      %get3A_75 = arith.constant 16 : index
      %get3A_76 = tpu.vector_load %arg6[%get3A_74, %get3A_75] {strides = array<i32>} : memref<200x32xf32, #tpu.memory_space<vmem>>, vector<16xf32>,
      %add3A_77 = arith.addf %broadcast_in_dim3A_58, %get3A_76 : vector<16xf32>
      %get3A_78 = arith.constant 2 : i32
      %get3A_79 = arith.index_cast %get3A_78 : i32 to index
      %get3A_80 = arith.constant 0 : index
      %get3A_81 = tpu.vector_load %arg6[%get3A_79, %get3A_80] {strides = array<i32>} : memref<200x32xf32, #tpu.memory_space<vmem>>, vector<16xf32>,
      %add3A_82 = arith.addf %add3A_62, %get3A_81 : vector<16xf32>
      %get3A_83 = arith.constant 2 : i32
      %get3A_84 = arith.index_cast %get3A_83 : i32 to index
      %get3A_85 = arith.constant 16 : index
      %get3A_86 = tpu.vector_load %arg6[%get3A_84, %get3A_85] {strides = array<i32>} : memref<200x32xf32, #tpu.memory_space<vmem>>, vector<16xf32>,
      %add3A_87 = arith.addf %add3A_67, %get3A_86 : vector<16xf32>
      %get3A_88 = arith.constant 3 : i32
      %get3A_89 = arith.index_cast %get3A_88 : i32 to index
      %get3A_90 = arith.constant 0 : index
      %get3A_91 = tpu.vector_load %arg6[%get3A_89, %get3A_90] {strides = array<i32>} : memref<200x32xf32, #tpu.memory_space<vmem>>, vector<16xf32>,
      %add3A_92 = arith.addf %add3A_72, %get3A_91 : vector<16xf32>
      %get3A_93 = arith.constant 3 : i32
      %get3A_94 = arith.index_cast %get3A_93 : i32 to index
      %get3A_95 = arith.constant 16 : index
      %get3A_96 = tpu.vector_load %arg6[%get3A_94, %get3A_95] {strides = array<i32>} : memref<200x32xf32, #tpu.memory_space<vmem>>, vector<16xf32>,
      %add3A_97 = arith.addf %add3A_77, %get3A_96 : vector<16xf32>
      %get3A_98 = arith.constant 4 : i32
      %get3A_99 = arith.index_cast %get3A_98 : i32 to index
      %get3A_100 = arith.constant 0 : index
      %get3A_101 = tpu.vector_load %arg6[%get3A_99, %get3A_100] {strides = array<i32>} : memref<200x32xf32, #tpu.memory_space<vmem>>, vector<16xf32>,
      %add3A_102 = arith.addf %add3A_82, %get3A_101 : vector<16xf32>
      %get3A_103 = arith.constant 4 : i32
      %get3A_104 = arith.index_cast %get3A_103 : i32 to index
      %get3A_105 = arith.constant 16 : index
      %get3A_106 = tpu.vector_load %arg6[%get3A_104, %get3A_105] {strides = array<i32>} : memref<200x32xf32, #tpu.memory_space<vmem>>, vector<16xf32>,
      %add3A_107 = arith.addf %add3A_87, %get3A_106 : vector<16xf32>
      %get3A_108 = arith.constant 5 : i32
      %get3A_109 = arith.index_cast %get3A_108 : i32 to index
      %get3A_110 = arith.constant 0 : index
      %get3A_111 = tpu.vector_load %arg6[%get3A_109, %get3A_110] {strides = array<i32>} : memref<200x32xf32, #tpu.memory_space<vmem>>, vector<16xf32>,
      %add3A_112 = arith.addf %add3A_92, %get3A_111 : vector<16xf32>
      %get3A_113 = arith.constant 5 : i32
      %get3A_114 = arith.index_cast %get3A_113 : i32 to index
      %get3A_115 = arith.constant 16 : index
      %get3A_116 = tpu.vector_load %arg6[%get3A_114, %get3A_115] {strides = array<i32>} : memref<200x32xf32, #tpu.memory_space<vmem>>, vector<16xf32>,
      %add3A_117 = arith.addf %add3A_97, %get3A_116 : vector<16xf32>
      %get3A_118 = arith.constant 6 : i32
      %get3A_119 = arith.index_cast %get3A_118 : i32 to index
      %get3A_120 = arith.constant 0 : index
      %get3A_121 = tpu.vector_load %arg6[%get3A_119, %get3A_120] {strides = array<i32>} : memref<200x32xf32, #tpu.memory_space<vmem>>, vector<16xf32>,
      %add3A_122 = arith.addf %add3A_102, %get3A_121 : vector<16xf32>
      %get3A_123 = arith.constant 6 : i32
      %get3A_124 = arith.index_cast %get3A_123 : i32 to index
      %get3A_125 = arith.constant 16 : index
      %get3A_126 = tpu.vector_load %arg6[%get3A_124, %get3A_125] {strides = array<i32>} : memref<200x32xf32, #tpu.memory_space<vmem>>, vector<16xf32>,
      %add3A_127 = arith.addf %add3A_107, %get3A_126 : vector<16xf32>
      %get3A_128 = arith.constant 7 : i32
      %get3A_129 = arith.index_cast %get3A_128 : i32 to index
      %get3A_130 = arith.constant 0 : index
      %get3A_131 = tpu.vector_load %arg6[%get3A_129, %get3A_130] {strides = array<i32>} : memref<200x32xf32, #tpu.memory_space<vmem>>, vector<16xf32>,
      %add3A_132 = arith.addf %add3A_112, %get3A_131 : vector<16xf32>
      %get3A_133 = arith.constant 7 : i32
      %get3A_134 = arith.index_cast %get3A_133 : i32 to index
      %get3A_135 = arith.constant 16 : index
      %get3A_136 = tpu.vector_load %arg6[%get3A_134, %get3A_135] {strides = array<i32>} : memref<200x32xf32, #tpu.memory_space<vmem>>, vector<16xf32>,
      %add3A_137 = arith.addf %add3A_117, %get3A_136 : vector<16xf32>
      %get3A_138 = arith.constant 8 : i32
      %get3A_139 = arith.index_cast %get3A_138 : i32 to index
      %get3A_140 = arith.constant 0 : index
      %get3A_141 = tpu.vector_load %arg6[%get3A_139, %get3A_140] {strides = array<i32>} : memref<200x32xf32, #tpu.memory_space<vmem>>, vector<16xf32>,
      %add3A_142 = arith.addf %add3A_122, %get3A_141 : vector<16xf32>
      %get3A_143 = arith.constant 8 : i32
      %get3A_144 = arith.index_cast %get3A_143 : i32 to index
      %get3A_145 = arith.constant 16 : index
      %get3A_146 = tpu.vector_load %arg6[%get3A_144, %get3A_145] {strides = array<i32>} : memref<200x32xf32, #tpu.memory_space<vmem>>, vector<16xf32>,
      %add3A_147 = arith.addf %add3A_127, %get3A_146 : vector<16xf32>
      %get3A_148 = arith.constant 9 : i32
      %get3A_149 = arith.index_cast %get3A_148 : i32 to index
      %get3A_150 = arith.constant 0 : index
      %get3A_151 = tpu.vector_load %arg6[%get3A_149, %get3A_150] {strides = array<i32>} : memref<200x32xf32, #tpu.memory_space<vmem>>, vector<16xf32>,
      %add3A_152 = arith.addf %add3A_132, %get3A_151 : vector<16xf32>
      %get3A_153 = arith.constant 9 : i32
      %get3A_154 = arith.index_cast %get3A_153 : i32 to index
      %get3A_155 = arith.constant 16 : index
      %get3A_156 = tpu.vector_load %arg6[%get3A_154, %get3A_155] {strides = array<i32>} : memref<200x32xf32, #tpu.memory_space<vmem>>, vector<16xf32>,
      %add3A_157 = arith.addf %add3A_137, %get3A_156 : vector<16xf32>
      %get3A_158 = arith.constant 10 : i32
      %get3A_159 = arith.index_cast %get3A_158 : i32 to index
      %get3A_160 = arith.constant 0 : index
      %get3A_161 = tpu.vector_load %arg6[%get3A_159, %get3A_160] {strides = array<i32>} : memref<200x32xf32, #tpu.memory_space<vmem>>, vector<16xf32>,
      %add3A_162 = arith.addf %add3A_142, %get3A_161 : vector<16xf32>
      %get3A_163 = arith.constant 10 : i32
      %get3A_164 = arith.index_cast %get3A_163 : i32 to index
      %get3A_165 = arith.constant 16 : index
      %get3A_166 = tpu.vector_load %arg6[%get3A_164, %get3A_165] {strides = array<i32>} : memref<200x32xf32, #tpu.memory_space<vmem>>, vector<16xf32>,
      %add3A_167 = arith.addf %add3A_147, %get3A_166 : vector<16xf32>
      %get3A_168 = arith.constant 11 : i32
      %get3A_169 = arith.index_cast %get3A_168 : i32 to index
      %get3A_170 = arith.constant 0 : index
      %get3A_171 = tpu.vector_load %arg6[%get3A_169, %get3A_170] {strides = array<i32>} : memref<200x32xf32, #tpu.memory_space<vmem>>, vector<16xf32>,
      %add3A_172 = arith.addf %add3A_152, %get3A_171 : vector<16xf32>
      %get3A_173 = arith.constant 11 : i32
      %get3A_174 = arith.index_cast %get3A_173 : i32 to index
      %get3A_175 = arith.constant 16 : index
      %get3A_176 = tpu.vector_load %arg6[%get3A_174, %get3A_175] {strides = array<i32>} : memref<200x32xf32, #tpu.memory_space<vmem>>, vector<16xf32>,
      %add3A_177 = arith.addf %add3A_157, %get3A_176 : vector<16xf32>
      %get3A_178 = arith.constant 12 : i32
      %get3A_179 = arith.index_cast %get3A_178 : i32 to index
      %get3A_180 = arith.constant 0 : index
      %get3A_181 = tpu.vector_load %arg6[%get3A_179, %get3A_180] {strides = array<i32>} : memref<200x32xf32, #tpu.memory_space<vmem>>, vector<16xf32>,
      %add3A_182 = arith.addf %add3A_162, %get3A_181 : vector<16xf32>
      %get3A_183 = arith.constant 12 : i32
      %get3A_184 = arith.index_cast %get3A_183 : i32 to index
      %get3A_185 = arith.constant 16 : index
      %get3A_186 = tpu.vector_load %arg6[%get3A_184, %get3A_185] {strides = array<i32>} : memref<200x32xf32, #tpu.memory_space<vmem>>, vector<16xf32>,
      %add3A_187 = arith.addf %add3A_167, %get3A_186 : vector<16xf32>
      %get3A_188 = arith.constant 13 : i32
      %get3A_189 = arith.index_cast %get3A_188 : i32 to index
      %get3A_190 = arith.constant 0 : index
      %get3A_191 = tpu.vector_load %arg6[%get3A_189, %get3A_190] {strides = array<i32>} : memref<200x32xf32, #tpu.memory_space<vmem>>, vector<16xf32>,
      %add3A_192 = arith.addf %add3A_172, %get3A_191 : vector<16xf32>
      %get3A_193 = arith.constant 13 : i32
      %get3A_194 = arith.index_cast %get3A_193 : i32 to index
      %get3A_195 = arith.constant 16 : index
      %get3A_196 = tpu.vector_load %arg6[%get3A_194, %get3A_195] {strides = array<i32>} : memref<200x32xf32, #tpu.memory_space<vmem>>, vector<16xf32>,
      %add3A_197 = arith.addf %add3A_177, %get3A_196 : vector<16xf32>
      %get3A_198 = arith.constant 14 : i32
      %get3A_199 = arith.index_cast %get3A_198 : i32 to index
      %get3A_200 = arith.constant 0 : index
      %get3A_201 = tpu.vector_load %arg6[%get3A_199, %get3A_200] {strides = array<i32>} : memref<200x32xf32, #tpu.memory_space<vmem>>, vector<16xf32>,
      %add3A_202 = arith.addf %add3A_182, %get3A_201 : vector<16xf32>
      %get3A_203 = arith.constant 14 : i32
      %get3A_204 = arith.index_cast %get3A_203 : i32 to index
      %get3A_205 = arith.constant 16 : index
      %get3A_206 = tpu.vector_load %arg6[%get3A_204, %get3A_205] {strides = array<i32>} : memref<200x32xf32, #tpu.memory_space<vmem>>, vector<16xf32>,
      %add3A_207 = arith.addf %add3A_187, %get3A_206 : vector<16xf32>
      %get3A_208 = arith.constant 15 : i32
      %get3A_209 = arith.index_cast %get3A_208 : i32 to index
      %get3A_210 = arith.constant 0 : index
      %get3A_211 = tpu.vector_load %arg6[%get3A_209, %get3A_210] {strides = array<i32>} : memref<200x32xf32, #tpu.memory_space<vmem>>, vector<16xf32>,
      %add3A_212 = arith.addf %add3A_192, %get3A_211 : vector<16xf32>
      %get3A_213 = arith.constant 15 : i32
      %get3A_214 = arith.index_cast %get3A_213 : i32 to index
      %get3A_215 = arith.constant 16 : index
      %get3A_216 = tpu.vector_load %arg6[%get3A_214, %get3A_215] {strides = array<i32>} : memref<200x32xf32, #tpu.memory_space<vmem>>, vector<16xf32>,
      %add3A_217 = arith.addf %add3A_197, %get3A_216 : vector<16xf32>
      %get3A_218 = arith.constant 16 : i32
      %get3A_219 = arith.index_cast %get3A_218 : i32 to index
      %get3A_220 = arith.constant 0 : index
      %get3A_221 = tpu.vector_load %arg6[%get3A_219, %get3A_220] {strides = array<i32>} : memref<200x32xf32, #tpu.memory_space<vmem>>, vector<16xf32>,
      %add3A_222 = arith.addf %add3A_202, %get3A_221 : vector<16xf32>
      %get3A_223 = arith.constant 16 : i32
      %get3A_224 = arith.index_cast %get3A_223 : i32 to index
      %get3A_225 = arith.constant 16 : index
      %get3A_226 = tpu.vector_load %arg6[%get3A_224, %get3A_225] {strides = array<i32>} : memref<200x32xf32, #tpu.memory_space<vmem>>, vector<16xf32>,
      %add3A_227 = arith.addf %add3A_207, %get3A_226 : vector<16xf32>
      %get3A_228 = arith.constant 17 : i32
      %get3A_229 = arith.index_cast %get3A_228 : i32 to index
      %get3A_230 = arith.constant 0 : index
      %get3A_231 = tpu.vector_load %arg6[%get3A_229, %get3A_230] {strides = array<i32>} : memref<200x32xf32, #tpu.memory_space<vmem>>, vector<16xf32>,
      %add3A_232 = arith.addf %add3A_212, %get3A_231 : vector<16xf32>
      %get3A_233 = arith.constant 17 : i32
      %get3A_234 = arith.index_cast %get3A_233 : i32 to index
      %get3A_235 = arith.constant 16 : index
      %get3A_236 = tpu.vector_load %arg6[%get3A_234, %get3A_235] {strides = array<i32>} : memref<200x32xf32, #tpu.memory_space<vmem>>, vector<16xf32>,
      %add3A_237 = arith.addf %add3A_217, %get3A_236 : vector<16xf32>
      %get3A_238 = arith.constant 18 : i32
      %get3A_239 = arith.index_cast %get3A_238 : i32 to index
      %get3A_240 = arith.constant 0 : index
      %get3A_241 = tpu.vector_load %arg6[%get3A_239, %get3A_240] {strides = array<i32>} : memref<200x32xf32, #tpu.memory_space<vmem>>, vector<16xf32>,
      %add3A_242 = arith.addf %add3A_222, %get3A_241 : vector<16xf32>
      %get3A_243 = arith.constant 18 : i32
      %get3A_244 = arith.index_cast %get3A_243 : i32 to index
      %get3A_245 = arith.constant 16 : index
      %get3A_246 = tpu.vector_load %arg6[%get3A_244, %get3A_245] {strides = array<i32>} : memref<200x32xf32, #tpu.memory_space<vmem>>, vector<16xf32>,
      %add3A_247 = arith.addf %add3A_227, %get3A_246 : vector<16xf32>
      %get3A_248 = arith.constant 19 : i32
      %get3A_249 = arith.index_cast %get3A_248 : i32 to index
      %get3A_250 = arith.constant 0 : index
      %get3A_251 = tpu.vector_load %arg6[%get3A_249, %get3A_250] {strides = array<i32>} : memref<200x32xf32, #tpu.memory_space<vmem>>, vector<16xf32>,
      %add3A_252 = arith.addf %add3A_232, %get3A_251 : vector<16xf32>
      %get3A_253 = arith.constant 19 : i32
      %get3A_254 = arith.index_cast %get3A_253 : i32 to index
      %get3A_255 = arith.constant 16 : index
      %get3A_256 = tpu.vector_load %arg6[%get3A_254, %get3A_255] {strides = array<i32>} : memref<200x32xf32, #tpu.memory_space<vmem>>, vector<16xf32>,
      %add3A_257 = arith.addf %add3A_237, %get3A_256 : vector<16xf32>
      %get3A_258 = arith.constant 20 : i32
      %get3A_259 = arith.index_cast %get3A_258 : i32 to index
      %get3A_260 = arith.constant 0 : index
      %get3A_261 = tpu.vector_load %arg6[%get3A_259, %get3A_260] {strides = array<i32>} : memref<200x32xf32, #tpu.memory_space<vmem>>, vector<16xf32>,
      %add3A_262 = arith.addf %add3A_242, %get3A_261 : vector<16xf32>
      %get3A_263 = arith.constant 20 : i32
      %get3A_264 = arith.index_cast %get3A_263 : i32 to index
      %get3A_265 = arith.constant 16 : index
      %get3A_266 = tpu.vector_load %arg6[%get3A_264, %get3A_265] {strides = array<i32>} : memref<200x32xf32, #tpu.memory_space<vmem>>, vector<16xf32>,
      %add3A_267 = arith.addf %add3A_247, %get3A_266 : vector<16xf32>
      %get3A_268 = arith.constant 21 : i32
      %get3A_269 = arith.index_cast %get3A_268 : i32 to index
      %get3A_270 = arith.constant 0 : index
      %get3A_271 = tpu.vector_load %arg6[%get3A_269, %get3A_270] {strides = array<i32>} : memref<200x32xf32, #tpu.memory_space<vmem>>, vector<16xf32>,
      %add3A_272 = arith.addf %add3A_252, %get3A_271 : vector<16xf32>
      %get3A_273 = arith.constant 21 : i32
      %get3A_274 = arith.index_cast %get3A_273 : i32 to index
      %get3A_275 = arith.constant 16 : index
      %get3A_276 = tpu.vector_load %arg6[%get3A_274, %get3A_275] {strides = array<i32>} : memref<200x32xf32, #tpu.memory_space<vmem>>, vector<16xf32>,
      %add3A_277 = arith.addf %add3A_257, %get3A_276 : vector<16xf32>
      %get3A_278 = arith.constant 22 : i32
      %get3A_279 = arith.index_cast %get3A_278 : i32 to index
      %get3A_280 = arith.constant 0 : index
      %get3A_281 = tpu.vector_load %arg6[%get3A_279, %get3A_280] {strides = array<i32>} : memref<200x32xf32, #tpu.memory_space<vmem>>, vector<16xf32>,
      %add3A_282 = arith.addf %add3A_262, %get3A_281 : vector<16xf32>
      %get3A_283 = arith.constant 22 : i32
      %get3A_284 = arith.index_cast %get3A_283 : i32 to index
      %get3A_285 = arith.constant 16 : index
      %get3A_286 = tpu.vector_load %arg6[%get3A_284, %get3A_285] {strides = array<i32>} : memref<200x32xf32, #tpu.memory_space<vmem>>, vector<16xf32>,
      %add3A_287 = arith.addf %add3A_267, %get3A_286 : vector<16xf32>
      %get3A_288 = arith.constant 23 : i32
      %get3A_289 = arith.index_cast %get3A_288 : i32 to index
      %get3A_290 = arith.constant 0 : index
      %get3A_291 = tpu.vector_load %arg6[%get3A_289, %get3A_290] {strides = array<i32>} : memref<200x32xf32, #tpu.memory_space<vmem>>, vector<16xf32>,
      %add3A_292 = arith.addf %add3A_272, %get3A_291 : vector<16xf32>
      %get3A_293 = arith.constant 23 : i32
      %get3A_294 = arith.index_cast %get3A_293 : i32 to index
      %get3A_295 = arith.constant 16 : index
      %get3A_296 = tpu.vector_load %arg6[%get3A_294, %get3A_295] {strides = array<i32>} : memref<200x32xf32, #tpu.memory_space<vmem>>, vector<16xf32>,
      %add3A_297 = arith.addf %add3A_277, %get3A_296 : vector<16xf32>
      %get3A_298 = arith.constant 24 : i32
      %get3A_299 = arith.index_cast %get3A_298 : i32 to index
      %get3A_300 = arith.constant 0 : index
      %get3A_301 = tpu.vector_load %arg6[%get3A_299, %get3A_300] {strides = array<i32>} : memref<200x32xf32, #tpu.memory_space<vmem>>, vector<16xf32>,
      %add3A_302 = arith.addf %add3A_282, %get3A_301 : vector<16xf32>
      %get3A_303 = arith.constant 24 : i32
      %get3A_304 = arith.index_cast %get3A_303 : i32 to index
      %get3A_305 = arith.constant 16 : index
      %get3A_306 = tpu.vector_load %arg6[%get3A_304, %get3A_305] {strides = array<i32>} : memref<200x32xf32, #tpu.memory_space<vmem>>, vector<16xf32>,
      %add3A_307 = arith.addf %add3A_287, %get3A_306 : vector<16xf32>
      %get3A_308 = arith.constant 25 : i32
      %get3A_309 = arith.index_cast %get3A_308 : i32 to index
      %get3A_310 = arith.constant 0 : index
      %get3A_311 = tpu.vector_load %arg6[%get3A_309, %get3A_310] {strides = array<i32>} : memref<200x32xf32, #tpu.memory_space<vmem>>, vector<16xf32>,
      %add3A_312 = arith.addf %add3A_292, %get3A_311 : vector<16xf32>
      %get3A_313 = arith.constant 25 : i32
      %get3A_314 = arith.index_cast %get3A_313 : i32 to index
      %get3A_315 = arith.constant 16 : index
      %get3A_316 = tpu.vector_load %arg6[%get3A_314, %get3A_315] {strides = array<i32>} : memref<200x32xf32, #tpu.memory_space<vmem>>, vector<16xf32>,
      %add3A_317 = arith.addf %add3A_297, %get3A_316 : vector<16xf32>
      %get3A_318 = arith.constant 26 : i32
      %get3A_319 = arith.index_cast %get3A_318 : i32 to index
      %get3A_320 = arith.constant 0 : index
      %get3A_321 = tpu.vector_load %arg6[%get3A_319, %get3A_320] {strides = array<i32>} : memref<200x32xf32, #tpu.memory_space<vmem>>, vector<16xf32>,
      %add3A_322 = arith.addf %add3A_302, %get3A_321 : vector<16xf32>
      %get3A_323 = arith.constant 26 : i32
      %get3A_324 = arith.index_cast %get3A_323 : i32 to index
      %get3A_325 = arith.constant 16 : index
      %get3A_326 = tpu.vector_load %arg6[%get3A_324, %get3A_325] {strides = array<i32>} : memref<200x32xf32, #tpu.memory_space<vmem>>, vector<16xf32>,
      %add3A_327 = arith.addf %add3A_307, %get3A_326 : vector<16xf32>
      %get3A_328 = arith.constant 27 : i32
      %get3A_329 = arith.index_cast %get3A_328 : i32 to index
      %get3A_330 = arith.constant 0 : index
      %get3A_331 = tpu.vector_load %arg6[%get3A_329, %get3A_330] {strides = array<i32>} : memref<200x32xf32, #tpu.memory_space<vmem>>, vector<16xf32>,
      %add3A_332 = arith.addf %add3A_312, %get3A_331 : vector<16xf32>
      %get3A_333 = arith.constant 27 : i32
      %get3A_334 = arith.index_cast %get3A_333 : i32 to index
      %get3A_335 = arith.constant 16 : index
      %get3A_336 = tpu.vector_load %arg6[%get3A_334, %get3A_335] {strides = array<i32>} : memref<200x32xf32, #tpu.memory_space<vmem>>, vector<16xf32>,
      %add3A_337 = arith.addf %add3A_317, %get3A_336 : vector<16xf32>
      %get3A_338 = arith.constant 28 : i32
      %get3A_339 = arith.index_cast %get3A_338 : i32 to index
      %get3A_340 = arith.constant 0 : index
      %get3A_341 = tpu.vector_load %arg6[%get3A_339, %get3A_340] {strides = array<i32>} : memref<200x32xf32, #tpu.memory_space<vmem>>, vector<16xf32>,
      %add3A_342 = arith.addf %add3A_322, %get3A_341 : vector<16xf32>
      %get3A_343 = arith.constant 28 : i32
      %get3A_344 = arith.index_cast %get3A_343 : i32 to index
      %get3A_345 = arith.constant 16 : index
      %get3A_346 = tpu.vector_load %arg6[%get3A_344, %get3A_345] {strides = array<i32>} : memref<200x32xf32, #tpu.memory_space<vmem>>, vector<16xf32>,
      %add3A_347 = arith.addf %add3A_327, %get3A_346 : vector<16xf32>
      %get3A_348 = arith.constant 29 : i32
      %get3A_349 = arith.index_cast %get3A_348 : i32 to index
      %get3A_350 = arith.constant 0 : index
      %get3A_351 = tpu.vector_load %arg6[%get3A_349, %get3A_350] {strides = array<i32>} : memref<200x32xf32, #tpu.memory_space<vmem>>, vector<16xf32>,
      %add3A_352 = arith.addf %add3A_332, %get3A_351 : vector<16xf32>
      %get3A_353 = arith.constant 29 : i32
      %get3A_354 = arith.index_cast %get3A_353 : i32 to index
      %get3A_355 = arith.constant 16 : index
      %get3A_356 = tpu.vector_load %arg6[%get3A_354, %get3A_355] {strides = array<i32>} : memref<200x32xf32, #tpu.memory_space<vmem>>, vector<16xf32>,
      %add3A_357 = arith.addf %add3A_337, %get3A_356 : vector<16xf32>
      %get3A_358 = arith.constant 30 : i32
      %get3A_359 = arith.index_cast %get3A_358 : i32 to index
      %get3A_360 = arith.constant 0 : index
      %get3A_361 = tpu.vector_load %arg6[%get3A_359, %get3A_360] {strides = array<i32>} : memref<200x32xf32, #tpu.memory_space<vmem>>, vector<16xf32>,
      %add3A_362 = arith.addf %add3A_342, %get3A_361 : vector<16xf32>
      %get3A_363 = arith.constant 30 : i32
      %get3A_364 = arith.index_cast %get3A_363 : i32 to index
      %get3A_365 = arith.constant 16 : index
      %get3A_366 = tpu.vector_load %arg6[%get3A_364, %get3A_365] {strides = array<i32>} : memref<200x32xf32, #tpu.memory_space<vmem>>, vector<16xf32>,
      %add3A_367 = arith.addf %add3A_347, %get3A_366 : vector<16xf32>
      %get3A_368 = arith.constant 31 : i32
      %get3A_369 = arith.index_cast %get3A_368 : i32 to index
      %get3A_370 = arith.constant 0 : index
      %get3A_371 = tpu.vector_load %arg6[%get3A_369, %get3A_370] {strides = array<i32>} : memref<200x32xf32, #tpu.memory_space<vmem>>, vector<16xf32>,
      %add3A_372 = arith.addf %add3A_352, %get3A_371 : vector<16xf32>
      %get3A_373 = arith.constant 31 : i32
      %get3A_374 = arith.index_cast %get3A_373 : i32 to index
      %get3A_375 = arith.constant 16 : index
      %get3A_376 = tpu.vector_load %arg6[%get3A_374, %get3A_375] {strides = array<i32>} : memref<200x32xf32, #tpu.memory_space<vmem>>, vector<16xf32>,
      %add3A_377 = arith.addf %add3A_357, %get3A_376 : vector<16xf32>
      %get3A_378 = arith.constant 32 : i32
      %get3A_379 = arith.index_cast %get3A_378 : i32 to index
      %get3A_380 = arith.constant 0 : index
      %get3A_381 = tpu.vector_load %arg6[%get3A_379, %get3A_380] {strides = array<i32>} : memref<200x32xf32, #tpu.memory_space<vmem>>, vector<16xf32>,
      %add3A_382 = arith.addf %add3A_362, %get3A_381 : vector<16xf32>
      %get3A_383 = arith.constant 32 : i32
      %get3A_384 = arith.index_cast %get3A_383 : i32 to index
      %get3A_385 = arith.constant 16 : index
      %get3A_386 = tpu.vector_load %arg6[%get3A_384, %get3A_385] {strides = array<i32>} : memref<200x32xf32, #tpu.memory_space<vmem>>, vector<16xf32>,
      %add3A_387 = arith.addf %add3A_367, %get3A_386 : vector<16xf32>
      %get3A_388 = arith.constant 33 : i32
      %get3A_389 = arith.index_cast %get3A_388 : i32 to index
      %get3A_390 = arith.constant 0 : index
      %get3A_391 = tpu.vector_load %arg6[%get3A_389, %get3A_390] {strides = array<i32>} : memref<200x32xf32, #tpu.memory_space<vmem>>, vector<16xf32>,
      %add3A_392 = arith.addf %add3A_372, %get3A_391 : vector<16xf32>
      %get3A_393 = arith.constant 33 : i32
      %get3A_394 = arith.index_cast %get3A_393 : i32 to index
      %get3A_395 = arith.constant 16 : index
      %get3A_396 = tpu.vector_load %arg6[%get3A_394, %get3A_395] {strides = array<i32>} : memref<200x32xf32, #tpu.memory_space<vmem>>, vector<16xf32>,
      %add3A_397 = arith.addf %add3A_377, %get3A_396 : vector<16xf32>
      %get3A_398 = arith.constant 34 : i32
      %get3A_399 = arith.index_cast %get3A_398 : i32 to index
      %get3A_400 = arith.constant 0 : index
      %get3A_401 = tpu.vector_load %arg6[%get3A_399, %get3A_400] {strides = array<i32>} : memref<200x32xf32, #tpu.memory_space<vmem>>, vector<16xf32>,
      %add3A_402 = arith.addf %add3A_382, %get3A_401 : vector<16xf32>
      %get3A_403 = arith.constant 34 : i32
      %get3A_404 = arith.index_cast %get3A_403 : i32 to index
      %get3A_405 = arith.constant 16 : index
      %get3A_406 = tpu.vector_load %arg6[%get3A_404, %get3A_405] {strides = array<i32>} : memref<200x32xf32, #tpu.memory_space<vmem>>, vector<16xf32>,
      %add3A_407 = arith.addf %add3A_387, %get3A_406 : vector<16xf32>
      %get3A_408 = arith.constant 35 : i32
      %get3A_409 = arith.index_cast %get3A_408 : i32 to index
      %get3A_410 = arith.constant 0 : index
      %get3A_411 = tpu.vector_load %arg6[%get3A_409, %get3A_410] {strides = array<i32>} : memref<200x32xf32, #tpu.memory_space<vmem>>, vector<16xf32>,
      %add3A_412 = arith.addf %add3A_392, %get3A_411 : vector<16xf32>
      %get3A_413 = arith.constant 35 : i32
      %get3A_414 = arith.index_cast %get3A_413 : i32 to index
      %get3A_415 = arith.constant 16 : index
      %get3A_416 = tpu.vector_load %arg6[%get3A_414, %get3A_415] {strides = array<i32>} : memref<200x32xf32, #tpu.memory_space<vmem>>, vector<16xf32>,
      %add3A_417 = arith.addf %add3A_397, %get3A_416 : vector<16xf32>
      %get3A_418 = arith.constant 36 : i32
      %get3A_419 = arith.index_cast %get3A_418 : i32 to index
      %get3A_420 = arith.constant 0 : index
      %get3A_421 = tpu.vector_load %arg6[%get3A_419, %get3A_420] {strides = array<i32>} : memref<200x32xf32, #tpu.memory_space<vmem>>, vector<16xf32>,
      %add3A_422 = arith.addf %add3A_402, %get3A_421 : vector<16xf32>
      %get3A_423 = arith.constant 36 : i32
      %get3A_424 = arith.index_cast %get3A_423 : i32 to index
      %get3A_425 = arith.constant 16 : index
      %get3A_426 = tpu.vector_load %arg6[%get3A_424, %get3A_425] {strides = array<i32>} : memref<200x32xf32, #tpu.memory_space<vmem>>, vector<16xf32>,
      %add3A_427 = arith.addf %add3A_407, %get3A_426 : vector<16xf32>
      %get3A_428 = arith.constant 37 : i32
      %get3A_429 = arith.index_cast %get3A_428 : i32 to index
      %get3A_430 = arith.constant 0 : index
      %get3A_431 = tpu.vector_load %arg6[%get3A_429, %get3A_430] {strides = array<i32>} : memref<200x32xf32, #tpu.memory_space<vmem>>, vector<16xf32>,
      %add3A_432 = arith.addf %add3A_412, %get3A_431 : vector<16xf32>
      %get3A_433 = arith.constant 37 : i32
      %get3A_434 = arith.index_cast %get3A_433 : i32 to index
      %get3A_435 = arith.constant 16 : index
      %get3A_436 = tpu.vector_load %arg6[%get3A_434, %get3A_435] {strides = array<i32>} : memref<200x32xf32, #tpu.memory_space<vmem>>, vector<16xf32>,
      %add3A_437 = arith.addf %add3A_417, %get3A_436 : vector<16xf32>
      %get3A_438 = arith.constant 38 : i32
      %get3A_439 = arith.index_cast %get3A_438 : i32 to index
      %get3A_440 = arith.constant 0 : index
      %get3A_441 = tpu.vector_load %arg6[%get3A_439, %get3A_440] {strides = array<i32>} : memref<200x32xf32, #tpu.memory_space<vmem>>, vector<16xf32>,
      %add3A_442 = arith.addf %add3A_422, %get3A_441 : vector<16xf32>
      %get3A_443 = arith.constant 38 : i32
      %get3A_444 = arith.index_cast %get3A_443 : i32 to index
      %get3A_445 = arith.constant 16 : index
      %get3A_446 = tpu.vector_load %arg6[%get3A_444, %get3A_445] {strides = array<i32>} : memref<200x32xf32, #tpu.memory_space<vmem>>, vector<16xf32>,
      %add3A_447 = arith.addf %add3A_427, %get3A_446 : vector<16xf32>
      %get3A_448 = arith.constant 39 : i32
      %get3A_449 = arith.index_cast %get3A_448 : i32 to index
      %get3A_450 = arith.constant 0 : index
      %get3A_451 = tpu.vector_load %arg6[%get3A_449, %get3A_450] {strides = array<i32>} : memref<200x32xf32, #tpu.memory_space<vmem>>, vector<16xf32>,
      %add3A_452 = arith.addf %add3A_432, %get3A_451 : vector<16xf32>
      %get3A_453 = arith.constant 39 : i32
      %get3A_454 = arith.index_cast %get3A_453 : i32 to index
      %get3A_455 = arith.constant 16 : index
      %get3A_456 = tpu.vector_load %arg6[%get3A_454, %get3A_455] {strides = array<i32>} : memref<200x32xf32, #tpu.memory_space<vmem>>, vector<16xf32>,
      %add3A_457 = arith.addf %add3A_437, %get3A_456 : vector<16xf32>
      %get3A_458 = arith.constant 40 : i32
      %get3A_459 = arith.index_cast %get3A_458 : i32 to index
      %get3A_460 = arith.constant 0 : index
      %get3A_461 = tpu.vector_load %arg6[%get3A_459, %get3A_460] {strides = array<i32>} : memref<200x32xf32, #tpu.memory_space<vmem>>, vector<16xf32>,
      %add3A_462 = arith.addf %add3A_442, %get3A_461 : vector<16xf32>
      %get3A_463 = arith.constant 40 : i32
      %get3A_464 = arith.index_cast %get3A_463 : i32 to index
      %get3A_465 = arith.constant 16 : index
      %get3A_466 = tpu.vector_load %arg6[%get3A_464, %get3A_465] {strides = array<i32>} : memref<200x32xf32, #tpu.memory_space<vmem>>, vector<16xf32>,
      %add3A_467 = arith.addf %add3A_447, %get3A_466 : vector<16xf32>
      %get3A_468 = arith.constant 41 : i32
      %get3A_469 = arith.index_cast %get3A_468 : i32 to index
      %get3A_470 = arith.constant 0 : index
      %get3A_471 = tpu.vector_load %arg6[%get3A_469, %get3A_470] {strides = array<i32>} : memref<200x32xf32, #tpu.memory_space<vmem>>, vector<16xf32>,
      %add3A_472 = arith.addf %add3A_452, %get3A_471 : vector<16xf32>
      %get3A_473 = arith.constant 41 : i32
      %get3A_474 = arith.index_cast %get3A_473 : i32 to index
      %get3A_475 = arith.constant 16 : index
      %get3A_476 = tpu.vector_load %arg6[%get3A_474, %get3A_475] {strides = array<i32>} : memref<200x32xf32, #tpu.memory_space<vmem>>, vector<16xf32>,
      %add3A_477 = arith.addf %add3A_457, %get3A_476 : vector<16xf32>
      %get3A_478 = arith.constant 42 : i32
      %get3A_479 = arith.index_cast %get3A_478 : i32 to index
      %get3A_480 = arith.constant 0 : index
      %get3A_481 = tpu.vector_load %arg6[%get3A_479, %get3A_480] {strides = array<i32>} : memref<200x32xf32, #tpu.memory_space<vmem>>, vector<16xf32>,
      %add3A_482 = arith.addf %add3A_462, %get3A_481 : vector<16xf32>
      %get3A_483 = arith.constant 42 : i32
      %get3A_484 = arith.index_cast %get3A_483 : i32 to index
      %get3A_485 = arith.constant 16 : index
      %get3A_486 = tpu.vector_load %arg6[%get3A_484, %get3A_485] {strides = array<i32>} : memref<200x32xf32, #tpu.memory_space<vmem>>, vector<16xf32>,
      %add3A_487 = arith.addf %add3A_467, %get3A_486 : vector<16xf32>
      %get3A_488 = arith.constant 43 : i32
      %get3A_489 = arith.index_cast %get3A_488 : i32 to index
      %get3A_490 = arith.constant 0 : index
      %get3A_491 = tpu.vector_load %arg6[%get3A_489, %get3A_490] {strides = array<i32>} : memref<200x32xf32, #tpu.memory_space<vmem>>, vector<16xf32>,
      %add3A_492 = arith.addf %add3A_472, %get3A_491 : vector<16xf32>
      %get3A_493 = arith.constant 43 : i32
      %get3A_494 = arith.index_cast %get3A_493 : i32 to index
      %get3A_495 = arith.constant 16 : index
      %get3A_496 = tpu.vector_load %arg6[%get3A_494, %get3A_495] {strides = array<i32>} : memref<200x32xf32, #tpu.memory_space<vmem>>, vector<16xf32>,
      %add3A_497 = arith.addf %add3A_477, %get3A_496 : vector<16xf32>
      %get3A_498 = arith.constant 44 : i32
      %get3A_499 = arith.index_cast %get3A_498 : i32 to index
      %get3A_500 = arith.constant 0 : index
      %get3A_501 = tpu.vector_load %arg6[%get3A_499, %get3A_500] {strides = array<i32>} : memref<200x32xf32, #tpu.memory_space<vmem>>, vector<16xf32>,
      %add3A_502 = arith.addf %add3A_482, %get3A_501 : vector<16xf32>
      %get3A_503 = arith.constant 44 : i32
      %get3A_504 = arith.index_cast %get3A_503 : i32 to index
      %get3A_505 = arith.constant 16 : index
      %get3A_506 = tpu.vector_load %arg6[%get3A_504, %get3A_505] {strides = array<i32>} : memref<200x32xf32, #tpu.memory_space<vmem>>, vector<16xf32>,
      %add3A_507 = arith.addf %add3A_487, %get3A_506 : vector<16xf32>
      %get3A_508 = arith.constant 45 : i32
      %get3A_509 = arith.index_cast %get3A_508 : i32 to index
      %get3A_510 = arith.constant 0 : index
      %get3A_511 = tpu.vector_load %arg6[%get3A_509, %get3A_510] {strides = array<i32>} : memref<200x32xf32, #tpu.memory_space<vmem>>, vector<16xf32>,
      %add3A_512 = arith.addf %add3A_492, %get3A_511 : vector<16xf32>
      %get3A_513 = arith.constant 45 : i32
      %get3A_514 = arith.index_cast %get3A_513 : i32 to index
      %get3A_515 = arith.constant 16 : index
      %get3A_516 = tpu.vector_load %arg6[%get3A_514, %get3A_515] {strides = array<i32>} : memref<200x32xf32, #tpu.memory_space<vmem>>, vector<16xf32>,
      %add3A_517 = arith.addf %add3A_497, %get3A_516 : vector<16xf32>
      %get3A_518 = arith.constant 46 : i32
      %get3A_519 = arith.index_cast %get3A_518 : i32 to index
      %get3A_520 = arith.constant 0 : index
      %get3A_521 = tpu.vector_load %arg6[%get3A_519, %get3A_520] {strides = array<i32>} : memref<200x32xf32, #tpu.memory_space<vmem>>, vector<16xf32>,
      %add3A_522 = arith.addf %add3A_502, %get3A_521 : vector<16xf32>
      %get3A_523 = arith.constant 46 : i32
      %get3A_524 = arith.index_cast %get3A_523 : i32 to index
      %get3A_525 = arith.constant 16 : index
      %get3A_526 = tpu.vector_load %arg6[%get3A_524, %get3A_525] {strides = array<i32>} : memref<200x32xf32, #tpu.memory_space<vmem>>, vector<16xf32>,
      %add3A_527 = arith.addf %add3A_507, %get3A_526 : vector<16xf32>
      %get3A_528 = arith.constant 47 : i32
      %get3A_529 = arith.index_cast %get3A_528 : i32 to index
      %get3A_530 = arith.constant 0 : index
      %get3A_531 = tpu.vector_load %arg6[%get3A_529, %get3A_530] {strides = array<i32>} : memref<200x32xf32, #tpu.memory_space<vmem>>, vector<16xf32>,
      %add3A_532 = arith.addf %add3A_512, %get3A_531 : vector<16xf32>
      %get3A_533 = arith.constant 47 : i32
      %get3A_534 = arith.index_cast %get3A_533 : i32 to index
      %get3A_535 = arith.constant 16 : index
      %get3A_536 = tpu.vector_load %arg6[%get3A_534, %get3A_535] {strides = array<i32>} : memref<200x32xf32, #tpu.memory_space<vmem>>, vector<16xf32>,
      %add3A_537 = arith.addf %add3A_517, %get3A_536 : vector<16xf32>
      %get3A_538 = arith.constant 48 : i32
      %get3A_539 = arith.index_cast %get3A_538 : i32 to index
      %get3A_540 = arith.constant 0 : index
      %get3A_541 = tpu.vector_load %arg6[%get3A_539, %get3A_540] {strides = array<i32>} : memref<200x32xf32, #tpu.memory_space<vmem>>, vector<16xf32>,
      %add3A_542 = arith.addf %add3A_522, %get3A_541 : vector<16xf32>
      %get3A_543 = arith.constant 48 : i32
      %get3A_544 = arith.index_cast %get3A_543 : i32 to index
      %get3A_545 = arith.constant 16 : index
      %get3A_546 = tpu.vector_load %arg6[%get3A_544, %get3A_545] {strides = array<i32>} : memref<200x32xf32, #tpu.memory_space<vmem>>, vector<16xf32>,
      %add3A_547 = arith.addf %add3A_527, %get3A_546 : vector<16xf32>
      %get3A_548 = arith.constant 49 : i32
      %get3A_549 = arith.index_cast %get3A_548 : i32 to index
      %get3A_550 = arith.constant 0 : index
      %get3A_551 = tpu.vector_load %arg6[%get3A_549, %get3A_550] {strides = array<i32>} : memref<200x32xf32, #tpu.memory_space<vmem>>, vector<16xf32>,
      %add3A_552 = arith.addf %add3A_532, %get3A_551 : vector<16xf32>
      %get3A_553 = arith.constant 49 : i32
      %get3A_554 = arith.index_cast %get3A_553 : i32 to index
      %get3A_555 = arith.constant 16 : index
      %get3A_556 = tpu.vector_load %arg6[%get3A_554, %get3A_555] {strides = array<i32>} : memref<200x32xf32, #tpu.memory_space<vmem>>, vector<16xf32>,
      %add3A_557 = arith.addf %add3A_537, %get3A_556 : vector<16xf32>
      %mul3A_558 = arith.constant 4 : i32
      %mul3A_559 = arith.muli %add3A_30, %mul3A_558 : i32
      %add3A_560 = arith.constant 0 : i32
      %add3A_561 = arith.addi %mul3A_559, %add3A_560 : i32
      %add3A_562 = arith.addf %add3A_542, %add3A_552 : vector<16xf32>
      %mul3A_563 = vector.broadcast %scan3A_18 : f32 to vector<16xf32>
      %mul3A_564 = arith.mulf %add3A_562, %mul3A_563 : vector<16xf32>
      %swap3A = arith.index_cast %add3A_561 : i32 to index
      %swap3A_565 = arith.constant 0 : index
      %swap3A_566 = tpu.vector_load %arg8[%swap3A, %swap3A_565] {strides = array<i32>} : memref<512x128xf32, #tpu.memory_space<vmem>>, vector<16xf32>,
      tpu.vector_store %arg8[%swap3A, %swap3A_565], %mul3A_564 {strides = array<i32>} : memref<512x128xf32, #tpu.memory_space<vmem>>, vector<16xf32>,
      %add3A_567 = arith.addf %add3A_547, %add3A_557 : vector<16xf32>
      %mul3A_568 = vector.broadcast %scan3A_18 : f32 to vector<16xf32>
      %mul3A_569 = arith.mulf %add3A_567, %mul3A_568 : vector<16xf32>
      %swap3A_570 = arith.index_cast %add3A_561 : i32 to index
      %swap3A_571 = arith.constant 16 : index
      %swap3A_572 = tpu.vector_load %arg8[%swap3A_570, %swap3A_571] {strides = array<i32>} : memref<512x128xf32, #tpu.memory_space<vmem>>, vector<16xf32>,
      tpu.vector_store %arg8[%swap3A_570, %swap3A_571], %mul3A_569 {strides = array<i32>} : memref<512x128xf32, #tpu.memory_space<vmem>>, vector<16xf32>,
      %broadcast_in_dim3A_573 = arith.constant 0.000000e+00 : f32
      %broadcast_in_dim3A_574 = vector.broadcast %broadcast_in_dim3A_573 : f32 to vector<16xf32>
      %broadcast_in_dim3A_575 = arith.constant 0.000000e+00 : f32
      %broadcast_in_dim3A_576 = vector.broadcast %broadcast_in_dim3A_575 : f32 to vector<16xf32>
      %broadcast_in_dim3A_577 = arith.constant 0.000000e+00 : f32
      %broadcast_in_dim3A_578 = vector.broadcast %broadcast_in_dim3A_577 : f32 to vector<16xf32>
      %broadcast_in_dim3A_579 = arith.constant 0.000000e+00 : f32
      %broadcast_in_dim3A_580 = vector.broadcast %broadcast_in_dim3A_579 : f32 to vector<16xf32>
      %get3A_581 = arith.constant 50 : i32
      %get3A_582 = arith.index_cast %get3A_581 : i32 to index
      %get3A_583 = arith.constant 0 : index
      %get3A_584 = tpu.vector_load %arg6[%get3A_582, %get3A_583] {strides = array<i32>} : memref<200x32xf32, #tpu.memory_space<vmem>>, vector<16xf32>,
      %add3A_585 = arith.addf %broadcast_in_dim3A_574, %get3A_584 : vector<16xf32>
      %get3A_586 = arith.constant 50 : i32
      %get3A_587 = arith.index_cast %get3A_586 : i32 to index
      %get3A_588 = arith.constant 16 : index
      %get3A_589 = tpu.vector_load %arg6[%get3A_587, %get3A_588] {strides = array<i32>} : memref<200x32xf32, #tpu.memory_space<vmem>>, vector<16xf32>,
      %add3A_590 = arith.addf %broadcast_in_dim3A_576, %get3A_589 : vector<16xf32>
      %get3A_591 = arith.constant 51 : i32
      %get3A_592 = arith.index_cast %get3A_591 : i32 to index
      %get3A_593 = arith.constant 0 : index
      %get3A_594 = tpu.vector_load %arg6[%get3A_592, %get3A_593] {strides = array<i32>} : memref<200x32xf32, #tpu.memory_space<vmem>>, vector<16xf32>,
      %add3A_595 = arith.addf %broadcast_in_dim3A_578, %get3A_594 : vector<16xf32>
      %get3A_596 = arith.constant 51 : i32
      %get3A_597 = arith.index_cast %get3A_596 : i32 to index
      %get3A_598 = arith.constant 16 : index
      %get3A_599 = tpu.vector_load %arg6[%get3A_597, %get3A_598] {strides = array<i32>} : memref<200x32xf32, #tpu.memory_space<vmem>>, vector<16xf32>,
      %add3A_600 = arith.addf %broadcast_in_dim3A_580, %get3A_599 : vector<16xf32>
      %get3A_601 = arith.constant 52 : i32
      %get3A_602 = arith.index_cast %get3A_601 : i32 to index
      %get3A_603 = arith.constant 0 : index
      %get3A_604 = tpu.vector_load %arg6[%get3A_602, %get3A_603] {strides = array<i32>} : memref<200x32xf32, #tpu.memory_space<vmem>>, vector<16xf32>,
      %add3A_605 = arith.addf %add3A_585, %get3A_604 : vector<16xf32>
      %get3A_606 = arith.constant 52 : i32
      %get3A_607 = arith.index_cast %get3A_606 : i32 to index
      %get3A_608 = arith.constant 16 : index
      %get3A_609 = tpu.vector_load %arg6[%get3A_607, %get3A_608] {strides = array<i32>} : memref<200x32xf32, #tpu.memory_space<vmem>>, vector<16xf32>,
      %add3A_610 = arith.addf %add3A_590, %get3A_609 : vector<16xf32>
      %get3A_611 = arith.constant 53 : i32
      %get3A_612 = arith.index_cast %get3A_611 : i32 to index
      %get3A_613 = arith.constant 0 : index
      %get3A_614 = tpu.vector_load %arg6[%get3A_612, %get3A_613] {strides = array<i32>} : memref<200x32xf32, #tpu.memory_space<vmem>>, vector<16xf32>,
      %add3A_615 = arith.addf %add3A_595, %get3A_614 : vector<16xf32>
      %get3A_616 = arith.constant 53 : i32
      %get3A_617 = arith.index_cast %get3A_616 : i32 to index
      %get3A_618 = arith.constant 16 : index
      %get3A_619 = tpu.vector_load %arg6[%get3A_617, %get3A_618] {strides = array<i32>} : memref<200x32xf32, #tpu.memory_space<vmem>>, vector<16xf32>,
      %add3A_620 = arith.addf %add3A_600, %get3A_619 : vector<16xf32>
      %get3A_621 = arith.constant 54 : i32
      %get3A_622 = arith.index_cast %get3A_621 : i32 to index
      %get3A_623 = arith.constant 0 : index
      %get3A_624 = tpu.vector_load %arg6[%get3A_622, %get3A_623] {strides = array<i32>} : memref<200x32xf32, #tpu.memory_space<vmem>>, vector<16xf32>,
      %add3A_625 = arith.addf %add3A_605, %get3A_624 : vector<16xf32>
      %get3A_626 = arith.constant 54 : i32
      %get3A_627 = arith.index_cast %get3A_626 : i32 to index
      %get3A_628 = arith.constant 16 : index
      %get3A_629 = tpu.vector_load %arg6[%get3A_627, %get3A_628] {strides = array<i32>} : memref<200x32xf32, #tpu.memory_space<vmem>>, vector<16xf32>,
      %add3A_630 = arith.addf %add3A_610, %get3A_629 : vector<16xf32>
      %get3A_631 = arith.constant 55 : i32
      %get3A_632 = arith.index_cast %get3A_631 : i32 to index
      %get3A_633 = arith.constant 0 : index
      %get3A_634 = tpu.vector_load %arg6[%get3A_632, %get3A_633] {strides = array<i32>} : memref<200x32xf32, #tpu.memory_space<vmem>>, vector<16xf32>,
      %add3A_635 = arith.addf %add3A_615, %get3A_634 : vector<16xf32>
      %get3A_636 = arith.constant 55 : i32
      %get3A_637 = arith.index_cast %get3A_636 : i32 to index
      %get3A_638 = arith.constant 16 : index
      %get3A_639 = tpu.vector_load %arg6[%get3A_637, %get3A_638] {strides = array<i32>} : memref<200x32xf32, #tpu.memory_space<vmem>>, vector<16xf32>,
      %add3A_640 = arith.addf %add3A_620, %get3A_639 : vector<16xf32>
      %get3A_641 = arith.constant 56 : i32
      %get3A_642 = arith.index_cast %get3A_641 : i32 to index
      %get3A_643 = arith.constant 0 : index
      %get3A_644 = tpu.vector_load %arg6[%get3A_642, %get3A_643] {strides = array<i32>} : memref<200x32xf32, #tpu.memory_space<vmem>>, vector<16xf32>,
      %add3A_645 = arith.addf %add3A_625, %get3A_644 : vector<16xf32>
      %get3A_646 = arith.constant 56 : i32
      %get3A_647 = arith.index_cast %get3A_646 : i32 to index
      %get3A_648 = arith.constant 16 : index
      %get3A_649 = tpu.vector_load %arg6[%get3A_647, %get3A_648] {strides = array<i32>} : memref<200x32xf32, #tpu.memory_space<vmem>>, vector<16xf32>,
      %add3A_650 = arith.addf %add3A_630, %get3A_649 : vector<16xf32>
      %get3A_651 = arith.constant 57 : i32
      %get3A_652 = arith.index_cast %get3A_651 : i32 to index
      %get3A_653 = arith.constant 0 : index
      %get3A_654 = tpu.vector_load %arg6[%get3A_652, %get3A_653] {strides = array<i32>} : memref<200x32xf32, #tpu.memory_space<vmem>>, vector<16xf32>,
      %add3A_655 = arith.addf %add3A_635, %get3A_654 : vector<16xf32>
      %get3A_656 = arith.constant 57 : i32
      %get3A_657 = arith.index_cast %get3A_656 : i32 to index
      %get3A_658 = arith.constant 16 : index
      %get3A_659 = tpu.vector_load %arg6[%get3A_657, %get3A_658] {strides = array<i32>} : memref<200x32xf32, #tpu.memory_space<vmem>>, vector<16xf32>,
      %add3A_660 = arith.addf %add3A_640, %get3A_659 : vector<16xf32>
      %get3A_661 = arith.constant 58 : i32
      %get3A_662 = arith.index_cast %get3A_661 : i32 to index
      %get3A_663 = arith.constant 0 : index
      %get3A_664 = tpu.vector_load %arg6[%get3A_662, %get3A_663] {strides = array<i32>} : memref<200x32xf32, #tpu.memory_space<vmem>>, vector<16xf32>,
      %add3A_665 = arith.addf %add3A_645, %get3A_664 : vector<16xf32>
      %get3A_666 = arith.constant 58 : i32
      %get3A_667 = arith.index_cast %get3A_666 : i32 to index
      %get3A_668 = arith.constant 16 : index
      %get3A_669 = tpu.vector_load %arg6[%get3A_667, %get3A_668] {strides = array<i32>} : memref<200x32xf32, #tpu.memory_space<vmem>>, vector<16xf32>,
      %add3A_670 = arith.addf %add3A_650, %get3A_669 : vector<16xf32>
      %get3A_671 = arith.constant 59 : i32
      %get3A_672 = arith.index_cast %get3A_671 : i32 to index
      %get3A_673 = arith.constant 0 : index
      %get3A_674 = tpu.vector_load %arg6[%get3A_672, %get3A_673] {strides = array<i32>} : memref<200x32xf32, #tpu.memory_space<vmem>>, vector<16xf32>,
      %add3A_675 = arith.addf %add3A_655, %get3A_674 : vector<16xf32>
      %get3A_676 = arith.constant 59 : i32
      %get3A_677 = arith.index_cast %get3A_676 : i32 to index
      %get3A_678 = arith.constant 16 : index
      %get3A_679 = tpu.vector_load %arg6[%get3A_677, %get3A_678] {strides = array<i32>} : memref<200x32xf32, #tpu.memory_space<vmem>>, vector<16xf32>,
      %add3A_680 = arith.addf %add3A_660, %get3A_679 : vector<16xf32>
      %get3A_681 = arith.constant 60 : i32
      %get3A_682 = arith.index_cast %get3A_681 : i32 to index
      %get3A_683 = arith.constant 0 : index
      %get3A_684 = tpu.vector_load %arg6[%get3A_682, %get3A_683] {strides = array<i32>} : memref<200x32xf32, #tpu.memory_space<vmem>>, vector<16xf32>,
      %add3A_685 = arith.addf %add3A_665, %get3A_684 : vector<16xf32>
      %get3A_686 = arith.constant 60 : i32
      %get3A_687 = arith.index_cast %get3A_686 : i32 to index
      %get3A_688 = arith.constant 16 : index
      %get3A_689 = tpu.vector_load %arg6[%get3A_687, %get3A_688] {strides = array<i32>} : memref<200x32xf32, #tpu.memory_space<vmem>>, vector<16xf32>,
      %add3A_690 = arith.addf %add3A_670, %get3A_689 : vector<16xf32>
      %get3A_691 = arith.constant 61 : i32
      %get3A_692 = arith.index_cast %get3A_691 : i32 to index
      %get3A_693 = arith.constant 0 : index
      %get3A_694 = tpu.vector_load %arg6[%get3A_692, %get3A_693] {strides = array<i32>} : memref<200x32xf32, #tpu.memory_space<vmem>>, vector<16xf32>,
      %add3A_695 = arith.addf %add3A_675, %get3A_694 : vector<16xf32>
      %get3A_696 = arith.constant 61 : i32
      %get3A_697 = arith.index_cast %get3A_696 : i32 to index
      %get3A_698 = arith.constant 16 : index
      %get3A_699 = tpu.vector_load %arg6[%get3A_697, %get3A_698] {strides = array<i32>} : memref<200x32xf32, #tpu.memory_space<vmem>>, vector<16xf32>,
      %add3A_700 = arith.addf %add3A_680, %get3A_699 : vector<16xf32>
      %get3A_701 = arith.constant 62 : i32
      %get3A_702 = arith.index_cast %get3A_701 : i32 to index
      %get3A_703 = arith.constant 0 : index
      %get3A_704 = tpu.vector_load %arg6[%get3A_702, %get3A_703] {strides = array<i32>} : memref<200x32xf32, #tpu.memory_space<vmem>>, vector<16xf32>,
      %add3A_705 = arith.addf %add3A_685, %get3A_704 : vector<16xf32>
      %get3A_706 = arith.constant 62 : i32
      %get3A_707 = arith.index_cast %get3A_706 : i32 to index
      %get3A_708 = arith.constant 16 : index
      %get3A_709 = tpu.vector_load %arg6[%get3A_707, %get3A_708] {strides = array<i32>} : memref<200x32xf32, #tpu.memory_space<vmem>>, vector<16xf32>,
      %add3A_710 = arith.addf %add3A_690, %get3A_709 : vector<16xf32>
      %get3A_711 = arith.constant 63 : i32
      %get3A_712 = arith.index_cast %get3A_711 : i32 to index
      %get3A_713 = arith.constant 0 : index
      %get3A_714 = tpu.vector_load %arg6[%get3A_712, %get3A_713] {strides = array<i32>} : memref<200x32xf32, #tpu.memory_space<vmem>>, vector<16xf32>,
      %add3A_715 = arith.addf %add3A_695, %get3A_714 : vector<16xf32>
      %get3A_716 = arith.constant 63 : i32
      %get3A_717 = arith.index_cast %get3A_716 : i32 to index
      %get3A_718 = arith.constant 16 : index
      %get3A_719 = tpu.vector_load %arg6[%get3A_717, %get3A_718] {strides = array<i32>} : memref<200x32xf32, #tpu.memory_space<vmem>>, vector<16xf32>,
      %add3A_720 = arith.addf %add3A_700, %get3A_719 : vector<16xf32>
      %get3A_721 = arith.constant 64 : i32
      %get3A_722 = arith.index_cast %get3A_721 : i32 to index
      %get3A_723 = arith.constant 0 : index
      %get3A_724 = tpu.vector_load %arg6[%get3A_722, %get3A_723] {strides = array<i32>} : memref<200x32xf32, #tpu.memory_space<vmem>>, vector<16xf32>,
      %add3A_725 = arith.addf %add3A_705, %get3A_724 : vector<16xf32>
      %get3A_726 = arith.constant 64 : i32
      %get3A_727 = arith.index_cast %get3A_726 : i32 to index
      %get3A_728 = arith.constant 16 : index
      %get3A_729 = tpu.vector_load %arg6[%get3A_727, %get3A_728] {strides = array<i32>} : memref<200x32xf32, #tpu.memory_space<vmem>>, vector<16xf32>,
      %add3A_730 = arith.addf %add3A_710, %get3A_729 : vector<16xf32>
      %get3A_731 = arith.constant 65 : i32
      %get3A_732 = arith.index_cast %get3A_731 : i32 to index
      %get3A_733 = arith.constant 0 : index
      %get3A_734 = tpu.vector_load %arg6[%get3A_732, %get3A_733] {strides = array<i32>} : memref<200x32xf32, #tpu.memory_space<vmem>>, vector<16xf32>,
      %add3A_735 = arith.addf %add3A_715, %get3A_734 : vector<16xf32>
      %get3A_736 = arith.constant 65 : i32
      %get3A_737 = arith.index_cast %get3A_736 : i32 to index
      %get3A_738 = arith.constant 16 : index
      %get3A_739 = tpu.vector_load %arg6[%get3A_737, %get3A_738] {strides = array<i32>} : memref<200x32xf32, #tpu.memory_space<vmem>>, vector<16xf32>,
      %add3A_740 = arith.addf %add3A_720, %get3A_739 : vector<16xf32>
      %get3A_741 = arith.constant 66 : i32
      %get3A_742 = arith.index_cast %get3A_741 : i32 to index
      %get3A_743 = arith.constant 0 : index
      %get3A_744 = tpu.vector_load %arg6[%get3A_742, %get3A_743] {strides = array<i32>} : memref<200x32xf32, #tpu.memory_space<vmem>>, vector<16xf32>,
      %add3A_745 = arith.addf %add3A_725, %get3A_744 : vector<16xf32>
      %get3A_746 = arith.constant 66 : i32
      %get3A_747 = arith.index_cast %get3A_746 : i32 to index
      %get3A_748 = arith.constant 16 : index
      %get3A_749 = tpu.vector_load %arg6[%get3A_747, %get3A_748] {strides = array<i32>} : memref<200x32xf32, #tpu.memory_space<vmem>>, vector<16xf32>,
      %add3A_750 = arith.addf %add3A_730, %get3A_749 : vector<16xf32>
      %get3A_751 = arith.constant 67 : i32
      %get3A_752 = arith.index_cast %get3A_751 : i32 to index
      %get3A_753 = arith.constant 0 : index
      %get3A_754 = tpu.vector_load %arg6[%get3A_752, %get3A_753] {strides = array<i32>} : memref<200x32xf32, #tpu.memory_space<vmem>>, vector<16xf32>,
      %add3A_755 = arith.addf %add3A_735, %get3A_754 : vector<16xf32>
      %get3A_756 = arith.constant 67 : i32
      %get3A_757 = arith.index_cast %get3A_756 : i32 to index
      %get3A_758 = arith.constant 16 : index
      %get3A_759 = tpu.vector_load %arg6[%get3A_757, %get3A_758] {strides = array<i32>} : memref<200x32xf32, #tpu.memory_space<vmem>>, vector<16xf32>,
      %add3A_760 = arith.addf %add3A_740, %get3A_759 : vector<16xf32>
      %get3A_761 = arith.constant 68 : i32
      %get3A_762 = arith.index_cast %get3A_761 : i32 to index
      %get3A_763 = arith.constant 0 : index
      %get3A_764 = tpu.vector_load %arg6[%get3A_762, %get3A_763] {strides = array<i32>} : memref<200x32xf32, #tpu.memory_space<vmem>>, vector<16xf32>,
      %add3A_765 = arith.addf %add3A_745, %get3A_764 : vector<16xf32>
      %get3A_766 = arith.constant 68 : i32
      %get3A_767 = arith.index_cast %get3A_766 : i32 to index
      %get3A_768 = arith.constant 16 : index
      %get3A_769 = tpu.vector_load %arg6[%get3A_767, %get3A_768] {strides = array<i32>} : memref<200x32xf32, #tpu.memory_space<vmem>>, vector<16xf32>,
      %add3A_770 = arith.addf %add3A_750, %get3A_769 : vector<16xf32>
      %get3A_771 = arith.constant 69 : i32
      %get3A_772 = arith.index_cast %get3A_771 : i32 to index
      %get3A_773 = arith.constant 0 : index
      %get3A_774 = tpu.vector_load %arg6[%get3A_772, %get3A_773] {strides = array<i32>} : memref<200x32xf32, #tpu.memory_space<vmem>>, vector<16xf32>,
      %add3A_775 = arith.addf %add3A_755, %get3A_774 : vector<16xf32>
      %get3A_776 = arith.constant 69 : i32
      %get3A_777 = arith.index_cast %get3A_776 : i32 to index
      %get3A_778 = arith.constant 16 : index
      %get3A_779 = tpu.vector_load %arg6[%get3A_777, %get3A_778] {strides = array<i32>} : memref<200x32xf32, #tpu.memory_space<vmem>>, vector<16xf32>,
      %add3A_780 = arith.addf %add3A_760, %get3A_779 : vector<16xf32>
      %get3A_781 = arith.constant 70 : i32
      %get3A_782 = arith.index_cast %get3A_781 : i32 to index
      %get3A_783 = arith.constant 0 : index
      %get3A_784 = tpu.vector_load %arg6[%get3A_782, %get3A_783] {strides = array<i32>} : memref<200x32xf32, #tpu.memory_space<vmem>>, vector<16xf32>,
      %add3A_785 = arith.addf %add3A_765, %get3A_784 : vector<16xf32>
      %get3A_786 = arith.constant 70 : i32
      %get3A_787 = arith.index_cast %get3A_786 : i32 to index
      %get3A_788 = arith.constant 16 : index
      %get3A_789 = tpu.vector_load %arg6[%get3A_787, %get3A_788] {strides = array<i32>} : memref<200x32xf32, #tpu.memory_space<vmem>>, vector<16xf32>,
      %add3A_790 = arith.addf %add3A_770, %get3A_789 : vector<16xf32>
      %get3A_791 = arith.constant 71 : i32
      %get3A_792 = arith.index_cast %get3A_791 : i32 to index
      %get3A_793 = arith.constant 0 : index
      %get3A_794 = tpu.vector_load %arg6[%get3A_792, %get3A_793] {strides = array<i32>} : memref<200x32xf32, #tpu.memory_space<vmem>>, vector<16xf32>,
      %add3A_795 = arith.addf %add3A_775, %get3A_794 : vector<16xf32>
      %get3A_796 = arith.constant 71 : i32
      %get3A_797 = arith.index_cast %get3A_796 : i32 to index
      %get3A_798 = arith.constant 16 : index
      %get3A_799 = tpu.vector_load %arg6[%get3A_797, %get3A_798] {strides = array<i32>} : memref<200x32xf32, #tpu.memory_space<vmem>>, vector<16xf32>,
      %add3A_800 = arith.addf %add3A_780, %get3A_799 : vector<16xf32>
      %get3A_801 = arith.constant 72 : i32
      %get3A_802 = arith.index_cast %get3A_801 : i32 to index
      %get3A_803 = arith.constant 0 : index
      %get3A_804 = tpu.vector_load %arg6[%get3A_802, %get3A_803] {strides = array<i32>} : memref<200x32xf32, #tpu.memory_space<vmem>>, vector<16xf32>,
      %add3A_805 = arith.addf %add3A_785, %get3A_804 : vector<16xf32>
      %get3A_806 = arith.constant 72 : i32
      %get3A_807 = arith.index_cast %get3A_806 : i32 to index
      %get3A_808 = arith.constant 16 : index
      %get3A_809 = tpu.vector_load %arg6[%get3A_807, %get3A_808] {strides = array<i32>} : memref<200x32xf32, #tpu.memory_space<vmem>>, vector<16xf32>,
      %add3A_810 = arith.addf %add3A_790, %get3A_809 : vector<16xf32>
      %get3A_811 = arith.constant 73 : i32
      %get3A_812 = arith.index_cast %get3A_811 : i32 to index
      %get3A_813 = arith.constant 0 : index
      %get3A_814 = tpu.vector_load %arg6[%get3A_812, %get3A_813] {strides = array<i32>} : memref<200x32xf32, #tpu.memory_space<vmem>>, vector<16xf32>,
      %add3A_815 = arith.addf %add3A_795, %get3A_814 : vector<16xf32>
      %get3A_816 = arith.constant 73 : i32
      %get3A_817 = arith.index_cast %get3A_816 : i32 to index
      %get3A_818 = arith.constant 16 : index
      %get3A_819 = tpu.vector_load %arg6[%get3A_817, %get3A_818] {strides = array<i32>} : memref<200x32xf32, #tpu.memory_space<vmem>>, vector<16xf32>,
      %add3A_820 = arith.addf %add3A_800, %get3A_819 : vector<16xf32>
      %get3A_821 = arith.constant 74 : i32
      %get3A_822 = arith.index_cast %get3A_821 : i32 to index
      %get3A_823 = arith.constant 0 : index
      %get3A_824 = tpu.vector_load %arg6[%get3A_822, %get3A_823] {strides = array<i32>} : memref<200x32xf32, #tpu.memory_space<vmem>>, vector<16xf32>,
      %add3A_825 = arith.addf %add3A_805, %get3A_824 : vector<16xf32>
      %get3A_826 = arith.constant 74 : i32
      %get3A_827 = arith.index_cast %get3A_826 : i32 to index
      %get3A_828 = arith.constant 16 : index
      %get3A_829 = tpu.vector_load %arg6[%get3A_827, %get3A_828] {strides = array<i32>} : memref<200x32xf32, #tpu.memory_space<vmem>>, vector<16xf32>,
      %add3A_830 = arith.addf %add3A_810, %get3A_829 : vector<16xf32>
      %get3A_831 = arith.constant 75 : i32
      %get3A_832 = arith.index_cast %get3A_831 : i32 to index
      %get3A_833 = arith.constant 0 : index
      %get3A_834 = tpu.vector_load %arg6[%get3A_832, %get3A_833] {strides = array<i32>} : memref<200x32xf32, #tpu.memory_space<vmem>>, vector<16xf32>,
      %add3A_835 = arith.addf %add3A_815, %get3A_834 : vector<16xf32>
      %get3A_836 = arith.constant 75 : i32
      %get3A_837 = arith.index_cast %get3A_836 : i32 to index
      %get3A_838 = arith.constant 16 : index
      %get3A_839 = tpu.vector_load %arg6[%get3A_837, %get3A_838] {strides = array<i32>} : memref<200x32xf32, #tpu.memory_space<vmem>>, vector<16xf32>,
      %add3A_840 = arith.addf %add3A_820, %get3A_839 : vector<16xf32>
      %get3A_841 = arith.constant 76 : i32
      %get3A_842 = arith.index_cast %get3A_841 : i32 to index
      %get3A_843 = arith.constant 0 : index
      %get3A_844 = tpu.vector_load %arg6[%get3A_842, %get3A_843] {strides = array<i32>} : memref<200x32xf32, #tpu.memory_space<vmem>>, vector<16xf32>,
      %add3A_845 = arith.addf %add3A_825, %get3A_844 : vector<16xf32>
      %get3A_846 = arith.constant 76 : i32
      %get3A_847 = arith.index_cast %get3A_846 : i32 to index
      %get3A_848 = arith.constant 16 : index
      %get3A_849 = tpu.vector_load %arg6[%get3A_847, %get3A_848] {strides = array<i32>} : memref<200x32xf32, #tpu.memory_space<vmem>>, vector<16xf32>,
      %add3A_850 = arith.addf %add3A_830, %get3A_849 : vector<16xf32>
      %get3A_851 = arith.constant 77 : i32
      %get3A_852 = arith.index_cast %get3A_851 : i32 to index
      %get3A_853 = arith.constant 0 : index
      %get3A_854 = tpu.vector_load %arg6[%get3A_852, %get3A_853] {strides = array<i32>} : memref<200x32xf32, #tpu.memory_space<vmem>>, vector<16xf32>,
      %add3A_855 = arith.addf %add3A_835, %get3A_854 : vector<16xf32>
      %get3A_856 = arith.constant 77 : i32
      %get3A_857 = arith.index_cast %get3A_856 : i32 to index
      %get3A_858 = arith.constant 16 : index
      %get3A_859 = tpu.vector_load %arg6[%get3A_857, %get3A_858] {strides = array<i32>} : memref<200x32xf32, #tpu.memory_space<vmem>>, vector<16xf32>,
      %add3A_860 = arith.addf %add3A_840, %get3A_859 : vector<16xf32>
      %get3A_861 = arith.constant 78 : i32
      %get3A_862 = arith.index_cast %get3A_861 : i32 to index
      %get3A_863 = arith.constant 0 : index
      %get3A_864 = tpu.vector_load %arg6[%get3A_862, %get3A_863] {strides = array<i32>} : memref<200x32xf32, #tpu.memory_space<vmem>>, vector<16xf32>,
      %add3A_865 = arith.addf %add3A_845, %get3A_864 : vector<16xf32>
      %get3A_866 = arith.constant 78 : i32
      %get3A_867 = arith.index_cast %get3A_866 : i32 to index
      %get3A_868 = arith.constant 16 : index
      %get3A_869 = tpu.vector_load %arg6[%get3A_867, %get3A_868] {strides = array<i32>} : memref<200x32xf32, #tpu.memory_space<vmem>>, vector<16xf32>,
      %add3A_870 = arith.addf %add3A_850, %get3A_869 : vector<16xf32>
      %get3A_871 = arith.constant 79 : i32
      %get3A_872 = arith.index_cast %get3A_871 : i32 to index
      %get3A_873 = arith.constant 0 : index
      %get3A_874 = tpu.vector_load %arg6[%get3A_872, %get3A_873] {strides = array<i32>} : memref<200x32xf32, #tpu.memory_space<vmem>>, vector<16xf32>,
      %add3A_875 = arith.addf %add3A_855, %get3A_874 : vector<16xf32>
      %get3A_876 = arith.constant 79 : i32
      %get3A_877 = arith.index_cast %get3A_876 : i32 to index
      %get3A_878 = arith.constant 16 : index
      %get3A_879 = tpu.vector_load %arg6[%get3A_877, %get3A_878] {strides = array<i32>} : memref<200x32xf32, #tpu.memory_space<vmem>>, vector<16xf32>,
      %add3A_880 = arith.addf %add3A_860, %get3A_879 : vector<16xf32>
      %get3A_881 = arith.constant 80 : i32
      %get3A_882 = arith.index_cast %get3A_881 : i32 to index
      %get3A_883 = arith.constant 0 : index
      %get3A_884 = tpu.vector_load %arg6[%get3A_882, %get3A_883] {strides = array<i32>} : memref<200x32xf32, #tpu.memory_space<vmem>>, vector<16xf32>,
      %add3A_885 = arith.addf %add3A_865, %get3A_884 : vector<16xf32>
      %get3A_886 = arith.constant 80 : i32
      %get3A_887 = arith.index_cast %get3A_886 : i32 to index
      %get3A_888 = arith.constant 16 : index
      %get3A_889 = tpu.vector_load %arg6[%get3A_887, %get3A_888] {strides = array<i32>} : memref<200x32xf32, #tpu.memory_space<vmem>>, vector<16xf32>,
      %add3A_890 = arith.addf %add3A_870, %get3A_889 : vector<16xf32>
      %get3A_891 = arith.constant 81 : i32
      %get3A_892 = arith.index_cast %get3A_891 : i32 to index
      %get3A_893 = arith.constant 0 : index
      %get3A_894 = tpu.vector_load %arg6[%get3A_892, %get3A_893] {strides = array<i32>} : memref<200x32xf32, #tpu.memory_space<vmem>>, vector<16xf32>,
      %add3A_895 = arith.addf %add3A_875, %get3A_894 : vector<16xf32>
      %get3A_896 = arith.constant 81 : i32
      %get3A_897 = arith.index_cast %get3A_896 : i32 to index
      %get3A_898 = arith.constant 16 : index
      %get3A_899 = tpu.vector_load %arg6[%get3A_897, %get3A_898] {strides = array<i32>} : memref<200x32xf32, #tpu.memory_space<vmem>>, vector<16xf32>,
      %add3A_900 = arith.addf %add3A_880, %get3A_899 : vector<16xf32>
      %get3A_901 = arith.constant 82 : i32
      %get3A_902 = arith.index_cast %get3A_901 : i32 to index
      %get3A_903 = arith.constant 0 : index
      %get3A_904 = tpu.vector_load %arg6[%get3A_902, %get3A_903] {strides = array<i32>} : memref<200x32xf32, #tpu.memory_space<vmem>>, vector<16xf32>,
      %add3A_905 = arith.addf %add3A_885, %get3A_904 : vector<16xf32>
      %get3A_906 = arith.constant 82 : i32
      %get3A_907 = arith.index_cast %get3A_906 : i32 to index
      %get3A_908 = arith.constant 16 : index
      %get3A_909 = tpu.vector_load %arg6[%get3A_907, %get3A_908] {strides = array<i32>} : memref<200x32xf32, #tpu.memory_space<vmem>>, vector<16xf32>,
      %add3A_910 = arith.addf %add3A_890, %get3A_909 : vector<16xf32>
      %get3A_911 = arith.constant 83 : i32
      %get3A_912 = arith.index_cast %get3A_911 : i32 to index
      %get3A_913 = arith.constant 0 : index
      %get3A_914 = tpu.vector_load %arg6[%get3A_912, %get3A_913] {strides = array<i32>} : memref<200x32xf32, #tpu.memory_space<vmem>>, vector<16xf32>,
      %add3A_915 = arith.addf %add3A_895, %get3A_914 : vector<16xf32>
      %get3A_916 = arith.constant 83 : i32
      %get3A_917 = arith.index_cast %get3A_916 : i32 to index
      %get3A_918 = arith.constant 16 : index
      %get3A_919 = tpu.vector_load %arg6[%get3A_917, %get3A_918] {strides = array<i32>} : memref<200x32xf32, #tpu.memory_space<vmem>>, vector<16xf32>,
      %add3A_920 = arith.addf %add3A_900, %get3A_919 : vector<16xf32>
      %get3A_921 = arith.constant 84 : i32
      %get3A_922 = arith.index_cast %get3A_921 : i32 to index
      %get3A_923 = arith.constant 0 : index
      %get3A_924 = tpu.vector_load %arg6[%get3A_922, %get3A_923] {strides = array<i32>} : memref<200x32xf32, #tpu.memory_space<vmem>>, vector<16xf32>,
      %add3A_925 = arith.addf %add3A_905, %get3A_924 : vector<16xf32>
      %get3A_926 = arith.constant 84 : i32
      %get3A_927 = arith.index_cast %get3A_926 : i32 to index
      %get3A_928 = arith.constant 16 : index
      %get3A_929 = tpu.vector_load %arg6[%get3A_927, %get3A_928] {strides = array<i32>} : memref<200x32xf32, #tpu.memory_space<vmem>>, vector<16xf32>,
      %add3A_930 = arith.addf %add3A_910, %get3A_929 : vector<16xf32>
      %get3A_931 = arith.constant 85 : i32
      %get3A_932 = arith.index_cast %get3A_931 : i32 to index
      %get3A_933 = arith.constant 0 : index
      %get3A_934 = tpu.vector_load %arg6[%get3A_932, %get3A_933] {strides = array<i32>} : memref<200x32xf32, #tpu.memory_space<vmem>>, vector<16xf32>,
      %add3A_935 = arith.addf %add3A_915, %get3A_934 : vector<16xf32>
      %get3A_936 = arith.constant 85 : i32
      %get3A_937 = arith.index_cast %get3A_936 : i32 to index
      %get3A_938 = arith.constant 16 : index
      %get3A_939 = tpu.vector_load %arg6[%get3A_937, %get3A_938] {strides = array<i32>} : memref<200x32xf32, #tpu.memory_space<vmem>>, vector<16xf32>,
      %add3A_940 = arith.addf %add3A_920, %get3A_939 : vector<16xf32>
      %get3A_941 = arith.constant 86 : i32
      %get3A_942 = arith.index_cast %get3A_941 : i32 to index
      %get3A_943 = arith.constant 0 : index
      %get3A_944 = tpu.vector_load %arg6[%get3A_942, %get3A_943] {strides = array<i32>} : memref<200x32xf32, #tpu.memory_space<vmem>>, vector<16xf32>,
      %add3A_945 = arith.addf %add3A_925, %get3A_944 : vector<16xf32>
      %get3A_946 = arith.constant 86 : i32
      %get3A_947 = arith.index_cast %get3A_946 : i32 to index
      %get3A_948 = arith.constant 16 : index
      %get3A_949 = tpu.vector_load %arg6[%get3A_947, %get3A_948] {strides = array<i32>} : memref<200x32xf32, #tpu.memory_space<vmem>>, vector<16xf32>,
      %add3A_950 = arith.addf %add3A_930, %get3A_949 : vector<16xf32>
      %get3A_951 = arith.constant 87 : i32
      %get3A_952 = arith.index_cast %get3A_951 : i32 to index
      %get3A_953 = arith.constant 0 : index
      %get3A_954 = tpu.vector_load %arg6[%get3A_952, %get3A_953] {strides = array<i32>} : memref<200x32xf32, #tpu.memory_space<vmem>>, vector<16xf32>,
      %add3A_955 = arith.addf %add3A_935, %get3A_954 : vector<16xf32>
      %get3A_956 = arith.constant 87 : i32
      %get3A_957 = arith.index_cast %get3A_956 : i32 to index
      %get3A_958 = arith.constant 16 : index
      %get3A_959 = tpu.vector_load %arg6[%get3A_957, %get3A_958] {strides = array<i32>} : memref<200x32xf32, #tpu.memory_space<vmem>>, vector<16xf32>,
      %add3A_960 = arith.addf %add3A_940, %get3A_959 : vector<16xf32>
      %get3A_961 = arith.constant 88 : i32
      %get3A_962 = arith.index_cast %get3A_961 : i32 to index
      %get3A_963 = arith.constant 0 : index
      %get3A_964 = tpu.vector_load %arg6[%get3A_962, %get3A_963] {strides = array<i32>} : memref<200x32xf32, #tpu.memory_space<vmem>>, vector<16xf32>,
      %add3A_965 = arith.addf %add3A_945, %get3A_964 : vector<16xf32>
      %get3A_966 = arith.constant 88 : i32
      %get3A_967 = arith.index_cast %get3A_966 : i32 to index
      %get3A_968 = arith.constant 16 : index
      %get3A_969 = tpu.vector_load %arg6[%get3A_967, %get3A_968] {strides = array<i32>} : memref<200x32xf32, #tpu.memory_space<vmem>>, vector<16xf32>,
      %add3A_970 = arith.addf %add3A_950, %get3A_969 : vector<16xf32>
      %get3A_971 = arith.constant 89 : i32
      %get3A_972 = arith.index_cast %get3A_971 : i32 to index
      %get3A_973 = arith.constant 0 : index
      %get3A_974 = tpu.vector_load %arg6[%get3A_972, %get3A_973] {strides = array<i32>} : memref<200x32xf32, #tpu.memory_space<vmem>>, vector<16xf32>,
      %add3A_975 = arith.addf %add3A_955, %get3A_974 : vector<16xf32>
      %get3A_976 = arith.constant 89 : i32
      %get3A_977 = arith.index_cast %get3A_976 : i32 to index
      %get3A_978 = arith.constant 16 : index
      %get3A_979 = tpu.vector_load %arg6[%get3A_977, %get3A_978] {strides = array<i32>} : memref<200x32xf32, #tpu.memory_space<vmem>>, vector<16xf32>,
      %add3A_980 = arith.addf %add3A_960, %get3A_979 : vector<16xf32>
      %get3A_981 = arith.constant 90 : i32
      %get3A_982 = arith.index_cast %get3A_981 : i32 to index
      %get3A_983 = arith.constant 0 : index
      %get3A_984 = tpu.vector_load %arg6[%get3A_982, %get3A_983] {strides = array<i32>} : memref<200x32xf32, #tpu.memory_space<vmem>>, vector<16xf32>,
      %add3A_985 = arith.addf %add3A_965, %get3A_984 : vector<16xf32>
      %get3A_986 = arith.constant 90 : i32
      %get3A_987 = arith.index_cast %get3A_986 : i32 to index
      %get3A_988 = arith.constant 16 : index
      %get3A_989 = tpu.vector_load %arg6[%get3A_987, %get3A_988] {strides = array<i32>} : memref<200x32xf32, #tpu.memory_space<vmem>>, vector<16xf32>,
      %add3A_990 = arith.addf %add3A_970, %get3A_989 : vector<16xf32>
      %get3A_991 = arith.constant 91 : i32
      %get3A_992 = arith.index_cast %get3A_991 : i32 to index
      %get3A_993 = arith.constant 0 : index
      %get3A_994 = tpu.vector_load %arg6[%get3A_992, %get3A_993] {strides = array<i32>} : memref<200x32xf32, #tpu.memory_space<vmem>>, vector<16xf32>,
      %add3A_995 = arith.addf %add3A_975, %get3A_994 : vector<16xf32>
      %get3A_996 = arith.constant 91 : i32
      %get3A_997 = arith.index_cast %get3A_996 : i32 to index
      %get3A_998 = arith.constant 16 : index
      %get3A_999 = tpu.vector_load %arg6[%get3A_997, %get3A_998] {strides = array<i32>} : memref<200x32xf32, #tpu.memory_space<vmem>>, vector<16xf32>,
      %add3A_1000 = arith.addf %add3A_980, %get3A_999 : vector<16xf32>
      %get3A_1001 = arith.constant 92 : i32
      %get3A_1002 = arith.index_cast %get3A_1001 : i32 to index
      %get3A_1003 = arith.constant 0 : index
      %get3A_1004 = tpu.vector_load %arg6[%get3A_1002, %get3A_1003] {strides = array<i32>} : memref<200x32xf32, #tpu.memory_space<vmem>>, vector<16xf32>,
      %add3A_1005 = arith.addf %add3A_985, %get3A_1004 : vector<16xf32>
      %get3A_1006 = arith.constant 92 : i32
      %get3A_1007 = arith.index_cast %get3A_1006 : i32 to index
      %get3A_1008 = arith.constant 16 : index
      %get3A_1009 = tpu.vector_load %arg6[%get3A_1007, %get3A_1008] {strides = array<i32>} : memref<200x32xf32, #tpu.memory_space<vmem>>, vector<16xf32>,
      %add3A_1010 = arith.addf %add3A_990, %get3A_1009 : vector<16xf32>
      %get3A_1011 = arith.constant 93 : i32
      %get3A_1012 = arith.index_cast %get3A_1011 : i32 to index
      %get3A_1013 = arith.constant 0 : index
      %get3A_1014 = tpu.vector_load %arg6[%get3A_1012, %get3A_1013] {strides = array<i32>} : memref<200x32xf32, #tpu.memory_space<vmem>>, vector<16xf32>,
      %add3A_1015 = arith.addf %add3A_995, %get3A_1014 : vector<16xf32>
      %get3A_1016 = arith.constant 93 : i32
      %get3A_1017 = arith.index_cast %get3A_1016 : i32 to index
      %get3A_1018 = arith.constant 16 : index
      %get3A_1019 = tpu.vector_load %arg6[%get3A_1017, %get3A_1018] {strides = array<i32>} : memref<200x32xf32, #tpu.memory_space<vmem>>, vector<16xf32>,
      %add3A_1020 = arith.addf %add3A_1000, %get3A_1019 : vector<16xf32>
      %get3A_1021 = arith.constant 94 : i32
      %get3A_1022 = arith.index_cast %get3A_1021 : i32 to index
      %get3A_1023 = arith.constant 0 : index
      %get3A_1024 = tpu.vector_load %arg6[%get3A_1022, %get3A_1023] {strides = array<i32>} : memref<200x32xf32, #tpu.memory_space<vmem>>, vector<16xf32>,
      %add3A_1025 = arith.addf %add3A_1005, %get3A_1024 : vector<16xf32>
      %get3A_1026 = arith.constant 94 : i32
      %get3A_1027 = arith.index_cast %get3A_1026 : i32 to index
      %get3A_1028 = arith.constant 16 : index
      %get3A_1029 = tpu.vector_load %arg6[%get3A_1027, %get3A_1028] {strides = array<i32>} : memref<200x32xf32, #tpu.memory_space<vmem>>, vector<16xf32>,
      %add3A_1030 = arith.addf %add3A_1010, %get3A_1029 : vector<16xf32>
      %get3A_1031 = arith.constant 95 : i32
      %get3A_1032 = arith.index_cast %get3A_1031 : i32 to index
      %get3A_1033 = arith.constant 0 : index
      %get3A_1034 = tpu.vector_load %arg6[%get3A_1032, %get3A_1033] {strides = array<i32>} : memref<200x32xf32, #tpu.memory_space<vmem>>, vector<16xf32>,
      %add3A_1035 = arith.addf %add3A_1015, %get3A_1034 : vector<16xf32>
      %get3A_1036 = arith.constant 95 : i32
      %get3A_1037 = arith.index_cast %get3A_1036 : i32 to index
      %get3A_1038 = arith.constant 16 : index
      %get3A_1039 = tpu.vector_load %arg6[%get3A_1037, %get3A_1038] {strides = array<i32>} : memref<200x32xf32, #tpu.memory_space<vmem>>, vector<16xf32>,
      %add3A_1040 = arith.addf %add3A_1020, %get3A_1039 : vector<16xf32>
      %get3A_1041 = arith.constant 96 : i32
      %get3A_1042 = arith.index_cast %get3A_1041 : i32 to index
      %get3A_1043 = arith.constant 0 : index
      %get3A_1044 = tpu.vector_load %arg6[%get3A_1042, %get3A_1043] {strides = array<i32>} : memref<200x32xf32, #tpu.memory_space<vmem>>, vector<16xf32>,
      %add3A_1045 = arith.addf %add3A_1025, %get3A_1044 : vector<16xf32>
      %get3A_1046 = arith.constant 96 : i32
      %get3A_1047 = arith.index_cast %get3A_1046 : i32 to index
      %get3A_1048 = arith.constant 16 : index
      %get3A_1049 = tpu.vector_load %arg6[%get3A_1047, %get3A_1048] {strides = array<i32>} : memref<200x32xf32, #tpu.memory_space<vmem>>, vector<16xf32>,
      %add3A_1050 = arith.addf %add3A_1030, %get3A_1049 : vector<16xf32>
      %get3A_1051 = arith.constant 97 : i32
      %get3A_1052 = arith.index_cast %get3A_1051 : i32 to index
      %get3A_1053 = arith.constant 0 : index
      %get3A_1054 = tpu.vector_load %arg6[%get3A_1052, %get3A_1053] {strides = array<i32>} : memref<200x32xf32, #tpu.memory_space<vmem>>, vector<16xf32>,
      %add3A_1055 = arith.addf %add3A_1035, %get3A_1054 : vector<16xf32>
      %get3A_1056 = arith.constant 97 : i32
      %get3A_1057 = arith.index_cast %get3A_1056 : i32 to index
      %get3A_1058 = arith.constant 16 : index
      %get3A_1059 = tpu.vector_load %arg6[%get3A_1057, %get3A_1058] {strides = array<i32>} : memref<200x32xf32, #tpu.memory_space<vmem>>, vector<16xf32>,
      %add3A_1060 = arith.addf %add3A_1040, %get3A_1059 : vector<16xf32>
      %get3A_1061 = arith.constant 98 : i32
      %get3A_1062 = arith.index_cast %get3A_1061 : i32 to index
      %get3A_1063 = arith.constant 0 : index
      %get3A_1064 = tpu.vector_load %arg6[%get3A_1062, %get3A_1063] {strides = array<i32>} : memref<200x32xf32, #tpu.memory_space<vmem>>, vector<16xf32>,
      %add3A_1065 = arith.addf %add3A_1045, %get3A_1064 : vector<16xf32>
      %get3A_1066 = arith.constant 98 : i32
      %get3A_1067 = arith.index_cast %get3A_1066 : i32 to index
      %get3A_1068 = arith.constant 16 : index
      %get3A_1069 = tpu.vector_load %arg6[%get3A_1067, %get3A_1068] {strides = array<i32>} : memref<200x32xf32, #tpu.memory_space<vmem>>, vector<16xf32>,
      %add3A_1070 = arith.addf %add3A_1050, %get3A_1069 : vector<16xf32>
      %get3A_1071 = arith.constant 99 : i32
      %get3A_1072 = arith.index_cast %get3A_1071 : i32 to index
      %get3A_1073 = arith.constant 0 : index
      %get3A_1074 = tpu.vector_load %arg6[%get3A_1072, %get3A_1073] {strides = array<i32>} : memref<200x32xf32, #tpu.memory_space<vmem>>, vector<16xf32>,
      %add3A_1075 = arith.addf %add3A_1055, %get3A_1074 : vector<16xf32>
      %get3A_1076 = arith.constant 99 : i32
      %get3A_1077 = arith.index_cast %get3A_1076 : i32 to index
      %get3A_1078 = arith.constant 16 : index
      %get3A_1079 = tpu.vector_load %arg6[%get3A_1077, %get3A_1078] {strides = array<i32>} : memref<200x32xf32, #tpu.memory_space<vmem>>, vector<16xf32>,
      %add3A_1080 = arith.addf %add3A_1060, %get3A_1079 : vector<16xf32>
      %mul3A_1081 = arith.constant 4 : i32
      %mul3A_1082 = arith.muli %add3A_30, %mul3A_1081 : i32
      %add3A_1083 = arith.constant 1 : i32
      %add3A_1084 = arith.addi %mul3A_1082, %add3A_1083 : i32
      %add3A_1085 = arith.addf %add3A_1065, %add3A_1075 : vector<16xf32>
      %mul3A_1086 = vector.broadcast %scan3A_18 : f32 to vector<16xf32>
      %mul3A_1087 = arith.mulf %add3A_1085, %mul3A_1086 : vector<16xf32>
      %swap3A_1088 = arith.index_cast %add3A_1084 : i32 to index
      %swap3A_1089 = arith.constant 0 : index
      %swap3A_1090 = tpu.vector_load %arg8[%swap3A_1088, %swap3A_1089] {strides = array<i32>} : memref<512x128xf32, #tpu.memory_space<vmem>>, vector<16xf32>,
      tpu.vector_store %arg8[%swap3A_1088, %swap3A_1089], %mul3A_1087 {strides = array<i32>} : memref<512x128xf32, #tpu.memory_space<vmem>>, vector<16xf32>,
      %add3A_1091 = arith.addf %add3A_1070, %add3A_1080 : vector<16xf32>
      %mul3A_1092 = vector.broadcast %scan3A_18 : f32 to vector<16xf32>
      %mul3A_1093 = arith.mulf %add3A_1091, %mul3A_1092 : vector<16xf32>
      %swap3A_1094 = arith.index_cast %add3A_1084 : i32 to index
      %swap3A_1095 = arith.constant 16 : index
      %swap3A_1096 = tpu.vector_load %arg8[%swap3A_1094, %swap3A_1095] {strides = array<i32>} : memref<512x128xf32, #tpu.memory_space<vmem>>, vector<16xf32>,
      tpu.vector_store %arg8[%swap3A_1094, %swap3A_1095], %mul3A_1093 {strides = array<i32>} : memref<512x128xf32, #tpu.memory_space<vmem>>, vector<16xf32>,
      %broadcast_in_dim3A_1097 = arith.constant 0.000000e+00 : f32
      %broadcast_in_dim3A_1098 = vector.broadcast %broadcast_in_dim3A_1097 : f32 to vector<16xf32>
      %broadcast_in_dim3A_1099 = arith.constant 0.000000e+00 : f32
      %broadcast_in_dim3A_1100 = vector.broadcast %broadcast_in_dim3A_1099 : f32 to vector<16xf32>
      %broadcast_in_dim3A_1101 = arith.constant 0.000000e+00 : f32
      %broadcast_in_dim3A_1102 = vector.broadcast %broadcast_in_dim3A_1101 : f32 to vector<16xf32>
      %broadcast_in_dim3A_1103 = arith.constant 0.000000e+00 : f32
      %broadcast_in_dim3A_1104 = vector.broadcast %broadcast_in_dim3A_1103 : f32 to vector<16xf32>
      %get3A_1105 = arith.constant 100 : i32
      %get3A_1106 = arith.index_cast %get3A_1105 : i32 to index
      %get3A_1107 = arith.constant 0 : index
      %get3A_1108 = tpu.vector_load %arg6[%get3A_1106, %get3A_1107] {strides = array<i32>} : memref<200x32xf32, #tpu.memory_space<vmem>>, vector<16xf32>,
      %add3A_1109 = arith.addf %broadcast_in_dim3A_1098, %get3A_1108 : vector<16xf32>
      %get3A_1110 = arith.constant 100 : i32
      %get3A_1111 = arith.index_cast %get3A_1110 : i32 to index
      %get3A_1112 = arith.constant 16 : index
      %get3A_1113 = tpu.vector_load %arg6[%get3A_1111, %get3A_1112] {strides = array<i32>} : memref<200x32xf32, #tpu.memory_space<vmem>>, vector<16xf32>,
      %add3A_1114 = arith.addf %broadcast_in_dim3A_1100, %get3A_1113 : vector<16xf32>
      %get3A_1115 = arith.constant 101 : i32
      %get3A_1116 = arith.index_cast %get3A_1115 : i32 to index
      %get3A_1117 = arith.constant 0 : index
      %get3A_1118 = tpu.vector_load %arg6[%get3A_1116, %get3A_1117] {strides = array<i32>} : memref<200x32xf32, #tpu.memory_space<vmem>>, vector<16xf32>,
      %add3A_1119 = arith.addf %broadcast_in_dim3A_1102, %get3A_1118 : vector<16xf32>
      %get3A_1120 = arith.constant 101 : i32
      %get3A_1121 = arith.index_cast %get3A_1120 : i32 to index
      %get3A_1122 = arith.constant 16 : index
      %get3A_1123 = tpu.vector_load %arg6[%get3A_1121, %get3A_1122] {strides = array<i32>} : memref<200x32xf32, #tpu.memory_space<vmem>>, vector<16xf32>,
      %add3A_1124 = arith.addf %broadcast_in_dim3A_1104, %get3A_1123 : vector<16xf32>
      %get3A_1125 = arith.constant 102 : i32
      %get3A_1126 = arith.index_cast %get3A_1125 : i32 to index
      %get3A_1127 = arith.constant 0 : index
      %get3A_1128 = tpu.vector_load %arg6[%get3A_1126, %get3A_1127] {strides = array<i32>} : memref<200x32xf32, #tpu.memory_space<vmem>>, vector<16xf32>,
      %add3A_1129 = arith.addf %add3A_1109, %get3A_1128 : vector<16xf32>
      %get3A_1130 = arith.constant 102 : i32
      %get3A_1131 = arith.index_cast %get3A_1130 : i32 to index
      %get3A_1132 = arith.constant 16 : index
      %get3A_1133 = tpu.vector_load %arg6[%get3A_1131, %get3A_1132] {strides = array<i32>} : memref<200x32xf32, #tpu.memory_space<vmem>>, vector<16xf32>,
      %add3A_1134 = arith.addf %add3A_1114, %get3A_1133 : vector<16xf32>
      %get3A_1135 = arith.constant 103 : i32
      %get3A_1136 = arith.index_cast %get3A_1135 : i32 to index
      %get3A_1137 = arith.constant 0 : index
      %get3A_1138 = tpu.vector_load %arg6[%get3A_1136, %get3A_1137] {strides = array<i32>} : memref<200x32xf32, #tpu.memory_space<vmem>>, vector<16xf32>,
      %add3A_1139 = arith.addf %add3A_1119, %get3A_1138 : vector<16xf32>
      %get3A_1140 = arith.constant 103 : i32
      %get3A_1141 = arith.index_cast %get3A_1140 : i32 to index
      %get3A_1142 = arith.constant 16 : index
      %get3A_1143 = tpu.vector_load %arg6[%get3A_1141, %get3A_1142] {strides = array<i32>} : memref<200x32xf32, #tpu.memory_space<vmem>>, vector<16xf32>,
      %add3A_1144 = arith.addf %add3A_1124, %get3A_1143 : vector<16xf32>
      %get3A_1145 = arith.constant 104 : i32
      %get3A_1146 = arith.index_cast %get3A_1145 : i32 to index
      %get3A_1147 = arith.constant 0 : index
      %get3A_1148 = tpu.vector_load %arg6[%get3A_1146, %get3A_1147] {strides = array<i32>} : memref<200x32xf32, #tpu.memory_space<vmem>>, vector<16xf32>,
      %add3A_1149 = arith.addf %add3A_1129, %get3A_1148 : vector<16xf32>
      %get3A_1150 = arith.constant 104 : i32
      %get3A_1151 = arith.index_cast %get3A_1150 : i32 to index
      %get3A_1152 = arith.constant 16 : index
      %get3A_1153 = tpu.vector_load %arg6[%get3A_1151, %get3A_1152] {strides = array<i32>} : memref<200x32xf32, #tpu.memory_space<vmem>>, vector<16xf32>,
      %add3A_1154 = arith.addf %add3A_1134, %get3A_1153 : vector<16xf32>
      %get3A_1155 = arith.constant 105 : i32
      %get3A_1156 = arith.index_cast %get3A_1155 : i32 to index
      %get3A_1157 = arith.constant 0 : index
      %get3A_1158 = tpu.vector_load %arg6[%get3A_1156, %get3A_1157] {strides = array<i32>} : memref<200x32xf32, #tpu.memory_space<vmem>>, vector<16xf32>,
      %add3A_1159 = arith.addf %add3A_1139, %get3A_1158 : vector<16xf32>
      %get3A_1160 = arith.constant 105 : i32
      %get3A_1161 = arith.index_cast %get3A_1160 : i32 to index
      %get3A_1162 = arith.constant 16 : index
      %get3A_1163 = tpu.vector_load %arg6[%get3A_1161, %get3A_1162] {strides = array<i32>} : memref<200x32xf32, #tpu.memory_space<vmem>>, vector<16xf32>,
      %add3A_1164 = arith.addf %add3A_1144, %get3A_1163 : vector<16xf32>
      %get3A_1165 = arith.constant 106 : i32
      %get3A_1166 = arith.index_cast %get3A_1165 : i32 to index
      %get3A_1167 = arith.constant 0 : index
      %get3A_1168 = tpu.vector_load %arg6[%get3A_1166, %get3A_1167] {strides = array<i32>} : memref<200x32xf32, #tpu.memory_space<vmem>>, vector<16xf32>,
      %add3A_1169 = arith.addf %add3A_1149, %get3A_1168 : vector<16xf32>
      %get3A_1170 = arith.constant 106 : i32
      %get3A_1171 = arith.index_cast %get3A_1170 : i32 to index
      %get3A_1172 = arith.constant 16 : index
      %get3A_1173 = tpu.vector_load %arg6[%get3A_1171, %get3A_1172] {strides = array<i32>} : memref<200x32xf32, #tpu.memory_space<vmem>>, vector<16xf32>,
      %add3A_1174 = arith.addf %add3A_1154, %get3A_1173 : vector<16xf32>
      %get3A_1175 = arith.constant 107 : i32
      %get3A_1176 = arith.index_cast %get3A_1175 : i32 to index
      %get3A_1177 = arith.constant 0 : index
      %get3A_1178 = tpu.vector_load %arg6[%get3A_1176, %get3A_1177] {strides = array<i32>} : memref<200x32xf32, #tpu.memory_space<vmem>>, vector<16xf32>,
      %add3A_1179 = arith.addf %add3A_1159, %get3A_1178 : vector<16xf32>
      %get3A_1180 = arith.constant 107 : i32
      %get3A_1181 = arith.index_cast %get3A_1180 : i32 to index
      %get3A_1182 = arith.constant 16 : index
      %get3A_1183 = tpu.vector_load %arg6[%get3A_1181, %get3A_1182] {strides = array<i32>} : memref<200x32xf32, #tpu.memory_space<vmem>>, vector<16xf32>,
      %add3A_1184 = arith.addf %add3A_1164, %get3A_1183 : vector<16xf32>
      %get3A_1185 = arith.constant 108 : i32
      %get3A_1186 = arith.index_cast %get3A_1185 : i32 to index
      %get3A_1187 = arith.constant 0 : index
      %get3A_1188 = tpu.vector_load %arg6[%get3A_1186, %get3A_1187] {strides = array<i32>} : memref<200x32xf32, #tpu.memory_space<vmem>>, vector<16xf32>,
      %add3A_1189 = arith.addf %add3A_1169, %get3A_1188 : vector<16xf32>
      %get3A_1190 = arith.constant 108 : i32
      %get3A_1191 = arith.index_cast %get3A_1190 : i32 to index
      %get3A_1192 = arith.constant 16 : index
      %get3A_1193 = tpu.vector_load %arg6[%get3A_1191, %get3A_1192] {strides = array<i32>} : memref<200x32xf32, #tpu.memory_space<vmem>>, vector<16xf32>,
      %add3A_1194 = arith.addf %add3A_1174, %get3A_1193 : vector<16xf32>
      %get3A_1195 = arith.constant 109 : i32
      %get3A_1196 = arith.index_cast %get3A_1195 : i32 to index
      %get3A_1197 = arith.constant 0 : index
      %get3A_1198 = tpu.vector_load %arg6[%get3A_1196, %get3A_1197] {strides = array<i32>} : memref<200x32xf32, #tpu.memory_space<vmem>>, vector<16xf32>,
      %add3A_1199 = arith.addf %add3A_1179, %get3A_1198 : vector<16xf32>
      %get3A_1200 = arith.constant 109 : i32
      %get3A_1201 = arith.index_cast %get3A_1200 : i32 to index
      %get3A_1202 = arith.constant 16 : index
      %get3A_1203 = tpu.vector_load %arg6[%get3A_1201, %get3A_1202] {strides = array<i32>} : memref<200x32xf32, #tpu.memory_space<vmem>>, vector<16xf32>,
      %add3A_1204 = arith.addf %add3A_1184, %get3A_1203 : vector<16xf32>
      %get3A_1205 = arith.constant 110 : i32
      %get3A_1206 = arith.index_cast %get3A_1205 : i32 to index
      %get3A_1207 = arith.constant 0 : index
      %get3A_1208 = tpu.vector_load %arg6[%get3A_1206, %get3A_1207] {strides = array<i32>} : memref<200x32xf32, #tpu.memory_space<vmem>>, vector<16xf32>,
      %add3A_1209 = arith.addf %add3A_1189, %get3A_1208 : vector<16xf32>
      %get3A_1210 = arith.constant 110 : i32
      %get3A_1211 = arith.index_cast %get3A_1210 : i32 to index
      %get3A_1212 = arith.constant 16 : index
      %get3A_1213 = tpu.vector_load %arg6[%get3A_1211, %get3A_1212] {strides = array<i32>} : memref<200x32xf32, #tpu.memory_space<vmem>>, vector<16xf32>,
      %add3A_1214 = arith.addf %add3A_1194, %get3A_1213 : vector<16xf32>
      %get3A_1215 = arith.constant 111 : i32
      %get3A_1216 = arith.index_cast %get3A_1215 : i32 to index
      %get3A_1217 = arith.constant 0 : index
      %get3A_1218 = tpu.vector_load %arg6[%get3A_1216, %get3A_1217] {strides = array<i32>} : memref<200x32xf32, #tpu.memory_space<vmem>>, vector<16xf32>,
      %add3A_1219 = arith.addf %add3A_1199, %get3A_1218 : vector<16xf32>
      %get3A_1220 = arith.constant 111 : i32
      %get3A_1221 = arith.index_cast %get3A_1220 : i32 to index
      %get3A_1222 = arith.constant 16 : index
      %get3A_1223 = tpu.vector_load %arg6[%get3A_1221, %get3A_1222] {strides = array<i32>} : memref<200x32xf32, #tpu.memory_space<vmem>>, vector<16xf32>,
      %add3A_1224 = arith.addf %add3A_1204, %get3A_1223 : vector<16xf32>
      %get3A_1225 = arith.constant 112 : i32
      %get3A_1226 = arith.index_cast %get3A_1225 : i32 to index
      %get3A_1227 = arith.constant 0 : index
      %get3A_1228 = tpu.vector_load %arg6[%get3A_1226, %get3A_1227] {strides = array<i32>} : memref<200x32xf32, #tpu.memory_space<vmem>>, vector<16xf32>,
      %add3A_1229 = arith.addf %add3A_1209, %get3A_1228 : vector<16xf32>
      %get3A_1230 = arith.constant 112 : i32
      %get3A_1231 = arith.index_cast %get3A_1230 : i32 to index
      %get3A_1232 = arith.constant 16 : index
      %get3A_1233 = tpu.vector_load %arg6[%get3A_1231, %get3A_1232] {strides = array<i32>} : memref<200x32xf32, #tpu.memory_space<vmem>>, vector<16xf32>,
      %add3A_1234 = arith.addf %add3A_1214, %get3A_1233 : vector<16xf32>
      %get3A_1235 = arith.constant 113 : i32
      %get3A_1236 = arith.index_cast %get3A_1235 : i32 to index
      %get3A_1237 = arith.constant 0 : index
      %get3A_1238 = tpu.vector_load %arg6[%get3A_1236, %get3A_1237] {strides = array<i32>} : memref<200x32xf32, #tpu.memory_space<vmem>>, vector<16xf32>,
      %add3A_1239 = arith.addf %add3A_1219, %get3A_1238 : vector<16xf32>
      %get3A_1240 = arith.constant 113 : i32
      %get3A_1241 = arith.index_cast %get3A_1240 : i32 to index
      %get3A_1242 = arith.constant 16 : index
      %get3A_1243 = tpu.vector_load %arg6[%get3A_1241, %get3A_1242] {strides = array<i32>} : memref<200x32xf32, #tpu.memory_space<vmem>>, vector<16xf32>,
      %add3A_1244 = arith.addf %add3A_1224, %get3A_1243 : vector<16xf32>
      %get3A_1245 = arith.constant 114 : i32
      %get3A_1246 = arith.index_cast %get3A_1245 : i32 to index
      %get3A_1247 = arith.constant 0 : index
      %get3A_1248 = tpu.vector_load %arg6[%get3A_1246, %get3A_1247] {strides = array<i32>} : memref<200x32xf32, #tpu.memory_space<vmem>>, vector<16xf32>,
      %add3A_1249 = arith.addf %add3A_1229, %get3A_1248 : vector<16xf32>
      %get3A_1250 = arith.constant 114 : i32
      %get3A_1251 = arith.index_cast %get3A_1250 : i32 to index
      %get3A_1252 = arith.constant 16 : index
      %get3A_1253 = tpu.vector_load %arg6[%get3A_1251, %get3A_1252] {strides = array<i32>} : memref<200x32xf32, #tpu.memory_space<vmem>>, vector<16xf32>,
      %add3A_1254 = arith.addf %add3A_1234, %get3A_1253 : vector<16xf32>
      %get3A_1255 = arith.constant 115 : i32
      %get3A_1256 = arith.index_cast %get3A_1255 : i32 to index
      %get3A_1257 = arith.constant 0 : index
      %get3A_1258 = tpu.vector_load %arg6[%get3A_1256, %get3A_1257] {strides = array<i32>} : memref<200x32xf32, #tpu.memory_space<vmem>>, vector<16xf32>,
      %add3A_1259 = arith.addf %add3A_1239, %get3A_1258 : vector<16xf32>
      %get3A_1260 = arith.constant 115 : i32
      %get3A_1261 = arith.index_cast %get3A_1260 : i32 to index
      %get3A_1262 = arith.constant 16 : index
      %get3A_1263 = tpu.vector_load %arg6[%get3A_1261, %get3A_1262] {strides = array<i32>} : memref<200x32xf32, #tpu.memory_space<vmem>>, vector<16xf32>,
      %add3A_1264 = arith.addf %add3A_1244, %get3A_1263 : vector<16xf32>
      %get3A_1265 = arith.constant 116 : i32
      %get3A_1266 = arith.index_cast %get3A_1265 : i32 to index
      %get3A_1267 = arith.constant 0 : index
      %get3A_1268 = tpu.vector_load %arg6[%get3A_1266, %get3A_1267] {strides = array<i32>} : memref<200x32xf32, #tpu.memory_space<vmem>>, vector<16xf32>,
      %add3A_1269 = arith.addf %add3A_1249, %get3A_1268 : vector<16xf32>
      %get3A_1270 = arith.constant 116 : i32
      %get3A_1271 = arith.index_cast %get3A_1270 : i32 to index
      %get3A_1272 = arith.constant 16 : index
      %get3A_1273 = tpu.vector_load %arg6[%get3A_1271, %get3A_1272] {strides = array<i32>} : memref<200x32xf32, #tpu.memory_space<vmem>>, vector<16xf32>,
      %add3A_1274 = arith.addf %add3A_1254, %get3A_1273 : vector<16xf32>
      %get3A_1275 = arith.constant 117 : i32
      %get3A_1276 = arith.index_cast %get3A_1275 : i32 to index
      %get3A_1277 = arith.constant 0 : index
      %get3A_1278 = tpu.vector_load %arg6[%get3A_1276, %get3A_1277] {strides = array<i32>} : memref<200x32xf32, #tpu.memory_space<vmem>>, vector<16xf32>,
      %add3A_1279 = arith.addf %add3A_1259, %get3A_1278 : vector<16xf32>
      %get3A_1280 = arith.constant 117 : i32
      %get3A_1281 = arith.index_cast %get3A_1280 : i32 to index
      %get3A_1282 = arith.constant 16 : index
      %get3A_1283 = tpu.vector_load %arg6[%get3A_1281, %get3A_1282] {strides = array<i32>} : memref<200x32xf32, #tpu.memory_space<vmem>>, vector<16xf32>,
      %add3A_1284 = arith.addf %add3A_1264, %get3A_1283 : vector<16xf32>
      %get3A_1285 = arith.constant 118 : i32
      %get3A_1286 = arith.index_cast %get3A_1285 : i32 to index
      %get3A_1287 = arith.constant 0 : index
      %get3A_1288 = tpu.vector_load %arg6[%get3A_1286, %get3A_1287] {strides = array<i32>} : memref<200x32xf32, #tpu.memory_space<vmem>>, vector<16xf32>,
      %add3A_1289 = arith.addf %add3A_1269, %get3A_1288 : vector<16xf32>
      %get3A_1290 = arith.constant 118 : i32
      %get3A_1291 = arith.index_cast %get3A_1290 : i32 to index
      %get3A_1292 = arith.constant 16 : index
      %get3A_1293 = tpu.vector_load %arg6[%get3A_1291, %get3A_1292] {strides = array<i32>} : memref<200x32xf32, #tpu.memory_space<vmem>>, vector<16xf32>,
      %add3A_1294 = arith.addf %add3A_1274, %get3A_1293 : vector<16xf32>
      %get3A_1295 = arith.constant 119 : i32
      %get3A_1296 = arith.index_cast %get3A_1295 : i32 to index
      %get3A_1297 = arith.constant 0 : index
      %get3A_1298 = tpu.vector_load %arg6[%get3A_1296, %get3A_1297] {strides = array<i32>} : memref<200x32xf32, #tpu.memory_space<vmem>>, vector<16xf32>,
      %add3A_1299 = arith.addf %add3A_1279, %get3A_1298 : vector<16xf32>
      %get3A_1300 = arith.constant 119 : i32
      %get3A_1301 = arith.index_cast %get3A_1300 : i32 to index
      %get3A_1302 = arith.constant 16 : index
      %get3A_1303 = tpu.vector_load %arg6[%get3A_1301, %get3A_1302] {strides = array<i32>} : memref<200x32xf32, #tpu.memory_space<vmem>>, vector<16xf32>,
      %add3A_1304 = arith.addf %add3A_1284, %get3A_1303 : vector<16xf32>
      %get3A_1305 = arith.constant 120 : i32
      %get3A_1306 = arith.index_cast %get3A_1305 : i32 to index
      %get3A_1307 = arith.constant 0 : index
      %get3A_1308 = tpu.vector_load %arg6[%get3A_1306, %get3A_1307] {strides = array<i32>} : memref<200x32xf32, #tpu.memory_space<vmem>>, vector<16xf32>,
      %add3A_1309 = arith.addf %add3A_1289, %get3A_1308 : vector<16xf32>
      %get3A_1310 = arith.constant 120 : i32
      %get3A_1311 = arith.index_cast %get3A_1310 : i32 to index
      %get3A_1312 = arith.constant 16 : index
      %get3A_1313 = tpu.vector_load %arg6[%get3A_1311, %get3A_1312] {strides = array<i32>} : memref<200x32xf32, #tpu.memory_space<vmem>>, vector<16xf32>,
      %add3A_1314 = arith.addf %add3A_1294, %get3A_1313 : vector<16xf32>
      %get3A_1315 = arith.constant 121 : i32
      %get3A_1316 = arith.index_cast %get3A_1315 : i32 to index
      %get3A_1317 = arith.constant 0 : index
      %get3A_1318 = tpu.vector_load %arg6[%get3A_1316, %get3A_1317] {strides = array<i32>} : memref<200x32xf32, #tpu.memory_space<vmem>>, vector<16xf32>,
      %add3A_1319 = arith.addf %add3A_1299, %get3A_1318 : vector<16xf32>
      %get3A_1320 = arith.constant 121 : i32
      %get3A_1321 = arith.index_cast %get3A_1320 : i32 to index
      %get3A_1322 = arith.constant 16 : index
      %get3A_1323 = tpu.vector_load %arg6[%get3A_1321, %get3A_1322] {strides = array<i32>} : memref<200x32xf32, #tpu.memory_space<vmem>>, vector<16xf32>,
      %add3A_1324 = arith.addf %add3A_1304, %get3A_1323 : vector<16xf32>
      %get3A_1325 = arith.constant 122 : i32
      %get3A_1326 = arith.index_cast %get3A_1325 : i32 to index
      %get3A_1327 = arith.constant 0 : index
      %get3A_1328 = tpu.vector_load %arg6[%get3A_1326, %get3A_1327] {strides = array<i32>} : memref<200x32xf32, #tpu.memory_space<vmem>>, vector<16xf32>,
      %add3A_1329 = arith.addf %add3A_1309, %get3A_1328 : vector<16xf32>
      %get3A_1330 = arith.constant 122 : i32
      %get3A_1331 = arith.index_cast %get3A_1330 : i32 to index
      %get3A_1332 = arith.constant 16 : index
      %get3A_1333 = tpu.vector_load %arg6[%get3A_1331, %get3A_1332] {strides = array<i32>} : memref<200x32xf32, #tpu.memory_space<vmem>>, vector<16xf32>,
      %add3A_1334 = arith.addf %add3A_1314, %get3A_1333 : vector<16xf32>
      %get3A_1335 = arith.constant 123 : i32
      %get3A_1336 = arith.index_cast %get3A_1335 : i32 to index
      %get3A_1337 = arith.constant 0 : index
      %get3A_1338 = tpu.vector_load %arg6[%get3A_1336, %get3A_1337] {strides = array<i32>} : memref<200x32xf32, #tpu.memory_space<vmem>>, vector<16xf32>,
      %add3A_1339 = arith.addf %add3A_1319, %get3A_1338 : vector<16xf32>
      %get3A_1340 = arith.constant 123 : i32
      %get3A_1341 = arith.index_cast %get3A_1340 : i32 to index
      %get3A_1342 = arith.constant 16 : index
      %get3A_1343 = tpu.vector_load %arg6[%get3A_1341, %get3A_1342] {strides = array<i32>} : memref<200x32xf32, #tpu.memory_space<vmem>>, vector<16xf32>,
      %add3A_1344 = arith.addf %add3A_1324, %get3A_1343 : vector<16xf32>
      %get3A_1345 = arith.constant 124 : i32
      %get3A_1346 = arith.index_cast %get3A_1345 : i32 to index
      %get3A_1347 = arith.constant 0 : index
      %get3A_1348 = tpu.vector_load %arg6[%get3A_1346, %get3A_1347] {strides = array<i32>} : memref<200x32xf32, #tpu.memory_space<vmem>>, vector<16xf32>,
      %add3A_1349 = arith.addf %add3A_1329, %get3A_1348 : vector<16xf32>
      %get3A_1350 = arith.constant 124 : i32
      %get3A_1351 = arith.index_cast %get3A_1350 : i32 to index
      %get3A_1352 = arith.constant 16 : index
      %get3A_1353 = tpu.vector_load %arg6[%get3A_1351, %get3A_1352] {strides = array<i32>} : memref<200x32xf32, #tpu.memory_space<vmem>>, vector<16xf32>,
      %add3A_1354 = arith.addf %add3A_1334, %get3A_1353 : vector<16xf32>
      %get3A_1355 = arith.constant 125 : i32
      %get3A_1356 = arith.index_cast %get3A_1355 : i32 to index
      %get3A_1357 = arith.constant 0 : index
      %get3A_1358 = tpu.vector_load %arg6[%get3A_1356, %get3A_1357] {strides = array<i32>} : memref<200x32xf32, #tpu.memory_space<vmem>>, vector<16xf32>,
      %add3A_1359 = arith.addf %add3A_1339, %get3A_1358 : vector<16xf32>
      %get3A_1360 = arith.constant 125 : i32
      %get3A_1361 = arith.index_cast %get3A_1360 : i32 to index
      %get3A_1362 = arith.constant 16 : index
      %get3A_1363 = tpu.vector_load %arg6[%get3A_1361, %get3A_1362] {strides = array<i32>} : memref<200x32xf32, #tpu.memory_space<vmem>>, vector<16xf32>,
      %add3A_1364 = arith.addf %add3A_1344, %get3A_1363 : vector<16xf32>
      %get3A_1365 = arith.constant 126 : i32
      %get3A_1366 = arith.index_cast %get3A_1365 : i32 to index
      %get3A_1367 = arith.constant 0 : index
      %get3A_1368 = tpu.vector_load %arg6[%get3A_1366, %get3A_1367] {strides = array<i32>} : memref<200x32xf32, #tpu.memory_space<vmem>>, vector<16xf32>,
      %add3A_1369 = arith.addf %add3A_1349, %get3A_1368 : vector<16xf32>
      %get3A_1370 = arith.constant 126 : i32
      %get3A_1371 = arith.index_cast %get3A_1370 : i32 to index
      %get3A_1372 = arith.constant 16 : index
      %get3A_1373 = tpu.vector_load %arg6[%get3A_1371, %get3A_1372] {strides = array<i32>} : memref<200x32xf32, #tpu.memory_space<vmem>>, vector<16xf32>,
      %add3A_1374 = arith.addf %add3A_1354, %get3A_1373 : vector<16xf32>
      %get3A_1375 = arith.constant 127 : i32
      %get3A_1376 = arith.index_cast %get3A_1375 : i32 to index
      %get3A_1377 = arith.constant 0 : index
      %get3A_1378 = tpu.vector_load %arg6[%get3A_1376, %get3A_1377] {strides = array<i32>} : memref<200x32xf32, #tpu.memory_space<vmem>>, vector<16xf32>,
      %add3A_1379 = arith.addf %add3A_1359, %get3A_1378 : vector<16xf32>
      %get3A_1380 = arith.constant 127 : i32
      %get3A_1381 = arith.index_cast %get3A_1380 : i32 to index
      %get3A_1382 = arith.constant 16 : index
      %get3A_1383 = tpu.vector_load %arg6[%get3A_1381, %get3A_1382] {strides = array<i32>} : memref<200x32xf32, #tpu.memory_space<vmem>>, vector<16xf32>,
      %add3A_1384 = arith.addf %add3A_1364, %get3A_1383 : vector<16xf32>
      %get3A_1385 = arith.constant 128 : i32
      %get3A_1386 = arith.index_cast %get3A_1385 : i32 to index
      %get3A_1387 = arith.constant 0 : index
      %get3A_1388 = tpu.vector_load %arg6[%get3A_1386, %get3A_1387] {strides = array<i32>} : memref<200x32xf32, #tpu.memory_space<vmem>>, vector<16xf32>,
      %add3A_1389 = arith.addf %add3A_1369, %get3A_1388 : vector<16xf32>
      %get3A_1390 = arith.constant 128 : i32
      %get3A_1391 = arith.index_cast %get3A_1390 : i32 to index
      %get3A_1392 = arith.constant 16 : index
      %get3A_1393 = tpu.vector_load %arg6[%get3A_1391, %get3A_1392] {strides = array<i32>} : memref<200x32xf32, #tpu.memory_space<vmem>>, vector<16xf32>,
      %add3A_1394 = arith.addf %add3A_1374, %get3A_1393 : vector<16xf32>
      %get3A_1395 = arith.constant 129 : i32
      %get3A_1396 = arith.index_cast %get3A_1395 : i32 to index
      %get3A_1397 = arith.constant 0 : index
      %get3A_1398 = tpu.vector_load %arg6[%get3A_1396, %get3A_1397] {strides = array<i32>} : memref<200x32xf32, #tpu.memory_space<vmem>>, vector<16xf32>,
      %add3A_1399 = arith.addf %add3A_1379, %get3A_1398 : vector<16xf32>
      %get3A_1400 = arith.constant 129 : i32
      %get3A_1401 = arith.index_cast %get3A_1400 : i32 to index
      %get3A_1402 = arith.constant 16 : index
      %get3A_1403 = tpu.vector_load %arg6[%get3A_1401, %get3A_1402] {strides = array<i32>} : memref<200x32xf32, #tpu.memory_space<vmem>>, vector<16xf32>,
      %add3A_1404 = arith.addf %add3A_1384, %get3A_1403 : vector<16xf32>
      %get3A_1405 = arith.constant 130 : i32
      %get3A_1406 = arith.index_cast %get3A_1405 : i32 to index
      %get3A_1407 = arith.constant 0 : index
      %get3A_1408 = tpu.vector_load %arg6[%get3A_1406, %get3A_1407] {strides = array<i32>} : memref<200x32xf32, #tpu.memory_space<vmem>>, vector<16xf32>,
      %add3A_1409 = arith.addf %add3A_1389, %get3A_1408 : vector<16xf32>
      %get3A_1410 = arith.constant 130 : i32
      %get3A_1411 = arith.index_cast %get3A_1410 : i32 to index
      %get3A_1412 = arith.constant 16 : index
      %get3A_1413 = tpu.vector_load %arg6[%get3A_1411, %get3A_1412] {strides = array<i32>} : memref<200x32xf32, #tpu.memory_space<vmem>>, vector<16xf32>,
      %add3A_1414 = arith.addf %add3A_1394, %get3A_1413 : vector<16xf32>
      %get3A_1415 = arith.constant 131 : i32
      %get3A_1416 = arith.index_cast %get3A_1415 : i32 to index
      %get3A_1417 = arith.constant 0 : index
      %get3A_1418 = tpu.vector_load %arg6[%get3A_1416, %get3A_1417] {strides = array<i32>} : memref<200x32xf32, #tpu.memory_space<vmem>>, vector<16xf32>,
      %add3A_1419 = arith.addf %add3A_1399, %get3A_1418 : vector<16xf32>
      %get3A_1420 = arith.constant 131 : i32
      %get3A_1421 = arith.index_cast %get3A_1420 : i32 to index
      %get3A_1422 = arith.constant 16 : index
      %get3A_1423 = tpu.vector_load %arg6[%get3A_1421, %get3A_1422] {strides = array<i32>} : memref<200x32xf32, #tpu.memory_space<vmem>>, vector<16xf32>,
      %add3A_1424 = arith.addf %add3A_1404, %get3A_1423 : vector<16xf32>
      %get3A_1425 = arith.constant 132 : i32
      %get3A_1426 = arith.index_cast %get3A_1425 : i32 to index
      %get3A_1427 = arith.constant 0 : index
      %get3A_1428 = tpu.vector_load %arg6[%get3A_1426, %get3A_1427] {strides = array<i32>} : memref<200x32xf32, #tpu.memory_space<vmem>>, vector<16xf32>,
      %add3A_1429 = arith.addf %add3A_1409, %get3A_1428 : vector<16xf32>
      %get3A_1430 = arith.constant 132 : i32
      %get3A_1431 = arith.index_cast %get3A_1430 : i32 to index
      %get3A_1432 = arith.constant 16 : index
      %get3A_1433 = tpu.vector_load %arg6[%get3A_1431, %get3A_1432] {strides = array<i32>} : memref<200x32xf32, #tpu.memory_space<vmem>>, vector<16xf32>,
      %add3A_1434 = arith.addf %add3A_1414, %get3A_1433 : vector<16xf32>
      %get3A_1435 = arith.constant 133 : i32
      %get3A_1436 = arith.index_cast %get3A_1435 : i32 to index
      %get3A_1437 = arith.constant 0 : index
      %get3A_1438 = tpu.vector_load %arg6[%get3A_1436, %get3A_1437] {strides = array<i32>} : memref<200x32xf32, #tpu.memory_space<vmem>>, vector<16xf32>,
      %add3A_1439 = arith.addf %add3A_1419, %get3A_1438 : vector<16xf32>
      %get3A_1440 = arith.constant 133 : i32
      %get3A_1441 = arith.index_cast %get3A_1440 : i32 to index
      %get3A_1442 = arith.constant 16 : index
      %get3A_1443 = tpu.vector_load %arg6[%get3A_1441, %get3A_1442] {strides = array<i32>} : memref<200x32xf32, #tpu.memory_space<vmem>>, vector<16xf32>,
      %add3A_1444 = arith.addf %add3A_1424, %get3A_1443 : vector<16xf32>
      %get3A_1445 = arith.constant 134 : i32
      %get3A_1446 = arith.index_cast %get3A_1445 : i32 to index
      %get3A_1447 = arith.constant 0 : index
      %get3A_1448 = tpu.vector_load %arg6[%get3A_1446, %get3A_1447] {strides = array<i32>} : memref<200x32xf32, #tpu.memory_space<vmem>>, vector<16xf32>,
      %add3A_1449 = arith.addf %add3A_1429, %get3A_1448 : vector<16xf32>
      %get3A_1450 = arith.constant 134 : i32
      %get3A_1451 = arith.index_cast %get3A_1450 : i32 to index
      %get3A_1452 = arith.constant 16 : index
      %get3A_1453 = tpu.vector_load %arg6[%get3A_1451, %get3A_1452] {strides = array<i32>} : memref<200x32xf32, #tpu.memory_space<vmem>>, vector<16xf32>,
      %add3A_1454 = arith.addf %add3A_1434, %get3A_1453 : vector<16xf32>
      %get3A_1455 = arith.constant 135 : i32
      %get3A_1456 = arith.index_cast %get3A_1455 : i32 to index
      %get3A_1457 = arith.constant 0 : index
      %get3A_1458 = tpu.vector_load %arg6[%get3A_1456, %get3A_1457] {strides = array<i32>} : memref<200x32xf32, #tpu.memory_space<vmem>>, vector<16xf32>,
      %add3A_1459 = arith.addf %add3A_1439, %get3A_1458 : vector<16xf32>
      %get3A_1460 = arith.constant 135 : i32
      %get3A_1461 = arith.index_cast %get3A_1460 : i32 to index
      %get3A_1462 = arith.constant 16 : index
      %get3A_1463 = tpu.vector_load %arg6[%get3A_1461, %get3A_1462] {strides = array<i32>} : memref<200x32xf32, #tpu.memory_space<vmem>>, vector<16xf32>,
      %add3A_1464 = arith.addf %add3A_1444, %get3A_1463 : vector<16xf32>
      %get3A_1465 = arith.constant 136 : i32
      %get3A_1466 = arith.index_cast %get3A_1465 : i32 to index
      %get3A_1467 = arith.constant 0 : index
      %get3A_1468 = tpu.vector_load %arg6[%get3A_1466, %get3A_1467] {strides = array<i32>} : memref<200x32xf32, #tpu.memory_space<vmem>>, vector<16xf32>,
      %add3A_1469 = arith.addf %add3A_1449, %get3A_1468 : vector<16xf32>
      %get3A_1470 = arith.constant 136 : i32
      %get3A_1471 = arith.index_cast %get3A_1470 : i32 to index
      %get3A_1472 = arith.constant 16 : index
      %get3A_1473 = tpu.vector_load %arg6[%get3A_1471, %get3A_1472] {strides = array<i32>} : memref<200x32xf32, #tpu.memory_space<vmem>>, vector<16xf32>,
      %add3A_1474 = arith.addf %add3A_1454, %get3A_1473 : vector<16xf32>
      %get3A_1475 = arith.constant 137 : i32
      %get3A_1476 = arith.index_cast %get3A_1475 : i32 to index
      %get3A_1477 = arith.constant 0 : index
      %get3A_1478 = tpu.vector_load %arg6[%get3A_1476, %get3A_1477] {strides = array<i32>} : memref<200x32xf32, #tpu.memory_space<vmem>>, vector<16xf32>,
      %add3A_1479 = arith.addf %add3A_1459, %get3A_1478 : vector<16xf32>
      %get3A_1480 = arith.constant 137 : i32
      %get3A_1481 = arith.index_cast %get3A_1480 : i32 to index
      %get3A_1482 = arith.constant 16 : index
      %get3A_1483 = tpu.vector_load %arg6[%get3A_1481, %get3A_1482] {strides = array<i32>} : memref<200x32xf32, #tpu.memory_space<vmem>>, vector<16xf32>,
      %add3A_1484 = arith.addf %add3A_1464, %get3A_1483 : vector<16xf32>
      %get3A_1485 = arith.constant 138 : i32
      %get3A_1486 = arith.index_cast %get3A_1485 : i32 to index
      %get3A_1487 = arith.constant 0 : index
      %get3A_1488 = tpu.vector_load %arg6[%get3A_1486, %get3A_1487] {strides = array<i32>} : memref<200x32xf32, #tpu.memory_space<vmem>>, vector<16xf32>,
      %add3A_1489 = arith.addf %add3A_1469, %get3A_1488 : vector<16xf32>
      %get3A_1490 = arith.constant 138 : i32
      %get3A_1491 = arith.index_cast %get3A_1490 : i32 to index
      %get3A_1492 = arith.constant 16 : index
      %get3A_1493 = tpu.vector_load %arg6[%get3A_1491, %get3A_1492] {strides = array<i32>} : memref<200x32xf32, #tpu.memory_space<vmem>>, vector<16xf32>,
      %add3A_1494 = arith.addf %add3A_1474, %get3A_1493 : vector<16xf32>
      %get3A_1495 = arith.constant 139 : i32
      %get3A_1496 = arith.index_cast %get3A_1495 : i32 to index
      %get3A_1497 = arith.constant 0 : index
      %get3A_1498 = tpu.vector_load %arg6[%get3A_1496, %get3A_1497] {strides = array<i32>} : memref<200x32xf32, #tpu.memory_space<vmem>>, vector<16xf32>,
      %add3A_1499 = arith.addf %add3A_1479, %get3A_1498 : vector<16xf32>
      %get3A_1500 = arith.constant 139 : i32
      %get3A_1501 = arith.index_cast %get3A_1500 : i32 to index
      %get3A_1502 = arith.constant 16 : index
      %get3A_1503 = tpu.vector_load %arg6[%get3A_1501, %get3A_1502] {strides = array<i32>} : memref<200x32xf32, #tpu.memory_space<vmem>>, vector<16xf32>,
      %add3A_1504 = arith.addf %add3A_1484, %get3A_1503 : vector<16xf32>
      %get3A_1505 = arith.constant 140 : i32
      %get3A_1506 = arith.index_cast %get3A_1505 : i32 to index
      %get3A_1507 = arith.constant 0 : index
      %get3A_1508 = tpu.vector_load %arg6[%get3A_1506, %get3A_1507] {strides = array<i32>} : memref<200x32xf32, #tpu.memory_space<vmem>>, vector<16xf32>,
      %add3A_1509 = arith.addf %add3A_1489, %get3A_1508 : vector<16xf32>
      %get3A_1510 = arith.constant 140 : i32
      %get3A_1511 = arith.index_cast %get3A_1510 : i32 to index
      %get3A_1512 = arith.constant 16 : index
      %get3A_1513 = tpu.vector_load %arg6[%get3A_1511, %get3A_1512] {strides = array<i32>} : memref<200x32xf32, #tpu.memory_space<vmem>>, vector<16xf32>,
      %add3A_1514 = arith.addf %add3A_1494, %get3A_1513 : vector<16xf32>
      %get3A_1515 = arith.constant 141 : i32
      %get3A_1516 = arith.index_cast %get3A_1515 : i32 to index
      %get3A_1517 = arith.constant 0 : index
      %get3A_1518 = tpu.vector_load %arg6[%get3A_1516, %get3A_1517] {strides = array<i32>} : memref<200x32xf32, #tpu.memory_space<vmem>>, vector<16xf32>,
      %add3A_1519 = arith.addf %add3A_1499, %get3A_1518 : vector<16xf32>
      %get3A_1520 = arith.constant 141 : i32
      %get3A_1521 = arith.index_cast %get3A_1520 : i32 to index
      %get3A_1522 = arith.constant 16 : index
      %get3A_1523 = tpu.vector_load %arg6[%get3A_1521, %get3A_1522] {strides = array<i32>} : memref<200x32xf32, #tpu.memory_space<vmem>>, vector<16xf32>,
      %add3A_1524 = arith.addf %add3A_1504, %get3A_1523 : vector<16xf32>
      %get3A_1525 = arith.constant 142 : i32
      %get3A_1526 = arith.index_cast %get3A_1525 : i32 to index
      %get3A_1527 = arith.constant 0 : index
      %get3A_1528 = tpu.vector_load %arg6[%get3A_1526, %get3A_1527] {strides = array<i32>} : memref<200x32xf32, #tpu.memory_space<vmem>>, vector<16xf32>,
      %add3A_1529 = arith.addf %add3A_1509, %get3A_1528 : vector<16xf32>
      %get3A_1530 = arith.constant 142 : i32
      %get3A_1531 = arith.index_cast %get3A_1530 : i32 to index
      %get3A_1532 = arith.constant 16 : index
      %get3A_1533 = tpu.vector_load %arg6[%get3A_1531, %get3A_1532] {strides = array<i32>} : memref<200x32xf32, #tpu.memory_space<vmem>>, vector<16xf32>,
      %add3A_1534 = arith.addf %add3A_1514, %get3A_1533 : vector<16xf32>
      %get3A_1535 = arith.constant 143 : i32
      %get3A_1536 = arith.index_cast %get3A_1535 : i32 to index
      %get3A_1537 = arith.constant 0 : index
      %get3A_1538 = tpu.vector_load %arg6[%get3A_1536, %get3A_1537] {strides = array<i32>} : memref<200x32xf32, #tpu.memory_space<vmem>>, vector<16xf32>,
      %add3A_1539 = arith.addf %add3A_1519, %get3A_1538 : vector<16xf32>
      %get3A_1540 = arith.constant 143 : i32
      %get3A_1541 = arith.index_cast %get3A_1540 : i32 to index
      %get3A_1542 = arith.constant 16 : index
      %get3A_1543 = tpu.vector_load %arg6[%get3A_1541, %get3A_1542] {strides = array<i32>} : memref<200x32xf32, #tpu.memory_space<vmem>>, vector<16xf32>,
      %add3A_1544 = arith.addf %add3A_1524, %get3A_1543 : vector<16xf32>
      %get3A_1545 = arith.constant 144 : i32
      %get3A_1546 = arith.index_cast %get3A_1545 : i32 to index
      %get3A_1547 = arith.constant 0 : index
      %get3A_1548 = tpu.vector_load %arg6[%get3A_1546, %get3A_1547] {strides = array<i32>} : memref<200x32xf32, #tpu.memory_space<vmem>>, vector<16xf32>,
      %add3A_1549 = arith.addf %add3A_1529, %get3A_1548 : vector<16xf32>
      %get3A_1550 = arith.constant 144 : i32
      %get3A_1551 = arith.index_cast %get3A_1550 : i32 to index
      %get3A_1552 = arith.constant 16 : index
      %get3A_1553 = tpu.vector_load %arg6[%get3A_1551, %get3A_1552] {strides = array<i32>} : memref<200x32xf32, #tpu.memory_space<vmem>>, vector<16xf32>,
      %add3A_1554 = arith.addf %add3A_1534, %get3A_1553 : vector<16xf32>
      %get3A_1555 = arith.constant 145 : i32
      %get3A_1556 = arith.index_cast %get3A_1555 : i32 to index
      %get3A_1557 = arith.constant 0 : index
      %get3A_1558 = tpu.vector_load %arg6[%get3A_1556, %get3A_1557] {strides = array<i32>} : memref<200x32xf32, #tpu.memory_space<vmem>>, vector<16xf32>,
      %add3A_1559 = arith.addf %add3A_1539, %get3A_1558 : vector<16xf32>
      %get3A_1560 = arith.constant 145 : i32
      %get3A_1561 = arith.index_cast %get3A_1560 : i32 to index
      %get3A_1562 = arith.constant 16 : index
      %get3A_1563 = tpu.vector_load %arg6[%get3A_1561, %get3A_1562] {strides = array<i32>} : memref<200x32xf32, #tpu.memory_space<vmem>>, vector<16xf32>,
      %add3A_1564 = arith.addf %add3A_1544, %get3A_1563 : vector<16xf32>
      %get3A_1565 = arith.constant 146 : i32
      %get3A_1566 = arith.index_cast %get3A_1565 : i32 to index
      %get3A_1567 = arith.constant 0 : index
      %get3A_1568 = tpu.vector_load %arg6[%get3A_1566, %get3A_1567] {strides = array<i32>} : memref<200x32xf32, #tpu.memory_space<vmem>>, vector<16xf32>,
      %add3A_1569 = arith.addf %add3A_1549, %get3A_1568 : vector<16xf32>
      %get3A_1570 = arith.constant 146 : i32
      %get3A_1571 = arith.index_cast %get3A_1570 : i32 to index
      %get3A_1572 = arith.constant 16 : index
      %get3A_1573 = tpu.vector_load %arg6[%get3A_1571, %get3A_1572] {strides = array<i32>} : memref<200x32xf32, #tpu.memory_space<vmem>>, vector<16xf32>,
      %add3A_1574 = arith.addf %add3A_1554, %get3A_1573 : vector<16xf32>
      %get3A_1575 = arith.constant 147 : i32
      %get3A_1576 = arith.index_cast %get3A_1575 : i32 to index
      %get3A_1577 = arith.constant 0 : index
      %get3A_1578 = tpu.vector_load %arg6[%get3A_1576, %get3A_1577] {strides = array<i32>} : memref<200x32xf32, #tpu.memory_space<vmem>>, vector<16xf32>,
      %add3A_1579 = arith.addf %add3A_1559, %get3A_1578 : vector<16xf32>
      %get3A_1580 = arith.constant 147 : i32
      %get3A_1581 = arith.index_cast %get3A_1580 : i32 to index
      %get3A_1582 = arith.constant 16 : index
      %get3A_1583 = tpu.vector_load %arg6[%get3A_1581, %get3A_1582] {strides = array<i32>} : memref<200x32xf32, #tpu.memory_space<vmem>>, vector<16xf32>,
      %add3A_1584 = arith.addf %add3A_1564, %get3A_1583 : vector<16xf32>
      %get3A_1585 = arith.constant 148 : i32
      %get3A_1586 = arith.index_cast %get3A_1585 : i32 to index
      %get3A_1587 = arith.constant 0 : index
      %get3A_1588 = tpu.vector_load %arg6[%get3A_1586, %get3A_1587] {strides = array<i32>} : memref<200x32xf32, #tpu.memory_space<vmem>>, vector<16xf32>,
      %add3A_1589 = arith.addf %add3A_1569, %get3A_1588 : vector<16xf32>
      %get3A_1590 = arith.constant 148 : i32
      %get3A_1591 = arith.index_cast %get3A_1590 : i32 to index
      %get3A_1592 = arith.constant 16 : index
      %get3A_1593 = tpu.vector_load %arg6[%get3A_1591, %get3A_1592] {strides = array<i32>} : memref<200x32xf32, #tpu.memory_space<vmem>>, vector<16xf32>,
      %add3A_1594 = arith.addf %add3A_1574, %get3A_1593 : vector<16xf32>
      %get3A_1595 = arith.constant 149 : i32
      %get3A_1596 = arith.index_cast %get3A_1595 : i32 to index
      %get3A_1597 = arith.constant 0 : index
      %get3A_1598 = tpu.vector_load %arg6[%get3A_1596, %get3A_1597] {strides = array<i32>} : memref<200x32xf32, #tpu.memory_space<vmem>>, vector<16xf32>,
      %add3A_1599 = arith.addf %add3A_1579, %get3A_1598 : vector<16xf32>
      %get3A_1600 = arith.constant 149 : i32
      %get3A_1601 = arith.index_cast %get3A_1600 : i32 to index
      %get3A_1602 = arith.constant 16 : index
      %get3A_1603 = tpu.vector_load %arg6[%get3A_1601, %get3A_1602] {strides = array<i32>} : memref<200x32xf32, #tpu.memory_space<vmem>>, vector<16xf32>,
      %add3A_1604 = arith.addf %add3A_1584, %get3A_1603 : vector<16xf32>
      %mul3A_1605 = arith.constant 4 : i32
      %mul3A_1606 = arith.muli %add3A_30, %mul3A_1605 : i32
      %add3A_1607 = arith.constant 2 : i32
      %add3A_1608 = arith.addi %mul3A_1606, %add3A_1607 : i32
      %add3A_1609 = arith.addf %add3A_1589, %add3A_1599 : vector<16xf32>
      %mul3A_1610 = vector.broadcast %scan3A_18 : f32 to vector<16xf32>
      %mul3A_1611 = arith.mulf %add3A_1609, %mul3A_1610 : vector<16xf32>
      %swap3A_1612 = arith.index_cast %add3A_1608 : i32 to index
      %swap3A_1613 = arith.constant 0 : index
      %swap3A_1614 = tpu.vector_load %arg8[%swap3A_1612, %swap3A_1613] {strides = array<i32>} : memref<512x128xf32, #tpu.memory_space<vmem>>, vector<16xf32>,
      tpu.vector_store %arg8[%swap3A_1612, %swap3A_1613], %mul3A_1611 {strides = array<i32>} : memref<512x128xf32, #tpu.memory_space<vmem>>, vector<16xf32>,
      %add3A_1615 = arith.addf %add3A_1594, %add3A_1604 : vector<16xf32>
      %mul3A_1616 = vector.broadcast %scan3A_18 : f32 to vector<16xf32>
      %mul3A_1617 = arith.mulf %add3A_1615, %mul3A_1616 : vector<16xf32>
      %swap3A_1618 = arith.index_cast %add3A_1608 : i32 to index
      %swap3A_1619 = arith.constant 16 : index
      %swap3A_1620 = tpu.vector_load %arg8[%swap3A_1618, %swap3A_1619] {strides = array<i32>} : memref<512x128xf32, #tpu.memory_space<vmem>>, vector<16xf32>,
      tpu.vector_store %arg8[%swap3A_1618, %swap3A_1619], %mul3A_1617 {strides = array<i32>} : memref<512x128xf32, #tpu.memory_space<vmem>>, vector<16xf32>,
      %broadcast_in_dim3A_1621 = arith.constant 0.000000e+00 : f32
      %broadcast_in_dim3A_1622 = vector.broadcast %broadcast_in_dim3A_1621 : f32 to vector<16xf32>
      %broadcast_in_dim3A_1623 = arith.constant 0.000000e+00 : f32
      %broadcast_in_dim3A_1624 = vector.broadcast %broadcast_in_dim3A_1623 : f32 to vector<16xf32>
      %broadcast_in_dim3A_1625 = arith.constant 0.000000e+00 : f32
      %broadcast_in_dim3A_1626 = vector.broadcast %broadcast_in_dim3A_1625 : f32 to vector<16xf32>
      %broadcast_in_dim3A_1627 = arith.constant 0.000000e+00 : f32
      %broadcast_in_dim3A_1628 = vector.broadcast %broadcast_in_dim3A_1627 : f32 to vector<16xf32>
      %get3A_1629 = arith.constant 150 : i32
      %get3A_1630 = arith.index_cast %get3A_1629 : i32 to index
      %get3A_1631 = arith.constant 0 : index
      %get3A_1632 = tpu.vector_load %arg6[%get3A_1630, %get3A_1631] {strides = array<i32>} : memref<200x32xf32, #tpu.memory_space<vmem>>, vector<16xf32>,
      %add3A_1633 = arith.addf %broadcast_in_dim3A_1622, %get3A_1632 : vector<16xf32>
      %get3A_1634 = arith.constant 150 : i32
      %get3A_1635 = arith.index_cast %get3A_1634 : i32 to index
      %get3A_1636 = arith.constant 16 : index
      %get3A_1637 = tpu.vector_load %arg6[%get3A_1635, %get3A_1636] {strides = array<i32>} : memref<200x32xf32, #tpu.memory_space<vmem>>, vector<16xf32>,
      %add3A_1638 = arith.addf %broadcast_in_dim3A_1624, %get3A_1637 : vector<16xf32>
      %get3A_1639 = arith.constant 151 : i32
      %get3A_1640 = arith.index_cast %get3A_1639 : i32 to index
      %get3A_1641 = arith.constant 0 : index
      %get3A_1642 = tpu.vector_load %arg6[%get3A_1640, %get3A_1641] {strides = array<i32>} : memref<200x32xf32, #tpu.memory_space<vmem>>, vector<16xf32>,
      %add3A_1643 = arith.addf %broadcast_in_dim3A_1626, %get3A_1642 : vector<16xf32>
      %get3A_1644 = arith.constant 151 : i32
      %get3A_1645 = arith.index_cast %get3A_1644 : i32 to index
      %get3A_1646 = arith.constant 16 : index
      %get3A_1647 = tpu.vector_load %arg6[%get3A_1645, %get3A_1646] {strides = array<i32>} : memref<200x32xf32, #tpu.memory_space<vmem>>, vector<16xf32>,
      %add3A_1648 = arith.addf %broadcast_in_dim3A_1628, %get3A_1647 : vector<16xf32>
      %get3A_1649 = arith.constant 152 : i32
      %get3A_1650 = arith.index_cast %get3A_1649 : i32 to index
      %get3A_1651 = arith.constant 0 : index
      %get3A_1652 = tpu.vector_load %arg6[%get3A_1650, %get3A_1651] {strides = array<i32>} : memref<200x32xf32, #tpu.memory_space<vmem>>, vector<16xf32>,
      %add3A_1653 = arith.addf %add3A_1633, %get3A_1652 : vector<16xf32>
      %get3A_1654 = arith.constant 152 : i32
      %get3A_1655 = arith.index_cast %get3A_1654 : i32 to index
      %get3A_1656 = arith.constant 16 : index
      %get3A_1657 = tpu.vector_load %arg6[%get3A_1655, %get3A_1656] {strides = array<i32>} : memref<200x32xf32, #tpu.memory_space<vmem>>, vector<16xf32>,
      %add3A_1658 = arith.addf %add3A_1638, %get3A_1657 : vector<16xf32>
      %get3A_1659 = arith.constant 153 : i32
      %get3A_1660 = arith.index_cast %get3A_1659 : i32 to index
      %get3A_1661 = arith.constant 0 : index
      %get3A_1662 = tpu.vector_load %arg6[%get3A_1660, %get3A_1661] {strides = array<i32>} : memref<200x32xf32, #tpu.memory_space<vmem>>, vector<16xf32>,
      %add3A_1663 = arith.addf %add3A_1643, %get3A_1662 : vector<16xf32>
      %get3A_1664 = arith.constant 153 : i32
      %get3A_1665 = arith.index_cast %get3A_1664 : i32 to index
      %get3A_1666 = arith.constant 16 : index
      %get3A_1667 = tpu.vector_load %arg6[%get3A_1665, %get3A_1666] {strides = array<i32>} : memref<200x32xf32, #tpu.memory_space<vmem>>, vector<16xf32>,
      %add3A_1668 = arith.addf %add3A_1648, %get3A_1667 : vector<16xf32>
      %get3A_1669 = arith.constant 154 : i32
      %get3A_1670 = arith.index_cast %get3A_1669 : i32 to index
      %get3A_1671 = arith.constant 0 : index
      %get3A_1672 = tpu.vector_load %arg6[%get3A_1670, %get3A_1671] {strides = array<i32>} : memref<200x32xf32, #tpu.memory_space<vmem>>, vector<16xf32>,
      %add3A_1673 = arith.addf %add3A_1653, %get3A_1672 : vector<16xf32>
      %get3A_1674 = arith.constant 154 : i32
      %get3A_1675 = arith.index_cast %get3A_1674 : i32 to index
      %get3A_1676 = arith.constant 16 : index
      %get3A_1677 = tpu.vector_load %arg6[%get3A_1675, %get3A_1676] {strides = array<i32>} : memref<200x32xf32, #tpu.memory_space<vmem>>, vector<16xf32>,
      %add3A_1678 = arith.addf %add3A_1658, %get3A_1677 : vector<16xf32>
      %get3A_1679 = arith.constant 155 : i32
      %get3A_1680 = arith.index_cast %get3A_1679 : i32 to index
      %get3A_1681 = arith.constant 0 : index
      %get3A_1682 = tpu.vector_load %arg6[%get3A_1680, %get3A_1681] {strides = array<i32>} : memref<200x32xf32, #tpu.memory_space<vmem>>, vector<16xf32>,
      %add3A_1683 = arith.addf %add3A_1663, %get3A_1682 : vector<16xf32>
      %get3A_1684 = arith.constant 155 : i32
      %get3A_1685 = arith.index_cast %get3A_1684 : i32 to index
      %get3A_1686 = arith.constant 16 : index
      %get3A_1687 = tpu.vector_load %arg6[%get3A_1685, %get3A_1686] {strides = array<i32>} : memref<200x32xf32, #tpu.memory_space<vmem>>, vector<16xf32>,
      %add3A_1688 = arith.addf %add3A_1668, %get3A_1687 : vector<16xf32>
      %get3A_1689 = arith.constant 156 : i32
      %get3A_1690 = arith.index_cast %get3A_1689 : i32 to index
      %get3A_1691 = arith.constant 0 : index
      %get3A_1692 = tpu.vector_load %arg6[%get3A_1690, %get3A_1691] {strides = array<i32>} : memref<200x32xf32, #tpu.memory_space<vmem>>, vector<16xf32>,
      %add3A_1693 = arith.addf %add3A_1673, %get3A_1692 : vector<16xf32>
      %get3A_1694 = arith.constant 156 : i32
      %get3A_1695 = arith.index_cast %get3A_1694 : i32 to index
      %get3A_1696 = arith.constant 16 : index
      %get3A_1697 = tpu.vector_load %arg6[%get3A_1695, %get3A_1696] {strides = array<i32>} : memref<200x32xf32, #tpu.memory_space<vmem>>, vector<16xf32>,
      %add3A_1698 = arith.addf %add3A_1678, %get3A_1697 : vector<16xf32>
      %get3A_1699 = arith.constant 157 : i32
      %get3A_1700 = arith.index_cast %get3A_1699 : i32 to index
      %get3A_1701 = arith.constant 0 : index
      %get3A_1702 = tpu.vector_load %arg6[%get3A_1700, %get3A_1701] {strides = array<i32>} : memref<200x32xf32, #tpu.memory_space<vmem>>, vector<16xf32>,
      %add3A_1703 = arith.addf %add3A_1683, %get3A_1702 : vector<16xf32>
      %get3A_1704 = arith.constant 157 : i32
      %get3A_1705 = arith.index_cast %get3A_1704 : i32 to index
      %get3A_1706 = arith.constant 16 : index
      %get3A_1707 = tpu.vector_load %arg6[%get3A_1705, %get3A_1706] {strides = array<i32>} : memref<200x32xf32, #tpu.memory_space<vmem>>, vector<16xf32>,
      %add3A_1708 = arith.addf %add3A_1688, %get3A_1707 : vector<16xf32>
      %get3A_1709 = arith.constant 158 : i32
      %get3A_1710 = arith.index_cast %get3A_1709 : i32 to index
      %get3A_1711 = arith.constant 0 : index
      %get3A_1712 = tpu.vector_load %arg6[%get3A_1710, %get3A_1711] {strides = array<i32>} : memref<200x32xf32, #tpu.memory_space<vmem>>, vector<16xf32>,
      %add3A_1713 = arith.addf %add3A_1693, %get3A_1712 : vector<16xf32>
      %get3A_1714 = arith.constant 158 : i32
      %get3A_1715 = arith.index_cast %get3A_1714 : i32 to index
      %get3A_1716 = arith.constant 16 : index
      %get3A_1717 = tpu.vector_load %arg6[%get3A_1715, %get3A_1716] {strides = array<i32>} : memref<200x32xf32, #tpu.memory_space<vmem>>, vector<16xf32>,
      %add3A_1718 = arith.addf %add3A_1698, %get3A_1717 : vector<16xf32>
      %get3A_1719 = arith.constant 159 : i32
      %get3A_1720 = arith.index_cast %get3A_1719 : i32 to index
      %get3A_1721 = arith.constant 0 : index
      %get3A_1722 = tpu.vector_load %arg6[%get3A_1720, %get3A_1721] {strides = array<i32>} : memref<200x32xf32, #tpu.memory_space<vmem>>, vector<16xf32>,
      %add3A_1723 = arith.addf %add3A_1703, %get3A_1722 : vector<16xf32>
      %get3A_1724 = arith.constant 159 : i32
      %get3A_1725 = arith.index_cast %get3A_1724 : i32 to index
      %get3A_1726 = arith.constant 16 : index
      %get3A_1727 = tpu.vector_load %arg6[%get3A_1725, %get3A_1726] {strides = array<i32>} : memref<200x32xf32, #tpu.memory_space<vmem>>, vector<16xf32>,
      %add3A_1728 = arith.addf %add3A_1708, %get3A_1727 : vector<16xf32>
      %get3A_1729 = arith.constant 160 : i32
      %get3A_1730 = arith.index_cast %get3A_1729 : i32 to index
      %get3A_1731 = arith.constant 0 : index
      %get3A_1732 = tpu.vector_load %arg6[%get3A_1730, %get3A_1731] {strides = array<i32>} : memref<200x32xf32, #tpu.memory_space<vmem>>, vector<16xf32>,
      %add3A_1733 = arith.addf %add3A_1713, %get3A_1732 : vector<16xf32>
      %get3A_1734 = arith.constant 160 : i32
      %get3A_1735 = arith.index_cast %get3A_1734 : i32 to index
      %get3A_1736 = arith.constant 16 : index
      %get3A_1737 = tpu.vector_load %arg6[%get3A_1735, %get3A_1736] {strides = array<i32>} : memref<200x32xf32, #tpu.memory_space<vmem>>, vector<16xf32>,
      %add3A_1738 = arith.addf %add3A_1718, %get3A_1737 : vector<16xf32>
      %get3A_1739 = arith.constant 161 : i32
      %get3A_1740 = arith.index_cast %get3A_1739 : i32 to index
      %get3A_1741 = arith.constant 0 : index
      %get3A_1742 = tpu.vector_load %arg6[%get3A_1740, %get3A_1741] {strides = array<i32>} : memref<200x32xf32, #tpu.memory_space<vmem>>, vector<16xf32>,
      %add3A_1743 = arith.addf %add3A_1723, %get3A_1742 : vector<16xf32>
      %get3A_1744 = arith.constant 161 : i32
      %get3A_1745 = arith.index_cast %get3A_1744 : i32 to index
      %get3A_1746 = arith.constant 16 : index
      %get3A_1747 = tpu.vector_load %arg6[%get3A_1745, %get3A_1746] {strides = array<i32>} : memref<200x32xf32, #tpu.memory_space<vmem>>, vector<16xf32>,
      %add3A_1748 = arith.addf %add3A_1728, %get3A_1747 : vector<16xf32>
      %get3A_1749 = arith.constant 162 : i32
      %get3A_1750 = arith.index_cast %get3A_1749 : i32 to index
      %get3A_1751 = arith.constant 0 : index
      %get3A_1752 = tpu.vector_load %arg6[%get3A_1750, %get3A_1751] {strides = array<i32>} : memref<200x32xf32, #tpu.memory_space<vmem>>, vector<16xf32>,
      %add3A_1753 = arith.addf %add3A_1733, %get3A_1752 : vector<16xf32>
      %get3A_1754 = arith.constant 162 : i32
      %get3A_1755 = arith.index_cast %get3A_1754 : i32 to index
      %get3A_1756 = arith.constant 16 : index
      %get3A_1757 = tpu.vector_load %arg6[%get3A_1755, %get3A_1756] {strides = array<i32>} : memref<200x32xf32, #tpu.memory_space<vmem>>, vector<16xf32>,
      %add3A_1758 = arith.addf %add3A_1738, %get3A_1757 : vector<16xf32>
      %get3A_1759 = arith.constant 163 : i32
      %get3A_1760 = arith.index_cast %get3A_1759 : i32 to index
      %get3A_1761 = arith.constant 0 : index
      %get3A_1762 = tpu.vector_load %arg6[%get3A_1760, %get3A_1761] {strides = array<i32>} : memref<200x32xf32, #tpu.memory_space<vmem>>, vector<16xf32>,
      %add3A_1763 = arith.addf %add3A_1743, %get3A_1762 : vector<16xf32>
      %get3A_1764 = arith.constant 163 : i32
      %get3A_1765 = arith.index_cast %get3A_1764 : i32 to index
      %get3A_1766 = arith.constant 16 : index
      %get3A_1767 = tpu.vector_load %arg6[%get3A_1765, %get3A_1766] {strides = array<i32>} : memref<200x32xf32, #tpu.memory_space<vmem>>, vector<16xf32>,
      %add3A_1768 = arith.addf %add3A_1748, %get3A_1767 : vector<16xf32>
      %get3A_1769 = arith.constant 164 : i32
      %get3A_1770 = arith.index_cast %get3A_1769 : i32 to index
      %get3A_1771 = arith.constant 0 : index
      %get3A_1772 = tpu.vector_load %arg6[%get3A_1770, %get3A_1771] {strides = array<i32>} : memref<200x32xf32, #tpu.memory_space<vmem>>, vector<16xf32>,
      %add3A_1773 = arith.addf %add3A_1753, %get3A_1772 : vector<16xf32>
      %get3A_1774 = arith.constant 164 : i32
      %get3A_1775 = arith.index_cast %get3A_1774 : i32 to index
      %get3A_1776 = arith.constant 16 : index
      %get3A_1777 = tpu.vector_load %arg6[%get3A_1775, %get3A_1776] {strides = array<i32>} : memref<200x32xf32, #tpu.memory_space<vmem>>, vector<16xf32>,
      %add3A_1778 = arith.addf %add3A_1758, %get3A_1777 : vector<16xf32>
      %get3A_1779 = arith.constant 165 : i32
      %get3A_1780 = arith.index_cast %get3A_1779 : i32 to index
      %get3A_1781 = arith.constant 0 : index
      %get3A_1782 = tpu.vector_load %arg6[%get3A_1780, %get3A_1781] {strides = array<i32>} : memref<200x32xf32, #tpu.memory_space<vmem>>, vector<16xf32>,
      %add3A_1783 = arith.addf %add3A_1763, %get3A_1782 : vector<16xf32>
      %get3A_1784 = arith.constant 165 : i32
      %get3A_1785 = arith.index_cast %get3A_1784 : i32 to index
      %get3A_1786 = arith.constant 16 : index
      %get3A_1787 = tpu.vector_load %arg6[%get3A_1785, %get3A_1786] {strides = array<i32>} : memref<200x32xf32, #tpu.memory_space<vmem>>, vector<16xf32>,
      %add3A_1788 = arith.addf %add3A_1768, %get3A_1787 : vector<16xf32>
      %get3A_1789 = arith.constant 166 : i32
      %get3A_1790 = arith.index_cast %get3A_1789 : i32 to index
      %get3A_1791 = arith.constant 0 : index
      %get3A_1792 = tpu.vector_load %arg6[%get3A_1790, %get3A_1791] {strides = array<i32>} : memref<200x32xf32, #tpu.memory_space<vmem>>, vector<16xf32>,
      %add3A_1793 = arith.addf %add3A_1773, %get3A_1792 : vector<16xf32>
      %get3A_1794 = arith.constant 166 : i32
      %get3A_1795 = arith.index_cast %get3A_1794 : i32 to index
      %get3A_1796 = arith.constant 16 : index
      %get3A_1797 = tpu.vector_load %arg6[%get3A_1795, %get3A_1796] {strides = array<i32>} : memref<200x32xf32, #tpu.memory_space<vmem>>, vector<16xf32>,
      %add3A_1798 = arith.addf %add3A_1778, %get3A_1797 : vector<16xf32>
      %get3A_1799 = arith.constant 167 : i32
      %get3A_1800 = arith.index_cast %get3A_1799 : i32 to index
      %get3A_1801 = arith.constant 0 : index
      %get3A_1802 = tpu.vector_load %arg6[%get3A_1800, %get3A_1801] {strides = array<i32>} : memref<200x32xf32, #tpu.memory_space<vmem>>, vector<16xf32>,
      %add3A_1803 = arith.addf %add3A_1783, %get3A_1802 : vector<16xf32>
      %get3A_1804 = arith.constant 167 : i32
      %get3A_1805 = arith.index_cast %get3A_1804 : i32 to index
      %get3A_1806 = arith.constant 16 : index
      %get3A_1807 = tpu.vector_load %arg6[%get3A_1805, %get3A_1806] {strides = array<i32>} : memref<200x32xf32, #tpu.memory_space<vmem>>, vector<16xf32>,
      %add3A_1808 = arith.addf %add3A_1788, %get3A_1807 : vector<16xf32>
      %get3A_1809 = arith.constant 168 : i32
      %get3A_1810 = arith.index_cast %get3A_1809 : i32 to index
      %get3A_1811 = arith.constant 0 : index
      %get3A_1812 = tpu.vector_load %arg6[%get3A_1810, %get3A_1811] {strides = array<i32>} : memref<200x32xf32, #tpu.memory_space<vmem>>, vector<16xf32>,
      %add3A_1813 = arith.addf %add3A_1793, %get3A_1812 : vector<16xf32>
      %get3A_1814 = arith.constant 168 : i32
      %get3A_1815 = arith.index_cast %get3A_1814 : i32 to index
      %get3A_1816 = arith.constant 16 : index
      %get3A_1817 = tpu.vector_load %arg6[%get3A_1815, %get3A_1816] {strides = array<i32>} : memref<200x32xf32, #tpu.memory_space<vmem>>, vector<16xf32>,
      %add3A_1818 = arith.addf %add3A_1798, %get3A_1817 : vector<16xf32>
      %get3A_1819 = arith.constant 169 : i32
      %get3A_1820 = arith.index_cast %get3A_1819 : i32 to index
      %get3A_1821 = arith.constant 0 : index
      %get3A_1822 = tpu.vector_load %arg6[%get3A_1820, %get3A_1821] {strides = array<i32>} : memref<200x32xf32, #tpu.memory_space<vmem>>, vector<16xf32>,
      %add3A_1823 = arith.addf %add3A_1803, %get3A_1822 : vector<16xf32>
      %get3A_1824 = arith.constant 169 : i32
      %get3A_1825 = arith.index_cast %get3A_1824 : i32 to index
      %get3A_1826 = arith.constant 16 : index
      %get3A_1827 = tpu.vector_load %arg6[%get3A_1825, %get3A_1826] {strides = array<i32>} : memref<200x32xf32, #tpu.memory_space<vmem>>, vector<16xf32>,
      %add3A_1828 = arith.addf %add3A_1808, %get3A_1827 : vector<16xf32>
      %get3A_1829 = arith.constant 170 : i32
      %get3A_1830 = arith.index_cast %get3A_1829 : i32 to index
      %get3A_1831 = arith.constant 0 : index
      %get3A_1832 = tpu.vector_load %arg6[%get3A_1830, %get3A_1831] {strides = array<i32>} : memref<200x32xf32, #tpu.memory_space<vmem>>, vector<16xf32>,
      %add3A_1833 = arith.addf %add3A_1813, %get3A_1832 : vector<16xf32>
      %get3A_1834 = arith.constant 170 : i32
      %get3A_1835 = arith.index_cast %get3A_1834 : i32 to index
      %get3A_1836 = arith.constant 16 : index
      %get3A_1837 = tpu.vector_load %arg6[%get3A_1835, %get3A_1836] {strides = array<i32>} : memref<200x32xf32, #tpu.memory_space<vmem>>, vector<16xf32>,
      %add3A_1838 = arith.addf %add3A_1818, %get3A_1837 : vector<16xf32>
      %get3A_1839 = arith.constant 171 : i32
      %get3A_1840 = arith.index_cast %get3A_1839 : i32 to index
      %get3A_1841 = arith.constant 0 : index
      %get3A_1842 = tpu.vector_load %arg6[%get3A_1840, %get3A_1841] {strides = array<i32>} : memref<200x32xf32, #tpu.memory_space<vmem>>, vector<16xf32>,
      %add3A_1843 = arith.addf %add3A_1823, %get3A_1842 : vector<16xf32>
      %get3A_1844 = arith.constant 171 : i32
      %get3A_1845 = arith.index_cast %get3A_1844 : i32 to index
      %get3A_1846 = arith.constant 16 : index
      %get3A_1847 = tpu.vector_load %arg6[%get3A_1845, %get3A_1846] {strides = array<i32>} : memref<200x32xf32, #tpu.memory_space<vmem>>, vector<16xf32>,
      %add3A_1848 = arith.addf %add3A_1828, %get3A_1847 : vector<16xf32>
      %get3A_1849 = arith.constant 172 : i32
      %get3A_1850 = arith.index_cast %get3A_1849 : i32 to index
      %get3A_1851 = arith.constant 0 : index
      %get3A_1852 = tpu.vector_load %arg6[%get3A_1850, %get3A_1851] {strides = array<i32>} : memref<200x32xf32, #tpu.memory_space<vmem>>, vector<16xf32>,
      %add3A_1853 = arith.addf %add3A_1833, %get3A_1852 : vector<16xf32>
      %get3A_1854 = arith.constant 172 : i32
      %get3A_1855 = arith.index_cast %get3A_1854 : i32 to index
      %get3A_1856 = arith.constant 16 : index
      %get3A_1857 = tpu.vector_load %arg6[%get3A_1855, %get3A_1856] {strides = array<i32>} : memref<200x32xf32, #tpu.memory_space<vmem>>, vector<16xf32>,
      %add3A_1858 = arith.addf %add3A_1838, %get3A_1857 : vector<16xf32>
      %get3A_1859 = arith.constant 173 : i32
      %get3A_1860 = arith.index_cast %get3A_1859 : i32 to index
      %get3A_1861 = arith.constant 0 : index
      %get3A_1862 = tpu.vector_load %arg6[%get3A_1860, %get3A_1861] {strides = array<i32>} : memref<200x32xf32, #tpu.memory_space<vmem>>, vector<16xf32>,
      %add3A_1863 = arith.addf %add3A_1843, %get3A_1862 : vector<16xf32>
      %get3A_1864 = arith.constant 173 : i32
      %get3A_1865 = arith.index_cast %get3A_1864 : i32 to index
      %get3A_1866 = arith.constant 16 : index
      %get3A_1867 = tpu.vector_load %arg6[%get3A_1865, %get3A_1866] {strides = array<i32>} : memref<200x32xf32, #tpu.memory_space<vmem>>, vector<16xf32>,
      %add3A_1868 = arith.addf %add3A_1848, %get3A_1867 : vector<16xf32>
      %get3A_1869 = arith.constant 174 : i32
      %get3A_1870 = arith.index_cast %get3A_1869 : i32 to index
      %get3A_1871 = arith.constant 0 : index
      %get3A_1872 = tpu.vector_load %arg6[%get3A_1870, %get3A_1871] {strides = array<i32>} : memref<200x32xf32, #tpu.memory_space<vmem>>, vector<16xf32>,
      %add3A_1873 = arith.addf %add3A_1853, %get3A_1872 : vector<16xf32>
      %get3A_1874 = arith.constant 174 : i32
      %get3A_1875 = arith.index_cast %get3A_1874 : i32 to index
      %get3A_1876 = arith.constant 16 : index
      %get3A_1877 = tpu.vector_load %arg6[%get3A_1875, %get3A_1876] {strides = array<i32>} : memref<200x32xf32, #tpu.memory_space<vmem>>, vector<16xf32>,
      %add3A_1878 = arith.addf %add3A_1858, %get3A_1877 : vector<16xf32>
      %get3A_1879 = arith.constant 175 : i32
      %get3A_1880 = arith.index_cast %get3A_1879 : i32 to index
      %get3A_1881 = arith.constant 0 : index
      %get3A_1882 = tpu.vector_load %arg6[%get3A_1880, %get3A_1881] {strides = array<i32>} : memref<200x32xf32, #tpu.memory_space<vmem>>, vector<16xf32>,
      %add3A_1883 = arith.addf %add3A_1863, %get3A_1882 : vector<16xf32>
      %get3A_1884 = arith.constant 175 : i32
      %get3A_1885 = arith.index_cast %get3A_1884 : i32 to index
      %get3A_1886 = arith.constant 16 : index
      %get3A_1887 = tpu.vector_load %arg6[%get3A_1885, %get3A_1886] {strides = array<i32>} : memref<200x32xf32, #tpu.memory_space<vmem>>, vector<16xf32>,
      %add3A_1888 = arith.addf %add3A_1868, %get3A_1887 : vector<16xf32>
      %get3A_1889 = arith.constant 176 : i32
      %get3A_1890 = arith.index_cast %get3A_1889 : i32 to index
      %get3A_1891 = arith.constant 0 : index
      %get3A_1892 = tpu.vector_load %arg6[%get3A_1890, %get3A_1891] {strides = array<i32>} : memref<200x32xf32, #tpu.memory_space<vmem>>, vector<16xf32>,
      %add3A_1893 = arith.addf %add3A_1873, %get3A_1892 : vector<16xf32>
      %get3A_1894 = arith.constant 176 : i32
      %get3A_1895 = arith.index_cast %get3A_1894 : i32 to index
      %get3A_1896 = arith.constant 16 : index
      %get3A_1897 = tpu.vector_load %arg6[%get3A_1895, %get3A_1896] {strides = array<i32>} : memref<200x32xf32, #tpu.memory_space<vmem>>, vector<16xf32>,
      %add3A_1898 = arith.addf %add3A_1878, %get3A_1897 : vector<16xf32>
      %get3A_1899 = arith.constant 177 : i32
      %get3A_1900 = arith.index_cast %get3A_1899 : i32 to index
      %get3A_1901 = arith.constant 0 : index
      %get3A_1902 = tpu.vector_load %arg6[%get3A_1900, %get3A_1901] {strides = array<i32>} : memref<200x32xf32, #tpu.memory_space<vmem>>, vector<16xf32>,
      %add3A_1903 = arith.addf %add3A_1883, %get3A_1902 : vector<16xf32>
      %get3A_1904 = arith.constant 177 : i32
      %get3A_1905 = arith.index_cast %get3A_1904 : i32 to index
      %get3A_1906 = arith.constant 16 : index
      %get3A_1907 = tpu.vector_load %arg6[%get3A_1905, %get3A_1906] {strides = array<i32>} : memref<200x32xf32, #tpu.memory_space<vmem>>, vector<16xf32>,
      %add3A_1908 = arith.addf %add3A_1888, %get3A_1907 : vector<16xf32>
      %get3A_1909 = arith.constant 178 : i32
      %get3A_1910 = arith.index_cast %get3A_1909 : i32 to index
      %get3A_1911 = arith.constant 0 : index
      %get3A_1912 = tpu.vector_load %arg6[%get3A_1910, %get3A_1911] {strides = array<i32>} : memref<200x32xf32, #tpu.memory_space<vmem>>, vector<16xf32>,
      %add3A_1913 = arith.addf %add3A_1893, %get3A_1912 : vector<16xf32>
      %get3A_1914 = arith.constant 178 : i32
      %get3A_1915 = arith.index_cast %get3A_1914 : i32 to index
      %get3A_1916 = arith.constant 16 : index
      %get3A_1917 = tpu.vector_load %arg6[%get3A_1915, %get3A_1916] {strides = array<i32>} : memref<200x32xf32, #tpu.memory_space<vmem>>, vector<16xf32>,
      %add3A_1918 = arith.addf %add3A_1898, %get3A_1917 : vector<16xf32>
      %get3A_1919 = arith.constant 179 : i32
      %get3A_1920 = arith.index_cast %get3A_1919 : i32 to index
      %get3A_1921 = arith.constant 0 : index
      %get3A_1922 = tpu.vector_load %arg6[%get3A_1920, %get3A_1921] {strides = array<i32>} : memref<200x32xf32, #tpu.memory_space<vmem>>, vector<16xf32>,
      %add3A_1923 = arith.addf %add3A_1903, %get3A_1922 : vector<16xf32>
      %get3A_1924 = arith.constant 179 : i32
      %get3A_1925 = arith.index_cast %get3A_1924 : i32 to index
      %get3A_1926 = arith.constant 16 : index
      %get3A_1927 = tpu.vector_load %arg6[%get3A_1925, %get3A_1926] {strides = array<i32>} : memref<200x32xf32, #tpu.memory_space<vmem>>, vector<16xf32>,
      %add3A_1928 = arith.addf %add3A_1908, %get3A_1927 : vector<16xf32>
      %get3A_1929 = arith.constant 180 : i32
      %get3A_1930 = arith.index_cast %get3A_1929 : i32 to index
      %get3A_1931 = arith.constant 0 : index
      %get3A_1932 = tpu.vector_load %arg6[%get3A_1930, %get3A_1931] {strides = array<i32>} : memref<200x32xf32, #tpu.memory_space<vmem>>, vector<16xf32>,
      %add3A_1933 = arith.addf %add3A_1913, %get3A_1932 : vector<16xf32>
      %get3A_1934 = arith.constant 180 : i32
      %get3A_1935 = arith.index_cast %get3A_1934 : i32 to index
      %get3A_1936 = arith.constant 16 : index
      %get3A_1937 = tpu.vector_load %arg6[%get3A_1935, %get3A_1936] {strides = array<i32>} : memref<200x32xf32, #tpu.memory_space<vmem>>, vector<16xf32>,
      %add3A_1938 = arith.addf %add3A_1918, %get3A_1937 : vector<16xf32>
      %get3A_1939 = arith.constant 181 : i32
      %get3A_1940 = arith.index_cast %get3A_1939 : i32 to index
      %get3A_1941 = arith.constant 0 : index
      %get3A_1942 = tpu.vector_load %arg6[%get3A_1940, %get3A_1941] {strides = array<i32>} : memref<200x32xf32, #tpu.memory_space<vmem>>, vector<16xf32>,
      %add3A_1943 = arith.addf %add3A_1923, %get3A_1942 : vector<16xf32>
      %get3A_1944 = arith.constant 181 : i32
      %get3A_1945 = arith.index_cast %get3A_1944 : i32 to index
      %get3A_1946 = arith.constant 16 : index
      %get3A_1947 = tpu.vector_load %arg6[%get3A_1945, %get3A_1946] {strides = array<i32>} : memref<200x32xf32, #tpu.memory_space<vmem>>, vector<16xf32>,
      %add3A_1948 = arith.addf %add3A_1928, %get3A_1947 : vector<16xf32>
      %get3A_1949 = arith.constant 182 : i32
      %get3A_1950 = arith.index_cast %get3A_1949 : i32 to index
      %get3A_1951 = arith.constant 0 : index
      %get3A_1952 = tpu.vector_load %arg6[%get3A_1950, %get3A_1951] {strides = array<i32>} : memref<200x32xf32, #tpu.memory_space<vmem>>, vector<16xf32>,
      %add3A_1953 = arith.addf %add3A_1933, %get3A_1952 : vector<16xf32>
      %get3A_1954 = arith.constant 182 : i32
      %get3A_1955 = arith.index_cast %get3A_1954 : i32 to index
      %get3A_1956 = arith.constant 16 : index
      %get3A_1957 = tpu.vector_load %arg6[%get3A_1955, %get3A_1956] {strides = array<i32>} : memref<200x32xf32, #tpu.memory_space<vmem>>, vector<16xf32>,
      %add3A_1958 = arith.addf %add3A_1938, %get3A_1957 : vector<16xf32>
      %get3A_1959 = arith.constant 183 : i32
      %get3A_1960 = arith.index_cast %get3A_1959 : i32 to index
      %get3A_1961 = arith.constant 0 : index
      %get3A_1962 = tpu.vector_load %arg6[%get3A_1960, %get3A_1961] {strides = array<i32>} : memref<200x32xf32, #tpu.memory_space<vmem>>, vector<16xf32>,
      %add3A_1963 = arith.addf %add3A_1943, %get3A_1962 : vector<16xf32>
      %get3A_1964 = arith.constant 183 : i32
      %get3A_1965 = arith.index_cast %get3A_1964 : i32 to index
      %get3A_1966 = arith.constant 16 : index
      %get3A_1967 = tpu.vector_load %arg6[%get3A_1965, %get3A_1966] {strides = array<i32>} : memref<200x32xf32, #tpu.memory_space<vmem>>, vector<16xf32>,
      %add3A_1968 = arith.addf %add3A_1948, %get3A_1967 : vector<16xf32>
      %get3A_1969 = arith.constant 184 : i32
      %get3A_1970 = arith.index_cast %get3A_1969 : i32 to index
      %get3A_1971 = arith.constant 0 : index
      %get3A_1972 = tpu.vector_load %arg6[%get3A_1970, %get3A_1971] {strides = array<i32>} : memref<200x32xf32, #tpu.memory_space<vmem>>, vector<16xf32>,
      %add3A_1973 = arith.addf %add3A_1953, %get3A_1972 : vector<16xf32>
      %get3A_1974 = arith.constant 184 : i32
      %get3A_1975 = arith.index_cast %get3A_1974 : i32 to index
      %get3A_1976 = arith.constant 16 : index
      %get3A_1977 = tpu.vector_load %arg6[%get3A_1975, %get3A_1976] {strides = array<i32>} : memref<200x32xf32, #tpu.memory_space<vmem>>, vector<16xf32>,
      %add3A_1978 = arith.addf %add3A_1958, %get3A_1977 : vector<16xf32>
      %get3A_1979 = arith.constant 185 : i32
      %get3A_1980 = arith.index_cast %get3A_1979 : i32 to index
      %get3A_1981 = arith.constant 0 : index
      %get3A_1982 = tpu.vector_load %arg6[%get3A_1980, %get3A_1981] {strides = array<i32>} : memref<200x32xf32, #tpu.memory_space<vmem>>, vector<16xf32>,
      %add3A_1983 = arith.addf %add3A_1963, %get3A_1982 : vector<16xf32>
      %get3A_1984 = arith.constant 185 : i32
      %get3A_1985 = arith.index_cast %get3A_1984 : i32 to index
      %get3A_1986 = arith.constant 16 : index
      %get3A_1987 = tpu.vector_load %arg6[%get3A_1985, %get3A_1986] {strides = array<i32>} : memref<200x32xf32, #tpu.memory_space<vmem>>, vector<16xf32>,
      %add3A_1988 = arith.addf %add3A_1968, %get3A_1987 : vector<16xf32>
      %get3A_1989 = arith.constant 186 : i32
      %get3A_1990 = arith.index_cast %get3A_1989 : i32 to index
      %get3A_1991 = arith.constant 0 : index
      %get3A_1992 = tpu.vector_load %arg6[%get3A_1990, %get3A_1991] {strides = array<i32>} : memref<200x32xf32, #tpu.memory_space<vmem>>, vector<16xf32>,
      %add3A_1993 = arith.addf %add3A_1973, %get3A_1992 : vector<16xf32>
      %get3A_1994 = arith.constant 186 : i32
      %get3A_1995 = arith.index_cast %get3A_1994 : i32 to index
      %get3A_1996 = arith.constant 16 : index
      %get3A_1997 = tpu.vector_load %arg6[%get3A_1995, %get3A_1996] {strides = array<i32>} : memref<200x32xf32, #tpu.memory_space<vmem>>, vector<16xf32>,
      %add3A_1998 = arith.addf %add3A_1978, %get3A_1997 : vector<16xf32>
      %get3A_1999 = arith.constant 187 : i32
      %get3A_2000 = arith.index_cast %get3A_1999 : i32 to index
      %get3A_2001 = arith.constant 0 : index
      %get3A_2002 = tpu.vector_load %arg6[%get3A_2000, %get3A_2001] {strides = array<i32>} : memref<200x32xf32, #tpu.memory_space<vmem>>, vector<16xf32>,
      %add3A_2003 = arith.addf %add3A_1983, %get3A_2002 : vector<16xf32>
      %get3A_2004 = arith.constant 187 : i32
      %get3A_2005 = arith.index_cast %get3A_2004 : i32 to index
      %get3A_2006 = arith.constant 16 : index
      %get3A_2007 = tpu.vector_load %arg6[%get3A_2005, %get3A_2006] {strides = array<i32>} : memref<200x32xf32, #tpu.memory_space<vmem>>, vector<16xf32>,
      %add3A_2008 = arith.addf %add3A_1988, %get3A_2007 : vector<16xf32>
      %get3A_2009 = arith.constant 188 : i32
      %get3A_2010 = arith.index_cast %get3A_2009 : i32 to index
      %get3A_2011 = arith.constant 0 : index
      %get3A_2012 = tpu.vector_load %arg6[%get3A_2010, %get3A_2011] {strides = array<i32>} : memref<200x32xf32, #tpu.memory_space<vmem>>, vector<16xf32>,
      %add3A_2013 = arith.addf %add3A_1993, %get3A_2012 : vector<16xf32>
      %get3A_2014 = arith.constant 188 : i32
      %get3A_2015 = arith.index_cast %get3A_2014 : i32 to index
      %get3A_2016 = arith.constant 16 : index
      %get3A_2017 = tpu.vector_load %arg6[%get3A_2015, %get3A_2016] {strides = array<i32>} : memref<200x32xf32, #tpu.memory_space<vmem>>, vector<16xf32>,
      %add3A_2018 = arith.addf %add3A_1998, %get3A_2017 : vector<16xf32>
      %get3A_2019 = arith.constant 189 : i32
      %get3A_2020 = arith.index_cast %get3A_2019 : i32 to index
      %get3A_2021 = arith.constant 0 : index
      %get3A_2022 = tpu.vector_load %arg6[%get3A_2020, %get3A_2021] {strides = array<i32>} : memref<200x32xf32, #tpu.memory_space<vmem>>, vector<16xf32>,
      %add3A_2023 = arith.addf %add3A_2003, %get3A_2022 : vector<16xf32>
      %get3A_2024 = arith.constant 189 : i32
      %get3A_2025 = arith.index_cast %get3A_2024 : i32 to index
      %get3A_2026 = arith.constant 16 : index
      %get3A_2027 = tpu.vector_load %arg6[%get3A_2025, %get3A_2026] {strides = array<i32>} : memref<200x32xf32, #tpu.memory_space<vmem>>, vector<16xf32>,
      %add3A_2028 = arith.addf %add3A_2008, %get3A_2027 : vector<16xf32>
      %get3A_2029 = arith.constant 190 : i32
      %get3A_2030 = arith.index_cast %get3A_2029 : i32 to index
      %get3A_2031 = arith.constant 0 : index
      %get3A_2032 = tpu.vector_load %arg6[%get3A_2030, %get3A_2031] {strides = array<i32>} : memref<200x32xf32, #tpu.memory_space<vmem>>, vector<16xf32>,
      %add3A_2033 = arith.addf %add3A_2013, %get3A_2032 : vector<16xf32>
      %get3A_2034 = arith.constant 190 : i32
      %get3A_2035 = arith.index_cast %get3A_2034 : i32 to index
      %get3A_2036 = arith.constant 16 : index
      %get3A_2037 = tpu.vector_load %arg6[%get3A_2035, %get3A_2036] {strides = array<i32>} : memref<200x32xf32, #tpu.memory_space<vmem>>, vector<16xf32>,
      %add3A_2038 = arith.addf %add3A_2018, %get3A_2037 : vector<16xf32>
      %get3A_2039 = arith.constant 191 : i32
      %get3A_2040 = arith.index_cast %get3A_2039 : i32 to index
      %get3A_2041 = arith.constant 0 : index
      %get3A_2042 = tpu.vector_load %arg6[%get3A_2040, %get3A_2041] {strides = array<i32>} : memref<200x32xf32, #tpu.memory_space<vmem>>, vector<16xf32>,
      %add3A_2043 = arith.addf %add3A_2023, %get3A_2042 : vector<16xf32>
      %get3A_2044 = arith.constant 191 : i32
      %get3A_2045 = arith.index_cast %get3A_2044 : i32 to index
      %get3A_2046 = arith.constant 16 : index
      %get3A_2047 = tpu.vector_load %arg6[%get3A_2045, %get3A_2046] {strides = array<i32>} : memref<200x32xf32, #tpu.memory_space<vmem>>, vector<16xf32>,
      %add3A_2048 = arith.addf %add3A_2028, %get3A_2047 : vector<16xf32>
      %get3A_2049 = arith.constant 192 : i32
      %get3A_2050 = arith.index_cast %get3A_2049 : i32 to index
      %get3A_2051 = arith.constant 0 : index
      %get3A_2052 = tpu.vector_load %arg6[%get3A_2050, %get3A_2051] {strides = array<i32>} : memref<200x32xf32, #tpu.memory_space<vmem>>, vector<16xf32>,
      %add3A_2053 = arith.addf %add3A_2033, %get3A_2052 : vector<16xf32>
      %get3A_2054 = arith.constant 192 : i32
      %get3A_2055 = arith.index_cast %get3A_2054 : i32 to index
      %get3A_2056 = arith.constant 16 : index
      %get3A_2057 = tpu.vector_load %arg6[%get3A_2055, %get3A_2056] {strides = array<i32>} : memref<200x32xf32, #tpu.memory_space<vmem>>, vector<16xf32>,
      %add3A_2058 = arith.addf %add3A_2038, %get3A_2057 : vector<16xf32>
      %get3A_2059 = arith.constant 193 : i32
      %get3A_2060 = arith.index_cast %get3A_2059 : i32 to index
      %get3A_2061 = arith.constant 0 : index
      %get3A_2062 = tpu.vector_load %arg6[%get3A_2060, %get3A_2061] {strides = array<i32>} : memref<200x32xf32, #tpu.memory_space<vmem>>, vector<16xf32>,
      %add3A_2063 = arith.addf %add3A_2043, %get3A_2062 : vector<16xf32>
      %get3A_2064 = arith.constant 193 : i32
      %get3A_2065 = arith.index_cast %get3A_2064 : i32 to index
      %get3A_2066 = arith.constant 16 : index
      %get3A_2067 = tpu.vector_load %arg6[%get3A_2065, %get3A_2066] {strides = array<i32>} : memref<200x32xf32, #tpu.memory_space<vmem>>, vector<16xf32>,
      %add3A_2068 = arith.addf %add3A_2048, %get3A_2067 : vector<16xf32>
      %get3A_2069 = arith.constant 194 : i32
      %get3A_2070 = arith.index_cast %get3A_2069 : i32 to index
      %get3A_2071 = arith.constant 0 : index
      %get3A_2072 = tpu.vector_load %arg6[%get3A_2070, %get3A_2071] {strides = array<i32>} : memref<200x32xf32, #tpu.memory_space<vmem>>, vector<16xf32>,
      %add3A_2073 = arith.addf %add3A_2053, %get3A_2072 : vector<16xf32>
      %get3A_2074 = arith.constant 194 : i32
      %get3A_2075 = arith.index_cast %get3A_2074 : i32 to index
      %get3A_2076 = arith.constant 16 : index
      %get3A_2077 = tpu.vector_load %arg6[%get3A_2075, %get3A_2076] {strides = array<i32>} : memref<200x32xf32, #tpu.memory_space<vmem>>, vector<16xf32>,
      %add3A_2078 = arith.addf %add3A_2058, %get3A_2077 : vector<16xf32>
      %get3A_2079 = arith.constant 195 : i32
      %get3A_2080 = arith.index_cast %get3A_2079 : i32 to index
      %get3A_2081 = arith.constant 0 : index
      %get3A_2082 = tpu.vector_load %arg6[%get3A_2080, %get3A_2081] {strides = array<i32>} : memref<200x32xf32, #tpu.memory_space<vmem>>, vector<16xf32>,
      %add3A_2083 = arith.addf %add3A_2063, %get3A_2082 : vector<16xf32>
      %get3A_2084 = arith.constant 195 : i32
      %get3A_2085 = arith.index_cast %get3A_2084 : i32 to index
      %get3A_2086 = arith.constant 16 : index
      %get3A_2087 = tpu.vector_load %arg6[%get3A_2085, %get3A_2086] {strides = array<i32>} : memref<200x32xf32, #tpu.memory_space<vmem>>, vector<16xf32>,
      %add3A_2088 = arith.addf %add3A_2068, %get3A_2087 : vector<16xf32>
      %get3A_2089 = arith.constant 196 : i32
      %get3A_2090 = arith.index_cast %get3A_2089 : i32 to index
      %get3A_2091 = arith.constant 0 : index
      %get3A_2092 = tpu.vector_load %arg6[%get3A_2090, %get3A_2091] {strides = array<i32>} : memref<200x32xf32, #tpu.memory_space<vmem>>, vector<16xf32>,
      %add3A_2093 = arith.addf %add3A_2073, %get3A_2092 : vector<16xf32>
      %get3A_2094 = arith.constant 196 : i32
      %get3A_2095 = arith.index_cast %get3A_2094 : i32 to index
      %get3A_2096 = arith.constant 16 : index
      %get3A_2097 = tpu.vector_load %arg6[%get3A_2095, %get3A_2096] {strides = array<i32>} : memref<200x32xf32, #tpu.memory_space<vmem>>, vector<16xf32>,
      %add3A_2098 = arith.addf %add3A_2078, %get3A_2097 : vector<16xf32>
      %get3A_2099 = arith.constant 197 : i32
      %get3A_2100 = arith.index_cast %get3A_2099 : i32 to index
      %get3A_2101 = arith.constant 0 : index
      %get3A_2102 = tpu.vector_load %arg6[%get3A_2100, %get3A_2101] {strides = array<i32>} : memref<200x32xf32, #tpu.memory_space<vmem>>, vector<16xf32>,
      %add3A_2103 = arith.addf %add3A_2083, %get3A_2102 : vector<16xf32>
      %get3A_2104 = arith.constant 197 : i32
      %get3A_2105 = arith.index_cast %get3A_2104 : i32 to index
      %get3A_2106 = arith.constant 16 : index
      %get3A_2107 = tpu.vector_load %arg6[%get3A_2105, %get3A_2106] {strides = array<i32>} : memref<200x32xf32, #tpu.memory_space<vmem>>, vector<16xf32>,
      %add3A_2108 = arith.addf %add3A_2088, %get3A_2107 : vector<16xf32>
      %get3A_2109 = arith.constant 198 : i32
      %get3A_2110 = arith.index_cast %get3A_2109 : i32 to index
      %get3A_2111 = arith.constant 0 : index
      %get3A_2112 = tpu.vector_load %arg6[%get3A_2110, %get3A_2111] {strides = array<i32>} : memref<200x32xf32, #tpu.memory_space<vmem>>, vector<16xf32>,
      %add3A_2113 = arith.addf %add3A_2093, %get3A_2112 : vector<16xf32>
      %get3A_2114 = arith.constant 198 : i32
      %get3A_2115 = arith.index_cast %get3A_2114 : i32 to index
      %get3A_2116 = arith.constant 16 : index
      %get3A_2117 = tpu.vector_load %arg6[%get3A_2115, %get3A_2116] {strides = array<i32>} : memref<200x32xf32, #tpu.memory_space<vmem>>, vector<16xf32>,
      %add3A_2118 = arith.addf %add3A_2098, %get3A_2117 : vector<16xf32>
      %get3A_2119 = arith.constant 199 : i32
      %get3A_2120 = arith.index_cast %get3A_2119 : i32 to index
      %get3A_2121 = arith.constant 0 : index
      %get3A_2122 = tpu.vector_load %arg6[%get3A_2120, %get3A_2121] {strides = array<i32>} : memref<200x32xf32, #tpu.memory_space<vmem>>, vector<16xf32>,
      %add3A_2123 = arith.addf %add3A_2103, %get3A_2122 : vector<16xf32>
      %get3A_2124 = arith.constant 199 : i32
      %get3A_2125 = arith.index_cast %get3A_2124 : i32 to index
      %get3A_2126 = arith.constant 16 : index
      %get3A_2127 = tpu.vector_load %arg6[%get3A_2125, %get3A_2126] {strides = array<i32>} : memref<200x32xf32, #tpu.memory_space<vmem>>, vector<16xf32>,
      %add3A_2128 = arith.addf %add3A_2108, %get3A_2127 : vector<16xf32>
      %mul3A_2129 = arith.constant 4 : i32
      %mul3A_2130 = arith.muli %add3A_30, %mul3A_2129 : i32
      %add3A_2131 = arith.constant 3 : i32
      %add3A_2132 = arith.addi %mul3A_2130, %add3A_2131 : i32
      %add3A_2133 = arith.addf %add3A_2113, %add3A_2123 : vector<16xf32>
      %mul3A_2134 = vector.broadcast %scan3A_18 : f32 to vector<16xf32>
      %mul3A_2135 = arith.mulf %add3A_2133, %mul3A_2134 : vector<16xf32>
      %swap3A_2136 = arith.index_cast %add3A_2132 : i32 to index
      %swap3A_2137 = arith.constant 0 : index
      %swap3A_2138 = tpu.vector_load %arg8[%swap3A_2136, %swap3A_2137] {strides = array<i32>} : memref<512x128xf32, #tpu.memory_space<vmem>>, vector<16xf32>,
      tpu.vector_store %arg8[%swap3A_2136, %swap3A_2137], %mul3A_2135 {strides = array<i32>} : memref<512x128xf32, #tpu.memory_space<vmem>>, vector<16xf32>,
      %add3A_2139 = arith.addf %add3A_2118, %add3A_2128 : vector<16xf32>
      %mul3A_2140 = vector.broadcast %scan3A_18 : f32 to vector<16xf32>
      %mul3A_2141 = arith.mulf %add3A_2139, %mul3A_2140 : vector<16xf32>
      %swap3A_2142 = arith.index_cast %add3A_2132 : i32 to index
      %swap3A_2143 = arith.constant 16 : index
      %swap3A_2144 = tpu.vector_load %arg8[%swap3A_2142, %swap3A_2143] {strides = array<i32>} : memref<512x128xf32, #tpu.memory_space<vmem>>, vector<16xf32>,
      tpu.vector_store %arg8[%swap3A_2142, %swap3A_2143], %mul3A_2141 {strides = array<i32>} : memref<512x128xf32, #tpu.memory_space<vmem>>, vector<16xf32>,
      %mul3A_2145 = arith.constant 2 : i32
      %mul3A_2146 = arith.muli %mul3A_2145, %scan3A_26 : i32
      %add3A_2147 = arith.constant 1 : i32
      %add3A_2148 = arith.addi %mul3A_2146, %add3A_2147 : i32
      %add3A_2149 = arith.constant 1 : i32
      %add3A_2150 = arith.addi %add3A_2148, %add3A_2149 : i32
      %lt3A_2151 = arith.constant 128 : i32
      %lt3A_2152 = arith.cmpi slt, %add3A_2150, %lt3A_2151 : i32
      %convert_element_type3A_2153 = arith.extui %lt3A_2152 : i1 to i32
      %cond3A_2154 = arith.constant 0 : i32
      %cond3A_2155 = arith.cmpi ne, %convert_element_type3A_2153, %cond3A_2154 : i32
      scf.if %cond3A_2155 {
        %add3A_4270 = arith.constant 1 : i32
        %add3A_4271 = arith.addi %add3A_2148, %add3A_4270 : i32
        %mul3A_4272 = arith.constant 200 : i32
        %mul3A_4273 = arith.muli %add3A_4271, %mul3A_4272 : i32
        %dma_start3A_4274 = arith.constant 0 : i32
        %dma_start3A_4275 = arith.constant 0 : i32
        %dma_start3A_4276 = tpu.memref_slice %arg6[%dma_start3A_4274, %dma_start3A_4275] : memref<200x32xf32, #tpu.memory_space<vmem>> -> memref<96x32xf32, #tpu.memory_space<vmem>>
        %dma_start3A_4277 = tpu.memref_slice %arg5[%mul3A_4273] : memref<25600xi32, #tpu.memory_space<vmem>> -> memref<96xi32, #tpu.memory_space<vmem>>
        %dma_start3A_4278 = arith.constant 0 : i32
        %dma_start3A_4279 = arith.constant 0 : i32
        %dma_start3A_4280 = tpu.memref_slice %arg3[%dma_start3A_4278, %dma_start3A_4279] : memref<1000000x32xf32, #tpu.memory_space<hbm>> -> memref<1000000x32xf32, #tpu.memory_space<hbm>>
        tpu.enqueue_indirect_dma source(%dma_start3A_4280 : memref<1000000x32xf32, #tpu.memory_space<hbm>>) target(%dma_start3A_4276 : memref<96x32xf32, #tpu.memory_space<vmem>>) offsets(%dma_start3A_4277 : memref<96xi32, #tpu.memory_space<vmem>>) semaphore(%arg9 : memref<!tpu.dma_semaphore, #tpu.memory_space<semaphore_mem>>)
        %add3A_4281 = arith.constant 96 : i32
        %add3A_4282 = arith.addi %mul3A_4273, %add3A_4281 : i32
        %dma_start3A_4283 = arith.constant 96 : i32
        %dma_start3A_4284 = arith.constant 0 : i32
        %dma_start3A_4285 = tpu.memref_slice %arg6[%dma_start3A_4283, %dma_start3A_4284] : memref<200x32xf32, #tpu.memory_space<vmem>> -> memref<104x32xf32, #tpu.memory_space<vmem>>
        %dma_start3A_4286 = tpu.memref_slice %arg5[%add3A_4282] : memref<25600xi32, #tpu.memory_space<vmem>> -> memref<104xi32, #tpu.memory_space<vmem>>
        %dma_start3A_4287 = arith.constant 0 : i32
        %dma_start3A_4288 = arith.constant 0 : i32
        %dma_start3A_4289 = tpu.memref_slice %arg3[%dma_start3A_4287, %dma_start3A_4288] : memref<1000000x32xf32, #tpu.memory_space<hbm>> -> memref<1000000x32xf32, #tpu.memory_space<hbm>>
        tpu.enqueue_indirect_dma source(%dma_start3A_4289 : memref<1000000x32xf32, #tpu.memory_space<hbm>>) target(%dma_start3A_4285 : memref<104x32xf32, #tpu.memory_space<vmem>>) offsets(%dma_start3A_4286 : memref<104xi32, #tpu.memory_space<vmem>>) semaphore(%arg9 : memref<!tpu.dma_semaphore, #tpu.memory_space<semaphore_mem>>)
      } else {
      }
      %mul3A_2156 = arith.constant 200 : i32
      %mul3A_2157 = arith.muli %add3A_2148, %mul3A_2156 : i32
      %dma_wait3A_2158 = arith.constant 0 : i32
      %dma_wait3A_2159 = arith.constant 0 : i32
      %dma_wait3A_2160 = tpu.memref_slice %arg7[%dma_wait3A_2158, %dma_wait3A_2159] : memref<200x32xf32, #tpu.memory_space<vmem>> -> memref<96x32xf32, #tpu.memory_space<vmem>>
      %dma_wait3A_2161 = tpu.memref_slice %arg5[%mul3A_2157] : memref<25600xi32, #tpu.memory_space<vmem>> -> memref<96xi32, #tpu.memory_space<vmem>>
      %dma_wait3A_2162 = arith.constant 0 : i32
      %dma_wait3A_2163 = arith.constant 0 : i32
      %dma_wait3A_2164 = tpu.memref_slice %arg3[%dma_wait3A_2162, %dma_wait3A_2163] : memref<1000000x32xf32, #tpu.memory_space<hbm>> -> memref<1000000x32xf32, #tpu.memory_space<hbm>>
      tpu.wait_indirect_dma semaphore(%arg10 : memref<!tpu.dma_semaphore, #tpu.memory_space<semaphore_mem>>) src(%dma_wait3A_2164 : memref<1000000x32xf32, #tpu.memory_space<hbm>>) dst(%dma_wait3A_2160 : memref<96x32xf32, #tpu.memory_space<vmem>>)
      %add3A_2165 = arith.constant 96 : i32
      %add3A_2166 = arith.addi %mul3A_2157, %add3A_2165 : i32
      %dma_wait3A_2167 = arith.constant 96 : i32
      %dma_wait3A_2168 = arith.constant 0 : i32
      %dma_wait3A_2169 = tpu.memref_slice %arg7[%dma_wait3A_2167, %dma_wait3A_2168] : memref<200x32xf32, #tpu.memory_space<vmem>> -> memref<104x32xf32, #tpu.memory_space<vmem>>
      %dma_wait3A_2170 = tpu.memref_slice %arg5[%add3A_2166] : memref<25600xi32, #tpu.memory_space<vmem>> -> memref<104xi32, #tpu.memory_space<vmem>>
      %dma_wait3A_2171 = arith.constant 0 : i32
      %dma_wait3A_2172 = arith.constant 0 : i32
      %dma_wait3A_2173 = tpu.memref_slice %arg3[%dma_wait3A_2171, %dma_wait3A_2172] : memref<1000000x32xf32, #tpu.memory_space<hbm>> -> memref<1000000x32xf32, #tpu.memory_space<hbm>>
      tpu.wait_indirect_dma semaphore(%arg10 : memref<!tpu.dma_semaphore, #tpu.memory_space<semaphore_mem>>) src(%dma_wait3A_2173 : memref<1000000x32xf32, #tpu.memory_space<hbm>>) dst(%dma_wait3A_2169 : memref<104x32xf32, #tpu.memory_space<vmem>>)
      %broadcast_in_dim3A_2174 = arith.constant 0.000000e+00 : f32
      %broadcast_in_dim3A_2175 = vector.broadcast %broadcast_in_dim3A_2174 : f32 to vector<16xf32>
      %broadcast_in_dim3A_2176 = arith.constant 0.000000e+00 : f32
      %broadcast_in_dim3A_2177 = vector.broadcast %broadcast_in_dim3A_2176 : f32 to vector<16xf32>
      %broadcast_in_dim3A_2178 = arith.constant 0.000000e+00 : f32
      %broadcast_in_dim3A_2179 = vector.broadcast %broadcast_in_dim3A_2178 : f32 to vector<16xf32>
      %broadcast_in_dim3A_2180 = arith.constant 0.000000e+00 : f32
      %broadcast_in_dim3A_2181 = vector.broadcast %broadcast_in_dim3A_2180 : f32 to vector<16xf32>
      %get3A_2182 = arith.constant 0 : i32
      %get3A_2183 = arith.index_cast %get3A_2182 : i32 to index
      %get3A_2184 = arith.constant 0 : index
      %get3A_2185 = tpu.vector_load %arg7[%get3A_2183, %get3A_2184] {strides = array<i32>} : memref<200x32xf32, #tpu.memory_space<vmem>>, vector<16xf32>,
      %add3A_2186 = arith.addf %broadcast_in_dim3A_2175, %get3A_2185 : vector<16xf32>
      %get3A_2187 = arith.constant 0 : i32
      %get3A_2188 = arith.index_cast %get3A_2187 : i32 to index
      %get3A_2189 = arith.constant 16 : index
      %get3A_2190 = tpu.vector_load %arg7[%get3A_2188, %get3A_2189] {strides = array<i32>} : memref<200x32xf32, #tpu.memory_space<vmem>>, vector<16xf32>,
      %add3A_2191 = arith.addf %broadcast_in_dim3A_2177, %get3A_2190 : vector<16xf32>
      %get3A_2192 = arith.constant 1 : i32
      %get3A_2193 = arith.index_cast %get3A_2192 : i32 to index
      %get3A_2194 = arith.constant 0 : index
      %get3A_2195 = tpu.vector_load %arg7[%get3A_2193, %get3A_2194] {strides = array<i32>} : memref<200x32xf32, #tpu.memory_space<vmem>>, vector<16xf32>,
      %add3A_2196 = arith.addf %broadcast_in_dim3A_2179, %get3A_2195 : vector<16xf32>
      %get3A_2197 = arith.constant 1 : i32
      %get3A_2198 = arith.index_cast %get3A_2197 : i32 to index
      %get3A_2199 = arith.constant 16 : index
      %get3A_2200 = tpu.vector_load %arg7[%get3A_2198, %get3A_2199] {strides = array<i32>} : memref<200x32xf32, #tpu.memory_space<vmem>>, vector<16xf32>,
      %add3A_2201 = arith.addf %broadcast_in_dim3A_2181, %get3A_2200 : vector<16xf32>
      %get3A_2202 = arith.constant 2 : i32
      %get3A_2203 = arith.index_cast %get3A_2202 : i32 to index
      %get3A_2204 = arith.constant 0 : index
      %get3A_2205 = tpu.vector_load %arg7[%get3A_2203, %get3A_2204] {strides = array<i32>} : memref<200x32xf32, #tpu.memory_space<vmem>>, vector<16xf32>,
      %add3A_2206 = arith.addf %add3A_2186, %get3A_2205 : vector<16xf32>
      %get3A_2207 = arith.constant 2 : i32
      %get3A_2208 = arith.index_cast %get3A_2207 : i32 to index
      %get3A_2209 = arith.constant 16 : index
      %get3A_2210 = tpu.vector_load %arg7[%get3A_2208, %get3A_2209] {strides = array<i32>} : memref<200x32xf32, #tpu.memory_space<vmem>>, vector<16xf32>,
      %add3A_2211 = arith.addf %add3A_2191, %get3A_2210 : vector<16xf32>
      %get3A_2212 = arith.constant 3 : i32
      %get3A_2213 = arith.index_cast %get3A_2212 : i32 to index
      %get3A_2214 = arith.constant 0 : index
      %get3A_2215 = tpu.vector_load %arg7[%get3A_2213, %get3A_2214] {strides = array<i32>} : memref<200x32xf32, #tpu.memory_space<vmem>>, vector<16xf32>,
      %add3A_2216 = arith.addf %add3A_2196, %get3A_2215 : vector<16xf32>
      %get3A_2217 = arith.constant 3 : i32
      %get3A_2218 = arith.index_cast %get3A_2217 : i32 to index
      %get3A_2219 = arith.constant 16 : index
      %get3A_2220 = tpu.vector_load %arg7[%get3A_2218, %get3A_2219] {strides = array<i32>} : memref<200x32xf32, #tpu.memory_space<vmem>>, vector<16xf32>,
      %add3A_2221 = arith.addf %add3A_2201, %get3A_2220 : vector<16xf32>
      %get3A_2222 = arith.constant 4 : i32
      %get3A_2223 = arith.index_cast %get3A_2222 : i32 to index
      %get3A_2224 = arith.constant 0 : index
      %get3A_2225 = tpu.vector_load %arg7[%get3A_2223, %get3A_2224] {strides = array<i32>} : memref<200x32xf32, #tpu.memory_space<vmem>>, vector<16xf32>,
      %add3A_2226 = arith.addf %add3A_2206, %get3A_2225 : vector<16xf32>
      %get3A_2227 = arith.constant 4 : i32
      %get3A_2228 = arith.index_cast %get3A_2227 : i32 to index
      %get3A_2229 = arith.constant 16 : index
      %get3A_2230 = tpu.vector_load %arg7[%get3A_2228, %get3A_2229] {strides = array<i32>} : memref<200x32xf32, #tpu.memory_space<vmem>>, vector<16xf32>,
      %add3A_2231 = arith.addf %add3A_2211, %get3A_2230 : vector<16xf32>
      %get3A_2232 = arith.constant 5 : i32
      %get3A_2233 = arith.index_cast %get3A_2232 : i32 to index
      %get3A_2234 = arith.constant 0 : index
      %get3A_2235 = tpu.vector_load %arg7[%get3A_2233, %get3A_2234] {strides = array<i32>} : memref<200x32xf32, #tpu.memory_space<vmem>>, vector<16xf32>,
      %add3A_2236 = arith.addf %add3A_2216, %get3A_2235 : vector<16xf32>
      %get3A_2237 = arith.constant 5 : i32
      %get3A_2238 = arith.index_cast %get3A_2237 : i32 to index
      %get3A_2239 = arith.constant 16 : index
      %get3A_2240 = tpu.vector_load %arg7[%get3A_2238, %get3A_2239] {strides = array<i32>} : memref<200x32xf32, #tpu.memory_space<vmem>>, vector<16xf32>,
      %add3A_2241 = arith.addf %add3A_2221, %get3A_2240 : vector<16xf32>
      %get3A_2242 = arith.constant 6 : i32
      %get3A_2243 = arith.index_cast %get3A_2242 : i32 to index
      %get3A_2244 = arith.constant 0 : index
      %get3A_2245 = tpu.vector_load %arg7[%get3A_2243, %get3A_2244] {strides = array<i32>} : memref<200x32xf32, #tpu.memory_space<vmem>>, vector<16xf32>,
      %add3A_2246 = arith.addf %add3A_2226, %get3A_2245 : vector<16xf32>
      %get3A_2247 = arith.constant 6 : i32
      %get3A_2248 = arith.index_cast %get3A_2247 : i32 to index
      %get3A_2249 = arith.constant 16 : index
      %get3A_2250 = tpu.vector_load %arg7[%get3A_2248, %get3A_2249] {strides = array<i32>} : memref<200x32xf32, #tpu.memory_space<vmem>>, vector<16xf32>,
      %add3A_2251 = arith.addf %add3A_2231, %get3A_2250 : vector<16xf32>
      %get3A_2252 = arith.constant 7 : i32
      %get3A_2253 = arith.index_cast %get3A_2252 : i32 to index
      %get3A_2254 = arith.constant 0 : index
      %get3A_2255 = tpu.vector_load %arg7[%get3A_2253, %get3A_2254] {strides = array<i32>} : memref<200x32xf32, #tpu.memory_space<vmem>>, vector<16xf32>,
      %add3A_2256 = arith.addf %add3A_2236, %get3A_2255 : vector<16xf32>
      %get3A_2257 = arith.constant 7 : i32
      %get3A_2258 = arith.index_cast %get3A_2257 : i32 to index
      %get3A_2259 = arith.constant 16 : index
      %get3A_2260 = tpu.vector_load %arg7[%get3A_2258, %get3A_2259] {strides = array<i32>} : memref<200x32xf32, #tpu.memory_space<vmem>>, vector<16xf32>,
      %add3A_2261 = arith.addf %add3A_2241, %get3A_2260 : vector<16xf32>
      %get3A_2262 = arith.constant 8 : i32
      %get3A_2263 = arith.index_cast %get3A_2262 : i32 to index
      %get3A_2264 = arith.constant 0 : index
      %get3A_2265 = tpu.vector_load %arg7[%get3A_2263, %get3A_2264] {strides = array<i32>} : memref<200x32xf32, #tpu.memory_space<vmem>>, vector<16xf32>,
      %add3A_2266 = arith.addf %add3A_2246, %get3A_2265 : vector<16xf32>
      %get3A_2267 = arith.constant 8 : i32
      %get3A_2268 = arith.index_cast %get3A_2267 : i32 to index
      %get3A_2269 = arith.constant 16 : index
      %get3A_2270 = tpu.vector_load %arg7[%get3A_2268, %get3A_2269] {strides = array<i32>} : memref<200x32xf32, #tpu.memory_space<vmem>>, vector<16xf32>,
      %add3A_2271 = arith.addf %add3A_2251, %get3A_2270 : vector<16xf32>
      %get3A_2272 = arith.constant 9 : i32
      %get3A_2273 = arith.index_cast %get3A_2272 : i32 to index
      %get3A_2274 = arith.constant 0 : index
      %get3A_2275 = tpu.vector_load %arg7[%get3A_2273, %get3A_2274] {strides = array<i32>} : memref<200x32xf32, #tpu.memory_space<vmem>>, vector<16xf32>,
      %add3A_2276 = arith.addf %add3A_2256, %get3A_2275 : vector<16xf32>
      %get3A_2277 = arith.constant 9 : i32
      %get3A_2278 = arith.index_cast %get3A_2277 : i32 to index
      %get3A_2279 = arith.constant 16 : index
      %get3A_2280 = tpu.vector_load %arg7[%get3A_2278, %get3A_2279] {strides = array<i32>} : memref<200x32xf32, #tpu.memory_space<vmem>>, vector<16xf32>,
      %add3A_2281 = arith.addf %add3A_2261, %get3A_2280 : vector<16xf32>
      %get3A_2282 = arith.constant 10 : i32
      %get3A_2283 = arith.index_cast %get3A_2282 : i32 to index
      %get3A_2284 = arith.constant 0 : index
      %get3A_2285 = tpu.vector_load %arg7[%get3A_2283, %get3A_2284] {strides = array<i32>} : memref<200x32xf32, #tpu.memory_space<vmem>>, vector<16xf32>,
      %add3A_2286 = arith.addf %add3A_2266, %get3A_2285 : vector<16xf32>
      %get3A_2287 = arith.constant 10 : i32
      %get3A_2288 = arith.index_cast %get3A_2287 : i32 to index
      %get3A_2289 = arith.constant 16 : index
      %get3A_2290 = tpu.vector_load %arg7[%get3A_2288, %get3A_2289] {strides = array<i32>} : memref<200x32xf32, #tpu.memory_space<vmem>>, vector<16xf32>,
      %add3A_2291 = arith.addf %add3A_2271, %get3A_2290 : vector<16xf32>
      %get3A_2292 = arith.constant 11 : i32
      %get3A_2293 = arith.index_cast %get3A_2292 : i32 to index
      %get3A_2294 = arith.constant 0 : index
      %get3A_2295 = tpu.vector_load %arg7[%get3A_2293, %get3A_2294] {strides = array<i32>} : memref<200x32xf32, #tpu.memory_space<vmem>>, vector<16xf32>,
      %add3A_2296 = arith.addf %add3A_2276, %get3A_2295 : vector<16xf32>
      %get3A_2297 = arith.constant 11 : i32
      %get3A_2298 = arith.index_cast %get3A_2297 : i32 to index
      %get3A_2299 = arith.constant 16 : index
      %get3A_2300 = tpu.vector_load %arg7[%get3A_2298, %get3A_2299] {strides = array<i32>} : memref<200x32xf32, #tpu.memory_space<vmem>>, vector<16xf32>,
      %add3A_2301 = arith.addf %add3A_2281, %get3A_2300 : vector<16xf32>
      %get3A_2302 = arith.constant 12 : i32
      %get3A_2303 = arith.index_cast %get3A_2302 : i32 to index
      %get3A_2304 = arith.constant 0 : index
      %get3A_2305 = tpu.vector_load %arg7[%get3A_2303, %get3A_2304] {strides = array<i32>} : memref<200x32xf32, #tpu.memory_space<vmem>>, vector<16xf32>,
      %add3A_2306 = arith.addf %add3A_2286, %get3A_2305 : vector<16xf32>
      %get3A_2307 = arith.constant 12 : i32
      %get3A_2308 = arith.index_cast %get3A_2307 : i32 to index
      %get3A_2309 = arith.constant 16 : index
      %get3A_2310 = tpu.vector_load %arg7[%get3A_2308, %get3A_2309] {strides = array<i32>} : memref<200x32xf32, #tpu.memory_space<vmem>>, vector<16xf32>,
      %add3A_2311 = arith.addf %add3A_2291, %get3A_2310 : vector<16xf32>
      %get3A_2312 = arith.constant 13 : i32
      %get3A_2313 = arith.index_cast %get3A_2312 : i32 to index
      %get3A_2314 = arith.constant 0 : index
      %get3A_2315 = tpu.vector_load %arg7[%get3A_2313, %get3A_2314] {strides = array<i32>} : memref<200x32xf32, #tpu.memory_space<vmem>>, vector<16xf32>,
      %add3A_2316 = arith.addf %add3A_2296, %get3A_2315 : vector<16xf32>
      %get3A_2317 = arith.constant 13 : i32
      %get3A_2318 = arith.index_cast %get3A_2317 : i32 to index
      %get3A_2319 = arith.constant 16 : index
      %get3A_2320 = tpu.vector_load %arg7[%get3A_2318, %get3A_2319] {strides = array<i32>} : memref<200x32xf32, #tpu.memory_space<vmem>>, vector<16xf32>,
      %add3A_2321 = arith.addf %add3A_2301, %get3A_2320 : vector<16xf32>
      %get3A_2322 = arith.constant 14 : i32
      %get3A_2323 = arith.index_cast %get3A_2322 : i32 to index
      %get3A_2324 = arith.constant 0 : index
      %get3A_2325 = tpu.vector_load %arg7[%get3A_2323, %get3A_2324] {strides = array<i32>} : memref<200x32xf32, #tpu.memory_space<vmem>>, vector<16xf32>,
      %add3A_2326 = arith.addf %add3A_2306, %get3A_2325 : vector<16xf32>
      %get3A_2327 = arith.constant 14 : i32
      %get3A_2328 = arith.index_cast %get3A_2327 : i32 to index
      %get3A_2329 = arith.constant 16 : index
      %get3A_2330 = tpu.vector_load %arg7[%get3A_2328, %get3A_2329] {strides = array<i32>} : memref<200x32xf32, #tpu.memory_space<vmem>>, vector<16xf32>,
      %add3A_2331 = arith.addf %add3A_2311, %get3A_2330 : vector<16xf32>
      %get3A_2332 = arith.constant 15 : i32
      %get3A_2333 = arith.index_cast %get3A_2332 : i32 to index
      %get3A_2334 = arith.constant 0 : index
      %get3A_2335 = tpu.vector_load %arg7[%get3A_2333, %get3A_2334] {strides = array<i32>} : memref<200x32xf32, #tpu.memory_space<vmem>>, vector<16xf32>,
      %add3A_2336 = arith.addf %add3A_2316, %get3A_2335 : vector<16xf32>
      %get3A_2337 = arith.constant 15 : i32
      %get3A_2338 = arith.index_cast %get3A_2337 : i32 to index
      %get3A_2339 = arith.constant 16 : index
      %get3A_2340 = tpu.vector_load %arg7[%get3A_2338, %get3A_2339] {strides = array<i32>} : memref<200x32xf32, #tpu.memory_space<vmem>>, vector<16xf32>,
      %add3A_2341 = arith.addf %add3A_2321, %get3A_2340 : vector<16xf32>
      %get3A_2342 = arith.constant 16 : i32
      %get3A_2343 = arith.index_cast %get3A_2342 : i32 to index
      %get3A_2344 = arith.constant 0 : index
      %get3A_2345 = tpu.vector_load %arg7[%get3A_2343, %get3A_2344] {strides = array<i32>} : memref<200x32xf32, #tpu.memory_space<vmem>>, vector<16xf32>,
      %add3A_2346 = arith.addf %add3A_2326, %get3A_2345 : vector<16xf32>
      %get3A_2347 = arith.constant 16 : i32
      %get3A_2348 = arith.index_cast %get3A_2347 : i32 to index
      %get3A_2349 = arith.constant 16 : index
      %get3A_2350 = tpu.vector_load %arg7[%get3A_2348, %get3A_2349] {strides = array<i32>} : memref<200x32xf32, #tpu.memory_space<vmem>>, vector<16xf32>,
      %add3A_2351 = arith.addf %add3A_2331, %get3A_2350 : vector<16xf32>
      %get3A_2352 = arith.constant 17 : i32
      %get3A_2353 = arith.index_cast %get3A_2352 : i32 to index
      %get3A_2354 = arith.constant 0 : index
      %get3A_2355 = tpu.vector_load %arg7[%get3A_2353, %get3A_2354] {strides = array<i32>} : memref<200x32xf32, #tpu.memory_space<vmem>>, vector<16xf32>,
      %add3A_2356 = arith.addf %add3A_2336, %get3A_2355 : vector<16xf32>
      %get3A_2357 = arith.constant 17 : i32
      %get3A_2358 = arith.index_cast %get3A_2357 : i32 to index
      %get3A_2359 = arith.constant 16 : index
      %get3A_2360 = tpu.vector_load %arg7[%get3A_2358, %get3A_2359] {strides = array<i32>} : memref<200x32xf32, #tpu.memory_space<vmem>>, vector<16xf32>,
      %add3A_2361 = arith.addf %add3A_2341, %get3A_2360 : vector<16xf32>
      %get3A_2362 = arith.constant 18 : i32
      %get3A_2363 = arith.index_cast %get3A_2362 : i32 to index
      %get3A_2364 = arith.constant 0 : index
      %get3A_2365 = tpu.vector_load %arg7[%get3A_2363, %get3A_2364] {strides = array<i32>} : memref<200x32xf32, #tpu.memory_space<vmem>>, vector<16xf32>,
      %add3A_2366 = arith.addf %add3A_2346, %get3A_2365 : vector<16xf32>
      %get3A_2367 = arith.constant 18 : i32
      %get3A_2368 = arith.index_cast %get3A_2367 : i32 to index
      %get3A_2369 = arith.constant 16 : index
      %get3A_2370 = tpu.vector_load %arg7[%get3A_2368, %get3A_2369] {strides = array<i32>} : memref<200x32xf32, #tpu.memory_space<vmem>>, vector<16xf32>,
      %add3A_2371 = arith.addf %add3A_2351, %get3A_2370 : vector<16xf32>
      %get3A_2372 = arith.constant 19 : i32
      %get3A_2373 = arith.index_cast %get3A_2372 : i32 to index
      %get3A_2374 = arith.constant 0 : index
      %get3A_2375 = tpu.vector_load %arg7[%get3A_2373, %get3A_2374] {strides = array<i32>} : memref<200x32xf32, #tpu.memory_space<vmem>>, vector<16xf32>,
      %add3A_2376 = arith.addf %add3A_2356, %get3A_2375 : vector<16xf32>
      %get3A_2377 = arith.constant 19 : i32
      %get3A_2378 = arith.index_cast %get3A_2377 : i32 to index
      %get3A_2379 = arith.constant 16 : index
      %get3A_2380 = tpu.vector_load %arg7[%get3A_2378, %get3A_2379] {strides = array<i32>} : memref<200x32xf32, #tpu.memory_space<vmem>>, vector<16xf32>,
      %add3A_2381 = arith.addf %add3A_2361, %get3A_2380 : vector<16xf32>
      %get3A_2382 = arith.constant 20 : i32
      %get3A_2383 = arith.index_cast %get3A_2382 : i32 to index
      %get3A_2384 = arith.constant 0 : index
      %get3A_2385 = tpu.vector_load %arg7[%get3A_2383, %get3A_2384] {strides = array<i32>} : memref<200x32xf32, #tpu.memory_space<vmem>>, vector<16xf32>,
      %add3A_2386 = arith.addf %add3A_2366, %get3A_2385 : vector<16xf32>
      %get3A_2387 = arith.constant 20 : i32
      %get3A_2388 = arith.index_cast %get3A_2387 : i32 to index
      %get3A_2389 = arith.constant 16 : index
      %get3A_2390 = tpu.vector_load %arg7[%get3A_2388, %get3A_2389] {strides = array<i32>} : memref<200x32xf32, #tpu.memory_space<vmem>>, vector<16xf32>,
      %add3A_2391 = arith.addf %add3A_2371, %get3A_2390 : vector<16xf32>
      %get3A_2392 = arith.constant 21 : i32
      %get3A_2393 = arith.index_cast %get3A_2392 : i32 to index
      %get3A_2394 = arith.constant 0 : index
      %get3A_2395 = tpu.vector_load %arg7[%get3A_2393, %get3A_2394] {strides = array<i32>} : memref<200x32xf32, #tpu.memory_space<vmem>>, vector<16xf32>,
      %add3A_2396 = arith.addf %add3A_2376, %get3A_2395 : vector<16xf32>
      %get3A_2397 = arith.constant 21 : i32
      %get3A_2398 = arith.index_cast %get3A_2397 : i32 to index
      %get3A_2399 = arith.constant 16 : index
      %get3A_2400 = tpu.vector_load %arg7[%get3A_2398, %get3A_2399] {strides = array<i32>} : memref<200x32xf32, #tpu.memory_space<vmem>>, vector<16xf32>,
      %add3A_2401 = arith.addf %add3A_2381, %get3A_2400 : vector<16xf32>
      %get3A_2402 = arith.constant 22 : i32
      %get3A_2403 = arith.index_cast %get3A_2402 : i32 to index
      %get3A_2404 = arith.constant 0 : index
      %get3A_2405 = tpu.vector_load %arg7[%get3A_2403, %get3A_2404] {strides = array<i32>} : memref<200x32xf32, #tpu.memory_space<vmem>>, vector<16xf32>,
      %add3A_2406 = arith.addf %add3A_2386, %get3A_2405 : vector<16xf32>
      %get3A_2407 = arith.constant 22 : i32
      %get3A_2408 = arith.index_cast %get3A_2407 : i32 to index
      %get3A_2409 = arith.constant 16 : index
      %get3A_2410 = tpu.vector_load %arg7[%get3A_2408, %get3A_2409] {strides = array<i32>} : memref<200x32xf32, #tpu.memory_space<vmem>>, vector<16xf32>,
      %add3A_2411 = arith.addf %add3A_2391, %get3A_2410 : vector<16xf32>
      %get3A_2412 = arith.constant 23 : i32
      %get3A_2413 = arith.index_cast %get3A_2412 : i32 to index
      %get3A_2414 = arith.constant 0 : index
      %get3A_2415 = tpu.vector_load %arg7[%get3A_2413, %get3A_2414] {strides = array<i32>} : memref<200x32xf32, #tpu.memory_space<vmem>>, vector<16xf32>,
      %add3A_2416 = arith.addf %add3A_2396, %get3A_2415 : vector<16xf32>
      %get3A_2417 = arith.constant 23 : i32
      %get3A_2418 = arith.index_cast %get3A_2417 : i32 to index
      %get3A_2419 = arith.constant 16 : index
      %get3A_2420 = tpu.vector_load %arg7[%get3A_2418, %get3A_2419] {strides = array<i32>} : memref<200x32xf32, #tpu.memory_space<vmem>>, vector<16xf32>,
      %add3A_2421 = arith.addf %add3A_2401, %get3A_2420 : vector<16xf32>
      %get3A_2422 = arith.constant 24 : i32
      %get3A_2423 = arith.index_cast %get3A_2422 : i32 to index
      %get3A_2424 = arith.constant 0 : index
      %get3A_2425 = tpu.vector_load %arg7[%get3A_2423, %get3A_2424] {strides = array<i32>} : memref<200x32xf32, #tpu.memory_space<vmem>>, vector<16xf32>,
      %add3A_2426 = arith.addf %add3A_2406, %get3A_2425 : vector<16xf32>
      %get3A_2427 = arith.constant 24 : i32
      %get3A_2428 = arith.index_cast %get3A_2427 : i32 to index
      %get3A_2429 = arith.constant 16 : index
      %get3A_2430 = tpu.vector_load %arg7[%get3A_2428, %get3A_2429] {strides = array<i32>} : memref<200x32xf32, #tpu.memory_space<vmem>>, vector<16xf32>,
      %add3A_2431 = arith.addf %add3A_2411, %get3A_2430 : vector<16xf32>
      %get3A_2432 = arith.constant 25 : i32
      %get3A_2433 = arith.index_cast %get3A_2432 : i32 to index
      %get3A_2434 = arith.constant 0 : index
      %get3A_2435 = tpu.vector_load %arg7[%get3A_2433, %get3A_2434] {strides = array<i32>} : memref<200x32xf32, #tpu.memory_space<vmem>>, vector<16xf32>,
      %add3A_2436 = arith.addf %add3A_2416, %get3A_2435 : vector<16xf32>
      %get3A_2437 = arith.constant 25 : i32
      %get3A_2438 = arith.index_cast %get3A_2437 : i32 to index
      %get3A_2439 = arith.constant 16 : index
      %get3A_2440 = tpu.vector_load %arg7[%get3A_2438, %get3A_2439] {strides = array<i32>} : memref<200x32xf32, #tpu.memory_space<vmem>>, vector<16xf32>,
      %add3A_2441 = arith.addf %add3A_2421, %get3A_2440 : vector<16xf32>
      %get3A_2442 = arith.constant 26 : i32
      %get3A_2443 = arith.index_cast %get3A_2442 : i32 to index
      %get3A_2444 = arith.constant 0 : index
      %get3A_2445 = tpu.vector_load %arg7[%get3A_2443, %get3A_2444] {strides = array<i32>} : memref<200x32xf32, #tpu.memory_space<vmem>>, vector<16xf32>,
      %add3A_2446 = arith.addf %add3A_2426, %get3A_2445 : vector<16xf32>
      %get3A_2447 = arith.constant 26 : i32
      %get3A_2448 = arith.index_cast %get3A_2447 : i32 to index
      %get3A_2449 = arith.constant 16 : index
      %get3A_2450 = tpu.vector_load %arg7[%get3A_2448, %get3A_2449] {strides = array<i32>} : memref<200x32xf32, #tpu.memory_space<vmem>>, vector<16xf32>,
      %add3A_2451 = arith.addf %add3A_2431, %get3A_2450 : vector<16xf32>
      %get3A_2452 = arith.constant 27 : i32
      %get3A_2453 = arith.index_cast %get3A_2452 : i32 to index
      %get3A_2454 = arith.constant 0 : index
      %get3A_2455 = tpu.vector_load %arg7[%get3A_2453, %get3A_2454] {strides = array<i32>} : memref<200x32xf32, #tpu.memory_space<vmem>>, vector<16xf32>,
      %add3A_2456 = arith.addf %add3A_2436, %get3A_2455 : vector<16xf32>
      %get3A_2457 = arith.constant 27 : i32
      %get3A_2458 = arith.index_cast %get3A_2457 : i32 to index
      %get3A_2459 = arith.constant 16 : index
      %get3A_2460 = tpu.vector_load %arg7[%get3A_2458, %get3A_2459] {strides = array<i32>} : memref<200x32xf32, #tpu.memory_space<vmem>>, vector<16xf32>,
      %add3A_2461 = arith.addf %add3A_2441, %get3A_2460 : vector<16xf32>
      %get3A_2462 = arith.constant 28 : i32
      %get3A_2463 = arith.index_cast %get3A_2462 : i32 to index
      %get3A_2464 = arith.constant 0 : index
      %get3A_2465 = tpu.vector_load %arg7[%get3A_2463, %get3A_2464] {strides = array<i32>} : memref<200x32xf32, #tpu.memory_space<vmem>>, vector<16xf32>,
      %add3A_2466 = arith.addf %add3A_2446, %get3A_2465 : vector<16xf32>
      %get3A_2467 = arith.constant 28 : i32
      %get3A_2468 = arith.index_cast %get3A_2467 : i32 to index
      %get3A_2469 = arith.constant 16 : index
      %get3A_2470 = tpu.vector_load %arg7[%get3A_2468, %get3A_2469] {strides = array<i32>} : memref<200x32xf32, #tpu.memory_space<vmem>>, vector<16xf32>,
      %add3A_2471 = arith.addf %add3A_2451, %get3A_2470 : vector<16xf32>
      %get3A_2472 = arith.constant 29 : i32
      %get3A_2473 = arith.index_cast %get3A_2472 : i32 to index
      %get3A_2474 = arith.constant 0 : index
      %get3A_2475 = tpu.vector_load %arg7[%get3A_2473, %get3A_2474] {strides = array<i32>} : memref<200x32xf32, #tpu.memory_space<vmem>>, vector<16xf32>,
      %add3A_2476 = arith.addf %add3A_2456, %get3A_2475 : vector<16xf32>
      %get3A_2477 = arith.constant 29 : i32
      %get3A_2478 = arith.index_cast %get3A_2477 : i32 to index
      %get3A_2479 = arith.constant 16 : index
      %get3A_2480 = tpu.vector_load %arg7[%get3A_2478, %get3A_2479] {strides = array<i32>} : memref<200x32xf32, #tpu.memory_space<vmem>>, vector<16xf32>,
      %add3A_2481 = arith.addf %add3A_2461, %get3A_2480 : vector<16xf32>
      %get3A_2482 = arith.constant 30 : i32
      %get3A_2483 = arith.index_cast %get3A_2482 : i32 to index
      %get3A_2484 = arith.constant 0 : index
      %get3A_2485 = tpu.vector_load %arg7[%get3A_2483, %get3A_2484] {strides = array<i32>} : memref<200x32xf32, #tpu.memory_space<vmem>>, vector<16xf32>,
      %add3A_2486 = arith.addf %add3A_2466, %get3A_2485 : vector<16xf32>
      %get3A_2487 = arith.constant 30 : i32
      %get3A_2488 = arith.index_cast %get3A_2487 : i32 to index
      %get3A_2489 = arith.constant 16 : index
      %get3A_2490 = tpu.vector_load %arg7[%get3A_2488, %get3A_2489] {strides = array<i32>} : memref<200x32xf32, #tpu.memory_space<vmem>>, vector<16xf32>,
      %add3A_2491 = arith.addf %add3A_2471, %get3A_2490 : vector<16xf32>
      %get3A_2492 = arith.constant 31 : i32
      %get3A_2493 = arith.index_cast %get3A_2492 : i32 to index
      %get3A_2494 = arith.constant 0 : index
      %get3A_2495 = tpu.vector_load %arg7[%get3A_2493, %get3A_2494] {strides = array<i32>} : memref<200x32xf32, #tpu.memory_space<vmem>>, vector<16xf32>,
      %add3A_2496 = arith.addf %add3A_2476, %get3A_2495 : vector<16xf32>
      %get3A_2497 = arith.constant 31 : i32
      %get3A_2498 = arith.index_cast %get3A_2497 : i32 to index
      %get3A_2499 = arith.constant 16 : index
      %get3A_2500 = tpu.vector_load %arg7[%get3A_2498, %get3A_2499] {strides = array<i32>} : memref<200x32xf32, #tpu.memory_space<vmem>>, vector<16xf32>,
      %add3A_2501 = arith.addf %add3A_2481, %get3A_2500 : vector<16xf32>
      %get3A_2502 = arith.constant 32 : i32
      %get3A_2503 = arith.index_cast %get3A_2502 : i32 to index
      %get3A_2504 = arith.constant 0 : index
      %get3A_2505 = tpu.vector_load %arg7[%get3A_2503, %get3A_2504] {strides = array<i32>} : memref<200x32xf32, #tpu.memory_space<vmem>>, vector<16xf32>,
      %add3A_2506 = arith.addf %add3A_2486, %get3A_2505 : vector<16xf32>
      %get3A_2507 = arith.constant 32 : i32
      %get3A_2508 = arith.index_cast %get3A_2507 : i32 to index
      %get3A_2509 = arith.constant 16 : index
      %get3A_2510 = tpu.vector_load %arg7[%get3A_2508, %get3A_2509] {strides = array<i32>} : memref<200x32xf32, #tpu.memory_space<vmem>>, vector<16xf32>,
      %add3A_2511 = arith.addf %add3A_2491, %get3A_2510 : vector<16xf32>
      %get3A_2512 = arith.constant 33 : i32
      %get3A_2513 = arith.index_cast %get3A_2512 : i32 to index
      %get3A_2514 = arith.constant 0 : index
      %get3A_2515 = tpu.vector_load %arg7[%get3A_2513, %get3A_2514] {strides = array<i32>} : memref<200x32xf32, #tpu.memory_space<vmem>>, vector<16xf32>,
      %add3A_2516 = arith.addf %add3A_2496, %get3A_2515 : vector<16xf32>
      %get3A_2517 = arith.constant 33 : i32
      %get3A_2518 = arith.index_cast %get3A_2517 : i32 to index
      %get3A_2519 = arith.constant 16 : index
      %get3A_2520 = tpu.vector_load %arg7[%get3A_2518, %get3A_2519] {strides = array<i32>} : memref<200x32xf32, #tpu.memory_space<vmem>>, vector<16xf32>,
      %add3A_2521 = arith.addf %add3A_2501, %get3A_2520 : vector<16xf32>
      %get3A_2522 = arith.constant 34 : i32
      %get3A_2523 = arith.index_cast %get3A_2522 : i32 to index
      %get3A_2524 = arith.constant 0 : index
      %get3A_2525 = tpu.vector_load %arg7[%get3A_2523, %get3A_2524] {strides = array<i32>} : memref<200x32xf32, #tpu.memory_space<vmem>>, vector<16xf32>,
      %add3A_2526 = arith.addf %add3A_2506, %get3A_2525 : vector<16xf32>
      %get3A_2527 = arith.constant 34 : i32
      %get3A_2528 = arith.index_cast %get3A_2527 : i32 to index
      %get3A_2529 = arith.constant 16 : index
      %get3A_2530 = tpu.vector_load %arg7[%get3A_2528, %get3A_2529] {strides = array<i32>} : memref<200x32xf32, #tpu.memory_space<vmem>>, vector<16xf32>,
      %add3A_2531 = arith.addf %add3A_2511, %get3A_2530 : vector<16xf32>
      %get3A_2532 = arith.constant 35 : i32
      %get3A_2533 = arith.index_cast %get3A_2532 : i32 to index
      %get3A_2534 = arith.constant 0 : index
      %get3A_2535 = tpu.vector_load %arg7[%get3A_2533, %get3A_2534] {strides = array<i32>} : memref<200x32xf32, #tpu.memory_space<vmem>>, vector<16xf32>,
      %add3A_2536 = arith.addf %add3A_2516, %get3A_2535 : vector<16xf32>
      %get3A_2537 = arith.constant 35 : i32
      %get3A_2538 = arith.index_cast %get3A_2537 : i32 to index
      %get3A_2539 = arith.constant 16 : index
      %get3A_2540 = tpu.vector_load %arg7[%get3A_2538, %get3A_2539] {strides = array<i32>} : memref<200x32xf32, #tpu.memory_space<vmem>>, vector<16xf32>,
      %add3A_2541 = arith.addf %add3A_2521, %get3A_2540 : vector<16xf32>
      %get3A_2542 = arith.constant 36 : i32
      %get3A_2543 = arith.index_cast %get3A_2542 : i32 to index
      %get3A_2544 = arith.constant 0 : index
      %get3A_2545 = tpu.vector_load %arg7[%get3A_2543, %get3A_2544] {strides = array<i32>} : memref<200x32xf32, #tpu.memory_space<vmem>>, vector<16xf32>,
      %add3A_2546 = arith.addf %add3A_2526, %get3A_2545 : vector<16xf32>
      %get3A_2547 = arith.constant 36 : i32
      %get3A_2548 = arith.index_cast %get3A_2547 : i32 to index
      %get3A_2549 = arith.constant 16 : index
      %get3A_2550 = tpu.vector_load %arg7[%get3A_2548, %get3A_2549] {strides = array<i32>} : memref<200x32xf32, #tpu.memory_space<vmem>>, vector<16xf32>,
      %add3A_2551 = arith.addf %add3A_2531, %get3A_2550 : vector<16xf32>
      %get3A_2552 = arith.constant 37 : i32
      %get3A_2553 = arith.index_cast %get3A_2552 : i32 to index
      %get3A_2554 = arith.constant 0 : index
      %get3A_2555 = tpu.vector_load %arg7[%get3A_2553, %get3A_2554] {strides = array<i32>} : memref<200x32xf32, #tpu.memory_space<vmem>>, vector<16xf32>,
      %add3A_2556 = arith.addf %add3A_2536, %get3A_2555 : vector<16xf32>
      %get3A_2557 = arith.constant 37 : i32
      %get3A_2558 = arith.index_cast %get3A_2557 : i32 to index
      %get3A_2559 = arith.constant 16 : index
      %get3A_2560 = tpu.vector_load %arg7[%get3A_2558, %get3A_2559] {strides = array<i32>} : memref<200x32xf32, #tpu.memory_space<vmem>>, vector<16xf32>,
      %add3A_2561 = arith.addf %add3A_2541, %get3A_2560 : vector<16xf32>
      %get3A_2562 = arith.constant 38 : i32
      %get3A_2563 = arith.index_cast %get3A_2562 : i32 to index
      %get3A_2564 = arith.constant 0 : index
      %get3A_2565 = tpu.vector_load %arg7[%get3A_2563, %get3A_2564] {strides = array<i32>} : memref<200x32xf32, #tpu.memory_space<vmem>>, vector<16xf32>,
      %add3A_2566 = arith.addf %add3A_2546, %get3A_2565 : vector<16xf32>
      %get3A_2567 = arith.constant 38 : i32
      %get3A_2568 = arith.index_cast %get3A_2567 : i32 to index
      %get3A_2569 = arith.constant 16 : index
      %get3A_2570 = tpu.vector_load %arg7[%get3A_2568, %get3A_2569] {strides = array<i32>} : memref<200x32xf32, #tpu.memory_space<vmem>>, vector<16xf32>,
      %add3A_2571 = arith.addf %add3A_2551, %get3A_2570 : vector<16xf32>
      %get3A_2572 = arith.constant 39 : i32
      %get3A_2573 = arith.index_cast %get3A_2572 : i32 to index
      %get3A_2574 = arith.constant 0 : index
      %get3A_2575 = tpu.vector_load %arg7[%get3A_2573, %get3A_2574] {strides = array<i32>} : memref<200x32xf32, #tpu.memory_space<vmem>>, vector<16xf32>,
      %add3A_2576 = arith.addf %add3A_2556, %get3A_2575 : vector<16xf32>
      %get3A_2577 = arith.constant 39 : i32
      %get3A_2578 = arith.index_cast %get3A_2577 : i32 to index
      %get3A_2579 = arith.constant 16 : index
      %get3A_2580 = tpu.vector_load %arg7[%get3A_2578, %get3A_2579] {strides = array<i32>} : memref<200x32xf32, #tpu.memory_space<vmem>>, vector<16xf32>,
      %add3A_2581 = arith.addf %add3A_2561, %get3A_2580 : vector<16xf32>
      %get3A_2582 = arith.constant 40 : i32
      %get3A_2583 = arith.index_cast %get3A_2582 : i32 to index
      %get3A_2584 = arith.constant 0 : index
      %get3A_2585 = tpu.vector_load %arg7[%get3A_2583, %get3A_2584] {strides = array<i32>} : memref<200x32xf32, #tpu.memory_space<vmem>>, vector<16xf32>,
      %add3A_2586 = arith.addf %add3A_2566, %get3A_2585 : vector<16xf32>
      %get3A_2587 = arith.constant 40 : i32
      %get3A_2588 = arith.index_cast %get3A_2587 : i32 to index
      %get3A_2589 = arith.constant 16 : index
      %get3A_2590 = tpu.vector_load %arg7[%get3A_2588, %get3A_2589] {strides = array<i32>} : memref<200x32xf32, #tpu.memory_space<vmem>>, vector<16xf32>,
      %add3A_2591 = arith.addf %add3A_2571, %get3A_2590 : vector<16xf32>
      %get3A_2592 = arith.constant 41 : i32
      %get3A_2593 = arith.index_cast %get3A_2592 : i32 to index
      %get3A_2594 = arith.constant 0 : index
      %get3A_2595 = tpu.vector_load %arg7[%get3A_2593, %get3A_2594] {strides = array<i32>} : memref<200x32xf32, #tpu.memory_space<vmem>>, vector<16xf32>,
      %add3A_2596 = arith.addf %add3A_2576, %get3A_2595 : vector<16xf32>
      %get3A_2597 = arith.constant 41 : i32
      %get3A_2598 = arith.index_cast %get3A_2597 : i32 to index
      %get3A_2599 = arith.constant 16 : index
      %get3A_2600 = tpu.vector_load %arg7[%get3A_2598, %get3A_2599] {strides = array<i32>} : memref<200x32xf32, #tpu.memory_space<vmem>>, vector<16xf32>,
      %add3A_2601 = arith.addf %add3A_2581, %get3A_2600 : vector<16xf32>
      %get3A_2602 = arith.constant 42 : i32
      %get3A_2603 = arith.index_cast %get3A_2602 : i32 to index
      %get3A_2604 = arith.constant 0 : index
      %get3A_2605 = tpu.vector_load %arg7[%get3A_2603, %get3A_2604] {strides = array<i32>} : memref<200x32xf32, #tpu.memory_space<vmem>>, vector<16xf32>,
      %add3A_2606 = arith.addf %add3A_2586, %get3A_2605 : vector<16xf32>
      %get3A_2607 = arith.constant 42 : i32
      %get3A_2608 = arith.index_cast %get3A_2607 : i32 to index
      %get3A_2609 = arith.constant 16 : index
      %get3A_2610 = tpu.vector_load %arg7[%get3A_2608, %get3A_2609] {strides = array<i32>} : memref<200x32xf32, #tpu.memory_space<vmem>>, vector<16xf32>,
      %add3A_2611 = arith.addf %add3A_2591, %get3A_2610 : vector<16xf32>
      %get3A_2612 = arith.constant 43 : i32
      %get3A_2613 = arith.index_cast %get3A_2612 : i32 to index
      %get3A_2614 = arith.constant 0 : index
      %get3A_2615 = tpu.vector_load %arg7[%get3A_2613, %get3A_2614] {strides = array<i32>} : memref<200x32xf32, #tpu.memory_space<vmem>>, vector<16xf32>,
      %add3A_2616 = arith.addf %add3A_2596, %get3A_2615 : vector<16xf32>
      %get3A_2617 = arith.constant 43 : i32
      %get3A_2618 = arith.index_cast %get3A_2617 : i32 to index
      %get3A_2619 = arith.constant 16 : index
      %get3A_2620 = tpu.vector_load %arg7[%get3A_2618, %get3A_2619] {strides = array<i32>} : memref<200x32xf32, #tpu.memory_space<vmem>>, vector<16xf32>,
      %add3A_2621 = arith.addf %add3A_2601, %get3A_2620 : vector<16xf32>
      %get3A_2622 = arith.constant 44 : i32
      %get3A_2623 = arith.index_cast %get3A_2622 : i32 to index
      %get3A_2624 = arith.constant 0 : index
      %get3A_2625 = tpu.vector_load %arg7[%get3A_2623, %get3A_2624] {strides = array<i32>} : memref<200x32xf32, #tpu.memory_space<vmem>>, vector<16xf32>,
      %add3A_2626 = arith.addf %add3A_2606, %get3A_2625 : vector<16xf32>
      %get3A_2627 = arith.constant 44 : i32
      %get3A_2628 = arith.index_cast %get3A_2627 : i32 to index
      %get3A_2629 = arith.constant 16 : index
      %get3A_2630 = tpu.vector_load %arg7[%get3A_2628, %get3A_2629] {strides = array<i32>} : memref<200x32xf32, #tpu.memory_space<vmem>>, vector<16xf32>,
      %add3A_2631 = arith.addf %add3A_2611, %get3A_2630 : vector<16xf32>
      %get3A_2632 = arith.constant 45 : i32
      %get3A_2633 = arith.index_cast %get3A_2632 : i32 to index
      %get3A_2634 = arith.constant 0 : index
      %get3A_2635 = tpu.vector_load %arg7[%get3A_2633, %get3A_2634] {strides = array<i32>} : memref<200x32xf32, #tpu.memory_space<vmem>>, vector<16xf32>,
      %add3A_2636 = arith.addf %add3A_2616, %get3A_2635 : vector<16xf32>
      %get3A_2637 = arith.constant 45 : i32
      %get3A_2638 = arith.index_cast %get3A_2637 : i32 to index
      %get3A_2639 = arith.constant 16 : index
      %get3A_2640 = tpu.vector_load %arg7[%get3A_2638, %get3A_2639] {strides = array<i32>} : memref<200x32xf32, #tpu.memory_space<vmem>>, vector<16xf32>,
      %add3A_2641 = arith.addf %add3A_2621, %get3A_2640 : vector<16xf32>
      %get3A_2642 = arith.constant 46 : i32
      %get3A_2643 = arith.index_cast %get3A_2642 : i32 to index
      %get3A_2644 = arith.constant 0 : index
      %get3A_2645 = tpu.vector_load %arg7[%get3A_2643, %get3A_2644] {strides = array<i32>} : memref<200x32xf32, #tpu.memory_space<vmem>>, vector<16xf32>,
      %add3A_2646 = arith.addf %add3A_2626, %get3A_2645 : vector<16xf32>
      %get3A_2647 = arith.constant 46 : i32
      %get3A_2648 = arith.index_cast %get3A_2647 : i32 to index
      %get3A_2649 = arith.constant 16 : index
      %get3A_2650 = tpu.vector_load %arg7[%get3A_2648, %get3A_2649] {strides = array<i32>} : memref<200x32xf32, #tpu.memory_space<vmem>>, vector<16xf32>,
      %add3A_2651 = arith.addf %add3A_2631, %get3A_2650 : vector<16xf32>
      %get3A_2652 = arith.constant 47 : i32
      %get3A_2653 = arith.index_cast %get3A_2652 : i32 to index
      %get3A_2654 = arith.constant 0 : index
      %get3A_2655 = tpu.vector_load %arg7[%get3A_2653, %get3A_2654] {strides = array<i32>} : memref<200x32xf32, #tpu.memory_space<vmem>>, vector<16xf32>,
      %add3A_2656 = arith.addf %add3A_2636, %get3A_2655 : vector<16xf32>
      %get3A_2657 = arith.constant 47 : i32
      %get3A_2658 = arith.index_cast %get3A_2657 : i32 to index
      %get3A_2659 = arith.constant 16 : index
      %get3A_2660 = tpu.vector_load %arg7[%get3A_2658, %get3A_2659] {strides = array<i32>} : memref<200x32xf32, #tpu.memory_space<vmem>>, vector<16xf32>,
      %add3A_2661 = arith.addf %add3A_2641, %get3A_2660 : vector<16xf32>
      %get3A_2662 = arith.constant 48 : i32
      %get3A_2663 = arith.index_cast %get3A_2662 : i32 to index
      %get3A_2664 = arith.constant 0 : index
      %get3A_2665 = tpu.vector_load %arg7[%get3A_2663, %get3A_2664] {strides = array<i32>} : memref<200x32xf32, #tpu.memory_space<vmem>>, vector<16xf32>,
      %add3A_2666 = arith.addf %add3A_2646, %get3A_2665 : vector<16xf32>
      %get3A_2667 = arith.constant 48 : i32
      %get3A_2668 = arith.index_cast %get3A_2667 : i32 to index
      %get3A_2669 = arith.constant 16 : index
      %get3A_2670 = tpu.vector_load %arg7[%get3A_2668, %get3A_2669] {strides = array<i32>} : memref<200x32xf32, #tpu.memory_space<vmem>>, vector<16xf32>,
      %add3A_2671 = arith.addf %add3A_2651, %get3A_2670 : vector<16xf32>
      %get3A_2672 = arith.constant 49 : i32
      %get3A_2673 = arith.index_cast %get3A_2672 : i32 to index
      %get3A_2674 = arith.constant 0 : index
      %get3A_2675 = tpu.vector_load %arg7[%get3A_2673, %get3A_2674] {strides = array<i32>} : memref<200x32xf32, #tpu.memory_space<vmem>>, vector<16xf32>,
      %add3A_2676 = arith.addf %add3A_2656, %get3A_2675 : vector<16xf32>
      %get3A_2677 = arith.constant 49 : i32
      %get3A_2678 = arith.index_cast %get3A_2677 : i32 to index
      %get3A_2679 = arith.constant 16 : index
      %get3A_2680 = tpu.vector_load %arg7[%get3A_2678, %get3A_2679] {strides = array<i32>} : memref<200x32xf32, #tpu.memory_space<vmem>>, vector<16xf32>,
      %add3A_2681 = arith.addf %add3A_2661, %get3A_2680 : vector<16xf32>
      %mul3A_2682 = arith.constant 4 : i32
      %mul3A_2683 = arith.muli %add3A_2148, %mul3A_2682 : i32
      %add3A_2684 = arith.constant 0 : i32
      %add3A_2685 = arith.addi %mul3A_2683, %add3A_2684 : i32
      %add3A_2686 = arith.addf %add3A_2666, %add3A_2676 : vector<16xf32>
      %mul3A_2687 = vector.broadcast %scan3A_18 : f32 to vector<16xf32>
      %mul3A_2688 = arith.mulf %add3A_2686, %mul3A_2687 : vector<16xf32>
      %swap3A_2689 = arith.index_cast %add3A_2685 : i32 to index
      %swap3A_2690 = arith.constant 0 : index
      %swap3A_2691 = tpu.vector_load %arg8[%swap3A_2689, %swap3A_2690] {strides = array<i32>} : memref<512x128xf32, #tpu.memory_space<vmem>>, vector<16xf32>,
      tpu.vector_store %arg8[%swap3A_2689, %swap3A_2690], %mul3A_2688 {strides = array<i32>} : memref<512x128xf32, #tpu.memory_space<vmem>>, vector<16xf32>,
      %add3A_2692 = arith.addf %add3A_2671, %add3A_2681 : vector<16xf32>
      %mul3A_2693 = vector.broadcast %scan3A_18 : f32 to vector<16xf32>
      %mul3A_2694 = arith.mulf %add3A_2692, %mul3A_2693 : vector<16xf32>
      %swap3A_2695 = arith.index_cast %add3A_2685 : i32 to index
      %swap3A_2696 = arith.constant 16 : index
      %swap3A_2697 = tpu.vector_load %arg8[%swap3A_2695, %swap3A_2696] {strides = array<i32>} : memref<512x128xf32, #tpu.memory_space<vmem>>, vector<16xf32>,
      tpu.vector_store %arg8[%swap3A_2695, %swap3A_2696], %mul3A_2694 {strides = array<i32>} : memref<512x128xf32, #tpu.memory_space<vmem>>, vector<16xf32>,
      %broadcast_in_dim3A_2698 = arith.constant 0.000000e+00 : f32
      %broadcast_in_dim3A_2699 = vector.broadcast %broadcast_in_dim3A_2698 : f32 to vector<16xf32>
      %broadcast_in_dim3A_2700 = arith.constant 0.000000e+00 : f32
      %broadcast_in_dim3A_2701 = vector.broadcast %broadcast_in_dim3A_2700 : f32 to vector<16xf32>
      %broadcast_in_dim3A_2702 = arith.constant 0.000000e+00 : f32
      %broadcast_in_dim3A_2703 = vector.broadcast %broadcast_in_dim3A_2702 : f32 to vector<16xf32>
      %broadcast_in_dim3A_2704 = arith.constant 0.000000e+00 : f32
      %broadcast_in_dim3A_2705 = vector.broadcast %broadcast_in_dim3A_2704 : f32 to vector<16xf32>
      %get3A_2706 = arith.constant 50 : i32
      %get3A_2707 = arith.index_cast %get3A_2706 : i32 to index
      %get3A_2708 = arith.constant 0 : index
      %get3A_2709 = tpu.vector_load %arg7[%get3A_2707, %get3A_2708] {strides = array<i32>} : memref<200x32xf32, #tpu.memory_space<vmem>>, vector<16xf32>,
      %add3A_2710 = arith.addf %broadcast_in_dim3A_2699, %get3A_2709 : vector<16xf32>
      %get3A_2711 = arith.constant 50 : i32
      %get3A_2712 = arith.index_cast %get3A_2711 : i32 to index
      %get3A_2713 = arith.constant 16 : index
      %get3A_2714 = tpu.vector_load %arg7[%get3A_2712, %get3A_2713] {strides = array<i32>} : memref<200x32xf32, #tpu.memory_space<vmem>>, vector<16xf32>,
      %add3A_2715 = arith.addf %broadcast_in_dim3A_2701, %get3A_2714 : vector<16xf32>
      %get3A_2716 = arith.constant 51 : i32
      %get3A_2717 = arith.index_cast %get3A_2716 : i32 to index
      %get3A_2718 = arith.constant 0 : index
      %get3A_2719 = tpu.vector_load %arg7[%get3A_2717, %get3A_2718] {strides = array<i32>} : memref<200x32xf32, #tpu.memory_space<vmem>>, vector<16xf32>,
      %add3A_2720 = arith.addf %broadcast_in_dim3A_2703, %get3A_2719 : vector<16xf32>
      %get3A_2721 = arith.constant 51 : i32
      %get3A_2722 = arith.index_cast %get3A_2721 : i32 to index
      %get3A_2723 = arith.constant 16 : index
      %get3A_2724 = tpu.vector_load %arg7[%get3A_2722, %get3A_2723] {strides = array<i32>} : memref<200x32xf32, #tpu.memory_space<vmem>>, vector<16xf32>,
      %add3A_2725 = arith.addf %broadcast_in_dim3A_2705, %get3A_2724 : vector<16xf32>
      %get3A_2726 = arith.constant 52 : i32
      %get3A_2727 = arith.index_cast %get3A_2726 : i32 to index
      %get3A_2728 = arith.constant 0 : index
      %get3A_2729 = tpu.vector_load %arg7[%get3A_2727, %get3A_2728] {strides = array<i32>} : memref<200x32xf32, #tpu.memory_space<vmem>>, vector<16xf32>,
      %add3A_2730 = arith.addf %add3A_2710, %get3A_2729 : vector<16xf32>
      %get3A_2731 = arith.constant 52 : i32
      %get3A_2732 = arith.index_cast %get3A_2731 : i32 to index
      %get3A_2733 = arith.constant 16 : index
      %get3A_2734 = tpu.vector_load %arg7[%get3A_2732, %get3A_2733] {strides = array<i32>} : memref<200x32xf32, #tpu.memory_space<vmem>>, vector<16xf32>,
      %add3A_2735 = arith.addf %add3A_2715, %get3A_2734 : vector<16xf32>
      %get3A_2736 = arith.constant 53 : i32
      %get3A_2737 = arith.index_cast %get3A_2736 : i32 to index
      %get3A_2738 = arith.constant 0 : index
      %get3A_2739 = tpu.vector_load %arg7[%get3A_2737, %get3A_2738] {strides = array<i32>} : memref<200x32xf32, #tpu.memory_space<vmem>>, vector<16xf32>,
      %add3A_2740 = arith.addf %add3A_2720, %get3A_2739 : vector<16xf32>
      %get3A_2741 = arith.constant 53 : i32
      %get3A_2742 = arith.index_cast %get3A_2741 : i32 to index
      %get3A_2743 = arith.constant 16 : index
      %get3A_2744 = tpu.vector_load %arg7[%get3A_2742, %get3A_2743] {strides = array<i32>} : memref<200x32xf32, #tpu.memory_space<vmem>>, vector<16xf32>,
      %add3A_2745 = arith.addf %add3A_2725, %get3A_2744 : vector<16xf32>
      %get3A_2746 = arith.constant 54 : i32
      %get3A_2747 = arith.index_cast %get3A_2746 : i32 to index
      %get3A_2748 = arith.constant 0 : index
      %get3A_2749 = tpu.vector_load %arg7[%get3A_2747, %get3A_2748] {strides = array<i32>} : memref<200x32xf32, #tpu.memory_space<vmem>>, vector<16xf32>,
      %add3A_2750 = arith.addf %add3A_2730, %get3A_2749 : vector<16xf32>
      %get3A_2751 = arith.constant 54 : i32
      %get3A_2752 = arith.index_cast %get3A_2751 : i32 to index
      %get3A_2753 = arith.constant 16 : index
      %get3A_2754 = tpu.vector_load %arg7[%get3A_2752, %get3A_2753] {strides = array<i32>} : memref<200x32xf32, #tpu.memory_space<vmem>>, vector<16xf32>,
      %add3A_2755 = arith.addf %add3A_2735, %get3A_2754 : vector<16xf32>
      %get3A_2756 = arith.constant 55 : i32
      %get3A_2757 = arith.index_cast %get3A_2756 : i32 to index
      %get3A_2758 = arith.constant 0 : index
      %get3A_2759 = tpu.vector_load %arg7[%get3A_2757, %get3A_2758] {strides = array<i32>} : memref<200x32xf32, #tpu.memory_space<vmem>>, vector<16xf32>,
      %add3A_2760 = arith.addf %add3A_2740, %get3A_2759 : vector<16xf32>
      %get3A_2761 = arith.constant 55 : i32
      %get3A_2762 = arith.index_cast %get3A_2761 : i32 to index
      %get3A_2763 = arith.constant 16 : index
      %get3A_2764 = tpu.vector_load %arg7[%get3A_2762, %get3A_2763] {strides = array<i32>} : memref<200x32xf32, #tpu.memory_space<vmem>>, vector<16xf32>,
      %add3A_2765 = arith.addf %add3A_2745, %get3A_2764 : vector<16xf32>
      %get3A_2766 = arith.constant 56 : i32
      %get3A_2767 = arith.index_cast %get3A_2766 : i32 to index
      %get3A_2768 = arith.constant 0 : index
      %get3A_2769 = tpu.vector_load %arg7[%get3A_2767, %get3A_2768] {strides = array<i32>} : memref<200x32xf32, #tpu.memory_space<vmem>>, vector<16xf32>,
      %add3A_2770 = arith.addf %add3A_2750, %get3A_2769 : vector<16xf32>
      %get3A_2771 = arith.constant 56 : i32
      %get3A_2772 = arith.index_cast %get3A_2771 : i32 to index
      %get3A_2773 = arith.constant 16 : index
      %get3A_2774 = tpu.vector_load %arg7[%get3A_2772, %get3A_2773] {strides = array<i32>} : memref<200x32xf32, #tpu.memory_space<vmem>>, vector<16xf32>,
      %add3A_2775 = arith.addf %add3A_2755, %get3A_2774 : vector<16xf32>
      %get3A_2776 = arith.constant 57 : i32
      %get3A_2777 = arith.index_cast %get3A_2776 : i32 to index
      %get3A_2778 = arith.constant 0 : index
      %get3A_2779 = tpu.vector_load %arg7[%get3A_2777, %get3A_2778] {strides = array<i32>} : memref<200x32xf32, #tpu.memory_space<vmem>>, vector<16xf32>,
      %add3A_2780 = arith.addf %add3A_2760, %get3A_2779 : vector<16xf32>
      %get3A_2781 = arith.constant 57 : i32
      %get3A_2782 = arith.index_cast %get3A_2781 : i32 to index
      %get3A_2783 = arith.constant 16 : index
      %get3A_2784 = tpu.vector_load %arg7[%get3A_2782, %get3A_2783] {strides = array<i32>} : memref<200x32xf32, #tpu.memory_space<vmem>>, vector<16xf32>,
      %add3A_2785 = arith.addf %add3A_2765, %get3A_2784 : vector<16xf32>
      %get3A_2786 = arith.constant 58 : i32
      %get3A_2787 = arith.index_cast %get3A_2786 : i32 to index
      %get3A_2788 = arith.constant 0 : index
      %get3A_2789 = tpu.vector_load %arg7[%get3A_2787, %get3A_2788] {strides = array<i32>} : memref<200x32xf32, #tpu.memory_space<vmem>>, vector<16xf32>,
      %add3A_2790 = arith.addf %add3A_2770, %get3A_2789 : vector<16xf32>
      %get3A_2791 = arith.constant 58 : i32
      %get3A_2792 = arith.index_cast %get3A_2791 : i32 to index
      %get3A_2793 = arith.constant 16 : index
      %get3A_2794 = tpu.vector_load %arg7[%get3A_2792, %get3A_2793] {strides = array<i32>} : memref<200x32xf32, #tpu.memory_space<vmem>>, vector<16xf32>,
      %add3A_2795 = arith.addf %add3A_2775, %get3A_2794 : vector<16xf32>
      %get3A_2796 = arith.constant 59 : i32
      %get3A_2797 = arith.index_cast %get3A_2796 : i32 to index
      %get3A_2798 = arith.constant 0 : index
      %get3A_2799 = tpu.vector_load %arg7[%get3A_2797, %get3A_2798] {strides = array<i32>} : memref<200x32xf32, #tpu.memory_space<vmem>>, vector<16xf32>,
      %add3A_2800 = arith.addf %add3A_2780, %get3A_2799 : vector<16xf32>
      %get3A_2801 = arith.constant 59 : i32
      %get3A_2802 = arith.index_cast %get3A_2801 : i32 to index
      %get3A_2803 = arith.constant 16 : index
      %get3A_2804 = tpu.vector_load %arg7[%get3A_2802, %get3A_2803] {strides = array<i32>} : memref<200x32xf32, #tpu.memory_space<vmem>>, vector<16xf32>,
      %add3A_2805 = arith.addf %add3A_2785, %get3A_2804 : vector<16xf32>
      %get3A_2806 = arith.constant 60 : i32
      %get3A_2807 = arith.index_cast %get3A_2806 : i32 to index
      %get3A_2808 = arith.constant 0 : index
      %get3A_2809 = tpu.vector_load %arg7[%get3A_2807, %get3A_2808] {strides = array<i32>} : memref<200x32xf32, #tpu.memory_space<vmem>>, vector<16xf32>,
      %add3A_2810 = arith.addf %add3A_2790, %get3A_2809 : vector<16xf32>
      %get3A_2811 = arith.constant 60 : i32
      %get3A_2812 = arith.index_cast %get3A_2811 : i32 to index
      %get3A_2813 = arith.constant 16 : index
      %get3A_2814 = tpu.vector_load %arg7[%get3A_2812, %get3A_2813] {strides = array<i32>} : memref<200x32xf32, #tpu.memory_space<vmem>>, vector<16xf32>,
      %add3A_2815 = arith.addf %add3A_2795, %get3A_2814 : vector<16xf32>
      %get3A_2816 = arith.constant 61 : i32
      %get3A_2817 = arith.index_cast %get3A_2816 : i32 to index
      %get3A_2818 = arith.constant 0 : index
      %get3A_2819 = tpu.vector_load %arg7[%get3A_2817, %get3A_2818] {strides = array<i32>} : memref<200x32xf32, #tpu.memory_space<vmem>>, vector<16xf32>,
      %add3A_2820 = arith.addf %add3A_2800, %get3A_2819 : vector<16xf32>
      %get3A_2821 = arith.constant 61 : i32
      %get3A_2822 = arith.index_cast %get3A_2821 : i32 to index
      %get3A_2823 = arith.constant 16 : index
      %get3A_2824 = tpu.vector_load %arg7[%get3A_2822, %get3A_2823] {strides = array<i32>} : memref<200x32xf32, #tpu.memory_space<vmem>>, vector<16xf32>,
      %add3A_2825 = arith.addf %add3A_2805, %get3A_2824 : vector<16xf32>
      %get3A_2826 = arith.constant 62 : i32
      %get3A_2827 = arith.index_cast %get3A_2826 : i32 to index
      %get3A_2828 = arith.constant 0 : index
      %get3A_2829 = tpu.vector_load %arg7[%get3A_2827, %get3A_2828] {strides = array<i32>} : memref<200x32xf32, #tpu.memory_space<vmem>>, vector<16xf32>,
      %add3A_2830 = arith.addf %add3A_2810, %get3A_2829 : vector<16xf32>
      %get3A_2831 = arith.constant 62 : i32
      %get3A_2832 = arith.index_cast %get3A_2831 : i32 to index
      %get3A_2833 = arith.constant 16 : index
      %get3A_2834 = tpu.vector_load %arg7[%get3A_2832, %get3A_2833] {strides = array<i32>} : memref<200x32xf32, #tpu.memory_space<vmem>>, vector<16xf32>,
      %add3A_2835 = arith.addf %add3A_2815, %get3A_2834 : vector<16xf32>
      %get3A_2836 = arith.constant 63 : i32
      %get3A_2837 = arith.index_cast %get3A_2836 : i32 to index
      %get3A_2838 = arith.constant 0 : index
      %get3A_2839 = tpu.vector_load %arg7[%get3A_2837, %get3A_2838] {strides = array<i32>} : memref<200x32xf32, #tpu.memory_space<vmem>>, vector<16xf32>,
      %add3A_2840 = arith.addf %add3A_2820, %get3A_2839 : vector<16xf32>
      %get3A_2841 = arith.constant 63 : i32
      %get3A_2842 = arith.index_cast %get3A_2841 : i32 to index
      %get3A_2843 = arith.constant 16 : index
      %get3A_2844 = tpu.vector_load %arg7[%get3A_2842, %get3A_2843] {strides = array<i32>} : memref<200x32xf32, #tpu.memory_space<vmem>>, vector<16xf32>,
      %add3A_2845 = arith.addf %add3A_2825, %get3A_2844 : vector<16xf32>
      %get3A_2846 = arith.constant 64 : i32
      %get3A_2847 = arith.index_cast %get3A_2846 : i32 to index
      %get3A_2848 = arith.constant 0 : index
      %get3A_2849 = tpu.vector_load %arg7[%get3A_2847, %get3A_2848] {strides = array<i32>} : memref<200x32xf32, #tpu.memory_space<vmem>>, vector<16xf32>,
      %add3A_2850 = arith.addf %add3A_2830, %get3A_2849 : vector<16xf32>
      %get3A_2851 = arith.constant 64 : i32
      %get3A_2852 = arith.index_cast %get3A_2851 : i32 to index
      %get3A_2853 = arith.constant 16 : index
      %get3A_2854 = tpu.vector_load %arg7[%get3A_2852, %get3A_2853] {strides = array<i32>} : memref<200x32xf32, #tpu.memory_space<vmem>>, vector<16xf32>,
      %add3A_2855 = arith.addf %add3A_2835, %get3A_2854 : vector<16xf32>
      %get3A_2856 = arith.constant 65 : i32
      %get3A_2857 = arith.index_cast %get3A_2856 : i32 to index
      %get3A_2858 = arith.constant 0 : index
      %get3A_2859 = tpu.vector_load %arg7[%get3A_2857, %get3A_2858] {strides = array<i32>} : memref<200x32xf32, #tpu.memory_space<vmem>>, vector<16xf32>,
      %add3A_2860 = arith.addf %add3A_2840, %get3A_2859 : vector<16xf32>
      %get3A_2861 = arith.constant 65 : i32
      %get3A_2862 = arith.index_cast %get3A_2861 : i32 to index
      %get3A_2863 = arith.constant 16 : index
      %get3A_2864 = tpu.vector_load %arg7[%get3A_2862, %get3A_2863] {strides = array<i32>} : memref<200x32xf32, #tpu.memory_space<vmem>>, vector<16xf32>,
      %add3A_2865 = arith.addf %add3A_2845, %get3A_2864 : vector<16xf32>
      %get3A_2866 = arith.constant 66 : i32
      %get3A_2867 = arith.index_cast %get3A_2866 : i32 to index
      %get3A_2868 = arith.constant 0 : index
      %get3A_2869 = tpu.vector_load %arg7[%get3A_2867, %get3A_2868] {strides = array<i32>} : memref<200x32xf32, #tpu.memory_space<vmem>>, vector<16xf32>,
      %add3A_2870 = arith.addf %add3A_2850, %get3A_2869 : vector<16xf32>
      %get3A_2871 = arith.constant 66 : i32
      %get3A_2872 = arith.index_cast %get3A_2871 : i32 to index
      %get3A_2873 = arith.constant 16 : index
      %get3A_2874 = tpu.vector_load %arg7[%get3A_2872, %get3A_2873] {strides = array<i32>} : memref<200x32xf32, #tpu.memory_space<vmem>>, vector<16xf32>,
      %add3A_2875 = arith.addf %add3A_2855, %get3A_2874 : vector<16xf32>
      %get3A_2876 = arith.constant 67 : i32
      %get3A_2877 = arith.index_cast %get3A_2876 : i32 to index
      %get3A_2878 = arith.constant 0 : index
      %get3A_2879 = tpu.vector_load %arg7[%get3A_2877, %get3A_2878] {strides = array<i32>} : memref<200x32xf32, #tpu.memory_space<vmem>>, vector<16xf32>,
      %add3A_2880 = arith.addf %add3A_2860, %get3A_2879 : vector<16xf32>
      %get3A_2881 = arith.constant 67 : i32
      %get3A_2882 = arith.index_cast %get3A_2881 : i32 to index
      %get3A_2883 = arith.constant 16 : index
      %get3A_2884 = tpu.vector_load %arg7[%get3A_2882, %get3A_2883] {strides = array<i32>} : memref<200x32xf32, #tpu.memory_space<vmem>>, vector<16xf32>,
      %add3A_2885 = arith.addf %add3A_2865, %get3A_2884 : vector<16xf32>
      %get3A_2886 = arith.constant 68 : i32
      %get3A_2887 = arith.index_cast %get3A_2886 : i32 to index
      %get3A_2888 = arith.constant 0 : index
      %get3A_2889 = tpu.vector_load %arg7[%get3A_2887, %get3A_2888] {strides = array<i32>} : memref<200x32xf32, #tpu.memory_space<vmem>>, vector<16xf32>,
      %add3A_2890 = arith.addf %add3A_2870, %get3A_2889 : vector<16xf32>
      %get3A_2891 = arith.constant 68 : i32
      %get3A_2892 = arith.index_cast %get3A_2891 : i32 to index
      %get3A_2893 = arith.constant 16 : index
      %get3A_2894 = tpu.vector_load %arg7[%get3A_2892, %get3A_2893] {strides = array<i32>} : memref<200x32xf32, #tpu.memory_space<vmem>>, vector<16xf32>,
      %add3A_2895 = arith.addf %add3A_2875, %get3A_2894 : vector<16xf32>
      %get3A_2896 = arith.constant 69 : i32
      %get3A_2897 = arith.index_cast %get3A_2896 : i32 to index
      %get3A_2898 = arith.constant 0 : index
      %get3A_2899 = tpu.vector_load %arg7[%get3A_2897, %get3A_2898] {strides = array<i32>} : memref<200x32xf32, #tpu.memory_space<vmem>>, vector<16xf32>,
      %add3A_2900 = arith.addf %add3A_2880, %get3A_2899 : vector<16xf32>
      %get3A_2901 = arith.constant 69 : i32
      %get3A_2902 = arith.index_cast %get3A_2901 : i32 to index
      %get3A_2903 = arith.constant 16 : index
      %get3A_2904 = tpu.vector_load %arg7[%get3A_2902, %get3A_2903] {strides = array<i32>} : memref<200x32xf32, #tpu.memory_space<vmem>>, vector<16xf32>,
      %add3A_2905 = arith.addf %add3A_2885, %get3A_2904 : vector<16xf32>
      %get3A_2906 = arith.constant 70 : i32
      %get3A_2907 = arith.index_cast %get3A_2906 : i32 to index
      %get3A_2908 = arith.constant 0 : index
      %get3A_2909 = tpu.vector_load %arg7[%get3A_2907, %get3A_2908] {strides = array<i32>} : memref<200x32xf32, #tpu.memory_space<vmem>>, vector<16xf32>,
      %add3A_2910 = arith.addf %add3A_2890, %get3A_2909 : vector<16xf32>
      %get3A_2911 = arith.constant 70 : i32
      %get3A_2912 = arith.index_cast %get3A_2911 : i32 to index
      %get3A_2913 = arith.constant 16 : index
      %get3A_2914 = tpu.vector_load %arg7[%get3A_2912, %get3A_2913] {strides = array<i32>} : memref<200x32xf32, #tpu.memory_space<vmem>>, vector<16xf32>,
      %add3A_2915 = arith.addf %add3A_2895, %get3A_2914 : vector<16xf32>
      %get3A_2916 = arith.constant 71 : i32
      %get3A_2917 = arith.index_cast %get3A_2916 : i32 to index
      %get3A_2918 = arith.constant 0 : index
      %get3A_2919 = tpu.vector_load %arg7[%get3A_2917, %get3A_2918] {strides = array<i32>} : memref<200x32xf32, #tpu.memory_space<vmem>>, vector<16xf32>,
      %add3A_2920 = arith.addf %add3A_2900, %get3A_2919 : vector<16xf32>
      %get3A_2921 = arith.constant 71 : i32
      %get3A_2922 = arith.index_cast %get3A_2921 : i32 to index
      %get3A_2923 = arith.constant 16 : index
      %get3A_2924 = tpu.vector_load %arg7[%get3A_2922, %get3A_2923] {strides = array<i32>} : memref<200x32xf32, #tpu.memory_space<vmem>>, vector<16xf32>,
      %add3A_2925 = arith.addf %add3A_2905, %get3A_2924 : vector<16xf32>
      %get3A_2926 = arith.constant 72 : i32
      %get3A_2927 = arith.index_cast %get3A_2926 : i32 to index
      %get3A_2928 = arith.constant 0 : index
      %get3A_2929 = tpu.vector_load %arg7[%get3A_2927, %get3A_2928] {strides = array<i32>} : memref<200x32xf32, #tpu.memory_space<vmem>>, vector<16xf32>,
      %add3A_2930 = arith.addf %add3A_2910, %get3A_2929 : vector<16xf32>
      %get3A_2931 = arith.constant 72 : i32
      %get3A_2932 = arith.index_cast %get3A_2931 : i32 to index
      %get3A_2933 = arith.constant 16 : index
      %get3A_2934 = tpu.vector_load %arg7[%get3A_2932, %get3A_2933] {strides = array<i32>} : memref<200x32xf32, #tpu.memory_space<vmem>>, vector<16xf32>,
      %add3A_2935 = arith.addf %add3A_2915, %get3A_2934 : vector<16xf32>
      %get3A_2936 = arith.constant 73 : i32
      %get3A_2937 = arith.index_cast %get3A_2936 : i32 to index
      %get3A_2938 = arith.constant 0 : index
      %get3A_2939 = tpu.vector_load %arg7[%get3A_2937, %get3A_2938] {strides = array<i32>} : memref<200x32xf32, #tpu.memory_space<vmem>>, vector<16xf32>,
      %add3A_2940 = arith.addf %add3A_2920, %get3A_2939 : vector<16xf32>
      %get3A_2941 = arith.constant 73 : i32
      %get3A_2942 = arith.index_cast %get3A_2941 : i32 to index
      %get3A_2943 = arith.constant 16 : index
      %get3A_2944 = tpu.vector_load %arg7[%get3A_2942, %get3A_2943] {strides = array<i32>} : memref<200x32xf32, #tpu.memory_space<vmem>>, vector<16xf32>,
      %add3A_2945 = arith.addf %add3A_2925, %get3A_2944 : vector<16xf32>
      %get3A_2946 = arith.constant 74 : i32
      %get3A_2947 = arith.index_cast %get3A_2946 : i32 to index
      %get3A_2948 = arith.constant 0 : index
      %get3A_2949 = tpu.vector_load %arg7[%get3A_2947, %get3A_2948] {strides = array<i32>} : memref<200x32xf32, #tpu.memory_space<vmem>>, vector<16xf32>,
      %add3A_2950 = arith.addf %add3A_2930, %get3A_2949 : vector<16xf32>
      %get3A_2951 = arith.constant 74 : i32
      %get3A_2952 = arith.index_cast %get3A_2951 : i32 to index
      %get3A_2953 = arith.constant 16 : index
      %get3A_2954 = tpu.vector_load %arg7[%get3A_2952, %get3A_2953] {strides = array<i32>} : memref<200x32xf32, #tpu.memory_space<vmem>>, vector<16xf32>,
      %add3A_2955 = arith.addf %add3A_2935, %get3A_2954 : vector<16xf32>
      %get3A_2956 = arith.constant 75 : i32
      %get3A_2957 = arith.index_cast %get3A_2956 : i32 to index
      %get3A_2958 = arith.constant 0 : index
      %get3A_2959 = tpu.vector_load %arg7[%get3A_2957, %get3A_2958] {strides = array<i32>} : memref<200x32xf32, #tpu.memory_space<vmem>>, vector<16xf32>,
      %add3A_2960 = arith.addf %add3A_2940, %get3A_2959 : vector<16xf32>
      %get3A_2961 = arith.constant 75 : i32
      %get3A_2962 = arith.index_cast %get3A_2961 : i32 to index
      %get3A_2963 = arith.constant 16 : index
      %get3A_2964 = tpu.vector_load %arg7[%get3A_2962, %get3A_2963] {strides = array<i32>} : memref<200x32xf32, #tpu.memory_space<vmem>>, vector<16xf32>,
      %add3A_2965 = arith.addf %add3A_2945, %get3A_2964 : vector<16xf32>
      %get3A_2966 = arith.constant 76 : i32
      %get3A_2967 = arith.index_cast %get3A_2966 : i32 to index
      %get3A_2968 = arith.constant 0 : index
      %get3A_2969 = tpu.vector_load %arg7[%get3A_2967, %get3A_2968] {strides = array<i32>} : memref<200x32xf32, #tpu.memory_space<vmem>>, vector<16xf32>,
      %add3A_2970 = arith.addf %add3A_2950, %get3A_2969 : vector<16xf32>
      %get3A_2971 = arith.constant 76 : i32
      %get3A_2972 = arith.index_cast %get3A_2971 : i32 to index
      %get3A_2973 = arith.constant 16 : index
      %get3A_2974 = tpu.vector_load %arg7[%get3A_2972, %get3A_2973] {strides = array<i32>} : memref<200x32xf32, #tpu.memory_space<vmem>>, vector<16xf32>,
      %add3A_2975 = arith.addf %add3A_2955, %get3A_2974 : vector<16xf32>
      %get3A_2976 = arith.constant 77 : i32
      %get3A_2977 = arith.index_cast %get3A_2976 : i32 to index
      %get3A_2978 = arith.constant 0 : index
      %get3A_2979 = tpu.vector_load %arg7[%get3A_2977, %get3A_2978] {strides = array<i32>} : memref<200x32xf32, #tpu.memory_space<vmem>>, vector<16xf32>,
      %add3A_2980 = arith.addf %add3A_2960, %get3A_2979 : vector<16xf32>
      %get3A_2981 = arith.constant 77 : i32
      %get3A_2982 = arith.index_cast %get3A_2981 : i32 to index
      %get3A_2983 = arith.constant 16 : index
      %get3A_2984 = tpu.vector_load %arg7[%get3A_2982, %get3A_2983] {strides = array<i32>} : memref<200x32xf32, #tpu.memory_space<vmem>>, vector<16xf32>,
      %add3A_2985 = arith.addf %add3A_2965, %get3A_2984 : vector<16xf32>
      %get3A_2986 = arith.constant 78 : i32
      %get3A_2987 = arith.index_cast %get3A_2986 : i32 to index
      %get3A_2988 = arith.constant 0 : index
      %get3A_2989 = tpu.vector_load %arg7[%get3A_2987, %get3A_2988] {strides = array<i32>} : memref<200x32xf32, #tpu.memory_space<vmem>>, vector<16xf32>,
      %add3A_2990 = arith.addf %add3A_2970, %get3A_2989 : vector<16xf32>
      %get3A_2991 = arith.constant 78 : i32
      %get3A_2992 = arith.index_cast %get3A_2991 : i32 to index
      %get3A_2993 = arith.constant 16 : index
      %get3A_2994 = tpu.vector_load %arg7[%get3A_2992, %get3A_2993] {strides = array<i32>} : memref<200x32xf32, #tpu.memory_space<vmem>>, vector<16xf32>,
      %add3A_2995 = arith.addf %add3A_2975, %get3A_2994 : vector<16xf32>
      %get3A_2996 = arith.constant 79 : i32
      %get3A_2997 = arith.index_cast %get3A_2996 : i32 to index
      %get3A_2998 = arith.constant 0 : index
      %get3A_2999 = tpu.vector_load %arg7[%get3A_2997, %get3A_2998] {strides = array<i32>} : memref<200x32xf32, #tpu.memory_space<vmem>>, vector<16xf32>,
      %add3A_3000 = arith.addf %add3A_2980, %get3A_2999 : vector<16xf32>
      %get3A_3001 = arith.constant 79 : i32
      %get3A_3002 = arith.index_cast %get3A_3001 : i32 to index
      %get3A_3003 = arith.constant 16 : index
      %get3A_3004 = tpu.vector_load %arg7[%get3A_3002, %get3A_3003] {strides = array<i32>} : memref<200x32xf32, #tpu.memory_space<vmem>>, vector<16xf32>,
      %add3A_3005 = arith.addf %add3A_2985, %get3A_3004 : vector<16xf32>
      %get3A_3006 = arith.constant 80 : i32
      %get3A_3007 = arith.index_cast %get3A_3006 : i32 to index
      %get3A_3008 = arith.constant 0 : index
      %get3A_3009 = tpu.vector_load %arg7[%get3A_3007, %get3A_3008] {strides = array<i32>} : memref<200x32xf32, #tpu.memory_space<vmem>>, vector<16xf32>,
      %add3A_3010 = arith.addf %add3A_2990, %get3A_3009 : vector<16xf32>
      %get3A_3011 = arith.constant 80 : i32
      %get3A_3012 = arith.index_cast %get3A_3011 : i32 to index
      %get3A_3013 = arith.constant 16 : index
      %get3A_3014 = tpu.vector_load %arg7[%get3A_3012, %get3A_3013] {strides = array<i32>} : memref<200x32xf32, #tpu.memory_space<vmem>>, vector<16xf32>,
      %add3A_3015 = arith.addf %add3A_2995, %get3A_3014 : vector<16xf32>
      %get3A_3016 = arith.constant 81 : i32
      %get3A_3017 = arith.index_cast %get3A_3016 : i32 to index
      %get3A_3018 = arith.constant 0 : index
      %get3A_3019 = tpu.vector_load %arg7[%get3A_3017, %get3A_3018] {strides = array<i32>} : memref<200x32xf32, #tpu.memory_space<vmem>>, vector<16xf32>,
      %add3A_3020 = arith.addf %add3A_3000, %get3A_3019 : vector<16xf32>
      %get3A_3021 = arith.constant 81 : i32
      %get3A_3022 = arith.index_cast %get3A_3021 : i32 to index
      %get3A_3023 = arith.constant 16 : index
      %get3A_3024 = tpu.vector_load %arg7[%get3A_3022, %get3A_3023] {strides = array<i32>} : memref<200x32xf32, #tpu.memory_space<vmem>>, vector<16xf32>,
      %add3A_3025 = arith.addf %add3A_3005, %get3A_3024 : vector<16xf32>
      %get3A_3026 = arith.constant 82 : i32
      %get3A_3027 = arith.index_cast %get3A_3026 : i32 to index
      %get3A_3028 = arith.constant 0 : index
      %get3A_3029 = tpu.vector_load %arg7[%get3A_3027, %get3A_3028] {strides = array<i32>} : memref<200x32xf32, #tpu.memory_space<vmem>>, vector<16xf32>,
      %add3A_3030 = arith.addf %add3A_3010, %get3A_3029 : vector<16xf32>
      %get3A_3031 = arith.constant 82 : i32
      %get3A_3032 = arith.index_cast %get3A_3031 : i32 to index
      %get3A_3033 = arith.constant 16 : index
      %get3A_3034 = tpu.vector_load %arg7[%get3A_3032, %get3A_3033] {strides = array<i32>} : memref<200x32xf32, #tpu.memory_space<vmem>>, vector<16xf32>,
      %add3A_3035 = arith.addf %add3A_3015, %get3A_3034 : vector<16xf32>
      %get3A_3036 = arith.constant 83 : i32
      %get3A_3037 = arith.index_cast %get3A_3036 : i32 to index
      %get3A_3038 = arith.constant 0 : index
      %get3A_3039 = tpu.vector_load %arg7[%get3A_3037, %get3A_3038] {strides = array<i32>} : memref<200x32xf32, #tpu.memory_space<vmem>>, vector<16xf32>,
      %add3A_3040 = arith.addf %add3A_3020, %get3A_3039 : vector<16xf32>
      %get3A_3041 = arith.constant 83 : i32
      %get3A_3042 = arith.index_cast %get3A_3041 : i32 to index
      %get3A_3043 = arith.constant 16 : index
      %get3A_3044 = tpu.vector_load %arg7[%get3A_3042, %get3A_3043] {strides = array<i32>} : memref<200x32xf32, #tpu.memory_space<vmem>>, vector<16xf32>,
      %add3A_3045 = arith.addf %add3A_3025, %get3A_3044 : vector<16xf32>
      %get3A_3046 = arith.constant 84 : i32
      %get3A_3047 = arith.index_cast %get3A_3046 : i32 to index
      %get3A_3048 = arith.constant 0 : index
      %get3A_3049 = tpu.vector_load %arg7[%get3A_3047, %get3A_3048] {strides = array<i32>} : memref<200x32xf32, #tpu.memory_space<vmem>>, vector<16xf32>,
      %add3A_3050 = arith.addf %add3A_3030, %get3A_3049 : vector<16xf32>
      %get3A_3051 = arith.constant 84 : i32
      %get3A_3052 = arith.index_cast %get3A_3051 : i32 to index
      %get3A_3053 = arith.constant 16 : index
      %get3A_3054 = tpu.vector_load %arg7[%get3A_3052, %get3A_3053] {strides = array<i32>} : memref<200x32xf32, #tpu.memory_space<vmem>>, vector<16xf32>,
      %add3A_3055 = arith.addf %add3A_3035, %get3A_3054 : vector<16xf32>
      %get3A_3056 = arith.constant 85 : i32
      %get3A_3057 = arith.index_cast %get3A_3056 : i32 to index
      %get3A_3058 = arith.constant 0 : index
      %get3A_3059 = tpu.vector_load %arg7[%get3A_3057, %get3A_3058] {strides = array<i32>} : memref<200x32xf32, #tpu.memory_space<vmem>>, vector<16xf32>,
      %add3A_3060 = arith.addf %add3A_3040, %get3A_3059 : vector<16xf32>
      %get3A_3061 = arith.constant 85 : i32
      %get3A_3062 = arith.index_cast %get3A_3061 : i32 to index
      %get3A_3063 = arith.constant 16 : index
      %get3A_3064 = tpu.vector_load %arg7[%get3A_3062, %get3A_3063] {strides = array<i32>} : memref<200x32xf32, #tpu.memory_space<vmem>>, vector<16xf32>,
      %add3A_3065 = arith.addf %add3A_3045, %get3A_3064 : vector<16xf32>
      %get3A_3066 = arith.constant 86 : i32
      %get3A_3067 = arith.index_cast %get3A_3066 : i32 to index
      %get3A_3068 = arith.constant 0 : index
      %get3A_3069 = tpu.vector_load %arg7[%get3A_3067, %get3A_3068] {strides = array<i32>} : memref<200x32xf32, #tpu.memory_space<vmem>>, vector<16xf32>,
      %add3A_3070 = arith.addf %add3A_3050, %get3A_3069 : vector<16xf32>
      %get3A_3071 = arith.constant 86 : i32
      %get3A_3072 = arith.index_cast %get3A_3071 : i32 to index
      %get3A_3073 = arith.constant 16 : index
      %get3A_3074 = tpu.vector_load %arg7[%get3A_3072, %get3A_3073] {strides = array<i32>} : memref<200x32xf32, #tpu.memory_space<vmem>>, vector<16xf32>,
      %add3A_3075 = arith.addf %add3A_3055, %get3A_3074 : vector<16xf32>
      %get3A_3076 = arith.constant 87 : i32
      %get3A_3077 = arith.index_cast %get3A_3076 : i32 to index
      %get3A_3078 = arith.constant 0 : index
      %get3A_3079 = tpu.vector_load %arg7[%get3A_3077, %get3A_3078] {strides = array<i32>} : memref<200x32xf32, #tpu.memory_space<vmem>>, vector<16xf32>,
      %add3A_3080 = arith.addf %add3A_3060, %get3A_3079 : vector<16xf32>
      %get3A_3081 = arith.constant 87 : i32
      %get3A_3082 = arith.index_cast %get3A_3081 : i32 to index
      %get3A_3083 = arith.constant 16 : index
      %get3A_3084 = tpu.vector_load %arg7[%get3A_3082, %get3A_3083] {strides = array<i32>} : memref<200x32xf32, #tpu.memory_space<vmem>>, vector<16xf32>,
      %add3A_3085 = arith.addf %add3A_3065, %get3A_3084 : vector<16xf32>
      %get3A_3086 = arith.constant 88 : i32
      %get3A_3087 = arith.index_cast %get3A_3086 : i32 to index
      %get3A_3088 = arith.constant 0 : index
      %get3A_3089 = tpu.vector_load %arg7[%get3A_3087, %get3A_3088] {strides = array<i32>} : memref<200x32xf32, #tpu.memory_space<vmem>>, vector<16xf32>,
      %add3A_3090 = arith.addf %add3A_3070, %get3A_3089 : vector<16xf32>
      %get3A_3091 = arith.constant 88 : i32
      %get3A_3092 = arith.index_cast %get3A_3091 : i32 to index
      %get3A_3093 = arith.constant 16 : index
      %get3A_3094 = tpu.vector_load %arg7[%get3A_3092, %get3A_3093] {strides = array<i32>} : memref<200x32xf32, #tpu.memory_space<vmem>>, vector<16xf32>,
      %add3A_3095 = arith.addf %add3A_3075, %get3A_3094 : vector<16xf32>
      %get3A_3096 = arith.constant 89 : i32
      %get3A_3097 = arith.index_cast %get3A_3096 : i32 to index
      %get3A_3098 = arith.constant 0 : index
      %get3A_3099 = tpu.vector_load %arg7[%get3A_3097, %get3A_3098] {strides = array<i32>} : memref<200x32xf32, #tpu.memory_space<vmem>>, vector<16xf32>,
      %add3A_3100 = arith.addf %add3A_3080, %get3A_3099 : vector<16xf32>
      %get3A_3101 = arith.constant 89 : i32
      %get3A_3102 = arith.index_cast %get3A_3101 : i32 to index
      %get3A_3103 = arith.constant 16 : index
      %get3A_3104 = tpu.vector_load %arg7[%get3A_3102, %get3A_3103] {strides = array<i32>} : memref<200x32xf32, #tpu.memory_space<vmem>>, vector<16xf32>,
      %add3A_3105 = arith.addf %add3A_3085, %get3A_3104 : vector<16xf32>
      %get3A_3106 = arith.constant 90 : i32
      %get3A_3107 = arith.index_cast %get3A_3106 : i32 to index
      %get3A_3108 = arith.constant 0 : index
      %get3A_3109 = tpu.vector_load %arg7[%get3A_3107, %get3A_3108] {strides = array<i32>} : memref<200x32xf32, #tpu.memory_space<vmem>>, vector<16xf32>,
      %add3A_3110 = arith.addf %add3A_3090, %get3A_3109 : vector<16xf32>
      %get3A_3111 = arith.constant 90 : i32
      %get3A_3112 = arith.index_cast %get3A_3111 : i32 to index
      %get3A_3113 = arith.constant 16 : index
      %get3A_3114 = tpu.vector_load %arg7[%get3A_3112, %get3A_3113] {strides = array<i32>} : memref<200x32xf32, #tpu.memory_space<vmem>>, vector<16xf32>,
      %add3A_3115 = arith.addf %add3A_3095, %get3A_3114 : vector<16xf32>
      %get3A_3116 = arith.constant 91 : i32
      %get3A_3117 = arith.index_cast %get3A_3116 : i32 to index
      %get3A_3118 = arith.constant 0 : index
      %get3A_3119 = tpu.vector_load %arg7[%get3A_3117, %get3A_3118] {strides = array<i32>} : memref<200x32xf32, #tpu.memory_space<vmem>>, vector<16xf32>,
      %add3A_3120 = arith.addf %add3A_3100, %get3A_3119 : vector<16xf32>
      %get3A_3121 = arith.constant 91 : i32
      %get3A_3122 = arith.index_cast %get3A_3121 : i32 to index
      %get3A_3123 = arith.constant 16 : index
      %get3A_3124 = tpu.vector_load %arg7[%get3A_3122, %get3A_3123] {strides = array<i32>} : memref<200x32xf32, #tpu.memory_space<vmem>>, vector<16xf32>,
      %add3A_3125 = arith.addf %add3A_3105, %get3A_3124 : vector<16xf32>
      %get3A_3126 = arith.constant 92 : i32
      %get3A_3127 = arith.index_cast %get3A_3126 : i32 to index
      %get3A_3128 = arith.constant 0 : index
      %get3A_3129 = tpu.vector_load %arg7[%get3A_3127, %get3A_3128] {strides = array<i32>} : memref<200x32xf32, #tpu.memory_space<vmem>>, vector<16xf32>,
      %add3A_3130 = arith.addf %add3A_3110, %get3A_3129 : vector<16xf32>
      %get3A_3131 = arith.constant 92 : i32
      %get3A_3132 = arith.index_cast %get3A_3131 : i32 to index
      %get3A_3133 = arith.constant 16 : index
      %get3A_3134 = tpu.vector_load %arg7[%get3A_3132, %get3A_3133] {strides = array<i32>} : memref<200x32xf32, #tpu.memory_space<vmem>>, vector<16xf32>,
      %add3A_3135 = arith.addf %add3A_3115, %get3A_3134 : vector<16xf32>
      %get3A_3136 = arith.constant 93 : i32
      %get3A_3137 = arith.index_cast %get3A_3136 : i32 to index
      %get3A_3138 = arith.constant 0 : index
      %get3A_3139 = tpu.vector_load %arg7[%get3A_3137, %get3A_3138] {strides = array<i32>} : memref<200x32xf32, #tpu.memory_space<vmem>>, vector<16xf32>,
      %add3A_3140 = arith.addf %add3A_3120, %get3A_3139 : vector<16xf32>
      %get3A_3141 = arith.constant 93 : i32
      %get3A_3142 = arith.index_cast %get3A_3141 : i32 to index
      %get3A_3143 = arith.constant 16 : index
      %get3A_3144 = tpu.vector_load %arg7[%get3A_3142, %get3A_3143] {strides = array<i32>} : memref<200x32xf32, #tpu.memory_space<vmem>>, vector<16xf32>,
      %add3A_3145 = arith.addf %add3A_3125, %get3A_3144 : vector<16xf32>
      %get3A_3146 = arith.constant 94 : i32
      %get3A_3147 = arith.index_cast %get3A_3146 : i32 to index
      %get3A_3148 = arith.constant 0 : index
      %get3A_3149 = tpu.vector_load %arg7[%get3A_3147, %get3A_3148] {strides = array<i32>} : memref<200x32xf32, #tpu.memory_space<vmem>>, vector<16xf32>,
      %add3A_3150 = arith.addf %add3A_3130, %get3A_3149 : vector<16xf32>
      %get3A_3151 = arith.constant 94 : i32
      %get3A_3152 = arith.index_cast %get3A_3151 : i32 to index
      %get3A_3153 = arith.constant 16 : index
      %get3A_3154 = tpu.vector_load %arg7[%get3A_3152, %get3A_3153] {strides = array<i32>} : memref<200x32xf32, #tpu.memory_space<vmem>>, vector<16xf32>,
      %add3A_3155 = arith.addf %add3A_3135, %get3A_3154 : vector<16xf32>
      %get3A_3156 = arith.constant 95 : i32
      %get3A_3157 = arith.index_cast %get3A_3156 : i32 to index
      %get3A_3158 = arith.constant 0 : index
      %get3A_3159 = tpu.vector_load %arg7[%get3A_3157, %get3A_3158] {strides = array<i32>} : memref<200x32xf32, #tpu.memory_space<vmem>>, vector<16xf32>,
      %add3A_3160 = arith.addf %add3A_3140, %get3A_3159 : vector<16xf32>
      %get3A_3161 = arith.constant 95 : i32
      %get3A_3162 = arith.index_cast %get3A_3161 : i32 to index
      %get3A_3163 = arith.constant 16 : index
      %get3A_3164 = tpu.vector_load %arg7[%get3A_3162, %get3A_3163] {strides = array<i32>} : memref<200x32xf32, #tpu.memory_space<vmem>>, vector<16xf32>,
      %add3A_3165 = arith.addf %add3A_3145, %get3A_3164 : vector<16xf32>
      %get3A_3166 = arith.constant 96 : i32
      %get3A_3167 = arith.index_cast %get3A_3166 : i32 to index
      %get3A_3168 = arith.constant 0 : index
      %get3A_3169 = tpu.vector_load %arg7[%get3A_3167, %get3A_3168] {strides = array<i32>} : memref<200x32xf32, #tpu.memory_space<vmem>>, vector<16xf32>,
      %add3A_3170 = arith.addf %add3A_3150, %get3A_3169 : vector<16xf32>
      %get3A_3171 = arith.constant 96 : i32
      %get3A_3172 = arith.index_cast %get3A_3171 : i32 to index
      %get3A_3173 = arith.constant 16 : index
      %get3A_3174 = tpu.vector_load %arg7[%get3A_3172, %get3A_3173] {strides = array<i32>} : memref<200x32xf32, #tpu.memory_space<vmem>>, vector<16xf32>,
      %add3A_3175 = arith.addf %add3A_3155, %get3A_3174 : vector<16xf32>
      %get3A_3176 = arith.constant 97 : i32
      %get3A_3177 = arith.index_cast %get3A_3176 : i32 to index
      %get3A_3178 = arith.constant 0 : index
      %get3A_3179 = tpu.vector_load %arg7[%get3A_3177, %get3A_3178] {strides = array<i32>} : memref<200x32xf32, #tpu.memory_space<vmem>>, vector<16xf32>,
      %add3A_3180 = arith.addf %add3A_3160, %get3A_3179 : vector<16xf32>
      %get3A_3181 = arith.constant 97 : i32
      %get3A_3182 = arith.index_cast %get3A_3181 : i32 to index
      %get3A_3183 = arith.constant 16 : index
      %get3A_3184 = tpu.vector_load %arg7[%get3A_3182, %get3A_3183] {strides = array<i32>} : memref<200x32xf32, #tpu.memory_space<vmem>>, vector<16xf32>,
      %add3A_3185 = arith.addf %add3A_3165, %get3A_3184 : vector<16xf32>
      %get3A_3186 = arith.constant 98 : i32
      %get3A_3187 = arith.index_cast %get3A_3186 : i32 to index
      %get3A_3188 = arith.constant 0 : index
      %get3A_3189 = tpu.vector_load %arg7[%get3A_3187, %get3A_3188] {strides = array<i32>} : memref<200x32xf32, #tpu.memory_space<vmem>>, vector<16xf32>,
      %add3A_3190 = arith.addf %add3A_3170, %get3A_3189 : vector<16xf32>
      %get3A_3191 = arith.constant 98 : i32
      %get3A_3192 = arith.index_cast %get3A_3191 : i32 to index
      %get3A_3193 = arith.constant 16 : index
      %get3A_3194 = tpu.vector_load %arg7[%get3A_3192, %get3A_3193] {strides = array<i32>} : memref<200x32xf32, #tpu.memory_space<vmem>>, vector<16xf32>,
      %add3A_3195 = arith.addf %add3A_3175, %get3A_3194 : vector<16xf32>
      %get3A_3196 = arith.constant 99 : i32
      %get3A_3197 = arith.index_cast %get3A_3196 : i32 to index
      %get3A_3198 = arith.constant 0 : index
      %get3A_3199 = tpu.vector_load %arg7[%get3A_3197, %get3A_3198] {strides = array<i32>} : memref<200x32xf32, #tpu.memory_space<vmem>>, vector<16xf32>,
      %add3A_3200 = arith.addf %add3A_3180, %get3A_3199 : vector<16xf32>
      %get3A_3201 = arith.constant 99 : i32
      %get3A_3202 = arith.index_cast %get3A_3201 : i32 to index
      %get3A_3203 = arith.constant 16 : index
      %get3A_3204 = tpu.vector_load %arg7[%get3A_3202, %get3A_3203] {strides = array<i32>} : memref<200x32xf32, #tpu.memory_space<vmem>>, vector<16xf32>,
      %add3A_3205 = arith.addf %add3A_3185, %get3A_3204 : vector<16xf32>
      %mul3A_3206 = arith.constant 4 : i32
      %mul3A_3207 = arith.muli %add3A_2148, %mul3A_3206 : i32
      %add3A_3208 = arith.constant 1 : i32
      %add3A_3209 = arith.addi %mul3A_3207, %add3A_3208 : i32
      %add3A_3210 = arith.addf %add3A_3190, %add3A_3200 : vector<16xf32>
      %mul3A_3211 = vector.broadcast %scan3A_18 : f32 to vector<16xf32>
      %mul3A_3212 = arith.mulf %add3A_3210, %mul3A_3211 : vector<16xf32>
      %swap3A_3213 = arith.index_cast %add3A_3209 : i32 to index
      %swap3A_3214 = arith.constant 0 : index
      %swap3A_3215 = tpu.vector_load %arg8[%swap3A_3213, %swap3A_3214] {strides = array<i32>} : memref<512x128xf32, #tpu.memory_space<vmem>>, vector<16xf32>,
      tpu.vector_store %arg8[%swap3A_3213, %swap3A_3214], %mul3A_3212 {strides = array<i32>} : memref<512x128xf32, #tpu.memory_space<vmem>>, vector<16xf32>,
      %add3A_3216 = arith.addf %add3A_3195, %add3A_3205 : vector<16xf32>
      %mul3A_3217 = vector.broadcast %scan3A_18 : f32 to vector<16xf32>
      %mul3A_3218 = arith.mulf %add3A_3216, %mul3A_3217 : vector<16xf32>
      %swap3A_3219 = arith.index_cast %add3A_3209 : i32 to index
      %swap3A_3220 = arith.constant 16 : index
      %swap3A_3221 = tpu.vector_load %arg8[%swap3A_3219, %swap3A_3220] {strides = array<i32>} : memref<512x128xf32, #tpu.memory_space<vmem>>, vector<16xf32>,
      tpu.vector_store %arg8[%swap3A_3219, %swap3A_3220], %mul3A_3218 {strides = array<i32>} : memref<512x128xf32, #tpu.memory_space<vmem>>, vector<16xf32>,
      %broadcast_in_dim3A_3222 = arith.constant 0.000000e+00 : f32
      %broadcast_in_dim3A_3223 = vector.broadcast %broadcast_in_dim3A_3222 : f32 to vector<16xf32>
      %broadcast_in_dim3A_3224 = arith.constant 0.000000e+00 : f32
      %broadcast_in_dim3A_3225 = vector.broadcast %broadcast_in_dim3A_3224 : f32 to vector<16xf32>
      %broadcast_in_dim3A_3226 = arith.constant 0.000000e+00 : f32
      %broadcast_in_dim3A_3227 = vector.broadcast %broadcast_in_dim3A_3226 : f32 to vector<16xf32>
      %broadcast_in_dim3A_3228 = arith.constant 0.000000e+00 : f32
      %broadcast_in_dim3A_3229 = vector.broadcast %broadcast_in_dim3A_3228 : f32 to vector<16xf32>
      %get3A_3230 = arith.constant 100 : i32
      %get3A_3231 = arith.index_cast %get3A_3230 : i32 to index
      %get3A_3232 = arith.constant 0 : index
      %get3A_3233 = tpu.vector_load %arg7[%get3A_3231, %get3A_3232] {strides = array<i32>} : memref<200x32xf32, #tpu.memory_space<vmem>>, vector<16xf32>,
      %add3A_3234 = arith.addf %broadcast_in_dim3A_3223, %get3A_3233 : vector<16xf32>
      %get3A_3235 = arith.constant 100 : i32
      %get3A_3236 = arith.index_cast %get3A_3235 : i32 to index
      %get3A_3237 = arith.constant 16 : index
      %get3A_3238 = tpu.vector_load %arg7[%get3A_3236, %get3A_3237] {strides = array<i32>} : memref<200x32xf32, #tpu.memory_space<vmem>>, vector<16xf32>,
      %add3A_3239 = arith.addf %broadcast_in_dim3A_3225, %get3A_3238 : vector<16xf32>
      %get3A_3240 = arith.constant 101 : i32
      %get3A_3241 = arith.index_cast %get3A_3240 : i32 to index
      %get3A_3242 = arith.constant 0 : index
      %get3A_3243 = tpu.vector_load %arg7[%get3A_3241, %get3A_3242] {strides = array<i32>} : memref<200x32xf32, #tpu.memory_space<vmem>>, vector<16xf32>,
      %add3A_3244 = arith.addf %broadcast_in_dim3A_3227, %get3A_3243 : vector<16xf32>
      %get3A_3245 = arith.constant 101 : i32
      %get3A_3246 = arith.index_cast %get3A_3245 : i32 to index
      %get3A_3247 = arith.constant 16 : index
      %get3A_3248 = tpu.vector_load %arg7[%get3A_3246, %get3A_3247] {strides = array<i32>} : memref<200x32xf32, #tpu.memory_space<vmem>>, vector<16xf32>,
      %add3A_3249 = arith.addf %broadcast_in_dim3A_3229, %get3A_3248 : vector<16xf32>
      %get3A_3250 = arith.constant 102 : i32
      %get3A_3251 = arith.index_cast %get3A_3250 : i32 to index
      %get3A_3252 = arith.constant 0 : index
      %get3A_3253 = tpu.vector_load %arg7[%get3A_3251, %get3A_3252] {strides = array<i32>} : memref<200x32xf32, #tpu.memory_space<vmem>>, vector<16xf32>,
      %add3A_3254 = arith.addf %add3A_3234, %get3A_3253 : vector<16xf32>
      %get3A_3255 = arith.constant 102 : i32
      %get3A_3256 = arith.index_cast %get3A_3255 : i32 to index
      %get3A_3257 = arith.constant 16 : index
      %get3A_3258 = tpu.vector_load %arg7[%get3A_3256, %get3A_3257] {strides = array<i32>} : memref<200x32xf32, #tpu.memory_space<vmem>>, vector<16xf32>,
      %add3A_3259 = arith.addf %add3A_3239, %get3A_3258 : vector<16xf32>
      %get3A_3260 = arith.constant 103 : i32
      %get3A_3261 = arith.index_cast %get3A_3260 : i32 to index
      %get3A_3262 = arith.constant 0 : index
      %get3A_3263 = tpu.vector_load %arg7[%get3A_3261, %get3A_3262] {strides = array<i32>} : memref<200x32xf32, #tpu.memory_space<vmem>>, vector<16xf32>,
      %add3A_3264 = arith.addf %add3A_3244, %get3A_3263 : vector<16xf32>
      %get3A_3265 = arith.constant 103 : i32
      %get3A_3266 = arith.index_cast %get3A_3265 : i32 to index
      %get3A_3267 = arith.constant 16 : index
      %get3A_3268 = tpu.vector_load %arg7[%get3A_3266, %get3A_3267] {strides = array<i32>} : memref<200x32xf32, #tpu.memory_space<vmem>>, vector<16xf32>,
      %add3A_3269 = arith.addf %add3A_3249, %get3A_3268 : vector<16xf32>
      %get3A_3270 = arith.constant 104 : i32
      %get3A_3271 = arith.index_cast %get3A_3270 : i32 to index
      %get3A_3272 = arith.constant 0 : index
      %get3A_3273 = tpu.vector_load %arg7[%get3A_3271, %get3A_3272] {strides = array<i32>} : memref<200x32xf32, #tpu.memory_space<vmem>>, vector<16xf32>,
      %add3A_3274 = arith.addf %add3A_3254, %get3A_3273 : vector<16xf32>
      %get3A_3275 = arith.constant 104 : i32
      %get3A_3276 = arith.index_cast %get3A_3275 : i32 to index
      %get3A_3277 = arith.constant 16 : index
      %get3A_3278 = tpu.vector_load %arg7[%get3A_3276, %get3A_3277] {strides = array<i32>} : memref<200x32xf32, #tpu.memory_space<vmem>>, vector<16xf32>,
      %add3A_3279 = arith.addf %add3A_3259, %get3A_3278 : vector<16xf32>
      %get3A_3280 = arith.constant 105 : i32
      %get3A_3281 = arith.index_cast %get3A_3280 : i32 to index
      %get3A_3282 = arith.constant 0 : index
      %get3A_3283 = tpu.vector_load %arg7[%get3A_3281, %get3A_3282] {strides = array<i32>} : memref<200x32xf32, #tpu.memory_space<vmem>>, vector<16xf32>,
      %add3A_3284 = arith.addf %add3A_3264, %get3A_3283 : vector<16xf32>
      %get3A_3285 = arith.constant 105 : i32
      %get3A_3286 = arith.index_cast %get3A_3285 : i32 to index
      %get3A_3287 = arith.constant 16 : index
      %get3A_3288 = tpu.vector_load %arg7[%get3A_3286, %get3A_3287] {strides = array<i32>} : memref<200x32xf32, #tpu.memory_space<vmem>>, vector<16xf32>,
      %add3A_3289 = arith.addf %add3A_3269, %get3A_3288 : vector<16xf32>
      %get3A_3290 = arith.constant 106 : i32
      %get3A_3291 = arith.index_cast %get3A_3290 : i32 to index
      %get3A_3292 = arith.constant 0 : index
      %get3A_3293 = tpu.vector_load %arg7[%get3A_3291, %get3A_3292] {strides = array<i32>} : memref<200x32xf32, #tpu.memory_space<vmem>>, vector<16xf32>,
      %add3A_3294 = arith.addf %add3A_3274, %get3A_3293 : vector<16xf32>
      %get3A_3295 = arith.constant 106 : i32
      %get3A_3296 = arith.index_cast %get3A_3295 : i32 to index
      %get3A_3297 = arith.constant 16 : index
      %get3A_3298 = tpu.vector_load %arg7[%get3A_3296, %get3A_3297] {strides = array<i32>} : memref<200x32xf32, #tpu.memory_space<vmem>>, vector<16xf32>,
      %add3A_3299 = arith.addf %add3A_3279, %get3A_3298 : vector<16xf32>
      %get3A_3300 = arith.constant 107 : i32
      %get3A_3301 = arith.index_cast %get3A_3300 : i32 to index
      %get3A_3302 = arith.constant 0 : index
      %get3A_3303 = tpu.vector_load %arg7[%get3A_3301, %get3A_3302] {strides = array<i32>} : memref<200x32xf32, #tpu.memory_space<vmem>>, vector<16xf32>,
      %add3A_3304 = arith.addf %add3A_3284, %get3A_3303 : vector<16xf32>
      %get3A_3305 = arith.constant 107 : i32
      %get3A_3306 = arith.index_cast %get3A_3305 : i32 to index
      %get3A_3307 = arith.constant 16 : index
      %get3A_3308 = tpu.vector_load %arg7[%get3A_3306, %get3A_3307] {strides = array<i32>} : memref<200x32xf32, #tpu.memory_space<vmem>>, vector<16xf32>,
      %add3A_3309 = arith.addf %add3A_3289, %get3A_3308 : vector<16xf32>
      %get3A_3310 = arith.constant 108 : i32
      %get3A_3311 = arith.index_cast %get3A_3310 : i32 to index
      %get3A_3312 = arith.constant 0 : index
      %get3A_3313 = tpu.vector_load %arg7[%get3A_3311, %get3A_3312] {strides = array<i32>} : memref<200x32xf32, #tpu.memory_space<vmem>>, vector<16xf32>,
      %add3A_3314 = arith.addf %add3A_3294, %get3A_3313 : vector<16xf32>
      %get3A_3315 = arith.constant 108 : i32
      %get3A_3316 = arith.index_cast %get3A_3315 : i32 to index
      %get3A_3317 = arith.constant 16 : index
      %get3A_3318 = tpu.vector_load %arg7[%get3A_3316, %get3A_3317] {strides = array<i32>} : memref<200x32xf32, #tpu.memory_space<vmem>>, vector<16xf32>,
      %add3A_3319 = arith.addf %add3A_3299, %get3A_3318 : vector<16xf32>
      %get3A_3320 = arith.constant 109 : i32
      %get3A_3321 = arith.index_cast %get3A_3320 : i32 to index
      %get3A_3322 = arith.constant 0 : index
      %get3A_3323 = tpu.vector_load %arg7[%get3A_3321, %get3A_3322] {strides = array<i32>} : memref<200x32xf32, #tpu.memory_space<vmem>>, vector<16xf32>,
      %add3A_3324 = arith.addf %add3A_3304, %get3A_3323 : vector<16xf32>
      %get3A_3325 = arith.constant 109 : i32
      %get3A_3326 = arith.index_cast %get3A_3325 : i32 to index
      %get3A_3327 = arith.constant 16 : index
      %get3A_3328 = tpu.vector_load %arg7[%get3A_3326, %get3A_3327] {strides = array<i32>} : memref<200x32xf32, #tpu.memory_space<vmem>>, vector<16xf32>,
      %add3A_3329 = arith.addf %add3A_3309, %get3A_3328 : vector<16xf32>
      %get3A_3330 = arith.constant 110 : i32
      %get3A_3331 = arith.index_cast %get3A_3330 : i32 to index
      %get3A_3332 = arith.constant 0 : index
      %get3A_3333 = tpu.vector_load %arg7[%get3A_3331, %get3A_3332] {strides = array<i32>} : memref<200x32xf32, #tpu.memory_space<vmem>>, vector<16xf32>,
      %add3A_3334 = arith.addf %add3A_3314, %get3A_3333 : vector<16xf32>
      %get3A_3335 = arith.constant 110 : i32
      %get3A_3336 = arith.index_cast %get3A_3335 : i32 to index
      %get3A_3337 = arith.constant 16 : index
      %get3A_3338 = tpu.vector_load %arg7[%get3A_3336, %get3A_3337] {strides = array<i32>} : memref<200x32xf32, #tpu.memory_space<vmem>>, vector<16xf32>,
      %add3A_3339 = arith.addf %add3A_3319, %get3A_3338 : vector<16xf32>
      %get3A_3340 = arith.constant 111 : i32
      %get3A_3341 = arith.index_cast %get3A_3340 : i32 to index
      %get3A_3342 = arith.constant 0 : index
      %get3A_3343 = tpu.vector_load %arg7[%get3A_3341, %get3A_3342] {strides = array<i32>} : memref<200x32xf32, #tpu.memory_space<vmem>>, vector<16xf32>,
      %add3A_3344 = arith.addf %add3A_3324, %get3A_3343 : vector<16xf32>
      %get3A_3345 = arith.constant 111 : i32
      %get3A_3346 = arith.index_cast %get3A_3345 : i32 to index
      %get3A_3347 = arith.constant 16 : index
      %get3A_3348 = tpu.vector_load %arg7[%get3A_3346, %get3A_3347] {strides = array<i32>} : memref<200x32xf32, #tpu.memory_space<vmem>>, vector<16xf32>,
      %add3A_3349 = arith.addf %add3A_3329, %get3A_3348 : vector<16xf32>
      %get3A_3350 = arith.constant 112 : i32
      %get3A_3351 = arith.index_cast %get3A_3350 : i32 to index
      %get3A_3352 = arith.constant 0 : index
      %get3A_3353 = tpu.vector_load %arg7[%get3A_3351, %get3A_3352] {strides = array<i32>} : memref<200x32xf32, #tpu.memory_space<vmem>>, vector<16xf32>,
      %add3A_3354 = arith.addf %add3A_3334, %get3A_3353 : vector<16xf32>
      %get3A_3355 = arith.constant 112 : i32
      %get3A_3356 = arith.index_cast %get3A_3355 : i32 to index
      %get3A_3357 = arith.constant 16 : index
      %get3A_3358 = tpu.vector_load %arg7[%get3A_3356, %get3A_3357] {strides = array<i32>} : memref<200x32xf32, #tpu.memory_space<vmem>>, vector<16xf32>,
      %add3A_3359 = arith.addf %add3A_3339, %get3A_3358 : vector<16xf32>
      %get3A_3360 = arith.constant 113 : i32
      %get3A_3361 = arith.index_cast %get3A_3360 : i32 to index
      %get3A_3362 = arith.constant 0 : index
      %get3A_3363 = tpu.vector_load %arg7[%get3A_3361, %get3A_3362] {strides = array<i32>} : memref<200x32xf32, #tpu.memory_space<vmem>>, vector<16xf32>,
      %add3A_3364 = arith.addf %add3A_3344, %get3A_3363 : vector<16xf32>
      %get3A_3365 = arith.constant 113 : i32
      %get3A_3366 = arith.index_cast %get3A_3365 : i32 to index
      %get3A_3367 = arith.constant 16 : index
      %get3A_3368 = tpu.vector_load %arg7[%get3A_3366, %get3A_3367] {strides = array<i32>} : memref<200x32xf32, #tpu.memory_space<vmem>>, vector<16xf32>,
      %add3A_3369 = arith.addf %add3A_3349, %get3A_3368 : vector<16xf32>
      %get3A_3370 = arith.constant 114 : i32
      %get3A_3371 = arith.index_cast %get3A_3370 : i32 to index
      %get3A_3372 = arith.constant 0 : index
      %get3A_3373 = tpu.vector_load %arg7[%get3A_3371, %get3A_3372] {strides = array<i32>} : memref<200x32xf32, #tpu.memory_space<vmem>>, vector<16xf32>,
      %add3A_3374 = arith.addf %add3A_3354, %get3A_3373 : vector<16xf32>
      %get3A_3375 = arith.constant 114 : i32
      %get3A_3376 = arith.index_cast %get3A_3375 : i32 to index
      %get3A_3377 = arith.constant 16 : index
      %get3A_3378 = tpu.vector_load %arg7[%get3A_3376, %get3A_3377] {strides = array<i32>} : memref<200x32xf32, #tpu.memory_space<vmem>>, vector<16xf32>,
      %add3A_3379 = arith.addf %add3A_3359, %get3A_3378 : vector<16xf32>
      %get3A_3380 = arith.constant 115 : i32
      %get3A_3381 = arith.index_cast %get3A_3380 : i32 to index
      %get3A_3382 = arith.constant 0 : index
      %get3A_3383 = tpu.vector_load %arg7[%get3A_3381, %get3A_3382] {strides = array<i32>} : memref<200x32xf32, #tpu.memory_space<vmem>>, vector<16xf32>,
      %add3A_3384 = arith.addf %add3A_3364, %get3A_3383 : vector<16xf32>
      %get3A_3385 = arith.constant 115 : i32
      %get3A_3386 = arith.index_cast %get3A_3385 : i32 to index
      %get3A_3387 = arith.constant 16 : index
      %get3A_3388 = tpu.vector_load %arg7[%get3A_3386, %get3A_3387] {strides = array<i32>} : memref<200x32xf32, #tpu.memory_space<vmem>>, vector<16xf32>,
      %add3A_3389 = arith.addf %add3A_3369, %get3A_3388 : vector<16xf32>
      %get3A_3390 = arith.constant 116 : i32
      %get3A_3391 = arith.index_cast %get3A_3390 : i32 to index
      %get3A_3392 = arith.constant 0 : index
      %get3A_3393 = tpu.vector_load %arg7[%get3A_3391, %get3A_3392] {strides = array<i32>} : memref<200x32xf32, #tpu.memory_space<vmem>>, vector<16xf32>,
      %add3A_3394 = arith.addf %add3A_3374, %get3A_3393 : vector<16xf32>
      %get3A_3395 = arith.constant 116 : i32
      %get3A_3396 = arith.index_cast %get3A_3395 : i32 to index
      %get3A_3397 = arith.constant 16 : index
      %get3A_3398 = tpu.vector_load %arg7[%get3A_3396, %get3A_3397] {strides = array<i32>} : memref<200x32xf32, #tpu.memory_space<vmem>>, vector<16xf32>,
      %add3A_3399 = arith.addf %add3A_3379, %get3A_3398 : vector<16xf32>
      %get3A_3400 = arith.constant 117 : i32
      %get3A_3401 = arith.index_cast %get3A_3400 : i32 to index
      %get3A_3402 = arith.constant 0 : index
      %get3A_3403 = tpu.vector_load %arg7[%get3A_3401, %get3A_3402] {strides = array<i32>} : memref<200x32xf32, #tpu.memory_space<vmem>>, vector<16xf32>,
      %add3A_3404 = arith.addf %add3A_3384, %get3A_3403 : vector<16xf32>
      %get3A_3405 = arith.constant 117 : i32
      %get3A_3406 = arith.index_cast %get3A_3405 : i32 to index
      %get3A_3407 = arith.constant 16 : index
      %get3A_3408 = tpu.vector_load %arg7[%get3A_3406, %get3A_3407] {strides = array<i32>} : memref<200x32xf32, #tpu.memory_space<vmem>>, vector<16xf32>,
      %add3A_3409 = arith.addf %add3A_3389, %get3A_3408 : vector<16xf32>
      %get3A_3410 = arith.constant 118 : i32
      %get3A_3411 = arith.index_cast %get3A_3410 : i32 to index
      %get3A_3412 = arith.constant 0 : index
      %get3A_3413 = tpu.vector_load %arg7[%get3A_3411, %get3A_3412] {strides = array<i32>} : memref<200x32xf32, #tpu.memory_space<vmem>>, vector<16xf32>,
      %add3A_3414 = arith.addf %add3A_3394, %get3A_3413 : vector<16xf32>
      %get3A_3415 = arith.constant 118 : i32
      %get3A_3416 = arith.index_cast %get3A_3415 : i32 to index
      %get3A_3417 = arith.constant 16 : index
      %get3A_3418 = tpu.vector_load %arg7[%get3A_3416, %get3A_3417] {strides = array<i32>} : memref<200x32xf32, #tpu.memory_space<vmem>>, vector<16xf32>,
      %add3A_3419 = arith.addf %add3A_3399, %get3A_3418 : vector<16xf32>
      %get3A_3420 = arith.constant 119 : i32
      %get3A_3421 = arith.index_cast %get3A_3420 : i32 to index
      %get3A_3422 = arith.constant 0 : index
      %get3A_3423 = tpu.vector_load %arg7[%get3A_3421, %get3A_3422] {strides = array<i32>} : memref<200x32xf32, #tpu.memory_space<vmem>>, vector<16xf32>,
      %add3A_3424 = arith.addf %add3A_3404, %get3A_3423 : vector<16xf32>
      %get3A_3425 = arith.constant 119 : i32
      %get3A_3426 = arith.index_cast %get3A_3425 : i32 to index
      %get3A_3427 = arith.constant 16 : index
      %get3A_3428 = tpu.vector_load %arg7[%get3A_3426, %get3A_3427] {strides = array<i32>} : memref<200x32xf32, #tpu.memory_space<vmem>>, vector<16xf32>,
      %add3A_3429 = arith.addf %add3A_3409, %get3A_3428 : vector<16xf32>
      %get3A_3430 = arith.constant 120 : i32
      %get3A_3431 = arith.index_cast %get3A_3430 : i32 to index
      %get3A_3432 = arith.constant 0 : index
      %get3A_3433 = tpu.vector_load %arg7[%get3A_3431, %get3A_3432] {strides = array<i32>} : memref<200x32xf32, #tpu.memory_space<vmem>>, vector<16xf32>,
      %add3A_3434 = arith.addf %add3A_3414, %get3A_3433 : vector<16xf32>
      %get3A_3435 = arith.constant 120 : i32
      %get3A_3436 = arith.index_cast %get3A_3435 : i32 to index
      %get3A_3437 = arith.constant 16 : index
      %get3A_3438 = tpu.vector_load %arg7[%get3A_3436, %get3A_3437] {strides = array<i32>} : memref<200x32xf32, #tpu.memory_space<vmem>>, vector<16xf32>,
      %add3A_3439 = arith.addf %add3A_3419, %get3A_3438 : vector<16xf32>
      %get3A_3440 = arith.constant 121 : i32
      %get3A_3441 = arith.index_cast %get3A_3440 : i32 to index
      %get3A_3442 = arith.constant 0 : index
      %get3A_3443 = tpu.vector_load %arg7[%get3A_3441, %get3A_3442] {strides = array<i32>} : memref<200x32xf32, #tpu.memory_space<vmem>>, vector<16xf32>,
      %add3A_3444 = arith.addf %add3A_3424, %get3A_3443 : vector<16xf32>
      %get3A_3445 = arith.constant 121 : i32
      %get3A_3446 = arith.index_cast %get3A_3445 : i32 to index
      %get3A_3447 = arith.constant 16 : index
      %get3A_3448 = tpu.vector_load %arg7[%get3A_3446, %get3A_3447] {strides = array<i32>} : memref<200x32xf32, #tpu.memory_space<vmem>>, vector<16xf32>,
      %add3A_3449 = arith.addf %add3A_3429, %get3A_3448 : vector<16xf32>
      %get3A_3450 = arith.constant 122 : i32
      %get3A_3451 = arith.index_cast %get3A_3450 : i32 to index
      %get3A_3452 = arith.constant 0 : index
      %get3A_3453 = tpu.vector_load %arg7[%get3A_3451, %get3A_3452] {strides = array<i32>} : memref<200x32xf32, #tpu.memory_space<vmem>>, vector<16xf32>,
      %add3A_3454 = arith.addf %add3A_3434, %get3A_3453 : vector<16xf32>
      %get3A_3455 = arith.constant 122 : i32
      %get3A_3456 = arith.index_cast %get3A_3455 : i32 to index
      %get3A_3457 = arith.constant 16 : index
      %get3A_3458 = tpu.vector_load %arg7[%get3A_3456, %get3A_3457] {strides = array<i32>} : memref<200x32xf32, #tpu.memory_space<vmem>>, vector<16xf32>,
      %add3A_3459 = arith.addf %add3A_3439, %get3A_3458 : vector<16xf32>
      %get3A_3460 = arith.constant 123 : i32
      %get3A_3461 = arith.index_cast %get3A_3460 : i32 to index
      %get3A_3462 = arith.constant 0 : index
      %get3A_3463 = tpu.vector_load %arg7[%get3A_3461, %get3A_3462] {strides = array<i32>} : memref<200x32xf32, #tpu.memory_space<vmem>>, vector<16xf32>,
      %add3A_3464 = arith.addf %add3A_3444, %get3A_3463 : vector<16xf32>
      %get3A_3465 = arith.constant 123 : i32
      %get3A_3466 = arith.index_cast %get3A_3465 : i32 to index
      %get3A_3467 = arith.constant 16 : index
      %get3A_3468 = tpu.vector_load %arg7[%get3A_3466, %get3A_3467] {strides = array<i32>} : memref<200x32xf32, #tpu.memory_space<vmem>>, vector<16xf32>,
      %add3A_3469 = arith.addf %add3A_3449, %get3A_3468 : vector<16xf32>
      %get3A_3470 = arith.constant 124 : i32
      %get3A_3471 = arith.index_cast %get3A_3470 : i32 to index
      %get3A_3472 = arith.constant 0 : index
      %get3A_3473 = tpu.vector_load %arg7[%get3A_3471, %get3A_3472] {strides = array<i32>} : memref<200x32xf32, #tpu.memory_space<vmem>>, vector<16xf32>,
      %add3A_3474 = arith.addf %add3A_3454, %get3A_3473 : vector<16xf32>
      %get3A_3475 = arith.constant 124 : i32
      %get3A_3476 = arith.index_cast %get3A_3475 : i32 to index
      %get3A_3477 = arith.constant 16 : index
      %get3A_3478 = tpu.vector_load %arg7[%get3A_3476, %get3A_3477] {strides = array<i32>} : memref<200x32xf32, #tpu.memory_space<vmem>>, vector<16xf32>,
      %add3A_3479 = arith.addf %add3A_3459, %get3A_3478 : vector<16xf32>
      %get3A_3480 = arith.constant 125 : i32
      %get3A_3481 = arith.index_cast %get3A_3480 : i32 to index
      %get3A_3482 = arith.constant 0 : index
      %get3A_3483 = tpu.vector_load %arg7[%get3A_3481, %get3A_3482] {strides = array<i32>} : memref<200x32xf32, #tpu.memory_space<vmem>>, vector<16xf32>,
      %add3A_3484 = arith.addf %add3A_3464, %get3A_3483 : vector<16xf32>
      %get3A_3485 = arith.constant 125 : i32
      %get3A_3486 = arith.index_cast %get3A_3485 : i32 to index
      %get3A_3487 = arith.constant 16 : index
      %get3A_3488 = tpu.vector_load %arg7[%get3A_3486, %get3A_3487] {strides = array<i32>} : memref<200x32xf32, #tpu.memory_space<vmem>>, vector<16xf32>,
      %add3A_3489 = arith.addf %add3A_3469, %get3A_3488 : vector<16xf32>
      %get3A_3490 = arith.constant 126 : i32
      %get3A_3491 = arith.index_cast %get3A_3490 : i32 to index
      %get3A_3492 = arith.constant 0 : index
      %get3A_3493 = tpu.vector_load %arg7[%get3A_3491, %get3A_3492] {strides = array<i32>} : memref<200x32xf32, #tpu.memory_space<vmem>>, vector<16xf32>,
      %add3A_3494 = arith.addf %add3A_3474, %get3A_3493 : vector<16xf32>
      %get3A_3495 = arith.constant 126 : i32
      %get3A_3496 = arith.index_cast %get3A_3495 : i32 to index
      %get3A_3497 = arith.constant 16 : index
      %get3A_3498 = tpu.vector_load %arg7[%get3A_3496, %get3A_3497] {strides = array<i32>} : memref<200x32xf32, #tpu.memory_space<vmem>>, vector<16xf32>,
      %add3A_3499 = arith.addf %add3A_3479, %get3A_3498 : vector<16xf32>
      %get3A_3500 = arith.constant 127 : i32
      %get3A_3501 = arith.index_cast %get3A_3500 : i32 to index
      %get3A_3502 = arith.constant 0 : index
      %get3A_3503 = tpu.vector_load %arg7[%get3A_3501, %get3A_3502] {strides = array<i32>} : memref<200x32xf32, #tpu.memory_space<vmem>>, vector<16xf32>,
      %add3A_3504 = arith.addf %add3A_3484, %get3A_3503 : vector<16xf32>
      %get3A_3505 = arith.constant 127 : i32
      %get3A_3506 = arith.index_cast %get3A_3505 : i32 to index
      %get3A_3507 = arith.constant 16 : index
      %get3A_3508 = tpu.vector_load %arg7[%get3A_3506, %get3A_3507] {strides = array<i32>} : memref<200x32xf32, #tpu.memory_space<vmem>>, vector<16xf32>,
      %add3A_3509 = arith.addf %add3A_3489, %get3A_3508 : vector<16xf32>
      %get3A_3510 = arith.constant 128 : i32
      %get3A_3511 = arith.index_cast %get3A_3510 : i32 to index
      %get3A_3512 = arith.constant 0 : index
      %get3A_3513 = tpu.vector_load %arg7[%get3A_3511, %get3A_3512] {strides = array<i32>} : memref<200x32xf32, #tpu.memory_space<vmem>>, vector<16xf32>,
      %add3A_3514 = arith.addf %add3A_3494, %get3A_3513 : vector<16xf32>
      %get3A_3515 = arith.constant 128 : i32
      %get3A_3516 = arith.index_cast %get3A_3515 : i32 to index
      %get3A_3517 = arith.constant 16 : index
      %get3A_3518 = tpu.vector_load %arg7[%get3A_3516, %get3A_3517] {strides = array<i32>} : memref<200x32xf32, #tpu.memory_space<vmem>>, vector<16xf32>,
      %add3A_3519 = arith.addf %add3A_3499, %get3A_3518 : vector<16xf32>
      %get3A_3520 = arith.constant 129 : i32
      %get3A_3521 = arith.index_cast %get3A_3520 : i32 to index
      %get3A_3522 = arith.constant 0 : index
      %get3A_3523 = tpu.vector_load %arg7[%get3A_3521, %get3A_3522] {strides = array<i32>} : memref<200x32xf32, #tpu.memory_space<vmem>>, vector<16xf32>,
      %add3A_3524 = arith.addf %add3A_3504, %get3A_3523 : vector<16xf32>
      %get3A_3525 = arith.constant 129 : i32
      %get3A_3526 = arith.index_cast %get3A_3525 : i32 to index
      %get3A_3527 = arith.constant 16 : index
      %get3A_3528 = tpu.vector_load %arg7[%get3A_3526, %get3A_3527] {strides = array<i32>} : memref<200x32xf32, #tpu.memory_space<vmem>>, vector<16xf32>,
      %add3A_3529 = arith.addf %add3A_3509, %get3A_3528 : vector<16xf32>
      %get3A_3530 = arith.constant 130 : i32
      %get3A_3531 = arith.index_cast %get3A_3530 : i32 to index
      %get3A_3532 = arith.constant 0 : index
      %get3A_3533 = tpu.vector_load %arg7[%get3A_3531, %get3A_3532] {strides = array<i32>} : memref<200x32xf32, #tpu.memory_space<vmem>>, vector<16xf32>,
      %add3A_3534 = arith.addf %add3A_3514, %get3A_3533 : vector<16xf32>
      %get3A_3535 = arith.constant 130 : i32
      %get3A_3536 = arith.index_cast %get3A_3535 : i32 to index
      %get3A_3537 = arith.constant 16 : index
      %get3A_3538 = tpu.vector_load %arg7[%get3A_3536, %get3A_3537] {strides = array<i32>} : memref<200x32xf32, #tpu.memory_space<vmem>>, vector<16xf32>,
      %add3A_3539 = arith.addf %add3A_3519, %get3A_3538 : vector<16xf32>
      %get3A_3540 = arith.constant 131 : i32
      %get3A_3541 = arith.index_cast %get3A_3540 : i32 to index
      %get3A_3542 = arith.constant 0 : index
      %get3A_3543 = tpu.vector_load %arg7[%get3A_3541, %get3A_3542] {strides = array<i32>} : memref<200x32xf32, #tpu.memory_space<vmem>>, vector<16xf32>,
      %add3A_3544 = arith.addf %add3A_3524, %get3A_3543 : vector<16xf32>
      %get3A_3545 = arith.constant 131 : i32
      %get3A_3546 = arith.index_cast %get3A_3545 : i32 to index
      %get3A_3547 = arith.constant 16 : index
      %get3A_3548 = tpu.vector_load %arg7[%get3A_3546, %get3A_3547] {strides = array<i32>} : memref<200x32xf32, #tpu.memory_space<vmem>>, vector<16xf32>,
      %add3A_3549 = arith.addf %add3A_3529, %get3A_3548 : vector<16xf32>
      %get3A_3550 = arith.constant 132 : i32
      %get3A_3551 = arith.index_cast %get3A_3550 : i32 to index
      %get3A_3552 = arith.constant 0 : index
      %get3A_3553 = tpu.vector_load %arg7[%get3A_3551, %get3A_3552] {strides = array<i32>} : memref<200x32xf32, #tpu.memory_space<vmem>>, vector<16xf32>,
      %add3A_3554 = arith.addf %add3A_3534, %get3A_3553 : vector<16xf32>
      %get3A_3555 = arith.constant 132 : i32
      %get3A_3556 = arith.index_cast %get3A_3555 : i32 to index
      %get3A_3557 = arith.constant 16 : index
      %get3A_3558 = tpu.vector_load %arg7[%get3A_3556, %get3A_3557] {strides = array<i32>} : memref<200x32xf32, #tpu.memory_space<vmem>>, vector<16xf32>,
      %add3A_3559 = arith.addf %add3A_3539, %get3A_3558 : vector<16xf32>
      %get3A_3560 = arith.constant 133 : i32
      %get3A_3561 = arith.index_cast %get3A_3560 : i32 to index
      %get3A_3562 = arith.constant 0 : index
      %get3A_3563 = tpu.vector_load %arg7[%get3A_3561, %get3A_3562] {strides = array<i32>} : memref<200x32xf32, #tpu.memory_space<vmem>>, vector<16xf32>,
      %add3A_3564 = arith.addf %add3A_3544, %get3A_3563 : vector<16xf32>
      %get3A_3565 = arith.constant 133 : i32
      %get3A_3566 = arith.index_cast %get3A_3565 : i32 to index
      %get3A_3567 = arith.constant 16 : index
      %get3A_3568 = tpu.vector_load %arg7[%get3A_3566, %get3A_3567] {strides = array<i32>} : memref<200x32xf32, #tpu.memory_space<vmem>>, vector<16xf32>,
      %add3A_3569 = arith.addf %add3A_3549, %get3A_3568 : vector<16xf32>
      %get3A_3570 = arith.constant 134 : i32
      %get3A_3571 = arith.index_cast %get3A_3570 : i32 to index
      %get3A_3572 = arith.constant 0 : index
      %get3A_3573 = tpu.vector_load %arg7[%get3A_3571, %get3A_3572] {strides = array<i32>} : memref<200x32xf32, #tpu.memory_space<vmem>>, vector<16xf32>,
      %add3A_3574 = arith.addf %add3A_3554, %get3A_3573 : vector<16xf32>
      %get3A_3575 = arith.constant 134 : i32
      %get3A_3576 = arith.index_cast %get3A_3575 : i32 to index
      %get3A_3577 = arith.constant 16 : index
      %get3A_3578 = tpu.vector_load %arg7[%get3A_3576, %get3A_3577] {strides = array<i32>} : memref<200x32xf32, #tpu.memory_space<vmem>>, vector<16xf32>,
      %add3A_3579 = arith.addf %add3A_3559, %get3A_3578 : vector<16xf32>
      %get3A_3580 = arith.constant 135 : i32
      %get3A_3581 = arith.index_cast %get3A_3580 : i32 to index
      %get3A_3582 = arith.constant 0 : index
      %get3A_3583 = tpu.vector_load %arg7[%get3A_3581, %get3A_3582] {strides = array<i32>} : memref<200x32xf32, #tpu.memory_space<vmem>>, vector<16xf32>,
      %add3A_3584 = arith.addf %add3A_3564, %get3A_3583 : vector<16xf32>
      %get3A_3585 = arith.constant 135 : i32
      %get3A_3586 = arith.index_cast %get3A_3585 : i32 to index
      %get3A_3587 = arith.constant 16 : index
      %get3A_3588 = tpu.vector_load %arg7[%get3A_3586, %get3A_3587] {strides = array<i32>} : memref<200x32xf32, #tpu.memory_space<vmem>>, vector<16xf32>,
      %add3A_3589 = arith.addf %add3A_3569, %get3A_3588 : vector<16xf32>
      %get3A_3590 = arith.constant 136 : i32
      %get3A_3591 = arith.index_cast %get3A_3590 : i32 to index
      %get3A_3592 = arith.constant 0 : index
      %get3A_3593 = tpu.vector_load %arg7[%get3A_3591, %get3A_3592] {strides = array<i32>} : memref<200x32xf32, #tpu.memory_space<vmem>>, vector<16xf32>,
      %add3A_3594 = arith.addf %add3A_3574, %get3A_3593 : vector<16xf32>
      %get3A_3595 = arith.constant 136 : i32
      %get3A_3596 = arith.index_cast %get3A_3595 : i32 to index
      %get3A_3597 = arith.constant 16 : index
      %get3A_3598 = tpu.vector_load %arg7[%get3A_3596, %get3A_3597] {strides = array<i32>} : memref<200x32xf32, #tpu.memory_space<vmem>>, vector<16xf32>,
      %add3A_3599 = arith.addf %add3A_3579, %get3A_3598 : vector<16xf32>
      %get3A_3600 = arith.constant 137 : i32
      %get3A_3601 = arith.index_cast %get3A_3600 : i32 to index
      %get3A_3602 = arith.constant 0 : index
      %get3A_3603 = tpu.vector_load %arg7[%get3A_3601, %get3A_3602] {strides = array<i32>} : memref<200x32xf32, #tpu.memory_space<vmem>>, vector<16xf32>,
      %add3A_3604 = arith.addf %add3A_3584, %get3A_3603 : vector<16xf32>
      %get3A_3605 = arith.constant 137 : i32
      %get3A_3606 = arith.index_cast %get3A_3605 : i32 to index
      %get3A_3607 = arith.constant 16 : index
      %get3A_3608 = tpu.vector_load %arg7[%get3A_3606, %get3A_3607] {strides = array<i32>} : memref<200x32xf32, #tpu.memory_space<vmem>>, vector<16xf32>,
      %add3A_3609 = arith.addf %add3A_3589, %get3A_3608 : vector<16xf32>
      %get3A_3610 = arith.constant 138 : i32
      %get3A_3611 = arith.index_cast %get3A_3610 : i32 to index
      %get3A_3612 = arith.constant 0 : index
      %get3A_3613 = tpu.vector_load %arg7[%get3A_3611, %get3A_3612] {strides = array<i32>} : memref<200x32xf32, #tpu.memory_space<vmem>>, vector<16xf32>,
      %add3A_3614 = arith.addf %add3A_3594, %get3A_3613 : vector<16xf32>
      %get3A_3615 = arith.constant 138 : i32
      %get3A_3616 = arith.index_cast %get3A_3615 : i32 to index
      %get3A_3617 = arith.constant 16 : index
      %get3A_3618 = tpu.vector_load %arg7[%get3A_3616, %get3A_3617] {strides = array<i32>} : memref<200x32xf32, #tpu.memory_space<vmem>>, vector<16xf32>,
      %add3A_3619 = arith.addf %add3A_3599, %get3A_3618 : vector<16xf32>
      %get3A_3620 = arith.constant 139 : i32
      %get3A_3621 = arith.index_cast %get3A_3620 : i32 to index
      %get3A_3622 = arith.constant 0 : index
      %get3A_3623 = tpu.vector_load %arg7[%get3A_3621, %get3A_3622] {strides = array<i32>} : memref<200x32xf32, #tpu.memory_space<vmem>>, vector<16xf32>,
      %add3A_3624 = arith.addf %add3A_3604, %get3A_3623 : vector<16xf32>
      %get3A_3625 = arith.constant 139 : i32
      %get3A_3626 = arith.index_cast %get3A_3625 : i32 to index
      %get3A_3627 = arith.constant 16 : index
      %get3A_3628 = tpu.vector_load %arg7[%get3A_3626, %get3A_3627] {strides = array<i32>} : memref<200x32xf32, #tpu.memory_space<vmem>>, vector<16xf32>,
      %add3A_3629 = arith.addf %add3A_3609, %get3A_3628 : vector<16xf32>
      %get3A_3630 = arith.constant 140 : i32
      %get3A_3631 = arith.index_cast %get3A_3630 : i32 to index
      %get3A_3632 = arith.constant 0 : index
      %get3A_3633 = tpu.vector_load %arg7[%get3A_3631, %get3A_3632] {strides = array<i32>} : memref<200x32xf32, #tpu.memory_space<vmem>>, vector<16xf32>,
      %add3A_3634 = arith.addf %add3A_3614, %get3A_3633 : vector<16xf32>
      %get3A_3635 = arith.constant 140 : i32
      %get3A_3636 = arith.index_cast %get3A_3635 : i32 to index
      %get3A_3637 = arith.constant 16 : index
      %get3A_3638 = tpu.vector_load %arg7[%get3A_3636, %get3A_3637] {strides = array<i32>} : memref<200x32xf32, #tpu.memory_space<vmem>>, vector<16xf32>,
      %add3A_3639 = arith.addf %add3A_3619, %get3A_3638 : vector<16xf32>
      %get3A_3640 = arith.constant 141 : i32
      %get3A_3641 = arith.index_cast %get3A_3640 : i32 to index
      %get3A_3642 = arith.constant 0 : index
      %get3A_3643 = tpu.vector_load %arg7[%get3A_3641, %get3A_3642] {strides = array<i32>} : memref<200x32xf32, #tpu.memory_space<vmem>>, vector<16xf32>,
      %add3A_3644 = arith.addf %add3A_3624, %get3A_3643 : vector<16xf32>
      %get3A_3645 = arith.constant 141 : i32
      %get3A_3646 = arith.index_cast %get3A_3645 : i32 to index
      %get3A_3647 = arith.constant 16 : index
      %get3A_3648 = tpu.vector_load %arg7[%get3A_3646, %get3A_3647] {strides = array<i32>} : memref<200x32xf32, #tpu.memory_space<vmem>>, vector<16xf32>,
      %add3A_3649 = arith.addf %add3A_3629, %get3A_3648 : vector<16xf32>
      %get3A_3650 = arith.constant 142 : i32
      %get3A_3651 = arith.index_cast %get3A_3650 : i32 to index
      %get3A_3652 = arith.constant 0 : index
      %get3A_3653 = tpu.vector_load %arg7[%get3A_3651, %get3A_3652] {strides = array<i32>} : memref<200x32xf32, #tpu.memory_space<vmem>>, vector<16xf32>,
      %add3A_3654 = arith.addf %add3A_3634, %get3A_3653 : vector<16xf32>
      %get3A_3655 = arith.constant 142 : i32
      %get3A_3656 = arith.index_cast %get3A_3655 : i32 to index
      %get3A_3657 = arith.constant 16 : index
      %get3A_3658 = tpu.vector_load %arg7[%get3A_3656, %get3A_3657] {strides = array<i32>} : memref<200x32xf32, #tpu.memory_space<vmem>>, vector<16xf32>,
      %add3A_3659 = arith.addf %add3A_3639, %get3A_3658 : vector<16xf32>
      %get3A_3660 = arith.constant 143 : i32
      %get3A_3661 = arith.index_cast %get3A_3660 : i32 to index
      %get3A_3662 = arith.constant 0 : index
      %get3A_3663 = tpu.vector_load %arg7[%get3A_3661, %get3A_3662] {strides = array<i32>} : memref<200x32xf32, #tpu.memory_space<vmem>>, vector<16xf32>,
      %add3A_3664 = arith.addf %add3A_3644, %get3A_3663 : vector<16xf32>
      %get3A_3665 = arith.constant 143 : i32
      %get3A_3666 = arith.index_cast %get3A_3665 : i32 to index
      %get3A_3667 = arith.constant 16 : index
      %get3A_3668 = tpu.vector_load %arg7[%get3A_3666, %get3A_3667] {strides = array<i32>} : memref<200x32xf32, #tpu.memory_space<vmem>>, vector<16xf32>,
      %add3A_3669 = arith.addf %add3A_3649, %get3A_3668 : vector<16xf32>
      %get3A_3670 = arith.constant 144 : i32
      %get3A_3671 = arith.index_cast %get3A_3670 : i32 to index
      %get3A_3672 = arith.constant 0 : index
      %get3A_3673 = tpu.vector_load %arg7[%get3A_3671, %get3A_3672] {strides = array<i32>} : memref<200x32xf32, #tpu.memory_space<vmem>>, vector<16xf32>,
      %add3A_3674 = arith.addf %add3A_3654, %get3A_3673 : vector<16xf32>
      %get3A_3675 = arith.constant 144 : i32
      %get3A_3676 = arith.index_cast %get3A_3675 : i32 to index
      %get3A_3677 = arith.constant 16 : index
      %get3A_3678 = tpu.vector_load %arg7[%get3A_3676, %get3A_3677] {strides = array<i32>} : memref<200x32xf32, #tpu.memory_space<vmem>>, vector<16xf32>,
      %add3A_3679 = arith.addf %add3A_3659, %get3A_3678 : vector<16xf32>
      %get3A_3680 = arith.constant 145 : i32
      %get3A_3681 = arith.index_cast %get3A_3680 : i32 to index
      %get3A_3682 = arith.constant 0 : index
      %get3A_3683 = tpu.vector_load %arg7[%get3A_3681, %get3A_3682] {strides = array<i32>} : memref<200x32xf32, #tpu.memory_space<vmem>>, vector<16xf32>,
      %add3A_3684 = arith.addf %add3A_3664, %get3A_3683 : vector<16xf32>
      %get3A_3685 = arith.constant 145 : i32
      %get3A_3686 = arith.index_cast %get3A_3685 : i32 to index
      %get3A_3687 = arith.constant 16 : index
      %get3A_3688 = tpu.vector_load %arg7[%get3A_3686, %get3A_3687] {strides = array<i32>} : memref<200x32xf32, #tpu.memory_space<vmem>>, vector<16xf32>,
      %add3A_3689 = arith.addf %add3A_3669, %get3A_3688 : vector<16xf32>
      %get3A_3690 = arith.constant 146 : i32
      %get3A_3691 = arith.index_cast %get3A_3690 : i32 to index
      %get3A_3692 = arith.constant 0 : index
      %get3A_3693 = tpu.vector_load %arg7[%get3A_3691, %get3A_3692] {strides = array<i32>} : memref<200x32xf32, #tpu.memory_space<vmem>>, vector<16xf32>,
      %add3A_3694 = arith.addf %add3A_3674, %get3A_3693 : vector<16xf32>
      %get3A_3695 = arith.constant 146 : i32
      %get3A_3696 = arith.index_cast %get3A_3695 : i32 to index
      %get3A_3697 = arith.constant 16 : index
      %get3A_3698 = tpu.vector_load %arg7[%get3A_3696, %get3A_3697] {strides = array<i32>} : memref<200x32xf32, #tpu.memory_space<vmem>>, vector<16xf32>,
      %add3A_3699 = arith.addf %add3A_3679, %get3A_3698 : vector<16xf32>
      %get3A_3700 = arith.constant 147 : i32
      %get3A_3701 = arith.index_cast %get3A_3700 : i32 to index
      %get3A_3702 = arith.constant 0 : index
      %get3A_3703 = tpu.vector_load %arg7[%get3A_3701, %get3A_3702] {strides = array<i32>} : memref<200x32xf32, #tpu.memory_space<vmem>>, vector<16xf32>,
      %add3A_3704 = arith.addf %add3A_3684, %get3A_3703 : vector<16xf32>
      %get3A_3705 = arith.constant 147 : i32
      %get3A_3706 = arith.index_cast %get3A_3705 : i32 to index
      %get3A_3707 = arith.constant 16 : index
      %get3A_3708 = tpu.vector_load %arg7[%get3A_3706, %get3A_3707] {strides = array<i32>} : memref<200x32xf32, #tpu.memory_space<vmem>>, vector<16xf32>,
      %add3A_3709 = arith.addf %add3A_3689, %get3A_3708 : vector<16xf32>
      %get3A_3710 = arith.constant 148 : i32
      %get3A_3711 = arith.index_cast %get3A_3710 : i32 to index
      %get3A_3712 = arith.constant 0 : index
      %get3A_3713 = tpu.vector_load %arg7[%get3A_3711, %get3A_3712] {strides = array<i32>} : memref<200x32xf32, #tpu.memory_space<vmem>>, vector<16xf32>,
      %add3A_3714 = arith.addf %add3A_3694, %get3A_3713 : vector<16xf32>
      %get3A_3715 = arith.constant 148 : i32
      %get3A_3716 = arith.index_cast %get3A_3715 : i32 to index
      %get3A_3717 = arith.constant 16 : index
      %get3A_3718 = tpu.vector_load %arg7[%get3A_3716, %get3A_3717] {strides = array<i32>} : memref<200x32xf32, #tpu.memory_space<vmem>>, vector<16xf32>,
      %add3A_3719 = arith.addf %add3A_3699, %get3A_3718 : vector<16xf32>
      %get3A_3720 = arith.constant 149 : i32
      %get3A_3721 = arith.index_cast %get3A_3720 : i32 to index
      %get3A_3722 = arith.constant 0 : index
      %get3A_3723 = tpu.vector_load %arg7[%get3A_3721, %get3A_3722] {strides = array<i32>} : memref<200x32xf32, #tpu.memory_space<vmem>>, vector<16xf32>,
      %add3A_3724 = arith.addf %add3A_3704, %get3A_3723 : vector<16xf32>
      %get3A_3725 = arith.constant 149 : i32
      %get3A_3726 = arith.index_cast %get3A_3725 : i32 to index
      %get3A_3727 = arith.constant 16 : index
      %get3A_3728 = tpu.vector_load %arg7[%get3A_3726, %get3A_3727] {strides = array<i32>} : memref<200x32xf32, #tpu.memory_space<vmem>>, vector<16xf32>,
      %add3A_3729 = arith.addf %add3A_3709, %get3A_3728 : vector<16xf32>
      %mul3A_3730 = arith.constant 4 : i32
      %mul3A_3731 = arith.muli %add3A_2148, %mul3A_3730 : i32
      %add3A_3732 = arith.constant 2 : i32
      %add3A_3733 = arith.addi %mul3A_3731, %add3A_3732 : i32
      %add3A_3734 = arith.addf %add3A_3714, %add3A_3724 : vector<16xf32>
      %mul3A_3735 = vector.broadcast %scan3A_18 : f32 to vector<16xf32>
      %mul3A_3736 = arith.mulf %add3A_3734, %mul3A_3735 : vector<16xf32>
      %swap3A_3737 = arith.index_cast %add3A_3733 : i32 to index
      %swap3A_3738 = arith.constant 0 : index
      %swap3A_3739 = tpu.vector_load %arg8[%swap3A_3737, %swap3A_3738] {strides = array<i32>} : memref<512x128xf32, #tpu.memory_space<vmem>>, vector<16xf32>,
      tpu.vector_store %arg8[%swap3A_3737, %swap3A_3738], %mul3A_3736 {strides = array<i32>} : memref<512x128xf32, #tpu.memory_space<vmem>>, vector<16xf32>,
      %add3A_3740 = arith.addf %add3A_3719, %add3A_3729 : vector<16xf32>
      %mul3A_3741 = vector.broadcast %scan3A_18 : f32 to vector<16xf32>
      %mul3A_3742 = arith.mulf %add3A_3740, %mul3A_3741 : vector<16xf32>
      %swap3A_3743 = arith.index_cast %add3A_3733 : i32 to index
      %swap3A_3744 = arith.constant 16 : index
      %swap3A_3745 = tpu.vector_load %arg8[%swap3A_3743, %swap3A_3744] {strides = array<i32>} : memref<512x128xf32, #tpu.memory_space<vmem>>, vector<16xf32>,
      tpu.vector_store %arg8[%swap3A_3743, %swap3A_3744], %mul3A_3742 {strides = array<i32>} : memref<512x128xf32, #tpu.memory_space<vmem>>, vector<16xf32>,
      %broadcast_in_dim3A_3746 = arith.constant 0.000000e+00 : f32
      %broadcast_in_dim3A_3747 = vector.broadcast %broadcast_in_dim3A_3746 : f32 to vector<16xf32>
      %broadcast_in_dim3A_3748 = arith.constant 0.000000e+00 : f32
      %broadcast_in_dim3A_3749 = vector.broadcast %broadcast_in_dim3A_3748 : f32 to vector<16xf32>
      %broadcast_in_dim3A_3750 = arith.constant 0.000000e+00 : f32
      %broadcast_in_dim3A_3751 = vector.broadcast %broadcast_in_dim3A_3750 : f32 to vector<16xf32>
      %broadcast_in_dim3A_3752 = arith.constant 0.000000e+00 : f32
      %broadcast_in_dim3A_3753 = vector.broadcast %broadcast_in_dim3A_3752 : f32 to vector<16xf32>
      %get3A_3754 = arith.constant 150 : i32
      %get3A_3755 = arith.index_cast %get3A_3754 : i32 to index
      %get3A_3756 = arith.constant 0 : index
      %get3A_3757 = tpu.vector_load %arg7[%get3A_3755, %get3A_3756] {strides = array<i32>} : memref<200x32xf32, #tpu.memory_space<vmem>>, vector<16xf32>,
      %add3A_3758 = arith.addf %broadcast_in_dim3A_3747, %get3A_3757 : vector<16xf32>
      %get3A_3759 = arith.constant 150 : i32
      %get3A_3760 = arith.index_cast %get3A_3759 : i32 to index
      %get3A_3761 = arith.constant 16 : index
      %get3A_3762 = tpu.vector_load %arg7[%get3A_3760, %get3A_3761] {strides = array<i32>} : memref<200x32xf32, #tpu.memory_space<vmem>>, vector<16xf32>,
      %add3A_3763 = arith.addf %broadcast_in_dim3A_3749, %get3A_3762 : vector<16xf32>
      %get3A_3764 = arith.constant 151 : i32
      %get3A_3765 = arith.index_cast %get3A_3764 : i32 to index
      %get3A_3766 = arith.constant 0 : index
      %get3A_3767 = tpu.vector_load %arg7[%get3A_3765, %get3A_3766] {strides = array<i32>} : memref<200x32xf32, #tpu.memory_space<vmem>>, vector<16xf32>,
      %add3A_3768 = arith.addf %broadcast_in_dim3A_3751, %get3A_3767 : vector<16xf32>
      %get3A_3769 = arith.constant 151 : i32
      %get3A_3770 = arith.index_cast %get3A_3769 : i32 to index
      %get3A_3771 = arith.constant 16 : index
      %get3A_3772 = tpu.vector_load %arg7[%get3A_3770, %get3A_3771] {strides = array<i32>} : memref<200x32xf32, #tpu.memory_space<vmem>>, vector<16xf32>,
      %add3A_3773 = arith.addf %broadcast_in_dim3A_3753, %get3A_3772 : vector<16xf32>
      %get3A_3774 = arith.constant 152 : i32
      %get3A_3775 = arith.index_cast %get3A_3774 : i32 to index
      %get3A_3776 = arith.constant 0 : index
      %get3A_3777 = tpu.vector_load %arg7[%get3A_3775, %get3A_3776] {strides = array<i32>} : memref<200x32xf32, #tpu.memory_space<vmem>>, vector<16xf32>,
      %add3A_3778 = arith.addf %add3A_3758, %get3A_3777 : vector<16xf32>
      %get3A_3779 = arith.constant 152 : i32
      %get3A_3780 = arith.index_cast %get3A_3779 : i32 to index
      %get3A_3781 = arith.constant 16 : index
      %get3A_3782 = tpu.vector_load %arg7[%get3A_3780, %get3A_3781] {strides = array<i32>} : memref<200x32xf32, #tpu.memory_space<vmem>>, vector<16xf32>,
      %add3A_3783 = arith.addf %add3A_3763, %get3A_3782 : vector<16xf32>
      %get3A_3784 = arith.constant 153 : i32
      %get3A_3785 = arith.index_cast %get3A_3784 : i32 to index
      %get3A_3786 = arith.constant 0 : index
      %get3A_3787 = tpu.vector_load %arg7[%get3A_3785, %get3A_3786] {strides = array<i32>} : memref<200x32xf32, #tpu.memory_space<vmem>>, vector<16xf32>,
      %add3A_3788 = arith.addf %add3A_3768, %get3A_3787 : vector<16xf32>
      %get3A_3789 = arith.constant 153 : i32
      %get3A_3790 = arith.index_cast %get3A_3789 : i32 to index
      %get3A_3791 = arith.constant 16 : index
      %get3A_3792 = tpu.vector_load %arg7[%get3A_3790, %get3A_3791] {strides = array<i32>} : memref<200x32xf32, #tpu.memory_space<vmem>>, vector<16xf32>,
      %add3A_3793 = arith.addf %add3A_3773, %get3A_3792 : vector<16xf32>
      %get3A_3794 = arith.constant 154 : i32
      %get3A_3795 = arith.index_cast %get3A_3794 : i32 to index
      %get3A_3796 = arith.constant 0 : index
      %get3A_3797 = tpu.vector_load %arg7[%get3A_3795, %get3A_3796] {strides = array<i32>} : memref<200x32xf32, #tpu.memory_space<vmem>>, vector<16xf32>,
      %add3A_3798 = arith.addf %add3A_3778, %get3A_3797 : vector<16xf32>
      %get3A_3799 = arith.constant 154 : i32
      %get3A_3800 = arith.index_cast %get3A_3799 : i32 to index
      %get3A_3801 = arith.constant 16 : index
      %get3A_3802 = tpu.vector_load %arg7[%get3A_3800, %get3A_3801] {strides = array<i32>} : memref<200x32xf32, #tpu.memory_space<vmem>>, vector<16xf32>,
      %add3A_3803 = arith.addf %add3A_3783, %get3A_3802 : vector<16xf32>
      %get3A_3804 = arith.constant 155 : i32
      %get3A_3805 = arith.index_cast %get3A_3804 : i32 to index
      %get3A_3806 = arith.constant 0 : index
      %get3A_3807 = tpu.vector_load %arg7[%get3A_3805, %get3A_3806] {strides = array<i32>} : memref<200x32xf32, #tpu.memory_space<vmem>>, vector<16xf32>,
      %add3A_3808 = arith.addf %add3A_3788, %get3A_3807 : vector<16xf32>
      %get3A_3809 = arith.constant 155 : i32
      %get3A_3810 = arith.index_cast %get3A_3809 : i32 to index
      %get3A_3811 = arith.constant 16 : index
      %get3A_3812 = tpu.vector_load %arg7[%get3A_3810, %get3A_3811] {strides = array<i32>} : memref<200x32xf32, #tpu.memory_space<vmem>>, vector<16xf32>,
      %add3A_3813 = arith.addf %add3A_3793, %get3A_3812 : vector<16xf32>
      %get3A_3814 = arith.constant 156 : i32
      %get3A_3815 = arith.index_cast %get3A_3814 : i32 to index
      %get3A_3816 = arith.constant 0 : index
      %get3A_3817 = tpu.vector_load %arg7[%get3A_3815, %get3A_3816] {strides = array<i32>} : memref<200x32xf32, #tpu.memory_space<vmem>>, vector<16xf32>,
      %add3A_3818 = arith.addf %add3A_3798, %get3A_3817 : vector<16xf32>
      %get3A_3819 = arith.constant 156 : i32
      %get3A_3820 = arith.index_cast %get3A_3819 : i32 to index
      %get3A_3821 = arith.constant 16 : index
      %get3A_3822 = tpu.vector_load %arg7[%get3A_3820, %get3A_3821] {strides = array<i32>} : memref<200x32xf32, #tpu.memory_space<vmem>>, vector<16xf32>,
      %add3A_3823 = arith.addf %add3A_3803, %get3A_3822 : vector<16xf32>
      %get3A_3824 = arith.constant 157 : i32
      %get3A_3825 = arith.index_cast %get3A_3824 : i32 to index
      %get3A_3826 = arith.constant 0 : index
      %get3A_3827 = tpu.vector_load %arg7[%get3A_3825, %get3A_3826] {strides = array<i32>} : memref<200x32xf32, #tpu.memory_space<vmem>>, vector<16xf32>,
      %add3A_3828 = arith.addf %add3A_3808, %get3A_3827 : vector<16xf32>
      %get3A_3829 = arith.constant 157 : i32
      %get3A_3830 = arith.index_cast %get3A_3829 : i32 to index
      %get3A_3831 = arith.constant 16 : index
      %get3A_3832 = tpu.vector_load %arg7[%get3A_3830, %get3A_3831] {strides = array<i32>} : memref<200x32xf32, #tpu.memory_space<vmem>>, vector<16xf32>,
      %add3A_3833 = arith.addf %add3A_3813, %get3A_3832 : vector<16xf32>
      %get3A_3834 = arith.constant 158 : i32
      %get3A_3835 = arith.index_cast %get3A_3834 : i32 to index
      %get3A_3836 = arith.constant 0 : index
      %get3A_3837 = tpu.vector_load %arg7[%get3A_3835, %get3A_3836] {strides = array<i32>} : memref<200x32xf32, #tpu.memory_space<vmem>>, vector<16xf32>,
      %add3A_3838 = arith.addf %add3A_3818, %get3A_3837 : vector<16xf32>
      %get3A_3839 = arith.constant 158 : i32
      %get3A_3840 = arith.index_cast %get3A_3839 : i32 to index
      %get3A_3841 = arith.constant 16 : index
      %get3A_3842 = tpu.vector_load %arg7[%get3A_3840, %get3A_3841] {strides = array<i32>} : memref<200x32xf32, #tpu.memory_space<vmem>>, vector<16xf32>,
      %add3A_3843 = arith.addf %add3A_3823, %get3A_3842 : vector<16xf32>
      %get3A_3844 = arith.constant 159 : i32
      %get3A_3845 = arith.index_cast %get3A_3844 : i32 to index
      %get3A_3846 = arith.constant 0 : index
      %get3A_3847 = tpu.vector_load %arg7[%get3A_3845, %get3A_3846] {strides = array<i32>} : memref<200x32xf32, #tpu.memory_space<vmem>>, vector<16xf32>,
      %add3A_3848 = arith.addf %add3A_3828, %get3A_3847 : vector<16xf32>
      %get3A_3849 = arith.constant 159 : i32
      %get3A_3850 = arith.index_cast %get3A_3849 : i32 to index
      %get3A_3851 = arith.constant 16 : index
      %get3A_3852 = tpu.vector_load %arg7[%get3A_3850, %get3A_3851] {strides = array<i32>} : memref<200x32xf32, #tpu.memory_space<vmem>>, vector<16xf32>,
      %add3A_3853 = arith.addf %add3A_3833, %get3A_3852 : vector<16xf32>
      %get3A_3854 = arith.constant 160 : i32
      %get3A_3855 = arith.index_cast %get3A_3854 : i32 to index
      %get3A_3856 = arith.constant 0 : index
      %get3A_3857 = tpu.vector_load %arg7[%get3A_3855, %get3A_3856] {strides = array<i32>} : memref<200x32xf32, #tpu.memory_space<vmem>>, vector<16xf32>,
      %add3A_3858 = arith.addf %add3A_3838, %get3A_3857 : vector<16xf32>
      %get3A_3859 = arith.constant 160 : i32
      %get3A_3860 = arith.index_cast %get3A_3859 : i32 to index
      %get3A_3861 = arith.constant 16 : index
      %get3A_3862 = tpu.vector_load %arg7[%get3A_3860, %get3A_3861] {strides = array<i32>} : memref<200x32xf32, #tpu.memory_space<vmem>>, vector<16xf32>,
      %add3A_3863 = arith.addf %add3A_3843, %get3A_3862 : vector<16xf32>
      %get3A_3864 = arith.constant 161 : i32
      %get3A_3865 = arith.index_cast %get3A_3864 : i32 to index
      %get3A_3866 = arith.constant 0 : index
      %get3A_3867 = tpu.vector_load %arg7[%get3A_3865, %get3A_3866] {strides = array<i32>} : memref<200x32xf32, #tpu.memory_space<vmem>>, vector<16xf32>,
      %add3A_3868 = arith.addf %add3A_3848, %get3A_3867 : vector<16xf32>
      %get3A_3869 = arith.constant 161 : i32
      %get3A_3870 = arith.index_cast %get3A_3869 : i32 to index
      %get3A_3871 = arith.constant 16 : index
      %get3A_3872 = tpu.vector_load %arg7[%get3A_3870, %get3A_3871] {strides = array<i32>} : memref<200x32xf32, #tpu.memory_space<vmem>>, vector<16xf32>,
      %add3A_3873 = arith.addf %add3A_3853, %get3A_3872 : vector<16xf32>
      %get3A_3874 = arith.constant 162 : i32
      %get3A_3875 = arith.index_cast %get3A_3874 : i32 to index
      %get3A_3876 = arith.constant 0 : index
      %get3A_3877 = tpu.vector_load %arg7[%get3A_3875, %get3A_3876] {strides = array<i32>} : memref<200x32xf32, #tpu.memory_space<vmem>>, vector<16xf32>,
      %add3A_3878 = arith.addf %add3A_3858, %get3A_3877 : vector<16xf32>
      %get3A_3879 = arith.constant 162 : i32
      %get3A_3880 = arith.index_cast %get3A_3879 : i32 to index
      %get3A_3881 = arith.constant 16 : index
      %get3A_3882 = tpu.vector_load %arg7[%get3A_3880, %get3A_3881] {strides = array<i32>} : memref<200x32xf32, #tpu.memory_space<vmem>>, vector<16xf32>,
      %add3A_3883 = arith.addf %add3A_3863, %get3A_3882 : vector<16xf32>
      %get3A_3884 = arith.constant 163 : i32
      %get3A_3885 = arith.index_cast %get3A_3884 : i32 to index
      %get3A_3886 = arith.constant 0 : index
      %get3A_3887 = tpu.vector_load %arg7[%get3A_3885, %get3A_3886] {strides = array<i32>} : memref<200x32xf32, #tpu.memory_space<vmem>>, vector<16xf32>,
      %add3A_3888 = arith.addf %add3A_3868, %get3A_3887 : vector<16xf32>
      %get3A_3889 = arith.constant 163 : i32
      %get3A_3890 = arith.index_cast %get3A_3889 : i32 to index
      %get3A_3891 = arith.constant 16 : index
      %get3A_3892 = tpu.vector_load %arg7[%get3A_3890, %get3A_3891] {strides = array<i32>} : memref<200x32xf32, #tpu.memory_space<vmem>>, vector<16xf32>,
      %add3A_3893 = arith.addf %add3A_3873, %get3A_3892 : vector<16xf32>
      %get3A_3894 = arith.constant 164 : i32
      %get3A_3895 = arith.index_cast %get3A_3894 : i32 to index
      %get3A_3896 = arith.constant 0 : index
      %get3A_3897 = tpu.vector_load %arg7[%get3A_3895, %get3A_3896] {strides = array<i32>} : memref<200x32xf32, #tpu.memory_space<vmem>>, vector<16xf32>,
      %add3A_3898 = arith.addf %add3A_3878, %get3A_3897 : vector<16xf32>
      %get3A_3899 = arith.constant 164 : i32
      %get3A_3900 = arith.index_cast %get3A_3899 : i32 to index
      %get3A_3901 = arith.constant 16 : index
      %get3A_3902 = tpu.vector_load %arg7[%get3A_3900, %get3A_3901] {strides = array<i32>} : memref<200x32xf32, #tpu.memory_space<vmem>>, vector<16xf32>,
      %add3A_3903 = arith.addf %add3A_3883, %get3A_3902 : vector<16xf32>
      %get3A_3904 = arith.constant 165 : i32
      %get3A_3905 = arith.index_cast %get3A_3904 : i32 to index
      %get3A_3906 = arith.constant 0 : index
      %get3A_3907 = tpu.vector_load %arg7[%get3A_3905, %get3A_3906] {strides = array<i32>} : memref<200x32xf32, #tpu.memory_space<vmem>>, vector<16xf32>,
      %add3A_3908 = arith.addf %add3A_3888, %get3A_3907 : vector<16xf32>
      %get3A_3909 = arith.constant 165 : i32
      %get3A_3910 = arith.index_cast %get3A_3909 : i32 to index
      %get3A_3911 = arith.constant 16 : index
      %get3A_3912 = tpu.vector_load %arg7[%get3A_3910, %get3A_3911] {strides = array<i32>} : memref<200x32xf32, #tpu.memory_space<vmem>>, vector<16xf32>,
      %add3A_3913 = arith.addf %add3A_3893, %get3A_3912 : vector<16xf32>
      %get3A_3914 = arith.constant 166 : i32
      %get3A_3915 = arith.index_cast %get3A_3914 : i32 to index
      %get3A_3916 = arith.constant 0 : index
      %get3A_3917 = tpu.vector_load %arg7[%get3A_3915, %get3A_3916] {strides = array<i32>} : memref<200x32xf32, #tpu.memory_space<vmem>>, vector<16xf32>,
      %add3A_3918 = arith.addf %add3A_3898, %get3A_3917 : vector<16xf32>
      %get3A_3919 = arith.constant 166 : i32
      %get3A_3920 = arith.index_cast %get3A_3919 : i32 to index
      %get3A_3921 = arith.constant 16 : index
      %get3A_3922 = tpu.vector_load %arg7[%get3A_3920, %get3A_3921] {strides = array<i32>} : memref<200x32xf32, #tpu.memory_space<vmem>>, vector<16xf32>,
      %add3A_3923 = arith.addf %add3A_3903, %get3A_3922 : vector<16xf32>
      %get3A_3924 = arith.constant 167 : i32
      %get3A_3925 = arith.index_cast %get3A_3924 : i32 to index
      %get3A_3926 = arith.constant 0 : index
      %get3A_3927 = tpu.vector_load %arg7[%get3A_3925, %get3A_3926] {strides = array<i32>} : memref<200x32xf32, #tpu.memory_space<vmem>>, vector<16xf32>,
      %add3A_3928 = arith.addf %add3A_3908, %get3A_3927 : vector<16xf32>
      %get3A_3929 = arith.constant 167 : i32
      %get3A_3930 = arith.index_cast %get3A_3929 : i32 to index
      %get3A_3931 = arith.constant 16 : index
      %get3A_3932 = tpu.vector_load %arg7[%get3A_3930, %get3A_3931] {strides = array<i32>} : memref<200x32xf32, #tpu.memory_space<vmem>>, vector<16xf32>,
      %add3A_3933 = arith.addf %add3A_3913, %get3A_3932 : vector<16xf32>
      %get3A_3934 = arith.constant 168 : i32
      %get3A_3935 = arith.index_cast %get3A_3934 : i32 to index
      %get3A_3936 = arith.constant 0 : index
      %get3A_3937 = tpu.vector_load %arg7[%get3A_3935, %get3A_3936] {strides = array<i32>} : memref<200x32xf32, #tpu.memory_space<vmem>>, vector<16xf32>,
      %add3A_3938 = arith.addf %add3A_3918, %get3A_3937 : vector<16xf32>
      %get3A_3939 = arith.constant 168 : i32
      %get3A_3940 = arith.index_cast %get3A_3939 : i32 to index
      %get3A_3941 = arith.constant 16 : index
      %get3A_3942 = tpu.vector_load %arg7[%get3A_3940, %get3A_3941] {strides = array<i32>} : memref<200x32xf32, #tpu.memory_space<vmem>>, vector<16xf32>,
      %add3A_3943 = arith.addf %add3A_3923, %get3A_3942 : vector<16xf32>
      %get3A_3944 = arith.constant 169 : i32
      %get3A_3945 = arith.index_cast %get3A_3944 : i32 to index
      %get3A_3946 = arith.constant 0 : index
      %get3A_3947 = tpu.vector_load %arg7[%get3A_3945, %get3A_3946] {strides = array<i32>} : memref<200x32xf32, #tpu.memory_space<vmem>>, vector<16xf32>,
      %add3A_3948 = arith.addf %add3A_3928, %get3A_3947 : vector<16xf32>
      %get3A_3949 = arith.constant 169 : i32
      %get3A_3950 = arith.index_cast %get3A_3949 : i32 to index
      %get3A_3951 = arith.constant 16 : index
      %get3A_3952 = tpu.vector_load %arg7[%get3A_3950, %get3A_3951] {strides = array<i32>} : memref<200x32xf32, #tpu.memory_space<vmem>>, vector<16xf32>,
      %add3A_3953 = arith.addf %add3A_3933, %get3A_3952 : vector<16xf32>
      %get3A_3954 = arith.constant 170 : i32
      %get3A_3955 = arith.index_cast %get3A_3954 : i32 to index
      %get3A_3956 = arith.constant 0 : index
      %get3A_3957 = tpu.vector_load %arg7[%get3A_3955, %get3A_3956] {strides = array<i32>} : memref<200x32xf32, #tpu.memory_space<vmem>>, vector<16xf32>,
      %add3A_3958 = arith.addf %add3A_3938, %get3A_3957 : vector<16xf32>
      %get3A_3959 = arith.constant 170 : i32
      %get3A_3960 = arith.index_cast %get3A_3959 : i32 to index
      %get3A_3961 = arith.constant 16 : index
      %get3A_3962 = tpu.vector_load %arg7[%get3A_3960, %get3A_3961] {strides = array<i32>} : memref<200x32xf32, #tpu.memory_space<vmem>>, vector<16xf32>,
      %add3A_3963 = arith.addf %add3A_3943, %get3A_3962 : vector<16xf32>
      %get3A_3964 = arith.constant 171 : i32
      %get3A_3965 = arith.index_cast %get3A_3964 : i32 to index
      %get3A_3966 = arith.constant 0 : index
      %get3A_3967 = tpu.vector_load %arg7[%get3A_3965, %get3A_3966] {strides = array<i32>} : memref<200x32xf32, #tpu.memory_space<vmem>>, vector<16xf32>,
      %add3A_3968 = arith.addf %add3A_3948, %get3A_3967 : vector<16xf32>
      %get3A_3969 = arith.constant 171 : i32
      %get3A_3970 = arith.index_cast %get3A_3969 : i32 to index
      %get3A_3971 = arith.constant 16 : index
      %get3A_3972 = tpu.vector_load %arg7[%get3A_3970, %get3A_3971] {strides = array<i32>} : memref<200x32xf32, #tpu.memory_space<vmem>>, vector<16xf32>,
      %add3A_3973 = arith.addf %add3A_3953, %get3A_3972 : vector<16xf32>
      %get3A_3974 = arith.constant 172 : i32
      %get3A_3975 = arith.index_cast %get3A_3974 : i32 to index
      %get3A_3976 = arith.constant 0 : index
      %get3A_3977 = tpu.vector_load %arg7[%get3A_3975, %get3A_3976] {strides = array<i32>} : memref<200x32xf32, #tpu.memory_space<vmem>>, vector<16xf32>,
      %add3A_3978 = arith.addf %add3A_3958, %get3A_3977 : vector<16xf32>
      %get3A_3979 = arith.constant 172 : i32
      %get3A_3980 = arith.index_cast %get3A_3979 : i32 to index
      %get3A_3981 = arith.constant 16 : index
      %get3A_3982 = tpu.vector_load %arg7[%get3A_3980, %get3A_3981] {strides = array<i32>} : memref<200x32xf32, #tpu.memory_space<vmem>>, vector<16xf32>,
      %add3A_3983 = arith.addf %add3A_3963, %get3A_3982 : vector<16xf32>
      %get3A_3984 = arith.constant 173 : i32
      %get3A_3985 = arith.index_cast %get3A_3984 : i32 to index
      %get3A_3986 = arith.constant 0 : index
      %get3A_3987 = tpu.vector_load %arg7[%get3A_3985, %get3A_3986] {strides = array<i32>} : memref<200x32xf32, #tpu.memory_space<vmem>>, vector<16xf32>,
      %add3A_3988 = arith.addf %add3A_3968, %get3A_3987 : vector<16xf32>
      %get3A_3989 = arith.constant 173 : i32
      %get3A_3990 = arith.index_cast %get3A_3989 : i32 to index
      %get3A_3991 = arith.constant 16 : index
      %get3A_3992 = tpu.vector_load %arg7[%get3A_3990, %get3A_3991] {strides = array<i32>} : memref<200x32xf32, #tpu.memory_space<vmem>>, vector<16xf32>,
      %add3A_3993 = arith.addf %add3A_3973, %get3A_3992 : vector<16xf32>
      %get3A_3994 = arith.constant 174 : i32
      %get3A_3995 = arith.index_cast %get3A_3994 : i32 to index
      %get3A_3996 = arith.constant 0 : index
      %get3A_3997 = tpu.vector_load %arg7[%get3A_3995, %get3A_3996] {strides = array<i32>} : memref<200x32xf32, #tpu.memory_space<vmem>>, vector<16xf32>,
      %add3A_3998 = arith.addf %add3A_3978, %get3A_3997 : vector<16xf32>
      %get3A_3999 = arith.constant 174 : i32
      %get3A_4000 = arith.index_cast %get3A_3999 : i32 to index
      %get3A_4001 = arith.constant 16 : index
      %get3A_4002 = tpu.vector_load %arg7[%get3A_4000, %get3A_4001] {strides = array<i32>} : memref<200x32xf32, #tpu.memory_space<vmem>>, vector<16xf32>,
      %add3A_4003 = arith.addf %add3A_3983, %get3A_4002 : vector<16xf32>
      %get3A_4004 = arith.constant 175 : i32
      %get3A_4005 = arith.index_cast %get3A_4004 : i32 to index
      %get3A_4006 = arith.constant 0 : index
      %get3A_4007 = tpu.vector_load %arg7[%get3A_4005, %get3A_4006] {strides = array<i32>} : memref<200x32xf32, #tpu.memory_space<vmem>>, vector<16xf32>,
      %add3A_4008 = arith.addf %add3A_3988, %get3A_4007 : vector<16xf32>
      %get3A_4009 = arith.constant 175 : i32
      %get3A_4010 = arith.index_cast %get3A_4009 : i32 to index
      %get3A_4011 = arith.constant 16 : index
      %get3A_4012 = tpu.vector_load %arg7[%get3A_4010, %get3A_4011] {strides = array<i32>} : memref<200x32xf32, #tpu.memory_space<vmem>>, vector<16xf32>,
      %add3A_4013 = arith.addf %add3A_3993, %get3A_4012 : vector<16xf32>
      %get3A_4014 = arith.constant 176 : i32
      %get3A_4015 = arith.index_cast %get3A_4014 : i32 to index
      %get3A_4016 = arith.constant 0 : index
      %get3A_4017 = tpu.vector_load %arg7[%get3A_4015, %get3A_4016] {strides = array<i32>} : memref<200x32xf32, #tpu.memory_space<vmem>>, vector<16xf32>,
      %add3A_4018 = arith.addf %add3A_3998, %get3A_4017 : vector<16xf32>
      %get3A_4019 = arith.constant 176 : i32
      %get3A_4020 = arith.index_cast %get3A_4019 : i32 to index
      %get3A_4021 = arith.constant 16 : index
      %get3A_4022 = tpu.vector_load %arg7[%get3A_4020, %get3A_4021] {strides = array<i32>} : memref<200x32xf32, #tpu.memory_space<vmem>>, vector<16xf32>,
      %add3A_4023 = arith.addf %add3A_4003, %get3A_4022 : vector<16xf32>
      %get3A_4024 = arith.constant 177 : i32
      %get3A_4025 = arith.index_cast %get3A_4024 : i32 to index
      %get3A_4026 = arith.constant 0 : index
      %get3A_4027 = tpu.vector_load %arg7[%get3A_4025, %get3A_4026] {strides = array<i32>} : memref<200x32xf32, #tpu.memory_space<vmem>>, vector<16xf32>,
      %add3A_4028 = arith.addf %add3A_4008, %get3A_4027 : vector<16xf32>
      %get3A_4029 = arith.constant 177 : i32
      %get3A_4030 = arith.index_cast %get3A_4029 : i32 to index
      %get3A_4031 = arith.constant 16 : index
      %get3A_4032 = tpu.vector_load %arg7[%get3A_4030, %get3A_4031] {strides = array<i32>} : memref<200x32xf32, #tpu.memory_space<vmem>>, vector<16xf32>,
      %add3A_4033 = arith.addf %add3A_4013, %get3A_4032 : vector<16xf32>
      %get3A_4034 = arith.constant 178 : i32
      %get3A_4035 = arith.index_cast %get3A_4034 : i32 to index
      %get3A_4036 = arith.constant 0 : index
      %get3A_4037 = tpu.vector_load %arg7[%get3A_4035, %get3A_4036] {strides = array<i32>} : memref<200x32xf32, #tpu.memory_space<vmem>>, vector<16xf32>,
      %add3A_4038 = arith.addf %add3A_4018, %get3A_4037 : vector<16xf32>
      %get3A_4039 = arith.constant 178 : i32
      %get3A_4040 = arith.index_cast %get3A_4039 : i32 to index
      %get3A_4041 = arith.constant 16 : index
      %get3A_4042 = tpu.vector_load %arg7[%get3A_4040, %get3A_4041] {strides = array<i32>} : memref<200x32xf32, #tpu.memory_space<vmem>>, vector<16xf32>,
      %add3A_4043 = arith.addf %add3A_4023, %get3A_4042 : vector<16xf32>
      %get3A_4044 = arith.constant 179 : i32
      %get3A_4045 = arith.index_cast %get3A_4044 : i32 to index
      %get3A_4046 = arith.constant 0 : index
      %get3A_4047 = tpu.vector_load %arg7[%get3A_4045, %get3A_4046] {strides = array<i32>} : memref<200x32xf32, #tpu.memory_space<vmem>>, vector<16xf32>,
      %add3A_4048 = arith.addf %add3A_4028, %get3A_4047 : vector<16xf32>
      %get3A_4049 = arith.constant 179 : i32
      %get3A_4050 = arith.index_cast %get3A_4049 : i32 to index
      %get3A_4051 = arith.constant 16 : index
      %get3A_4052 = tpu.vector_load %arg7[%get3A_4050, %get3A_4051] {strides = array<i32>} : memref<200x32xf32, #tpu.memory_space<vmem>>, vector<16xf32>,
      %add3A_4053 = arith.addf %add3A_4033, %get3A_4052 : vector<16xf32>
      %get3A_4054 = arith.constant 180 : i32
      %get3A_4055 = arith.index_cast %get3A_4054 : i32 to index
      %get3A_4056 = arith.constant 0 : index
      %get3A_4057 = tpu.vector_load %arg7[%get3A_4055, %get3A_4056] {strides = array<i32>} : memref<200x32xf32, #tpu.memory_space<vmem>>, vector<16xf32>,
      %add3A_4058 = arith.addf %add3A_4038, %get3A_4057 : vector<16xf32>
      %get3A_4059 = arith.constant 180 : i32
      %get3A_4060 = arith.index_cast %get3A_4059 : i32 to index
      %get3A_4061 = arith.constant 16 : index
      %get3A_4062 = tpu.vector_load %arg7[%get3A_4060, %get3A_4061] {strides = array<i32>} : memref<200x32xf32, #tpu.memory_space<vmem>>, vector<16xf32>,
      %add3A_4063 = arith.addf %add3A_4043, %get3A_4062 : vector<16xf32>
      %get3A_4064 = arith.constant 181 : i32
      %get3A_4065 = arith.index_cast %get3A_4064 : i32 to index
      %get3A_4066 = arith.constant 0 : index
      %get3A_4067 = tpu.vector_load %arg7[%get3A_4065, %get3A_4066] {strides = array<i32>} : memref<200x32xf32, #tpu.memory_space<vmem>>, vector<16xf32>,
      %add3A_4068 = arith.addf %add3A_4048, %get3A_4067 : vector<16xf32>
      %get3A_4069 = arith.constant 181 : i32
      %get3A_4070 = arith.index_cast %get3A_4069 : i32 to index
      %get3A_4071 = arith.constant 16 : index
      %get3A_4072 = tpu.vector_load %arg7[%get3A_4070, %get3A_4071] {strides = array<i32>} : memref<200x32xf32, #tpu.memory_space<vmem>>, vector<16xf32>,
      %add3A_4073 = arith.addf %add3A_4053, %get3A_4072 : vector<16xf32>
      %get3A_4074 = arith.constant 182 : i32
      %get3A_4075 = arith.index_cast %get3A_4074 : i32 to index
      %get3A_4076 = arith.constant 0 : index
      %get3A_4077 = tpu.vector_load %arg7[%get3A_4075, %get3A_4076] {strides = array<i32>} : memref<200x32xf32, #tpu.memory_space<vmem>>, vector<16xf32>,
      %add3A_4078 = arith.addf %add3A_4058, %get3A_4077 : vector<16xf32>
      %get3A_4079 = arith.constant 182 : i32
      %get3A_4080 = arith.index_cast %get3A_4079 : i32 to index
      %get3A_4081 = arith.constant 16 : index
      %get3A_4082 = tpu.vector_load %arg7[%get3A_4080, %get3A_4081] {strides = array<i32>} : memref<200x32xf32, #tpu.memory_space<vmem>>, vector<16xf32>,
      %add3A_4083 = arith.addf %add3A_4063, %get3A_4082 : vector<16xf32>
      %get3A_4084 = arith.constant 183 : i32
      %get3A_4085 = arith.index_cast %get3A_4084 : i32 to index
      %get3A_4086 = arith.constant 0 : index
      %get3A_4087 = tpu.vector_load %arg7[%get3A_4085, %get3A_4086] {strides = array<i32>} : memref<200x32xf32, #tpu.memory_space<vmem>>, vector<16xf32>,
      %add3A_4088 = arith.addf %add3A_4068, %get3A_4087 : vector<16xf32>
      %get3A_4089 = arith.constant 183 : i32
      %get3A_4090 = arith.index_cast %get3A_4089 : i32 to index
      %get3A_4091 = arith.constant 16 : index
      %get3A_4092 = tpu.vector_load %arg7[%get3A_4090, %get3A_4091] {strides = array<i32>} : memref<200x32xf32, #tpu.memory_space<vmem>>, vector<16xf32>,
      %add3A_4093 = arith.addf %add3A_4073, %get3A_4092 : vector<16xf32>
      %get3A_4094 = arith.constant 184 : i32
      %get3A_4095 = arith.index_cast %get3A_4094 : i32 to index
      %get3A_4096 = arith.constant 0 : index
      %get3A_4097 = tpu.vector_load %arg7[%get3A_4095, %get3A_4096] {strides = array<i32>} : memref<200x32xf32, #tpu.memory_space<vmem>>, vector<16xf32>,
      %add3A_4098 = arith.addf %add3A_4078, %get3A_4097 : vector<16xf32>
      %get3A_4099 = arith.constant 184 : i32
      %get3A_4100 = arith.index_cast %get3A_4099 : i32 to index
      %get3A_4101 = arith.constant 16 : index
      %get3A_4102 = tpu.vector_load %arg7[%get3A_4100, %get3A_4101] {strides = array<i32>} : memref<200x32xf32, #tpu.memory_space<vmem>>, vector<16xf32>,
      %add3A_4103 = arith.addf %add3A_4083, %get3A_4102 : vector<16xf32>
      %get3A_4104 = arith.constant 185 : i32
      %get3A_4105 = arith.index_cast %get3A_4104 : i32 to index
      %get3A_4106 = arith.constant 0 : index
      %get3A_4107 = tpu.vector_load %arg7[%get3A_4105, %get3A_4106] {strides = array<i32>} : memref<200x32xf32, #tpu.memory_space<vmem>>, vector<16xf32>,
      %add3A_4108 = arith.addf %add3A_4088, %get3A_4107 : vector<16xf32>
      %get3A_4109 = arith.constant 185 : i32
      %get3A_4110 = arith.index_cast %get3A_4109 : i32 to index
      %get3A_4111 = arith.constant 16 : index
      %get3A_4112 = tpu.vector_load %arg7[%get3A_4110, %get3A_4111] {strides = array<i32>} : memref<200x32xf32, #tpu.memory_space<vmem>>, vector<16xf32>,
      %add3A_4113 = arith.addf %add3A_4093, %get3A_4112 : vector<16xf32>
      %get3A_4114 = arith.constant 186 : i32
      %get3A_4115 = arith.index_cast %get3A_4114 : i32 to index
      %get3A_4116 = arith.constant 0 : index
      %get3A_4117 = tpu.vector_load %arg7[%get3A_4115, %get3A_4116] {strides = array<i32>} : memref<200x32xf32, #tpu.memory_space<vmem>>, vector<16xf32>,
      %add3A_4118 = arith.addf %add3A_4098, %get3A_4117 : vector<16xf32>
      %get3A_4119 = arith.constant 186 : i32
      %get3A_4120 = arith.index_cast %get3A_4119 : i32 to index
      %get3A_4121 = arith.constant 16 : index
      %get3A_4122 = tpu.vector_load %arg7[%get3A_4120, %get3A_4121] {strides = array<i32>} : memref<200x32xf32, #tpu.memory_space<vmem>>, vector<16xf32>,
      %add3A_4123 = arith.addf %add3A_4103, %get3A_4122 : vector<16xf32>
      %get3A_4124 = arith.constant 187 : i32
      %get3A_4125 = arith.index_cast %get3A_4124 : i32 to index
      %get3A_4126 = arith.constant 0 : index
      %get3A_4127 = tpu.vector_load %arg7[%get3A_4125, %get3A_4126] {strides = array<i32>} : memref<200x32xf32, #tpu.memory_space<vmem>>, vector<16xf32>,
      %add3A_4128 = arith.addf %add3A_4108, %get3A_4127 : vector<16xf32>
      %get3A_4129 = arith.constant 187 : i32
      %get3A_4130 = arith.index_cast %get3A_4129 : i32 to index
      %get3A_4131 = arith.constant 16 : index
      %get3A_4132 = tpu.vector_load %arg7[%get3A_4130, %get3A_4131] {strides = array<i32>} : memref<200x32xf32, #tpu.memory_space<vmem>>, vector<16xf32>,
      %add3A_4133 = arith.addf %add3A_4113, %get3A_4132 : vector<16xf32>
      %get3A_4134 = arith.constant 188 : i32
      %get3A_4135 = arith.index_cast %get3A_4134 : i32 to index
      %get3A_4136 = arith.constant 0 : index
      %get3A_4137 = tpu.vector_load %arg7[%get3A_4135, %get3A_4136] {strides = array<i32>} : memref<200x32xf32, #tpu.memory_space<vmem>>, vector<16xf32>,
      %add3A_4138 = arith.addf %add3A_4118, %get3A_4137 : vector<16xf32>
      %get3A_4139 = arith.constant 188 : i32
      %get3A_4140 = arith.index_cast %get3A_4139 : i32 to index
      %get3A_4141 = arith.constant 16 : index
      %get3A_4142 = tpu.vector_load %arg7[%get3A_4140, %get3A_4141] {strides = array<i32>} : memref<200x32xf32, #tpu.memory_space<vmem>>, vector<16xf32>,
      %add3A_4143 = arith.addf %add3A_4123, %get3A_4142 : vector<16xf32>
      %get3A_4144 = arith.constant 189 : i32
      %get3A_4145 = arith.index_cast %get3A_4144 : i32 to index
      %get3A_4146 = arith.constant 0 : index
      %get3A_4147 = tpu.vector_load %arg7[%get3A_4145, %get3A_4146] {strides = array<i32>} : memref<200x32xf32, #tpu.memory_space<vmem>>, vector<16xf32>,
      %add3A_4148 = arith.addf %add3A_4128, %get3A_4147 : vector<16xf32>
      %get3A_4149 = arith.constant 189 : i32
      %get3A_4150 = arith.index_cast %get3A_4149 : i32 to index
      %get3A_4151 = arith.constant 16 : index
      %get3A_4152 = tpu.vector_load %arg7[%get3A_4150, %get3A_4151] {strides = array<i32>} : memref<200x32xf32, #tpu.memory_space<vmem>>, vector<16xf32>,
      %add3A_4153 = arith.addf %add3A_4133, %get3A_4152 : vector<16xf32>
      %get3A_4154 = arith.constant 190 : i32
      %get3A_4155 = arith.index_cast %get3A_4154 : i32 to index
      %get3A_4156 = arith.constant 0 : index
      %get3A_4157 = tpu.vector_load %arg7[%get3A_4155, %get3A_4156] {strides = array<i32>} : memref<200x32xf32, #tpu.memory_space<vmem>>, vector<16xf32>,
      %add3A_4158 = arith.addf %add3A_4138, %get3A_4157 : vector<16xf32>
      %get3A_4159 = arith.constant 190 : i32
      %get3A_4160 = arith.index_cast %get3A_4159 : i32 to index
      %get3A_4161 = arith.constant 16 : index
      %get3A_4162 = tpu.vector_load %arg7[%get3A_4160, %get3A_4161] {strides = array<i32>} : memref<200x32xf32, #tpu.memory_space<vmem>>, vector<16xf32>,
      %add3A_4163 = arith.addf %add3A_4143, %get3A_4162 : vector<16xf32>
      %get3A_4164 = arith.constant 191 : i32
      %get3A_4165 = arith.index_cast %get3A_4164 : i32 to index
      %get3A_4166 = arith.constant 0 : index
      %get3A_4167 = tpu.vector_load %arg7[%get3A_4165, %get3A_4166] {strides = array<i32>} : memref<200x32xf32, #tpu.memory_space<vmem>>, vector<16xf32>,
      %add3A_4168 = arith.addf %add3A_4148, %get3A_4167 : vector<16xf32>
      %get3A_4169 = arith.constant 191 : i32
      %get3A_4170 = arith.index_cast %get3A_4169 : i32 to index
      %get3A_4171 = arith.constant 16 : index
      %get3A_4172 = tpu.vector_load %arg7[%get3A_4170, %get3A_4171] {strides = array<i32>} : memref<200x32xf32, #tpu.memory_space<vmem>>, vector<16xf32>,
      %add3A_4173 = arith.addf %add3A_4153, %get3A_4172 : vector<16xf32>
      %get3A_4174 = arith.constant 192 : i32
      %get3A_4175 = arith.index_cast %get3A_4174 : i32 to index
      %get3A_4176 = arith.constant 0 : index
      %get3A_4177 = tpu.vector_load %arg7[%get3A_4175, %get3A_4176] {strides = array<i32>} : memref<200x32xf32, #tpu.memory_space<vmem>>, vector<16xf32>,
      %add3A_4178 = arith.addf %add3A_4158, %get3A_4177 : vector<16xf32>
      %get3A_4179 = arith.constant 192 : i32
      %get3A_4180 = arith.index_cast %get3A_4179 : i32 to index
      %get3A_4181 = arith.constant 16 : index
      %get3A_4182 = tpu.vector_load %arg7[%get3A_4180, %get3A_4181] {strides = array<i32>} : memref<200x32xf32, #tpu.memory_space<vmem>>, vector<16xf32>,
      %add3A_4183 = arith.addf %add3A_4163, %get3A_4182 : vector<16xf32>
      %get3A_4184 = arith.constant 193 : i32
      %get3A_4185 = arith.index_cast %get3A_4184 : i32 to index
      %get3A_4186 = arith.constant 0 : index
      %get3A_4187 = tpu.vector_load %arg7[%get3A_4185, %get3A_4186] {strides = array<i32>} : memref<200x32xf32, #tpu.memory_space<vmem>>, vector<16xf32>,
      %add3A_4188 = arith.addf %add3A_4168, %get3A_4187 : vector<16xf32>
      %get3A_4189 = arith.constant 193 : i32
      %get3A_4190 = arith.index_cast %get3A_4189 : i32 to index
      %get3A_4191 = arith.constant 16 : index
      %get3A_4192 = tpu.vector_load %arg7[%get3A_4190, %get3A_4191] {strides = array<i32>} : memref<200x32xf32, #tpu.memory_space<vmem>>, vector<16xf32>,
      %add3A_4193 = arith.addf %add3A_4173, %get3A_4192 : vector<16xf32>
      %get3A_4194 = arith.constant 194 : i32
      %get3A_4195 = arith.index_cast %get3A_4194 : i32 to index
      %get3A_4196 = arith.constant 0 : index
      %get3A_4197 = tpu.vector_load %arg7[%get3A_4195, %get3A_4196] {strides = array<i32>} : memref<200x32xf32, #tpu.memory_space<vmem>>, vector<16xf32>,
      %add3A_4198 = arith.addf %add3A_4178, %get3A_4197 : vector<16xf32>
      %get3A_4199 = arith.constant 194 : i32
      %get3A_4200 = arith.index_cast %get3A_4199 : i32 to index
      %get3A_4201 = arith.constant 16 : index
      %get3A_4202 = tpu.vector_load %arg7[%get3A_4200, %get3A_4201] {strides = array<i32>} : memref<200x32xf32, #tpu.memory_space<vmem>>, vector<16xf32>,
      %add3A_4203 = arith.addf %add3A_4183, %get3A_4202 : vector<16xf32>
      %get3A_4204 = arith.constant 195 : i32
      %get3A_4205 = arith.index_cast %get3A_4204 : i32 to index
      %get3A_4206 = arith.constant 0 : index
      %get3A_4207 = tpu.vector_load %arg7[%get3A_4205, %get3A_4206] {strides = array<i32>} : memref<200x32xf32, #tpu.memory_space<vmem>>, vector<16xf32>,
      %add3A_4208 = arith.addf %add3A_4188, %get3A_4207 : vector<16xf32>
      %get3A_4209 = arith.constant 195 : i32
      %get3A_4210 = arith.index_cast %get3A_4209 : i32 to index
      %get3A_4211 = arith.constant 16 : index
      %get3A_4212 = tpu.vector_load %arg7[%get3A_4210, %get3A_4211] {strides = array<i32>} : memref<200x32xf32, #tpu.memory_space<vmem>>, vector<16xf32>,
      %add3A_4213 = arith.addf %add3A_4193, %get3A_4212 : vector<16xf32>
      %get3A_4214 = arith.constant 196 : i32
      %get3A_4215 = arith.index_cast %get3A_4214 : i32 to index
      %get3A_4216 = arith.constant 0 : index
      %get3A_4217 = tpu.vector_load %arg7[%get3A_4215, %get3A_4216] {strides = array<i32>} : memref<200x32xf32, #tpu.memory_space<vmem>>, vector<16xf32>,
      %add3A_4218 = arith.addf %add3A_4198, %get3A_4217 : vector<16xf32>
      %get3A_4219 = arith.constant 196 : i32
      %get3A_4220 = arith.index_cast %get3A_4219 : i32 to index
      %get3A_4221 = arith.constant 16 : index
      %get3A_4222 = tpu.vector_load %arg7[%get3A_4220, %get3A_4221] {strides = array<i32>} : memref<200x32xf32, #tpu.memory_space<vmem>>, vector<16xf32>,
      %add3A_4223 = arith.addf %add3A_4203, %get3A_4222 : vector<16xf32>
      %get3A_4224 = arith.constant 197 : i32
      %get3A_4225 = arith.index_cast %get3A_4224 : i32 to index
      %get3A_4226 = arith.constant 0 : index
      %get3A_4227 = tpu.vector_load %arg7[%get3A_4225, %get3A_4226] {strides = array<i32>} : memref<200x32xf32, #tpu.memory_space<vmem>>, vector<16xf32>,
      %add3A_4228 = arith.addf %add3A_4208, %get3A_4227 : vector<16xf32>
      %get3A_4229 = arith.constant 197 : i32
      %get3A_4230 = arith.index_cast %get3A_4229 : i32 to index
      %get3A_4231 = arith.constant 16 : index
      %get3A_4232 = tpu.vector_load %arg7[%get3A_4230, %get3A_4231] {strides = array<i32>} : memref<200x32xf32, #tpu.memory_space<vmem>>, vector<16xf32>,
      %add3A_4233 = arith.addf %add3A_4213, %get3A_4232 : vector<16xf32>
      %get3A_4234 = arith.constant 198 : i32
      %get3A_4235 = arith.index_cast %get3A_4234 : i32 to index
      %get3A_4236 = arith.constant 0 : index
      %get3A_4237 = tpu.vector_load %arg7[%get3A_4235, %get3A_4236] {strides = array<i32>} : memref<200x32xf32, #tpu.memory_space<vmem>>, vector<16xf32>,
      %add3A_4238 = arith.addf %add3A_4218, %get3A_4237 : vector<16xf32>
      %get3A_4239 = arith.constant 198 : i32
      %get3A_4240 = arith.index_cast %get3A_4239 : i32 to index
      %get3A_4241 = arith.constant 16 : index
      %get3A_4242 = tpu.vector_load %arg7[%get3A_4240, %get3A_4241] {strides = array<i32>} : memref<200x32xf32, #tpu.memory_space<vmem>>, vector<16xf32>,
      %add3A_4243 = arith.addf %add3A_4223, %get3A_4242 : vector<16xf32>
      %get3A_4244 = arith.constant 199 : i32
      %get3A_4245 = arith.index_cast %get3A_4244 : i32 to index
      %get3A_4246 = arith.constant 0 : index
      %get3A_4247 = tpu.vector_load %arg7[%get3A_4245, %get3A_4246] {strides = array<i32>} : memref<200x32xf32, #tpu.memory_space<vmem>>, vector<16xf32>,
      %add3A_4248 = arith.addf %add3A_4228, %get3A_4247 : vector<16xf32>
      %get3A_4249 = arith.constant 199 : i32
      %get3A_4250 = arith.index_cast %get3A_4249 : i32 to index
      %get3A_4251 = arith.constant 16 : index
      %get3A_4252 = tpu.vector_load %arg7[%get3A_4250, %get3A_4251] {strides = array<i32>} : memref<200x32xf32, #tpu.memory_space<vmem>>, vector<16xf32>,
      %add3A_4253 = arith.addf %add3A_4233, %get3A_4252 : vector<16xf32>
      %mul3A_4254 = arith.constant 4 : i32
      %mul3A_4255 = arith.muli %add3A_2148, %mul3A_4254 : i32
      %add3A_4256 = arith.constant 3 : i32
      %add3A_4257 = arith.addi %mul3A_4255, %add3A_4256 : i32
      %add3A_4258 = arith.addf %add3A_4238, %add3A_4248 : vector<16xf32>
      %mul3A_4259 = vector.broadcast %scan3A_18 : f32 to vector<16xf32>
      %mul3A_4260 = arith.mulf %add3A_4258, %mul3A_4259 : vector<16xf32>
      %swap3A_4261 = arith.index_cast %add3A_4257 : i32 to index
      %swap3A_4262 = arith.constant 0 : index
      %swap3A_4263 = tpu.vector_load %arg8[%swap3A_4261, %swap3A_4262] {strides = array<i32>} : memref<512x128xf32, #tpu.memory_space<vmem>>, vector<16xf32>,
      tpu.vector_store %arg8[%swap3A_4261, %swap3A_4262], %mul3A_4260 {strides = array<i32>} : memref<512x128xf32, #tpu.memory_space<vmem>>, vector<16xf32>,
      %add3A_4264 = arith.addf %add3A_4243, %add3A_4253 : vector<16xf32>
      %mul3A_4265 = vector.broadcast %scan3A_18 : f32 to vector<16xf32>
      %mul3A_4266 = arith.mulf %add3A_4264, %mul3A_4265 : vector<16xf32>
      %swap3A_4267 = arith.index_cast %add3A_4257 : i32 to index
      %swap3A_4268 = arith.constant 16 : index
      %swap3A_4269 = tpu.vector_load %arg8[%swap3A_4267, %swap3A_4268] {strides = array<i32>} : memref<512x128xf32, #tpu.memory_space<vmem>>, vector<16xf32>,
      tpu.vector_store %arg8[%swap3A_4267, %swap3A_4268], %mul3A_4266 {strides = array<i32>} : memref<512x128xf32, #tpu.memory_space<vmem>>, vector<16xf32>,
    }
    %scan3A_23 = arith.constant 64 : i32
    %mul3A_24 = arith.constant 512 : i32
    %mul3A_25 = arith.muli %add3A, %mul3A_24 : i32
    "tpu.region"() ({
      %run_scoped3A = tpu.sem_alloc : memref<!tpu.dma_semaphore, #tpu.memory_space<semaphore_mem>>
      %dma_start3A_26 = arith.constant 0 : i32
      %dma_start3A_27 = tpu.memref_slice %arg4[%mul3A_25, %dma_start3A_26] : memref<16384x128xf32, #tpu.memory_space<hbm>> -> memref<512x128xf32, #tpu.memory_space<hbm>>
      %dma_start3A_28 = arith.constant 0 : i32
      %dma_start3A_29 = tpu.memref_slice %arg4[%mul3A_25, %dma_start3A_28] : memref<16384x128xf32, #tpu.memory_space<hbm>> -> memref<512x128xf32, #tpu.memory_space<hbm>>
      tpu.enqueue_dma source(%arg8 : memref<512x128xf32, #tpu.memory_space<vmem>>) target(%dma_start3A_29 : memref<512x128xf32, #tpu.memory_space<hbm>>) target_semaphore(%run_scoped3A : memref<!tpu.dma_semaphore, #tpu.memory_space<semaphore_mem>>)
      %dma_wait3A = arith.constant 0 : i32
      %dma_wait3A_30 = tpu.memref_slice %arg4[%mul3A_25, %dma_wait3A] : memref<16384x128xf32, #tpu.memory_space<hbm>> -> memref<512x128xf32, #tpu.memory_space<hbm>>
      %dma_wait3A_31 = arith.constant 0 : i32
      %dma_wait3A_32 = tpu.memref_slice %arg4[%mul3A_25, %dma_wait3A_31] : memref<16384x128xf32, #tpu.memory_space<hbm>> -> memref<512x128xf32, #tpu.memory_space<hbm>>
      tpu.wait_dma2 semaphore(%run_scoped3A : memref<!tpu.dma_semaphore, #tpu.memory_space<semaphore_mem>>) src(%arg8 : memref<512x128xf32, #tpu.memory_space<vmem>>) dst(%dma_wait3A_32 : memref<512x128xf32, #tpu.memory_space<hbm>>)
      tpu.yield
    }) : () -> ()
    return
  }
}

</mosaic_0001>

<sc_bundles>
// kernel: kernel.4.cloned.1.call-start
scs
__scs_entry_jumppad:
0x0: {  	(pc) =	sbr.rel $0x88, $3  }
0x1: {  	(tag) =	ssettag $0x0;
	lr =	simm.s32 $0x1  }
0x2: {  	[smem:$0x3F9F] =	sst lr;
	_ =	strace $0xD0000000  }
0x3: {  	_ = 	snop  }
0x4: {  	_ = 	snop  }
0x5: {  	_ = 	snop  }
0x6: {  	_ = 	snop  }
0x7: {  	_ = 	snop  }
__scs_overlays_trampoline_lowered:
0x8: {  	[smem:$0x3FAE] =	sst s0  }
0x9: {  	[smem:$0x3FAF] =	sst s1  }
0xa: {  	[smem:$0x3FB0] =	sst s2  }
0xb: {  	[smem:$0x3FB1] =	sst s3  }
0xc: {  	[smem:$0x3FB2] =	sst s4  }
0xd: {  	[smem:$0x3FB3] =	sst s5  }
0xe: {  	[smem:$0x3FB4] =	sst s6  }
0xf: {  	[smem:$0x3FB5] =	sst s7  }
0x10: {  	[smem:$0x3FB6] =	sst s8  }
0x11: {  	[smem:$0x3FB7] =	sst s9;
	s0 =	simm.s32 @!p0 $0x0  }
0x12: {  	s1 =	sld [smem:$0x3F9D];
	s0 =	simm.s32 @p0 $0x1  }
0x13: {  	[smem:$0x3FB8] =	sst s0;
	s0 =	simm.s32 @!p1 $0x0  }
0x14: {  	s2 =	sld [smem:$0x3F9C];
	s0 =	simm.s32 @p1 $0x1  }
0x15: {  	[smem:$0x3FB9] =	sst s0;
	s0 =	simm.s32 @!p2 $0x0  }
0x16: {  	s3 =	sld [smem:$0x3FDB];
	s0 =	simm.s32 @p2 $0x1  }
0x17: {  	s4 =	simm.s32 $0x1BF5;
	[smem:$0x3FBB] =	sst s0  }
0x18: {  	s0 =	sld [smem:$0x3F9E];
	_ =	swait.ge [sflag:s4], $0x0  }
0x19: {  	s7 =	sld [smem:$0x3F9F]  }
0x1a: {  	s8 =	sadd.s32 $0xFFFFE003, lr  }
0x1b: {  	s9 =	sadd.s32 $0xFFFFFEF7, lr;
	s5 =	simm.s32 $0xFFFFFFFF;
	p2 =	slt.u32 s8, $0xFFFFF086  }
0x1c: {  	p1 =	slt.u32 s9, $0xF7A;
	s5 =	simm.s32 @!p2 $0x0  }
0x1d: {  	s5 =	simm.s32 @p1 $0x1;
	p0 =	seq.s32 s7, s2  }
0x1e: {  	s7 =	smul.u32 @!p0 $0xF7A, s2;
	p2 =	seq.s32 @!p0 s5, $0x0  }
0x1f: {  	s9 =	smul.u32 $0xF7A, s1;
	s8 =	simm.s32 @!p0 $0x1BF5;
	p2 =	por !p2, p0  }
0x20: {  	[sflag:s8] =	ssyncset.s32 @!p0 $0xFFFFF086;
	s6 =	sadd.s32 @!p0 s3, s7;
	s7 =	simm.s32 @!p0 $0x108  }
0x21: {  	s3 =	sadd.s32 s3, s9;
	s6 =	sadd.s32 @!p0 $0x88, s6;
	s7 =	simm.s32 @p2 $0x1082  }
0x22: {  	[simem:s7], [sflag:s8] =	dma.local @!p0 [hbm:s6], $0xF7A  }
0x23: {  	s9 =	sor.u32 $0xD0000000, s2;
	s6 =	simm.s32 $0x108;
	_ =	swait.ge @!p0 [sflag:s8], $0x0  }
0x24: {  	s3 =	sadd.s32 $0x88, s3;
	s6 =	simm.s32 @!p1 $0x1082;
	[sflag:s4] =	ssyncset.s32 $0xFFFFF086  }
0x25: {  	[simem:s6], [sflag:s4] =	dma.local [hbm:s3], $0xF7A  }
0x26: {  	[smem:$0x3F9F] =	sst s1;
	(tag) =	ssettag s2;
	_ =	strace s9  }
0x27: {  	s1 =	sld [smem:$0x3FAF]  }
0x28: {  	s2 =	sld [smem:$0x3FB0]  }
0x29: {  	s4 =	sld [smem:$0x3FB2]  }
0x2a: {  	p0 =	seq.s32 s5, $0x0;
	s5 =	sld [smem:$0x3FB3]  }
0x2b: {  	s6 =	sld [smem:$0x3FB4]  }
0x2c: {  	s7 =	sld [smem:$0x3FB5]  }
0x2d: {  	s3 =	simm.s32 $0x108;
	s8 =	sld [smem:$0x3FB6]  }
0x2e: {  	s3 =	simm.s32 @!p0 $0x1082;
	s9 =	sld [smem:$0x3FB7]  }
0x2f: {  	lr =	sadd.s32 s0, s3;
	s0 =	sld [smem:$0x3FAE]  }
0x30: {  	s3 =	sld [smem:$0x3FB1]  }
0x31: {  	[smem:$0x3FBA] =	sst s10  }
0x32: {  	s10 =	sld [smem:$0x3FB8];
	_ =	sdelay $0x3  }
0x33: {  	p0 =	seq.s32 s10, $0x1;
	s10 =	sld [smem:$0x3FBA];
	_ =	sdelay $0x3  }
0x34: {  	[smem:$0x3FBA] =	sst s10  }
0x35: {  	s10 =	sld [smem:$0x3FB9];
	_ =	sdelay $0x3  }
0x36: {  	p1 =	seq.s32 s10, $0x1;
	s10 =	sld [smem:$0x3FBA];
	_ =	sdelay $0x3  }
0x37: {  	[smem:$0x3FBA] =	sst s10  }
0x38: {  	s10 =	sld [smem:$0x3FBB]  }
0x39: {  	_ = 	snop;
	(pc) =	sbr.ind lr, $3  }
0x3a: {  	_ = 	snop  }
0x3b: {  	_ = 	snop  }
0x3c: {  	p2 =	seq.s32 s10, $0x1;
	s10 =	sld [smem:$0x3FBA]  }
0x3d: {  	_ =	shalt  }
0x3e: {  	_ =	shalt  }
0x3f: {  	_ =	shalt  }
0x40: {  	_ =	shalt  }
0x41: {  	_ =	shalt  }
0x42: {  	_ =	shalt  }
0x43: {  	_ =	shalt  }
0x44: {  	_ =	shalt  }
0x45: {  	_ =	shalt  }
0x46: {  	_ =	shalt  }
0x47: {  	_ =	shalt  }
0x48: {  	_ =	shalt  }
0x49: {  	_ =	shalt  }
0x4a: {  	_ =	shalt  }
0x4b: {  	_ =	shalt  }
0x4c: {  	_ =	shalt  }
0x4d: {  	_ =	shalt  }
0x4e: {  	_ =	shalt  }
0x4f: {  	_ =	shalt  }
0x50: {  	_ =	shalt  }
0x51: {  	_ =	shalt  }
0x52: {  	_ =	shalt  }
0x53: {  	_ =	shalt  }
0x54: {  	_ =	shalt  }
0x55: {  	_ =	shalt  }
0x56: {  	_ =	shalt  }
0x57: {  	_ =	shalt  }
0x58: {  	_ =	shalt  }
0x59: {  	_ =	shalt  }
0x5a: {  	_ =	shalt  }
0x5b: {  	_ =	shalt  }
0x5c: {  	_ =	shalt  }
0x5d: {  	_ =	shalt  }
0x5e: {  	_ =	shalt  }
0x5f: {  	_ =	shalt  }
0x60: {  	_ =	shalt  }
0x61: {  	_ =	shalt  }
0x62: {  	_ =	shalt  }
0x63: {  	_ =	shalt  }
0x64: {  	_ =	shalt  }
0x65: {  	_ =	shalt  }
0x66: {  	_ =	shalt  }
0x67: {  	_ =	shalt  }
0x68: {  	_ =	shalt  }
0x69: {  	_ =	shalt  }
0x6a: {  	_ =	shalt  }
0x6b: {  	_ =	shalt  }
0x6c: {  	_ =	shalt  }
0x6d: {  	_ =	shalt  }
0x6e: {  	_ =	shalt  }
0x6f: {  	_ =	shalt  }
0x70: {  	_ =	shalt  }
0x71: {  	_ =	shalt  }
0x72: {  	_ =	shalt  }
0x73: {  	_ =	shalt  }
0x74: {  	_ =	shalt  }
0x75: {  	_ =	shalt  }
0x76: {  	_ =	shalt  }
0x77: {  	_ =	shalt  }
0x78: {  	_ =	shalt  }
0x79: {  	_ =	shalt  }
0x7a: {  	_ =	shalt  }
0x7b: {  	_ =	shalt  }
0x7c: {  	_ =	shalt  }
0x7d: {  	_ =	shalt  }
0x7e: {  	_ =	shalt  }
0x7f: {  	_ =	shalt  }
0x80: {  	_ =	shalt  }
0x81: {  	_ =	shalt  }
0x82: {  	_ =	shalt  }
0x83: {  	_ =	shalt  }
0x84: {  	_ =	shalt  }
0x85: {  	_ =	shalt  }
0x86: {  	_ =	shalt  }
0x87: {  	_ =	shalt  }
.Lfunc_end0:
.L_simem_size_0:
called_computation_lowered:
.L_overlay_start_0:
0x88: {  	s2 =	sld [smem:$0x3FD9]  }
0x89: {  	s3 =	sld [smem:$0x3FFE];
	_ =	sdelay $0x1  }
0x8a: {  	s1 =	srdreg.scid  }
0x8b: {  	s0 =	sand.u32 $0x1, s1  }
0x8c: {  	s16 =	sshll.u32 s0, $0xA;
	s2 =	sadd.s32 s3, s2  }
0x8d: {  	s2 =	sadd.s32 s2, s16  }
0x8e: {  	[smem:$0x3FC6] =	sst s2  }
0x8f: {  	_ = 	snop  }
0x90: {  	(tm) =	ssettm $0x1  }
0x91: {  	s17 =	sld [smem:$0x3FFB];
	_ =	sdelay $0x3  }
0x92: {  	_ =	strace s17  }
0x93: {  	s2 =	sld [smem:$0x3FFC];
	_ =	sdelay $0x3  }
0x94: {  	_ =	strace s2  }
0x95: {  	s2 =	sld [smem:$0x3FFD];
	_ =	sdelay $0x3  }
0x96: {  	_ =	strace s2  }
0x97: {  	_ =	strace $0x8FFFFFFF  }
0x98: {  	s18 =	sld [smem:$0x3FDB];
	_ =	sdelay $0x1  }
0x99: {  	s19 =	simm.s32 $_scs_section_size  }
0x9a: {  	s4 =	simm.s32 $_size__tile_overlayer_lowered;
	s5 =	simm.s32 $_tile_overlayer_lowered  }
0x9b: {  	s22 =	simm.s32 $0x1BFF;
	s21 =	sshll.u32 s5, $0x1;
	s2 =	sadd.s32 s19, s18  }
0x9c: {  	s6 =	simm.s32 $0x0;
	s20 =	sshll.u32 s4, $0x1;
	s4 =	sadd.s32 s21, s2  }
0x9d: {  	[timem:s6], [sflag:s22] =	dma.local [hbm:s4], s20  }
0x9e: {  	_ =	swait.ge [sflag:s22], s20  }
0x9f: {  	s3 =	ssub.s32 $0x0, s20;
	[sflag:s22] =	ssyncset.done $0x0  }
0xa0: {  	[sflag:s22] =	ssyncadd.s32 s3;
	_ =	sdelay $0x1  }
0xa1: {  	s23 =	simm.s32 $0x1B8B  }
0xa2: {  	_ =	swait.ge [sflag:s23], $0x1  }
0xa3: {  	[sflag:s23] =	ssyncset.done $0x0  }
0xa4: {  	s25 =	simm.s32 $0x1B8E;
	s24 =	sld [smem:$0x3FFE];
	[sflag:s23] =	ssyncadd.s32 $0xFFFFFFFF  }
0xa5: {  	s26 =	simm.s32 $execute0_lowered;
	[smem:$0x3FD2] =	sst s25  }
0xa6: {  	s4 =	sshll.u32 s26, $0x1;
	_ =	strace $0x80000046;
	[dreg:$0x1] =	wrdreg $0xFFFFFFFF  }
0xa7: {  	s28 =	simm.s32 $_size_execute0_lowered;
	s2 =	sadd.s32 s2, s4;
	[dreg:$0x0] =	wrdreg $0x0  }
0xa8: {  	s4 =	sshll.u32 s28, $0x1;
	[dreg:$0x2] =	wrdreg s2  }
0xa9: {  	[dreg:$0x3] =	wrdreg s4  }
0xaa: {  	[dreg:$0x4] =	wrdreg $0xC0  }
0xab: {  	_ =	task [dreg:s6], $0x5FFFF  }
0xac: {  	[dreg:$0x1] =	wrdreg $0xFFFFFFFF  }
0xad: {  	[dreg:$0x0] =	wrdreg $0x60  }
0xae: {  	[dreg:$0x2] =	wrdreg s24  }
0xaf: {  	[dreg:$0x3] =	wrdreg $0x9  }
0xb0: {  	_ =	task.clear_ibuf [dreg:s6], $0x4FFFF;
	_ =	strace $0x90000046  }
0xb1: {  	s29 =	simm.s32 $0x9;
	_ =	strace $0x80000048  }
0xb2: {  	_ =	swait.ge [sflag:s29], $0x1  }
0xb3: {  	[sflag:s29] =	ssyncadd.s32 $0xFFFFFFFF  }
0xb4: {  	_ =	strace $0x90000048  }
0xb5: {  	_ =	sfence  }
0xb6: {  	s30 =	sld [smem:$0x0];
	_ =	sdelay $0x2  }
0xb7: {  	s31 =	sshll.u32 s1, $0xD;
	s1 =	sshrl.u32 s1, $0x2  }
0xb8: {  	s3 =	sand.u32 $0x4000, s31;
	s1 =	sadd.s32 s1, s30  }
0xb9: {  	s0 =	sor.u32 s3, s0;
	s1 =	sshll.u32 s1, $0x11  }
0xba: {  	s0 =	sor.u32 s1, s0  }
0xbb: {  	s0 =	sadd.s32 $0x8F2B, s0  }
0xbc: {  	[sflag:s0] =	ssyncadd.remote.s32 $0x1  }
0xbd: {  	_ =	sfence.sel $0xFFFF  }
0xbe: {  	[dreg:$0x0] =	wrdreg $0xFFFFFFFF;
	(pc) =	sbr.abs _section_cstart, $3  }
0xbf: {  	[dreg:$0x1] =	wrdreg $0xFFFFFFFF  }
0xc0: {  	_ =	task.clear_ibuf [dreg:s6], $0x2FFFF;
	_ =	strace $0x9FFFFFFF  }
0xc1: {  	(tm) =	ssettm $0x7FFFFFFF  }
tec
execute0_lowered:
.L_overlay_start_1:
0x0: {  	(tag) =	ssettag $0x1  }
0x1: {  	s1 =	srdreg.scid;
	s0 =	stileid.u32  }
0x2: {  	s3 =	rddreg [dreg:$0x0];
	s2 =	simm.s32 $0x0;
	s8 =	simm.s32 $0x0  }
0x3: {  	s4 =	sand.u32 $0x1, s1;
	s5 =	sshll.u32 s0, $0x1;
	s1 =	rddreg [dreg:$0x1]  }
0x4: {  	[smem:$0x7FF] =	sst s2;
	s5 =	sor.u32 s4, s5;
	s4 =	ssub.s32 $0x2, s4  }
0x5: {  	s6 =	smul.u32 $0xC80, s5;
	s5 =	sshll.u32 s5, $0xD;
	s7 =	sshrl.u32 s4, $0x1  }
0x6: {  	_ =	strace $0x80000047;
	s5 =	sadd.s32 s5, s3;
	s7 =	ssub.s32 s4, s7  }
0x7: {  	s6 =	sadd.s32 s6, s3;
	s3 =	sadd.s32 $0x800, s5;
	s5 =	smax.u32 s7, $0x1  }
0x8: {  	v0 =	vlaneseq.u32;
	s7 =	simm.s32 $0x10000;
	s4 =	sadd.s32 $0x40800, s6;
	s6 =	simm.s32 $0x1  }
.LBB2_1:
0x9: {  	[tilespmem:s2], [sflag:$0x1] =	stream.linear.gather [hbm4b:s3+s2], $0x10000, $0x38;
	[tilespmem:$0x16400] =	vst v63  }
0xa: {  	_ =	swait.ge [sflag:s6], $0x10000  }
0xb: {  	s9 =	simm.s32 $0x22;
	s10 =	simm.s32 $0x20;
	[sflag:s6] =	ssyncset.done $0x0  }
0xc: {  	s12 =	simm.s32 $0x0;
	s11 =	simm.s32 $0x54;
	[sflag:s6] =	ssyncadd.s32 $0xFFFF0000  }
.LBB2_2:
0xd: {  	p0 =	sne.s32 s11, $0x63F0;
	v1 =	vld [tilespmem:s10+$0xFFFFFFE0];
	v2 =	vadd.s32 s12, v0;
	_ =	sdelay $0x4  }
0xe: {  	s12 =	sadd.s32 $0xFFFFFFEE, s9;
	[tilespmem:v2+s7+$0x0] =	vst.idx.msk $0xffff, v1  }
0xf: {  	v2 =	vadd.s32 s12, v0;
	v1 =	vld [tilespmem:s10+$0xFFFFFFF0];
	_ =	sdelay $0x4  }
0x10: {  	s12 =	sadd.s32 $0xFFFFFFFE, s9;
	[tilespmem:v2+s7+$0x0] =	vst.idx.msk $0xffff, v1  }
0x11: {  	v2 =	vadd.s32 s12, v0;
	v1 =	vld [tilespmem:s10+$0x0];
	_ =	sdelay $0x4  }
0x12: {  	[tilespmem:v2+s7+$0x0] =	vst.idx.msk $0xffff, v1  }
0x13: {  	v2 =	vadd.s32 s9, v0;
	s9 =	smov.u32 s11;
	v1 =	vld [tilespmem:s10+$0x2]  }
.Ltmp0:
0x14: {  	(pc) =	sbr.rel @p0 .LBB2_2-.Ltmp0, $2  }
0x15: {  	_ =	sdelay $0x2  }
0x16: {  	s11 =	sadd.s32 $0x32, s11;
	s12 =	sadd.s32 $0xFFFFFFDE, s9;
	s10 =	sadd.s32 $0x80, s10;
	[tilespmem:v2+s7+$0x0] =	vst.idx.msk $0xffff, v1  }
0x17: {  	v1 =	vld [tilespmem:s10+$0xFFFFFFE0];
	v2 =	vadd.s32 s12, v0;
	_ =	sdelay $0x4  }
0x18: {  	s11 =	sadd.s32 $0xFFFFFFEE, s9;
	[tilespmem:v2+s7+$0x0] =	vst.idx.msk $0xffff, v1  }
0x19: {  	v2 =	vadd.s32 s11, v0;
	v1 =	vld [tilespmem:s10+$0xFFFFFFF0];
	_ =	sdelay $0x4  }
0x1a: {  	s31 =	sadd.s32 $0xFFFFFFFE, s9;
	[tilespmem:v2+s7+$0x0] =	vst.idx.msk $0xffff, v1  }
0x1b: {  	v2 =	vadd.s32 s31, v0;
	v1 =	vld [tilespmem:s10+$0x0];
	_ =	sdelay $0x4  }
0x1c: {  	[tilespmem:v2+s7+$0x0] =	vst.idx.msk $0xffff, v1  }
0x1d: {  	v2 =	vadd.s32 s9, v0;
	v1 =	vld [tilespmem:s10+$0x2];
	_ =	sdelay $0x2  }
0x1e: {  	s8 =	sadd.s32 $0x1, s8  }
0x1f: {  	p0 =	sne.s32 s8, s5  }
.Ltmp1:
0x20: {  	[tilespmem:v2+s7+$0x0] =	vst.idx.msk $0xffff, v1;
	(pc) =	sbr.rel @p0 .LBB2_1-.Ltmp1, $4  }
0x21: {  	[hbm4b:s4+s2] =	stream.linear.scatter [tilespmem:s7], [sflag:$0x1], $0x6400, $0x38;
	[tilespmem:$0x16400] =	vst v63  }
0x22: {  	_ =	swait.ge [sflag:s6], $0x6400  }
0x23: {  	[sflag:s6] =	ssyncset.done $0x0  }
0x24: {  	[sflag:s6] =	ssyncadd.s32 $0xFFFF9C00  }
0x25: {  	_ =	sfence.sel $0x180000  }
0x26: {  	[bflag:$0x0] =	sbarrier.arrive $0xFFFF  }
0x27: {  	p0 =	sne.s32 s0, $0x0;
	_ =	strace $0x90000047  }
0x28: {  	s0 =	sadd.s32 @!p0 $0x100000, s1;
	[bflag:$0x2] =	sbarrier.arrive $0xFFFF  }
0x29: {  	[sflag:s0] =	ssyncadd.tile.s32 @!p0 $0x1;
	_ =	shalt  }
.Lfunc_end2:
_tile_overlayer_lowered:
.L_overlay_start_2:
0x2a: {  	(tag) =	ssettag $0x2  }
0x2b: {  	s0 =	rddreg [dreg:$0x0];
	s2 =	stileid.u32  }
0x2c: {  	s1 =	rddreg [dreg:$0x1];
	p0 =	sne.s32 s2, $0x0  }
0x2d: {  	s3 =	rddreg [dreg:$0x2];
	[bflag:$0x3] =	sbarrier.arrive $0xFFFF;
	s2 =	simm.s32 @!p0 $0x1C02  }
0x2e: {  	[timem:s3], [sflag:s2] =	dma.local @!p0 [hbm:s0], s1  }
0x2f: {  	s0 =	simm.s32 @!p0 $0x2  }
0x30: {  	_ =	swait.ge @!p0 [sflag:s0], s1  }
0x31: {  	s1 =	ssub.s32 @!p0 $0x0, s1;
	[sflag:s0] =	ssyncset.done @!p0 $0x0  }
0x32: {  	[sflag:s0] =	ssyncadd.s32 @!p0 s1  }
0x33: {  	[bflag:$0x3] =	sbarrier.arrive $0xFFFF  }
0x34: {  	_ =	shalt  }

// kernel: kernel.7.cloned.1.call-start
scs
__scs_entry_jumppad:
0x0: {  	(pc) =	sbr.rel $0x88, $3  }
0x1: {  	(tag) =	ssettag $0x0;
	lr =	simm.s32 $0x1  }
0x2: {  	[smem:$0x3F9F] =	sst lr;
	_ =	strace $0xD0000000  }
0x3: {  	_ = 	snop  }
0x4: {  	_ = 	snop  }
0x5: {  	_ = 	snop  }
0x6: {  	_ = 	snop  }
0x7: {  	_ = 	snop  }
__scs_overlays_trampoline_lowered:
0x8: {  	[smem:$0x3FAE] =	sst s0  }
0x9: {  	[smem:$0x3FAF] =	sst s1  }
0xa: {  	[smem:$0x3FB0] =	sst s2  }
0xb: {  	[smem:$0x3FB1] =	sst s3  }
0xc: {  	[smem:$0x3FB2] =	sst s4  }
0xd: {  	[smem:$0x3FB3] =	sst s5  }
0xe: {  	[smem:$0x3FB4] =	sst s6  }
0xf: {  	[smem:$0x3FB5] =	sst s7  }
0x10: {  	[smem:$0x3FB6] =	sst s8  }
0x11: {  	[smem:$0x3FB7] =	sst s9;
	s0 =	simm.s32 @!p0 $0x0  }
0x12: {  	s1 =	sld [smem:$0x3F9D];
	s0 =	simm.s32 @p0 $0x1  }
0x13: {  	[smem:$0x3FB8] =	sst s0;
	s0 =	simm.s32 @!p1 $0x0  }
0x14: {  	s2 =	sld [smem:$0x3F9C];
	s0 =	simm.s32 @p1 $0x1  }
0x15: {  	[smem:$0x3FB9] =	sst s0;
	s0 =	simm.s32 @!p2 $0x0  }
0x16: {  	s3 =	sld [smem:$0x3FDB];
	s0 =	simm.s32 @p2 $0x1  }
0x17: {  	s4 =	simm.s32 $0x1BF5;
	[smem:$0x3FBB] =	sst s0  }
0x18: {  	s0 =	sld [smem:$0x3F9E];
	_ =	swait.ge [sflag:s4], $0x0  }
0x19: {  	s7 =	sld [smem:$0x3F9F]  }
0x1a: {  	s8 =	sadd.s32 $0xFFFFE003, lr  }
0x1b: {  	s9 =	sadd.s32 $0xFFFFFEF7, lr;
	s5 =	simm.s32 $0xFFFFFFFF;
	p2 =	slt.u32 s8, $0xFFFFF086  }
0x1c: {  	p1 =	slt.u32 s9, $0xF7A;
	s5 =	simm.s32 @!p2 $0x0  }
0x1d: {  	s5 =	simm.s32 @p1 $0x1;
	p0 =	seq.s32 s7, s2  }
0x1e: {  	s7 =	smul.u32 @!p0 $0xF7A, s2;
	p2 =	seq.s32 @!p0 s5, $0x0  }
0x1f: {  	s9 =	smul.u32 $0xF7A, s1;
	s8 =	simm.s32 @!p0 $0x1BF5;
	p2 =	por !p2, p0  }
0x20: {  	[sflag:s8] =	ssyncset.s32 @!p0 $0xFFFFF086;
	s6 =	sadd.s32 @!p0 s3, s7;
	s7 =	simm.s32 @!p0 $0x108  }
0x21: {  	s3 =	sadd.s32 s3, s9;
	s6 =	sadd.s32 @!p0 $0x88, s6;
	s7 =	simm.s32 @p2 $0x1082  }
0x22: {  	[simem:s7], [sflag:s8] =	dma.local @!p0 [hbm:s6], $0xF7A  }
0x23: {  	s9 =	sor.u32 $0xD0000000, s2;
	s6 =	simm.s32 $0x108;
	_ =	swait.ge @!p0 [sflag:s8], $0x0  }
0x24: {  	s3 =	sadd.s32 $0x88, s3;
	s6 =	simm.s32 @!p1 $0x1082;
	[sflag:s4] =	ssyncset.s32 $0xFFFFF086  }
0x25: {  	[simem:s6], [sflag:s4] =	dma.local [hbm:s3], $0xF7A  }
0x26: {  	[smem:$0x3F9F] =	sst s1;
	(tag) =	ssettag s2;
	_ =	strace s9  }
0x27: {  	s1 =	sld [smem:$0x3FAF]  }
0x28: {  	s2 =	sld [smem:$0x3FB0]  }
0x29: {  	s4 =	sld [smem:$0x3FB2]  }
0x2a: {  	p0 =	seq.s32 s5, $0x0;
	s5 =	sld [smem:$0x3FB3]  }
0x2b: {  	s6 =	sld [smem:$0x3FB4]  }
0x2c: {  	s7 =	sld [smem:$0x3FB5]  }
0x2d: {  	s3 =	simm.s32 $0x108;
	s8 =	sld [smem:$0x3FB6]  }
0x2e: {  	s3 =	simm.s32 @!p0 $0x1082;
	s9 =	sld [smem:$0x3FB7]  }
0x2f: {  	lr =	sadd.s32 s0, s3;
	s0 =	sld [smem:$0x3FAE]  }
0x30: {  	s3 =	sld [smem:$0x3FB1]  }
0x31: {  	[smem:$0x3FBA] =	sst s10  }
0x32: {  	s10 =	sld [smem:$0x3FB8];
	_ =	sdelay $0x3  }
0x33: {  	p0 =	seq.s32 s10, $0x1;
	s10 =	sld [smem:$0x3FBA];
	_ =	sdelay $0x3  }
0x34: {  	[smem:$0x3FBA] =	sst s10  }
0x35: {  	s10 =	sld [smem:$0x3FB9];
	_ =	sdelay $0x3  }
0x36: {  	p1 =	seq.s32 s10, $0x1;
	s10 =	sld [smem:$0x3FBA];
	_ =	sdelay $0x3  }
0x37: {  	[smem:$0x3FBA] =	sst s10  }
0x38: {  	s10 =	sld [smem:$0x3FBB]  }
0x39: {  	_ = 	snop;
	(pc) =	sbr.ind lr, $3  }
0x3a: {  	_ = 	snop  }
0x3b: {  	_ = 	snop  }
0x3c: {  	p2 =	seq.s32 s10, $0x1;
	s10 =	sld [smem:$0x3FBA]  }
0x3d: {  	_ =	shalt  }
0x3e: {  	_ =	shalt  }
0x3f: {  	_ =	shalt  }
0x40: {  	_ =	shalt  }
0x41: {  	_ =	shalt  }
0x42: {  	_ =	shalt  }
0x43: {  	_ =	shalt  }
0x44: {  	_ =	shalt  }
0x45: {  	_ =	shalt  }
0x46: {  	_ =	shalt  }
0x47: {  	_ =	shalt  }
0x48: {  	_ =	shalt  }
0x49: {  	_ =	shalt  }
0x4a: {  	_ =	shalt  }
0x4b: {  	_ =	shalt  }
0x4c: {  	_ =	shalt  }
0x4d: {  	_ =	shalt  }
0x4e: {  	_ =	shalt  }
0x4f: {  	_ =	shalt  }
0x50: {  	_ =	shalt  }
0x51: {  	_ =	shalt  }
0x52: {  	_ =	shalt  }
0x53: {  	_ =	shalt  }
0x54: {  	_ =	shalt  }
0x55: {  	_ =	shalt  }
0x56: {  	_ =	shalt  }
0x57: {  	_ =	shalt  }
0x58: {  	_ =	shalt  }
0x59: {  	_ =	shalt  }
0x5a: {  	_ =	shalt  }
0x5b: {  	_ =	shalt  }
0x5c: {  	_ =	shalt  }
0x5d: {  	_ =	shalt  }
0x5e: {  	_ =	shalt  }
0x5f: {  	_ =	shalt  }
0x60: {  	_ =	shalt  }
0x61: {  	_ =	shalt  }
0x62: {  	_ =	shalt  }
0x63: {  	_ =	shalt  }
0x64: {  	_ =	shalt  }
0x65: {  	_ =	shalt  }
0x66: {  	_ =	shalt  }
0x67: {  	_ =	shalt  }
0x68: {  	_ =	shalt  }
0x69: {  	_ =	shalt  }
0x6a: {  	_ =	shalt  }
0x6b: {  	_ =	shalt  }
0x6c: {  	_ =	shalt  }
0x6d: {  	_ =	shalt  }
0x6e: {  	_ =	shalt  }
0x6f: {  	_ =	shalt  }
0x70: {  	_ =	shalt  }
0x71: {  	_ =	shalt  }
0x72: {  	_ =	shalt  }
0x73: {  	_ =	shalt  }
0x74: {  	_ =	shalt  }
0x75: {  	_ =	shalt  }
0x76: {  	_ =	shalt  }
0x77: {  	_ =	shalt  }
0x78: {  	_ =	shalt  }
0x79: {  	_ =	shalt  }
0x7a: {  	_ =	shalt  }
0x7b: {  	_ =	shalt  }
0x7c: {  	_ =	shalt  }
0x7d: {  	_ =	shalt  }
0x7e: {  	_ =	shalt  }
0x7f: {  	_ =	shalt  }
0x80: {  	_ =	shalt  }
0x81: {  	_ =	shalt  }
0x82: {  	_ =	shalt  }
0x83: {  	_ =	shalt  }
0x84: {  	_ =	shalt  }
0x85: {  	_ =	shalt  }
0x86: {  	_ =	shalt  }
0x87: {  	_ =	shalt  }
.Lfunc_end0:
.L_simem_size_0:
called_computation.1_lowered:
.L_overlay_start_0:
0x88: {  	s2 =	sld [smem:$0x3FD9]  }
0x89: {  	s3 =	sld [smem:$0x3FFE];
	_ =	sdelay $0x1  }
0x8a: {  	s1 =	srdreg.scid  }
0x8b: {  	s0 =	sand.u32 $0x1, s1  }
0x8c: {  	s16 =	sshll.u32 s0, $0xA;
	s2 =	sadd.s32 s3, s2  }
0x8d: {  	s2 =	sadd.s32 s2, s16  }
0x8e: {  	[smem:$0x3FC6] =	sst s2  }
0x8f: {  	_ = 	snop  }
0x90: {  	(tm) =	ssettm $0x1  }
0x91: {  	s17 =	sld [smem:$0x3FFB];
	_ =	sdelay $0x3  }
0x92: {  	_ =	strace s17  }
0x93: {  	s2 =	sld [smem:$0x3FFC];
	_ =	sdelay $0x3  }
0x94: {  	_ =	strace s2  }
0x95: {  	s2 =	sld [smem:$0x3FFD];
	_ =	sdelay $0x3  }
0x96: {  	_ =	strace s2  }
0x97: {  	_ =	strace $0x8FFFFFFF  }
0x98: {  	s18 =	sld [smem:$0x3FDB];
	_ =	sdelay $0x1  }
0x99: {  	s19 =	simm.s32 $_scs_section_size  }
0x9a: {  	s4 =	simm.s32 $_size__tile_overlayer_lowered;
	s5 =	simm.s32 $_tile_overlayer_lowered  }
0x9b: {  	s22 =	simm.s32 $0x1BFF;
	s21 =	sshll.u32 s5, $0x1;
	s2 =	sadd.s32 s19, s18  }
0x9c: {  	s6 =	simm.s32 $0x0;
	s20 =	sshll.u32 s4, $0x1;
	s4 =	sadd.s32 s21, s2  }
0x9d: {  	[timem:s6], [sflag:s22] =	dma.local [hbm:s4], s20  }
0x9e: {  	_ =	swait.ge [sflag:s22], s20  }
0x9f: {  	s3 =	ssub.s32 $0x0, s20;
	[sflag:s22] =	ssyncset.done $0x0  }
0xa0: {  	[sflag:s22] =	ssyncadd.s32 s3;
	_ =	sdelay $0x1  }
0xa1: {  	s23 =	simm.s32 $0x1B8B  }
0xa2: {  	_ =	swait.ge [sflag:s23], $0x1  }
0xa3: {  	[sflag:s23] =	ssyncset.done $0x0  }
0xa4: {  	s25 =	simm.s32 $0x1B8E;
	s24 =	sld [smem:$0x3FFE];
	[sflag:s23] =	ssyncadd.s32 $0xFFFFFFFF  }
0xa5: {  	s26 =	simm.s32 $execute0_lowered;
	[smem:$0x3FD2] =	sst s25  }
0xa6: {  	s4 =	sshll.u32 s26, $0x1;
	_ =	strace $0x80000049;
	[dreg:$0x1] =	wrdreg $0xFFFFFFFF  }
0xa7: {  	s28 =	simm.s32 $_size_execute0_lowered;
	s2 =	sadd.s32 s2, s4;
	[dreg:$0x0] =	wrdreg $0x0  }
0xa8: {  	s4 =	sshll.u32 s28, $0x1;
	[dreg:$0x2] =	wrdreg s2  }
0xa9: {  	[dreg:$0x3] =	wrdreg s4  }
0xaa: {  	[dreg:$0x4] =	wrdreg $0xC0  }
0xab: {  	_ =	task [dreg:s6], $0x5FFFF  }
0xac: {  	[dreg:$0x1] =	wrdreg $0xFFFFFFFF  }
0xad: {  	[dreg:$0x0] =	wrdreg $0x60  }
0xae: {  	[dreg:$0x2] =	wrdreg s24  }
0xaf: {  	[dreg:$0x3] =	wrdreg $0x9  }
0xb0: {  	_ =	task.clear_ibuf [dreg:s6], $0x4FFFF;
	_ =	strace $0x90000049  }
0xb1: {  	s29 =	simm.s32 $0x9;
	_ =	strace $0x8000004B  }
0xb2: {  	_ =	swait.ge [sflag:s29], $0x1  }
0xb3: {  	[sflag:s29] =	ssyncadd.s32 $0xFFFFFFFF  }
0xb4: {  	_ =	strace $0x9000004B  }
0xb5: {  	_ =	sfence  }
0xb6: {  	s30 =	sld [smem:$0x0];
	_ =	sdelay $0x2  }
0xb7: {  	s31 =	sshll.u32 s1, $0xD;
	s1 =	sshrl.u32 s1, $0x2  }
0xb8: {  	s3 =	sand.u32 $0x4000, s31;
	s1 =	sadd.s32 s1, s30  }
0xb9: {  	s0 =	sor.u32 s3, s0;
	s1 =	sshll.u32 s1, $0x11  }
0xba: {  	s0 =	sor.u32 s1, s0  }
0xbb: {  	s0 =	sadd.s32 $0x8F2B, s0  }
0xbc: {  	[sflag:s0] =	ssyncadd.remote.s32 $0x1  }
0xbd: {  	_ =	sfence.sel $0xFFFF  }
0xbe: {  	[dreg:$0x0] =	wrdreg $0xFFFFFFFF;
	(pc) =	sbr.abs _section_cstart, $3  }
0xbf: {  	[dreg:$0x1] =	wrdreg $0xFFFFFFFF  }
0xc0: {  	_ =	task.clear_ibuf [dreg:s6], $0x2FFFF;
	_ =	strace $0x9FFFFFFF  }
0xc1: {  	(tm) =	ssettm $0x7FFFFFFF  }
tec
execute0_lowered:
.L_overlay_start_1:
0x0: {  	(tag) =	ssettag $0x1  }
0x1: {  	s1 =	srdreg.scid;
	s0 =	stileid.u32  }
0x2: {  	s4 =	rddreg [dreg:$0x0];
	s2 =	simm.s32 $0x0;
	s8 =	simm.s32 $0x60  }
0x3: {  	s9 =	simm.s32 $0x6400;
	s10 =	simm.s32 $0x68;
	s11 =	simm.s32 $0x7000  }
0x4: {  	s12 =	simm.s32 $0x7D00;
	s13 =	simm.s32 $0x8900;
	s14 =	simm.s32 $0x1  }
0x5: {  	s15 =	simm.s32 $0x2;
	s16 =	simm.s32 $0x9600;
	s17 =	simm.s32 $0x0  }
0x6: {  	s3 =	sand.u32 $0x1, s1;
	s5 =	sshll.u32 s0, $0x1;
	[smem:$0x7FF] =	sst s2  }
0x7: {  	s1 =	rddreg [dreg:$0x1];
	s5 =	sor.u32 s3, s5;
	_ =	strace $0x8000004A  }
0x8: {  	s7 =	ssub.s32 $0x2, s3;
	s6 =	smul.u32 $0xC80, s5;
	s5 =	sshll.u32 s5, $0xD  }
0x9: {  	s3 =	sadd.s32 $0xF9BC00, s4;
	s31 =	sshrl.u32 s7, $0x1;
	s5 =	sadd.s32 s5, s4  }
0xa: {  	s7 =	ssub.s32 s7, s31;
	s6 =	sadd.s32 s6, s4;
	s5 =	sadd.s32 $0x800, s5  }
0xb: {  	s4 =	sadd.s32 $0x40800, s6;
	s6 =	smax.u32 s7, $0x1;
	s7 =	simm.s32 $0x3  }
.LBB2_1:
0xc: {  	[tilespmem:s2], [sflag:$0x3] =	stream.linear.gather [hbm4b:s4+s2], $0x6400, $0x38;
	[tilespmem:$0x19600] =	vst v63  }
0xd: {  	_ =	swait.ge [sflag:s7], $0x6400  }
0xe: {  	[sflag:s7] =	ssyncset.done $0x0  }
0xf: {  	[sflag:s7] =	ssyncadd.s32 $0xFFFF9C00  }
0x10: {  	[tilespmem:s9], [sflag:$0x1] =	stream.indirect.gather [hbm4b:s3+s8], $0x20, s2, s8, $0xb8;
	[tilespmem:$0x19600] =	vst v63  }
0x11: {  	s18 =	simm.s32 $0x9800;
	s19 =	simm.s32 $0x0  }
0x12: {  	[tilespmem:s11], [sflag:$0x1] =	stream.indirect.gather [hbm4b:s3+s10], $0x20, s8, s10, $0xb8;
	[tilespmem:$0x19600] =	vst v63  }
.LBB2_2:
0x13: {  	s20 =	sshra.s32 s19, $0x2  }
0x14: {  	s21 =	sadd.s32 $0xC8, s20  }
0x15: {  	[tilespmem:s12], [sflag:$0x2] =	stream.indirect.gather [hbm4b:s3+s8], $0x20, s21, s8, $0xb8;
	[tilespmem:$0x19600] =	vst v63  }
0x16: {  	s20 =	sadd.s32 $0x128, s20  }
0x17: {  	[tilespmem:s13], [sflag:$0x2] =	stream.indirect.gather [hbm4b:s3+s10], $0x20, s20, s10, $0xb8;
	[tilespmem:$0x19600] =	vst v63  }
0x18: {  	_ =	swait.ge [sflag:s14], $0xC00  }
0x19: {  	[sflag:s14] =	ssyncset.done $0x0  }
0x1a: {  	[sflag:s14] =	ssyncadd.s32 $0xFFFFF400  }
0x1b: {  	_ =	swait.ge [sflag:s14], $0xD00  }
0x1c: {  	[sflag:s14] =	ssyncset.done $0x0  }
0x1d: {  	[sflag:s14] =	ssyncadd.s32 $0xFFFFF300  }
0x1e: {  	v0 =	vld [tilespmem:$0x6400]  }
0x1f: {  	v1 =	vld [tilespmem:$0x6410]  }
0x20: {  	v2 =	vld [tilespmem:$0x6420]  }
0x21: {  	v3 =	vld [tilespmem:$0x6430]  }
0x22: {  	v4 =	vld [tilespmem:$0x6440]  }
0x23: {  	v5 =	vld [tilespmem:$0x6450]  }
0x24: {  	v6 =	vld [tilespmem:$0x6460]  }
0x25: {  	v7 =	vld [tilespmem:$0x6470]  }
0x26: {  	v8 =	vld [tilespmem:$0x6480]  }
0x27: {  	v9 =	vld [tilespmem:$0x6490]  }
0x28: {  	v10 =	vld [tilespmem:$0x64A0]  }
0x29: {  	v11 =	vld [tilespmem:$0x64B0]  }
0x2a: {  	v12 =	vld [tilespmem:$0x64C0]  }
0x2b: {  	v13 =	vld [tilespmem:$0x64D0]  }
0x2c: {  	v14 =	vld [tilespmem:$0x64E0]  }
0x2d: {  	v15 =	vld [tilespmem:$0x64F0]  }
0x2e: {  	v16 =	vld [tilespmem:$0x6500]  }
0x2f: {  	v17 =	vld [tilespmem:$0x6510]  }
0x30: {  	v18 =	vld [tilespmem:$0x6520]  }
0x31: {  	v19 =	vld [tilespmem:$0x6530]  }
0x32: {  	v20 =	vld [tilespmem:$0x6540]  }
0x33: {  	v21 =	vld [tilespmem:$0x6550]  }
0x34: {  	v22 =	vld [tilespmem:$0x6560]  }
0x35: {  	v23 =	vld [tilespmem:$0x6570]  }
0x36: {  	v24 =	vld [tilespmem:$0x6580]  }
0x37: {  	v25 =	vld [tilespmem:$0x6590]  }
0x38: {  	v26 =	vld [tilespmem:$0x65A0]  }
0x39: {  	v27 =	vld [tilespmem:$0x65B0]  }
0x3a: {  	v28 =	vld [tilespmem:$0x65C0]  }
0x3b: {  	v29 =	vld [tilespmem:$0x65D0]  }
0x3c: {  	v30 =	vld [tilespmem:$0x65E0]  }
0x3d: {  	v31 =	vld [tilespmem:$0x65F0]  }
0x3e: {  	v32 =	vld [tilespmem:$0x6600]  }
0x3f: {  	v33 =	vld [tilespmem:$0x6610]  }
0x40: {  	v34 =	vld [tilespmem:$0x6620]  }
0x41: {  	v35 =	vld [tilespmem:$0x6630]  }
0x42: {  	v36 =	vld [tilespmem:$0x6640]  }
0x43: {  	v37 =	vld [tilespmem:$0x6650]  }
0x44: {  	v38 =	vld [tilespmem:$0x6660]  }
0x45: {  	v39 =	vld [tilespmem:$0x6670]  }
0x46: {  	v40 =	vld [tilespmem:$0x6680]  }
0x47: {  	v41 =	vld [tilespmem:$0x6690]  }
0x48: {  	v42 =	vld [tilespmem:$0x66A0]  }
0x49: {  	v43 =	vld [tilespmem:$0x66B0]  }
0x4a: {  	v44 =	vld [tilespmem:$0x66C0]  }
0x4b: {  	v45 =	vld [tilespmem:$0x66D0]  }
0x4c: {  	v46 =	vld [tilespmem:$0x66E0]  }
0x4d: {  	v47 =	vld [tilespmem:$0x66F0]  }
0x4e: {  	v48 =	vld [tilespmem:$0x6700]  }
0x4f: {  	v49 =	vld [tilespmem:$0x6710]  }
0x50: {  	v50 =	vld [tilespmem:$0x6720]  }
0x51: {  	v51 =	vld [tilespmem:$0x6730]  }
0x52: {  	v52 =	vld [tilespmem:$0x6740]  }
0x53: {  	v53 =	vld [tilespmem:$0x6750]  }
0x54: {  	v54 =	vld [tilespmem:$0x6760]  }
0x55: {  	v55 =	vld [tilespmem:$0x6770];
	v0 =	vadd.f32 $0.0e+00, v0;
	v2 =	vadd.f32 $0.0e+00, v2  }
0x56: {  	v56 =	vld [tilespmem:$0x6780];
	v1 =	vadd.f32 $0.0e+00, v1;
	v3 =	vadd.f32 $0.0e+00, v3  }
0x57: {  	v57 =	vld [tilespmem:$0x6830];
	v0 =	vadd.f32 v4, v0;
	v2 =	vadd.f32 v6, v2  }
0x58: {  	v58 =	vld [tilespmem:$0x6840];
	v1 =	vadd.f32 v5, v1;
	v3 =	vadd.f32 v7, v3  }
0x59: {  	v59 =	vld [tilespmem:$0x6850];
	v0 =	vadd.f32 v8, v0;
	v2 =	vadd.f32 v10, v2  }
0x5a: {  	v60 =	vld [tilespmem:$0x6860];
	v1 =	vadd.f32 v9, v1;
	v3 =	vadd.f32 v11, v3  }
0x5b: {  	v61 =	vld [tilespmem:$0x6870];
	v0 =	vadd.f32 v12, v0;
	v2 =	vadd.f32 v14, v2  }
0x5c: {  	v62 =	vld [tilespmem:$0x6880];
	v1 =	vadd.f32 v13, v1;
	v3 =	vadd.f32 v15, v3  }
0x5d: {  	v63 =	vld [tilespmem:$0x6890];
	v0 =	vadd.f32 v16, v0;
	v2 =	vadd.f32 v18, v2  }
0x5e: {  	v4 =	vld [tilespmem:$0x6790];
	v1 =	vadd.f32 v17, v1;
	v3 =	vadd.f32 v19, v3  }
0x5f: {  	v5 =	vld [tilespmem:$0x67A0];
	v0 =	vadd.f32 v20, v0;
	v2 =	vadd.f32 v22, v2  }
0x60: {  	v6 =	vld [tilespmem:$0x67B0];
	v1 =	vadd.f32 v21, v1;
	v3 =	vadd.f32 v23, v3  }
0x61: {  	v7 =	vld [tilespmem:$0x67C0];
	v0 =	vadd.f32 v24, v0;
	v2 =	vadd.f32 v26, v2  }
0x62: {  	v8 =	vld [tilespmem:$0x67D0];
	v1 =	vadd.f32 v25, v1;
	v3 =	vadd.f32 v27, v3  }
0x63: {  	v9 =	vld [tilespmem:$0x67E0];
	v0 =	vadd.f32 v28, v0;
	v2 =	vadd.f32 v30, v2  }
0x64: {  	v10 =	vld [tilespmem:$0x67F0];
	v1 =	vadd.f32 v29, v1;
	v3 =	vadd.f32 v31, v3  }
0x65: {  	v11 =	vld [tilespmem:$0x6800];
	v0 =	vadd.f32 v32, v0;
	v2 =	vadd.f32 v34, v2  }
0x66: {  	v12 =	vld [tilespmem:$0x6810];
	v1 =	vadd.f32 v33, v1;
	v3 =	vadd.f32 v35, v3  }
0x67: {  	v13 =	vld [tilespmem:$0x6820];
	v0 =	vadd.f32 v36, v0;
	v2 =	vadd.f32 v38, v2  }
0x68: {  	v32 =	vld [tilespmem:$0x68A0];
	v1 =	vadd.f32 v37, v1;
	v3 =	vadd.f32 v39, v3  }
0x69: {  	v33 =	vld [tilespmem:$0x68B0];
	v0 =	vadd.f32 v40, v0;
	v2 =	vadd.f32 v42, v2  }
0x6a: {  	v34 =	vld [tilespmem:$0x68C0];
	v1 =	vadd.f32 v41, v1;
	v3 =	vadd.f32 v43, v3  }
0x6b: {  	v35 =	vld [tilespmem:$0x68D0];
	v0 =	vadd.f32 v44, v0;
	v2 =	vadd.f32 v46, v2  }
0x6c: {  	v36 =	vld [tilespmem:$0x68E0];
	v1 =	vadd.f32 v45, v1;
	v3 =	vadd.f32 v47, v3  }
0x6d: {  	v37 =	vld [tilespmem:$0x68F0];
	v0 =	vadd.f32 v48, v0;
	v2 =	vadd.f32 v50, v2  }
0x6e: {  	v38 =	vld [tilespmem:$0x6900];
	v1 =	vadd.f32 v49, v1;
	v3 =	vadd.f32 v51, v3  }
0x6f: {  	v39 =	vld [tilespmem:$0x6910];
	v0 =	vadd.f32 v52, v0;
	v2 =	vadd.f32 v54, v2  }
0x70: {  	v40 =	vld [tilespmem:$0x6920];
	v1 =	vadd.f32 v53, v1;
	v3 =	vadd.f32 v55, v3  }
0x71: {  	v41 =	vld [tilespmem:$0x6930];
	v0 =	vadd.f32 v56, v0;
	v2 =	vadd.f32 v5, v2  }
0x72: {  	v42 =	vld [tilespmem:$0x6940];
	v1 =	vadd.f32 v4, v1;
	v3 =	vadd.f32 v6, v3  }
0x73: {  	v43 =	vld [tilespmem:$0x6950];
	v0 =	vadd.f32 v7, v0;
	v2 =	vadd.f32 v9, v2  }
0x74: {  	v44 =	vld [tilespmem:$0x6960];
	v1 =	vadd.f32 v8, v1;
	v3 =	vadd.f32 v10, v3  }
0x75: {  	v45 =	vld [tilespmem:$0x6970];
	v0 =	vadd.f32 v11, v0;
	v2 =	vadd.f32 v13, v2  }
0x76: {  	v46 =	vld [tilespmem:$0x6980];
	v1 =	vadd.f32 v12, v1;
	v3 =	vadd.f32 v57, v3  }
0x77: {  	v47 =	vld [tilespmem:$0x6990];
	v0 =	vadd.f32 v58, v0;
	v2 =	vadd.f32 v60, v2  }
0x78: {  	v48 =	vld [tilespmem:$0x69A0];
	v1 =	vadd.f32 v59, v1;
	v3 =	vadd.f32 v61, v3  }
0x79: {  	v49 =	vld [tilespmem:$0x69B0];
	v0 =	vadd.f32 v62, v0;
	v2 =	vadd.f32 v32, v2  }
0x7a: {  	v50 =	vld [tilespmem:$0x69C0];
	v1 =	vadd.f32 v63, v1;
	v3 =	vadd.f32 v33, v3  }
0x7b: {  	v51 =	vld [tilespmem:$0x69D0];
	v0 =	vadd.f32 v34, v0;
	v2 =	vadd.f32 v36, v2  }
0x7c: {  	v52 =	vld [tilespmem:$0x69E0];
	v1 =	vadd.f32 v35, v1;
	v3 =	vadd.f32 v37, v3  }
0x7d: {  	v53 =	vld [tilespmem:$0x69F0];
	v0 =	vadd.f32 v38, v0;
	v2 =	vadd.f32 v40, v2  }
0x7e: {  	v54 =	vld [tilespmem:$0x6A00];
	v1 =	vadd.f32 v39, v1;
	v3 =	vadd.f32 v41, v3  }
0x7f: {  	v55 =	vld [tilespmem:$0x6A10];
	v0 =	vadd.f32 v42, v0;
	v2 =	vadd.f32 v44, v2  }
0x80: {  	v56 =	vld [tilespmem:$0x6A20];
	v1 =	vadd.f32 v43, v1;
	v3 =	vadd.f32 v45, v3  }
0x81: {  	v57 =	vld [tilespmem:$0x6A30];
	v0 =	vadd.f32 v46, v0;
	v2 =	vadd.f32 v48, v2  }
0x82: {  	v1 =	vadd.f32 v47, v1;
	v3 =	vadd.f32 v49, v3  }
0x83: {  	v0 =	vadd.f32 v50, v0;
	v2 =	vadd.f32 v52, v2  }
0x84: {  	v1 =	vadd.f32 v51, v1;
	v3 =	vadd.f32 v53, v3  }
0x85: {  	v0 =	vadd.f32 v54, v0;
	v2 =	vadd.f32 v56, v2  }
0x86: {  	v1 =	vadd.f32 v55, v1;
	v3 =	vadd.f32 v57, v3  }
0x87: {  	v0 =	vadd.f32 v2, v0  }
0x88: {  	v1 =	vadd.f32 v3, v1  }
0x89: {  	v0 =	vmul.f32 $1.999999960e-02, v0  }
0x8a: {  	v1 =	vmul.f32 $1.999999960e-02, v1  }
0x8b: {  	[tilespmem:s18+$0xFFFFFE00] =	vst v0  }
0x8c: {  	[tilespmem:s18+$0xFFFFFE10] =	vst v1  }
0x8d: {  	v0 =	vld [tilespmem:$0x6A40]  }
0x8e: {  	v1 =	vld [tilespmem:$0x6A50]  }
0x8f: {  	v58 =	vld [tilespmem:$0x6A60]  }
0x90: {  	v59 =	vld [tilespmem:$0x6A70]  }
0x91: {  	v4 =	vld [tilespmem:$0x6A80]  }
0x92: {  	v5 =	vld [tilespmem:$0x6A90]  }
0x93: {  	v6 =	vld [tilespmem:$0x6AA0]  }
0x94: {  	v7 =	vld [tilespmem:$0x6AB0]  }
0x95: {  	v8 =	vld [tilespmem:$0x6AC0]  }
0x96: {  	v9 =	vld [tilespmem:$0x6AD0]  }
0x97: {  	v10 =	vld [tilespmem:$0x6AE0]  }
0x98: {  	v11 =	vld [tilespmem:$0x6AF0]  }
0x99: {  	v12 =	vld [tilespmem:$0x6B00]  }
0x9a: {  	v13 =	vld [tilespmem:$0x6B10]  }
0x9b: {  	v14 =	vld [tilespmem:$0x6B20]  }
0x9c: {  	v15 =	vld [tilespmem:$0x6B30]  }
0x9d: {  	v16 =	vld [tilespmem:$0x6B40]  }
0x9e: {  	v17 =	vld [tilespmem:$0x6B50]  }
0x9f: {  	v18 =	vld [tilespmem:$0x6B60]  }
0xa0: {  	v19 =	vld [tilespmem:$0x6B70]  }
0xa1: {  	v20 =	vld [tilespmem:$0x6B80]  }
0xa2: {  	v21 =	vld [tilespmem:$0x6B90]  }
0xa3: {  	v22 =	vld [tilespmem:$0x6BA0]  }
0xa4: {  	v23 =	vld [tilespmem:$0x6BB0]  }
0xa5: {  	v24 =	vld [tilespmem:$0x6BC0]  }
0xa6: {  	v25 =	vld [tilespmem:$0x6BD0]  }
0xa7: {  	v26 =	vld [tilespmem:$0x6BE0]  }
0xa8: {  	v27 =	vld [tilespmem:$0x6BF0]  }
0xa9: {  	v28 =	vld [tilespmem:$0x6C00]  }
0xaa: {  	v29 =	vld [tilespmem:$0x6C10]  }
0xab: {  	v30 =	vld [tilespmem:$0x6C20]  }
0xac: {  	v60 =	vld [tilespmem:$0x6C30]  }
0xad: {  	v32 =	vld [tilespmem:$0x6C40]  }
0xae: {  	v33 =	vld [tilespmem:$0x6C50]  }
0xaf: {  	v61 =	vld [tilespmem:$0x6C60]  }
0xb0: {  	v62 =	vld [tilespmem:$0x6C70]  }
0xb1: {  	v36 =	vld [tilespmem:$0x6C80]  }
0xb2: {  	v37 =	vld [tilespmem:$0x6C90]  }
0xb3: {  	v63 =	vld [tilespmem:$0x6CA0]  }
0xb4: {  	v39 =	vld [tilespmem:$0x6CB0]  }
0xb5: {  	v40 =	vld [tilespmem:$0x6CC0]  }
0xb6: {  	v41 =	vld [tilespmem:$0x6CD0]  }
0xb7: {  	v42 =	vld [tilespmem:$0x6CE0]  }
0xb8: {  	v43 =	vld [tilespmem:$0x6CF0]  }
0xb9: {  	v44 =	vld [tilespmem:$0x6D00]  }
0xba: {  	v45 =	vld [tilespmem:$0x6D10]  }
0xbb: {  	v46 =	vld [tilespmem:$0x6D20]  }
0xbc: {  	v47 =	vld [tilespmem:$0x6D30]  }
0xbd: {  	v48 =	vld [tilespmem:$0x6D40]  }
0xbe: {  	v49 =	vld [tilespmem:$0x6D50]  }
0xbf: {  	v50 =	vld [tilespmem:$0x6D60]  }
0xc0: {  	v51 =	vld [tilespmem:$0x6D70]  }
0xc1: {  	v52 =	vld [tilespmem:$0x6D80]  }
0xc2: {  	v53 =	vld [tilespmem:$0x6D90]  }
0xc3: {  	v54 =	vld [tilespmem:$0x6DA0]  }
0xc4: {  	v55 =	vld [tilespmem:$0x6DB0];
	v0 =	vadd.f32 $0.0e+00, v0;
	v2 =	vadd.f32 $0.0e+00, v58  }
0xc5: {  	v56 =	vld [tilespmem:$0x6DC0];
	v1 =	vadd.f32 $0.0e+00, v1;
	v3 =	vadd.f32 $0.0e+00, v59  }
0xc6: {  	v57 =	vld [tilespmem:$0x6E70];
	v0 =	vadd.f32 v4, v0;
	v2 =	vadd.f32 v6, v2  }
0xc7: {  	v34 =	vld [tilespmem:$0x6F00];
	v1 =	vadd.f32 v5, v1;
	v3 =	vadd.f32 v7, v3  }
0xc8: {  	v35 =	vld [tilespmem:$0x6F10];
	v0 =	vadd.f32 v8, v0;
	v2 =	vadd.f32 v10, v2  }
0xc9: {  	v38 =	vld [tilespmem:$0x6F40];
	v1 =	vadd.f32 v9, v1;
	v3 =	vadd.f32 v11, v3  }
0xca: {  	v58 =	vld [tilespmem:$0x6E80];
	v0 =	vadd.f32 v12, v0;
	v2 =	vadd.f32 v14, v2  }
0xcb: {  	v59 =	vld [tilespmem:$0x6E90];
	v1 =	vadd.f32 v13, v1;
	v3 =	vadd.f32 v15, v3  }
0xcc: {  	v4 =	vld [tilespmem:$0x6DD0];
	v0 =	vadd.f32 v16, v0;
	v2 =	vadd.f32 v18, v2  }
0xcd: {  	v5 =	vld [tilespmem:$0x6DE0];
	v1 =	vadd.f32 v17, v1;
	v3 =	vadd.f32 v19, v3  }
0xce: {  	v6 =	vld [tilespmem:$0x6DF0];
	v0 =	vadd.f32 v20, v0;
	v2 =	vadd.f32 v22, v2  }
0xcf: {  	v7 =	vld [tilespmem:$0x6E00];
	v1 =	vadd.f32 v21, v1;
	v3 =	vadd.f32 v23, v3  }
0xd0: {  	v8 =	vld [tilespmem:$0x6E10];
	v0 =	vadd.f32 v24, v0;
	v2 =	vadd.f32 v26, v2  }
0xd1: {  	v9 =	vld [tilespmem:$0x6E20];
	v1 =	vadd.f32 v25, v1;
	v3 =	vadd.f32 v27, v3  }
0xd2: {  	v10 =	vld [tilespmem:$0x6E30];
	v0 =	vadd.f32 v28, v0;
	v2 =	vadd.f32 v30, v2  }
0xd3: {  	v11 =	vld [tilespmem:$0x6E40];
	v1 =	vadd.f32 v29, v1;
	v3 =	vadd.f32 v60, v3  }
0xd4: {  	v12 =	vld [tilespmem:$0x6E50];
	v0 =	vadd.f32 v32, v0;
	v2 =	vadd.f32 v61, v2  }
0xd5: {  	v13 =	vld [tilespmem:$0x6E60];
	v1 =	vadd.f32 v33, v1;
	v3 =	vadd.f32 v62, v3  }
0xd6: {  	v60 =	vld [tilespmem:$0x6EA0];
	v0 =	vadd.f32 v36, v0;
	v2 =	vadd.f32 v63, v2  }
0xd7: {  	v61 =	vld [tilespmem:$0x6EB0];
	v1 =	vadd.f32 v37, v1;
	v3 =	vadd.f32 v39, v3  }
0xd8: {  	v62 =	vld [tilespmem:$0x6EC0];
	v0 =	vadd.f32 v40, v0;
	v2 =	vadd.f32 v42, v2  }
0xd9: {  	v32 =	vld [tilespmem:$0x6EE0];
	v1 =	vadd.f32 v41, v1;
	v3 =	vadd.f32 v43, v3  }
0xda: {  	v33 =	vld [tilespmem:$0x6EF0];
	v0 =	vadd.f32 v44, v0;
	v2 =	vadd.f32 v46, v2  }
0xdb: {  	v63 =	vld [tilespmem:$0x6ED0];
	v1 =	vadd.f32 v45, v1;
	v3 =	vadd.f32 v47, v3  }
0xdc: {  	v36 =	vld [tilespmem:$0x6F20];
	v0 =	vadd.f32 v48, v0;
	v2 =	vadd.f32 v50, v2  }
0xdd: {  	v37 =	vld [tilespmem:$0x6F30];
	v1 =	vadd.f32 v49, v1;
	v3 =	vadd.f32 v51, v3  }
0xde: {  	v39 =	vld [tilespmem:$0x6F50];
	v0 =	vadd.f32 v52, v0;
	v2 =	vadd.f32 v54, v2  }
0xdf: {  	v40 =	vld [tilespmem:$0x6F60];
	v1 =	vadd.f32 v53, v1;
	v3 =	vadd.f32 v55, v3  }
0xe0: {  	v41 =	vld [tilespmem:$0x6F70];
	v0 =	vadd.f32 v56, v0;
	v2 =	vadd.f32 v5, v2  }
0xe1: {  	v42 =	vld [tilespmem:$0x6F80];
	v1 =	vadd.f32 v4, v1;
	v3 =	vadd.f32 v6, v3  }
0xe2: {  	v43 =	vld [tilespmem:$0x6F90];
	v0 =	vadd.f32 v7, v0;
	v2 =	vadd.f32 v9, v2  }
0xe3: {  	v44 =	vld [tilespmem:$0x6FA0];
	v1 =	vadd.f32 v8, v1;
	v3 =	vadd.f32 v10, v3  }
0xe4: {  	v45 =	vld [tilespmem:$0x6FB0];
	v0 =	vadd.f32 v11, v0;
	v2 =	vadd.f32 v13, v2  }
0xe5: {  	v46 =	vld [tilespmem:$0x6FC0];
	v1 =	vadd.f32 v12, v1;
	v3 =	vadd.f32 v57, v3  }
0xe6: {  	v47 =	vld [tilespmem:$0x6FD0];
	v0 =	vadd.f32 v58, v0;
	v2 =	vadd.f32 v60, v2  }
0xe7: {  	v48 =	vld [tilespmem:$0x6FE0];
	v1 =	vadd.f32 v59, v1;
	v3 =	vadd.f32 v61, v3  }
0xe8: {  	v49 =	vld [tilespmem:$0x6FF0];
	v0 =	vadd.f32 v62, v0;
	v2 =	vadd.f32 v32, v2  }
0xe9: {  	v50 =	vld [tilespmem:$0x7000];
	v1 =	vadd.f32 v63, v1;
	v3 =	vadd.f32 v33, v3  }
0xea: {  	v51 =	vld [tilespmem:$0x7010];
	v0 =	vadd.f32 v34, v0;
	v2 =	vadd.f32 v36, v2  }
0xeb: {  	v52 =	vld [tilespmem:$0x7020];
	v1 =	vadd.f32 v35, v1;
	v3 =	vadd.f32 v37, v3  }
0xec: {  	v53 =	vld [tilespmem:$0x7030];
	v0 =	vadd.f32 v38, v0;
	v2 =	vadd.f32 v40, v2  }
0xed: {  	v54 =	vld [tilespmem:$0x7040];
	v1 =	vadd.f32 v39, v1;
	v3 =	vadd.f32 v41, v3  }
0xee: {  	v55 =	vld [tilespmem:$0x7050];
	v0 =	vadd.f32 v42, v0;
	v2 =	vadd.f32 v44, v2  }
0xef: {  	v56 =	vld [tilespmem:$0x7060];
	v1 =	vadd.f32 v43, v1;
	v3 =	vadd.f32 v45, v3  }
0xf0: {  	v57 =	vld [tilespmem:$0x7070];
	v0 =	vadd.f32 v46, v0;
	v2 =	vadd.f32 v48, v2  }
0xf1: {  	v1 =	vadd.f32 v47, v1;
	v3 =	vadd.f32 v49, v3  }
0xf2: {  	v0 =	vadd.f32 v50, v0;
	v2 =	vadd.f32 v52, v2  }
0xf3: {  	v1 =	vadd.f32 v51, v1;
	v3 =	vadd.f32 v53, v3  }
0xf4: {  	v0 =	vadd.f32 v54, v0;
	v2 =	vadd.f32 v56, v2  }
0xf5: {  	v1 =	vadd.f32 v55, v1;
	v3 =	vadd.f32 v57, v3  }
0xf6: {  	v0 =	vadd.f32 v2, v0  }
0xf7: {  	v1 =	vadd.f32 v3, v1  }
0xf8: {  	v0 =	vmul.f32 $1.999999960e-02, v0  }
0xf9: {  	v1 =	vmul.f32 $1.999999960e-02, v1  }
0xfa: {  	[tilespmem:s18+$0xFFFFFE80] =	vst v0  }
0xfb: {  	[tilespmem:s18+$0xFFFFFE90] =	vst v1  }
0xfc: {  	v0 =	vld [tilespmem:$0x7080]  }
0xfd: {  	v1 =	vld [tilespmem:$0x7090]  }
0xfe: {  	v58 =	vld [tilespmem:$0x70A0]  }
0xff: {  	v59 =	vld [tilespmem:$0x70B0]  }
0x100: {  	v4 =	vld [tilespmem:$0x70C0]  }
0x101: {  	v5 =	vld [tilespmem:$0x70D0]  }
0x102: {  	v6 =	vld [tilespmem:$0x70E0]  }
0x103: {  	v7 =	vld [tilespmem:$0x70F0]  }
0x104: {  	v8 =	vld [tilespmem:$0x7100]  }
0x105: {  	v9 =	vld [tilespmem:$0x7110]  }
0x106: {  	v10 =	vld [tilespmem:$0x7120]  }
0x107: {  	v11 =	vld [tilespmem:$0x7130]  }
0x108: {  	v12 =	vld [tilespmem:$0x7140]  }
0x109: {  	v13 =	vld [tilespmem:$0x7150]  }
0x10a: {  	v14 =	vld [tilespmem:$0x7160]  }
0x10b: {  	v15 =	vld [tilespmem:$0x7170]  }
0x10c: {  	v16 =	vld [tilespmem:$0x7180]  }
0x10d: {  	v17 =	vld [tilespmem:$0x7190]  }
0x10e: {  	v18 =	vld [tilespmem:$0x71A0]  }
0x10f: {  	v19 =	vld [tilespmem:$0x71B0]  }
0x110: {  	v20 =	vld [tilespmem:$0x71C0]  }
0x111: {  	v21 =	vld [tilespmem:$0x71D0]  }
0x112: {  	v22 =	vld [tilespmem:$0x71E0]  }
0x113: {  	v23 =	vld [tilespmem:$0x71F0]  }
0x114: {  	v24 =	vld [tilespmem:$0x7200]  }
0x115: {  	v25 =	vld [tilespmem:$0x7210]  }
0x116: {  	v26 =	vld [tilespmem:$0x7220]  }
0x117: {  	v27 =	vld [tilespmem:$0x7230]  }
0x118: {  	v28 =	vld [tilespmem:$0x7240]  }
0x119: {  	v29 =	vld [tilespmem:$0x7250]  }
0x11a: {  	v30 =	vld [tilespmem:$0x7260]  }
0x11b: {  	v60 =	vld [tilespmem:$0x7270]  }
0x11c: {  	v32 =	vld [tilespmem:$0x7280]  }
0x11d: {  	v33 =	vld [tilespmem:$0x7290]  }
0x11e: {  	v61 =	vld [tilespmem:$0x72A0]  }
0x11f: {  	v62 =	vld [tilespmem:$0x72B0]  }
0x120: {  	v36 =	vld [tilespmem:$0x72C0]  }
0x121: {  	v37 =	vld [tilespmem:$0x72D0]  }
0x122: {  	v63 =	vld [tilespmem:$0x72E0]  }
0x123: {  	v39 =	vld [tilespmem:$0x72F0]  }
0x124: {  	v40 =	vld [tilespmem:$0x7300]  }
0x125: {  	v41 =	vld [tilespmem:$0x7310]  }
0x126: {  	v42 =	vld [tilespmem:$0x7320]  }
0x127: {  	v43 =	vld [tilespmem:$0x7330]  }
0x128: {  	v44 =	vld [tilespmem:$0x7340]  }
0x129: {  	v45 =	vld [tilespmem:$0x7350]  }
0x12a: {  	v46 =	vld [tilespmem:$0x7360]  }
0x12b: {  	v47 =	vld [tilespmem:$0x7370]  }
0x12c: {  	v48 =	vld [tilespmem:$0x7380]  }
0x12d: {  	v49 =	vld [tilespmem:$0x7390]  }
0x12e: {  	v50 =	vld [tilespmem:$0x73A0]  }
0x12f: {  	v51 =	vld [tilespmem:$0x73B0]  }
0x130: {  	v52 =	vld [tilespmem:$0x73C0]  }
0x131: {  	v53 =	vld [tilespmem:$0x73D0]  }
0x132: {  	v54 =	vld [tilespmem:$0x73E0]  }
0x133: {  	v55 =	vld [tilespmem:$0x73F0];
	v0 =	vadd.f32 $0.0e+00, v0;
	v2 =	vadd.f32 $0.0e+00, v58  }
0x134: {  	v56 =	vld [tilespmem:$0x7400];
	v1 =	vadd.f32 $0.0e+00, v1;
	v3 =	vadd.f32 $0.0e+00, v59  }
0x135: {  	v57 =	vld [tilespmem:$0x74B0];
	v0 =	vadd.f32 v4, v0;
	v2 =	vadd.f32 v6, v2  }
0x136: {  	v34 =	vld [tilespmem:$0x7540];
	v1 =	vadd.f32 v5, v1;
	v3 =	vadd.f32 v7, v3  }
0x137: {  	v35 =	vld [tilespmem:$0x7550];
	v0 =	vadd.f32 v8, v0;
	v2 =	vadd.f32 v10, v2  }
0x138: {  	v38 =	vld [tilespmem:$0x7580];
	v1 =	vadd.f32 v9, v1;
	v3 =	vadd.f32 v11, v3  }
0x139: {  	v58 =	vld [tilespmem:$0x74C0];
	v0 =	vadd.f32 v12, v0;
	v2 =	vadd.f32 v14, v2  }
0x13a: {  	v59 =	vld [tilespmem:$0x74D0];
	v1 =	vadd.f32 v13, v1;
	v3 =	vadd.f32 v15, v3  }
0x13b: {  	v4 =	vld [tilespmem:$0x7410];
	v0 =	vadd.f32 v16, v0;
	v2 =	vadd.f32 v18, v2  }
0x13c: {  	v5 =	vld [tilespmem:$0x7420];
	v1 =	vadd.f32 v17, v1;
	v3 =	vadd.f32 v19, v3  }
0x13d: {  	v6 =	vld [tilespmem:$0x7430];
	v0 =	vadd.f32 v20, v0;
	v2 =	vadd.f32 v22, v2  }
0x13e: {  	v7 =	vld [tilespmem:$0x7440];
	v1 =	vadd.f32 v21, v1;
	v3 =	vadd.f32 v23, v3  }
0x13f: {  	v8 =	vld [tilespmem:$0x7450];
	v0 =	vadd.f32 v24, v0;
	v2 =	vadd.f32 v26, v2  }
0x140: {  	v9 =	vld [tilespmem:$0x7460];
	v1 =	vadd.f32 v25, v1;
	v3 =	vadd.f32 v27, v3  }
0x141: {  	v10 =	vld [tilespmem:$0x7470];
	v0 =	vadd.f32 v28, v0;
	v2 =	vadd.f32 v30, v2  }
0x142: {  	v11 =	vld [tilespmem:$0x7480];
	v1 =	vadd.f32 v29, v1;
	v3 =	vadd.f32 v60, v3  }
0x143: {  	v12 =	vld [tilespmem:$0x7490];
	v0 =	vadd.f32 v32, v0;
	v2 =	vadd.f32 v61, v2  }
0x144: {  	v13 =	vld [tilespmem:$0x74A0];
	v1 =	vadd.f32 v33, v1;
	v3 =	vadd.f32 v62, v3  }
0x145: {  	v60 =	vld [tilespmem:$0x74E0];
	v0 =	vadd.f32 v36, v0;
	v2 =	vadd.f32 v63, v2  }
0x146: {  	v61 =	vld [tilespmem:$0x74F0];
	v1 =	vadd.f32 v37, v1;
	v3 =	vadd.f32 v39, v3  }
0x147: {  	v62 =	vld [tilespmem:$0x7500];
	v0 =	vadd.f32 v40, v0;
	v2 =	vadd.f32 v42, v2  }
0x148: {  	v32 =	vld [tilespmem:$0x7520];
	v1 =	vadd.f32 v41, v1;
	v3 =	vadd.f32 v43, v3  }
0x149: {  	v33 =	vld [tilespmem:$0x7530];
	v0 =	vadd.f32 v44, v0;
	v2 =	vadd.f32 v46, v2  }
0x14a: {  	v63 =	vld [tilespmem:$0x7510];
	v1 =	vadd.f32 v45, v1;
	v3 =	vadd.f32 v47, v3  }
0x14b: {  	v36 =	vld [tilespmem:$0x7560];
	v0 =	vadd.f32 v48, v0;
	v2 =	vadd.f32 v50, v2  }
0x14c: {  	v37 =	vld [tilespmem:$0x7570];
	v1 =	vadd.f32 v49, v1;
	v3 =	vadd.f32 v51, v3  }
0x14d: {  	v39 =	vld [tilespmem:$0x7590];
	v0 =	vadd.f32 v52, v0;
	v2 =	vadd.f32 v54, v2  }
0x14e: {  	v40 =	vld [tilespmem:$0x75A0];
	v1 =	vadd.f32 v53, v1;
	v3 =	vadd.f32 v55, v3  }
0x14f: {  	v41 =	vld [tilespmem:$0x75B0];
	v0 =	vadd.f32 v56, v0;
	v2 =	vadd.f32 v5, v2  }
0x150: {  	v42 =	vld [tilespmem:$0x75C0];
	v1 =	vadd.f32 v4, v1;
	v3 =	vadd.f32 v6, v3  }
0x151: {  	v43 =	vld [tilespmem:$0x75D0];
	v0 =	vadd.f32 v7, v0;
	v2 =	vadd.f32 v9, v2  }
0x152: {  	v44 =	vld [tilespmem:$0x75E0];
	v1 =	vadd.f32 v8, v1;
	v3 =	vadd.f32 v10, v3  }
0x153: {  	v45 =	vld [tilespmem:$0x75F0];
	v0 =	vadd.f32 v11, v0;
	v2 =	vadd.f32 v13, v2  }
0x154: {  	v46 =	vld [tilespmem:$0x7600];
	v1 =	vadd.f32 v12, v1;
	v3 =	vadd.f32 v57, v3  }
0x155: {  	v47 =	vld [tilespmem:$0x7610];
	v0 =	vadd.f32 v58, v0;
	v2 =	vadd.f32 v60, v2  }
0x156: {  	v48 =	vld [tilespmem:$0x7620];
	v1 =	vadd.f32 v59, v1;
	v3 =	vadd.f32 v61, v3  }
0x157: {  	v49 =	vld [tilespmem:$0x7630];
	v0 =	vadd.f32 v62, v0;
	v2 =	vadd.f32 v32, v2  }
0x158: {  	v50 =	vld [tilespmem:$0x7640];
	v1 =	vadd.f32 v63, v1;
	v3 =	vadd.f32 v33, v3  }
0x159: {  	v51 =	vld [tilespmem:$0x7650];
	v0 =	vadd.f32 v34, v0;
	v2 =	vadd.f32 v36, v2  }
0x15a: {  	v52 =	vld [tilespmem:$0x7660];
	v1 =	vadd.f32 v35, v1;
	v3 =	vadd.f32 v37, v3  }
0x15b: {  	v53 =	vld [tilespmem:$0x7670];
	v0 =	vadd.f32 v38, v0;
	v2 =	vadd.f32 v40, v2  }
0x15c: {  	v54 =	vld [tilespmem:$0x7680];
	v1 =	vadd.f32 v39, v1;
	v3 =	vadd.f32 v41, v3  }
0x15d: {  	v55 =	vld [tilespmem:$0x7690];
	v0 =	vadd.f32 v42, v0;
	v2 =	vadd.f32 v44, v2  }
0x15e: {  	v56 =	vld [tilespmem:$0x76A0];
	v1 =	vadd.f32 v43, v1;
	v3 =	vadd.f32 v45, v3  }
0x15f: {  	v57 =	vld [tilespmem:$0x76B0];
	v0 =	vadd.f32 v46, v0;
	v2 =	vadd.f32 v48, v2  }
0x160: {  	v1 =	vadd.f32 v47, v1;
	v3 =	vadd.f32 v49, v3  }
0x161: {  	v0 =	vadd.f32 v50, v0;
	v2 =	vadd.f32 v52, v2  }
0x162: {  	v1 =	vadd.f32 v51, v1;
	v3 =	vadd.f32 v53, v3  }
0x163: {  	v0 =	vadd.f32 v54, v0;
	v2 =	vadd.f32 v56, v2  }
0x164: {  	v1 =	vadd.f32 v55, v1;
	v3 =	vadd.f32 v57, v3  }
0x165: {  	v0 =	vadd.f32 v2, v0  }
0x166: {  	v1 =	vadd.f32 v3, v1  }
0x167: {  	v0 =	vmul.f32 $1.999999960e-02, v0  }
0x168: {  	v1 =	vmul.f32 $1.999999960e-02, v1  }
0x169: {  	[tilespmem:s18+$0xFFFFFF00] =	vst v0  }
0x16a: {  	[tilespmem:s18+$0xFFFFFF10] =	vst v1  }
0x16b: {  	v0 =	vld [tilespmem:$0x76C0]  }
0x16c: {  	v1 =	vld [tilespmem:$0x76D0]  }
0x16d: {  	v58 =	vld [tilespmem:$0x76E0]  }
0x16e: {  	v59 =	vld [tilespmem:$0x76F0]  }
0x16f: {  	v4 =	vld [tilespmem:$0x7700]  }
0x170: {  	v5 =	vld [tilespmem:$0x7710]  }
0x171: {  	v6 =	vld [tilespmem:$0x7720]  }
0x172: {  	v7 =	vld [tilespmem:$0x7730]  }
0x173: {  	v8 =	vld [tilespmem:$0x7740]  }
0x174: {  	v9 =	vld [tilespmem:$0x7750]  }
0x175: {  	v10 =	vld [tilespmem:$0x7760]  }
0x176: {  	v11 =	vld [tilespmem:$0x7770]  }
0x177: {  	v12 =	vld [tilespmem:$0x7780]  }
0x178: {  	v13 =	vld [tilespmem:$0x7790]  }
0x179: {  	v14 =	vld [tilespmem:$0x77A0]  }
0x17a: {  	v15 =	vld [tilespmem:$0x77B0]  }
0x17b: {  	v16 =	vld [tilespmem:$0x77C0]  }
0x17c: {  	v17 =	vld [tilespmem:$0x77D0]  }
0x17d: {  	v18 =	vld [tilespmem:$0x77E0]  }
0x17e: {  	v19 =	vld [tilespmem:$0x77F0]  }
0x17f: {  	v20 =	vld [tilespmem:$0x7800]  }
0x180: {  	v21 =	vld [tilespmem:$0x7810]  }
0x181: {  	v22 =	vld [tilespmem:$0x7820]  }
0x182: {  	v23 =	vld [tilespmem:$0x7830]  }
0x183: {  	v24 =	vld [tilespmem:$0x7840]  }
0x184: {  	v25 =	vld [tilespmem:$0x7850]  }
0x185: {  	v26 =	vld [tilespmem:$0x7860]  }
0x186: {  	v27 =	vld [tilespmem:$0x7870]  }
0x187: {  	v28 =	vld [tilespmem:$0x7880]  }
0x188: {  	v29 =	vld [tilespmem:$0x7890]  }
0x189: {  	v30 =	vld [tilespmem:$0x78A0]  }
0x18a: {  	v31 =	vld [tilespmem:$0x78B0]  }
0x18b: {  	v32 =	vld [tilespmem:$0x78C0]  }
0x18c: {  	v33 =	vld [tilespmem:$0x78D0]  }
0x18d: {  	v60 =	vld [tilespmem:$0x78E0]  }
0x18e: {  	v61 =	vld [tilespmem:$0x78F0]  }
0x18f: {  	v36 =	vld [tilespmem:$0x7900]  }
0x190: {  	v37 =	vld [tilespmem:$0x7910]  }
0x191: {  	v62 =	vld [tilespmem:$0x7920]  }
0x192: {  	v63 =	vld [tilespmem:$0x7930]  }
0x193: {  	v40 =	vld [tilespmem:$0x7940]  }
0x194: {  	v41 =	vld [tilespmem:$0x7950]  }
0x195: {  	v42 =	vld [tilespmem:$0x7960]  }
0x196: {  	v43 =	vld [tilespmem:$0x7970]  }
0x197: {  	v44 =	vld [tilespmem:$0x7980]  }
0x198: {  	v45 =	vld [tilespmem:$0x7990]  }
0x199: {  	v46 =	vld [tilespmem:$0x79A0]  }
0x19a: {  	v47 =	vld [tilespmem:$0x79B0]  }
0x19b: {  	v48 =	vld [tilespmem:$0x79C0]  }
0x19c: {  	v49 =	vld [tilespmem:$0x79D0]  }
0x19d: {  	v50 =	vld [tilespmem:$0x79E0]  }
0x19e: {  	v51 =	vld [tilespmem:$0x79F0]  }
0x19f: {  	v52 =	vld [tilespmem:$0x7A00]  }
0x1a0: {  	v53 =	vld [tilespmem:$0x7A10]  }
0x1a1: {  	v54 =	vld [tilespmem:$0x7A20]  }
0x1a2: {  	v55 =	vld [tilespmem:$0x7A30];
	v0 =	vadd.f32 $0.0e+00, v0;
	v2 =	vadd.f32 $0.0e+00, v58  }
0x1a3: {  	v56 =	vld [tilespmem:$0x7A40];
	v1 =	vadd.f32 $0.0e+00, v1;
	v3 =	vadd.f32 $0.0e+00, v59  }
0x1a4: {  	v57 =	vld [tilespmem:$0x7B00];
	v0 =	vadd.f32 v4, v0;
	v2 =	vadd.f32 v6, v2  }
0x1a5: {  	v34 =	vld [tilespmem:$0x7B90];
	v1 =	vadd.f32 v5, v1;
	v3 =	vadd.f32 v7, v3  }
0x1a6: {  	v35 =	vld [tilespmem:$0x7BA0];
	v0 =	vadd.f32 v8, v0;
	v2 =	vadd.f32 v10, v2  }
0x1a7: {  	v38 =	vld [tilespmem:$0x7BD0];
	v1 =	vadd.f32 v9, v1;
	v3 =	vadd.f32 v11, v3  }
0x1a8: {  	v39 =	vld [tilespmem:$0x7BE0];
	v0 =	vadd.f32 v12, v0;
	v2 =	vadd.f32 v14, v2  }
0x1a9: {  	v58 =	vld [tilespmem:$0x7B10];
	v1 =	vadd.f32 v13, v1;
	v3 =	vadd.f32 v15, v3  }
0x1aa: {  	v59 =	vld [tilespmem:$0x7B20];
	v0 =	vadd.f32 v16, v0;
	v2 =	vadd.f32 v18, v2  }
0x1ab: {  	v4 =	vld [tilespmem:$0x7A50];
	v1 =	vadd.f32 v17, v1;
	v3 =	vadd.f32 v19, v3  }
0x1ac: {  	v5 =	vld [tilespmem:$0x7A60];
	v0 =	vadd.f32 v20, v0;
	v2 =	vadd.f32 v22, v2  }
0x1ad: {  	v6 =	vld [tilespmem:$0x7A70];
	v1 =	vadd.f32 v21, v1;
	v3 =	vadd.f32 v23, v3  }
0x1ae: {  	v7 =	vld [tilespmem:$0x7A80];
	v0 =	vadd.f32 v24, v0;
	v2 =	vadd.f32 v26, v2  }
0x1af: {  	v8 =	vld [tilespmem:$0x7A90];
	v1 =	vadd.f32 v25, v1;
	v3 =	vadd.f32 v27, v3  }
0x1b0: {  	v9 =	vld [tilespmem:$0x7AA0];
	v0 =	vadd.f32 v28, v0;
	v2 =	vadd.f32 v30, v2  }
0x1b1: {  	v10 =	vld [tilespmem:$0x7AB0];
	v1 =	vadd.f32 v29, v1;
	v3 =	vadd.f32 v31, v3  }
0x1b2: {  	v11 =	vld [tilespmem:$0x7AC0];
	v0 =	vadd.f32 v32, v0;
	v2 =	vadd.f32 v60, v2  }
0x1b3: {  	v12 =	vld [tilespmem:$0x7AD0];
	v1 =	vadd.f32 v33, v1;
	v3 =	vadd.f32 v61, v3  }
0x1b4: {  	v13 =	vld [tilespmem:$0x7AE0];
	v0 =	vadd.f32 v36, v0;
	v2 =	vadd.f32 v62, v2  }
0x1b5: {  	v14 =	vld [tilespmem:$0x7AF0];
	v1 =	vadd.f32 v37, v1;
	v3 =	vadd.f32 v63, v3  }
0x1b6: {  	v60 =	vld [tilespmem:$0x7B30];
	v0 =	vadd.f32 v40, v0;
	v2 =	vadd.f32 v42, v2  }
0x1b7: {  	v61 =	vld [tilespmem:$0x7B40];
	v1 =	vadd.f32 v41, v1;
	v3 =	vadd.f32 v43, v3  }
0x1b8: {  	v32 =	vld [tilespmem:$0x7B70];
	v0 =	vadd.f32 v44, v0;
	v2 =	vadd.f32 v46, v2  }
0x1b9: {  	v33 =	vld [tilespmem:$0x7B80];
	v1 =	vadd.f32 v45, v1;
	v3 =	vadd.f32 v47, v3  }
0x1ba: {  	v62 =	vld [tilespmem:$0x7B50];
	v0 =	vadd.f32 v48, v0;
	v2 =	vadd.f32 v50, v2  }
0x1bb: {  	v63 =	vld [tilespmem:$0x7B60];
	v1 =	vadd.f32 v49, v1;
	v3 =	vadd.f32 v51, v3  }
0x1bc: {  	v36 =	vld [tilespmem:$0x7BB0];
	v0 =	vadd.f32 v52, v0;
	v2 =	vadd.f32 v54, v2  }
0x1bd: {  	v37 =	vld [tilespmem:$0x7BC0];
	v1 =	vadd.f32 v53, v1;
	v3 =	vadd.f32 v55, v3  }
0x1be: {  	v40 =	vld [tilespmem:$0x7BF0];
	v0 =	vadd.f32 v56, v0;
	v2 =	vadd.f32 v5, v2  }
0x1bf: {  	v41 =	vld [tilespmem:$0x7C00];
	v1 =	vadd.f32 v4, v1;
	v3 =	vadd.f32 v6, v3  }
0x1c0: {  	v42 =	vld [tilespmem:$0x7C10];
	v0 =	vadd.f32 v7, v0;
	v2 =	vadd.f32 v9, v2  }
0x1c1: {  	v43 =	vld [tilespmem:$0x7C20];
	v1 =	vadd.f32 v8, v1;
	v3 =	vadd.f32 v10, v3  }
0x1c2: {  	v44 =	vld [tilespmem:$0x7C30];
	v0 =	vadd.f32 v11, v0;
	v2 =	vadd.f32 v13, v2  }
0x1c3: {  	v45 =	vld [tilespmem:$0x7C40];
	v1 =	vadd.f32 v12, v1;
	v3 =	vadd.f32 v14, v3  }
0x1c4: {  	v46 =	vld [tilespmem:$0x7C50];
	v0 =	vadd.f32 v57, v0;
	v2 =	vadd.f32 v59, v2  }
0x1c5: {  	v47 =	vld [tilespmem:$0x7C60];
	v1 =	vadd.f32 v58, v1;
	v3 =	vadd.f32 v60, v3  }
0x1c6: {  	v48 =	vld [tilespmem:$0x7C70];
	v0 =	vadd.f32 v61, v0;
	v2 =	vadd.f32 v63, v2  }
0x1c7: {  	v49 =	vld [tilespmem:$0x7C80];
	v1 =	vadd.f32 v62, v1;
	v3 =	vadd.f32 v32, v3  }
0x1c8: {  	v50 =	vld [tilespmem:$0x7C90];
	v0 =	vadd.f32 v33, v0;
	v2 =	vadd.f32 v35, v2  }
0x1c9: {  	v51 =	vld [tilespmem:$0x7CA0];
	v1 =	vadd.f32 v34, v1;
	v3 =	vadd.f32 v36, v3  }
0x1ca: {  	v52 =	vld [tilespmem:$0x7CB0];
	v0 =	vadd.f32 v37, v0;
	v2 =	vadd.f32 v39, v2  }
0x1cb: {  	v53 =	vld [tilespmem:$0x7CC0];
	v1 =	vadd.f32 v38, v1;
	v3 =	vadd.f32 v40, v3  }
0x1cc: {  	v54 =	vld [tilespmem:$0x7CD0];
	v0 =	vadd.f32 v41, v0;
	v2 =	vadd.f32 v43, v2  }
0x1cd: {  	v55 =	vld [tilespmem:$0x7CE0];
	v1 =	vadd.f32 v42, v1;
	v3 =	vadd.f32 v44, v3  }
0x1ce: {  	v56 =	vld [tilespmem:$0x7CF0];
	v0 =	vadd.f32 v45, v0;
	v2 =	vadd.f32 v47, v2  }
0x1cf: {  	v1 =	vadd.f32 v46, v1;
	v3 =	vadd.f32 v48, v3  }
0x1d0: {  	v0 =	vadd.f32 v49, v0;
	v2 =	vadd.f32 v51, v2  }
0x1d1: {  	v1 =	vadd.f32 v50, v1;
	v3 =	vadd.f32 v52, v3  }
0x1d2: {  	v0 =	vadd.f32 v53, v0;
	v2 =	vadd.f32 v55, v2  }
0x1d3: {  	v1 =	vadd.f32 v54, v1;
	v3 =	vadd.f32 v56, v3  }
0x1d4: {  	v0 =	vadd.f32 v2, v0  }
0x1d5: {  	v1 =	vadd.f32 v3, v1  }
0x1d6: {  	v0 =	vmul.f32 $1.999999960e-02, v0  }
0x1d7: {  	p0 =	seq.s32 s19, $0x189C0;
	v1 =	vmul.f32 $1.999999960e-02, v1  }
0x1d8: {  	s20 =	sshra.s32 @!p0 s19, $0x2;
	[tilespmem:s18+$0xFFFFFF80] =	vst v0  }
0x1d9: {  	s22 =	simm.s32 @!p0 $0x60;
	s23 =	simm.s32 @!p0 $0x6400;
	s21 =	sadd.s32 @!p0 $0x190, s20;
	[tilespmem:s18+$0xFFFFFF90] =	vst v1  }
0x1da: {  	[tilespmem:s23], [sflag:$0x1] =	stream.indirect.gather @!p0 [hbm4b:s3+s22], $0x20, s21, s22, $0xb8;
	[tilespmem:$0x19600] =	vst v63  }
0x1db: {  	s20 =	sadd.s32 @!p0 $0x1F0, s20;
	s21 =	simm.s32 @!p0 $0x68;
	s22 =	simm.s32 @!p0 $0x7000  }
0x1dc: {  	[tilespmem:s22], [sflag:$0x1] =	stream.indirect.gather @!p0 [hbm4b:s3+s21], $0x20, s20, s21, $0xb8;
	[tilespmem:$0x19600] =	vst v63  }
0x1dd: {  	_ =	swait.ge [sflag:s15], $0xC00  }
0x1de: {  	[sflag:s15] =	ssyncset.done $0x0  }
0x1df: {  	[sflag:s15] =	ssyncadd.s32 $0xFFFFF400  }
0x1e0: {  	_ =	swait.ge [sflag:s15], $0xD00  }
0x1e1: {  	[sflag:s15] =	ssyncset.done $0x0  }
0x1e2: {  	[sflag:s15] =	ssyncadd.s32 $0xFFFFF300  }
0x1e3: {  	v0 =	vld [tilespmem:$0x7D00]  }
0x1e4: {  	v57 =	vld [tilespmem:$0x7D10]  }
0x1e5: {  	v58 =	vld [tilespmem:$0x7D20]  }
0x1e6: {  	v59 =	vld [tilespmem:$0x7D30]  }
0x1e7: {  	v4 =	vld [tilespmem:$0x7D40]  }
0x1e8: {  	v5 =	vld [tilespmem:$0x7D50]  }
0x1e9: {  	v6 =	vld [tilespmem:$0x7D60]  }
0x1ea: {  	v7 =	vld [tilespmem:$0x7D70]  }
0x1eb: {  	v8 =	vld [tilespmem:$0x7D80]  }
0x1ec: {  	v9 =	vld [tilespmem:$0x7D90]  }
0x1ed: {  	v10 =	vld [tilespmem:$0x7DA0]  }
0x1ee: {  	v11 =	vld [tilespmem:$0x7DB0]  }
0x1ef: {  	v12 =	vld [tilespmem:$0x7DC0]  }
0x1f0: {  	v13 =	vld [tilespmem:$0x7DD0]  }
0x1f1: {  	v14 =	vld [tilespmem:$0x7DE0]  }
0x1f2: {  	v15 =	vld [tilespmem:$0x7DF0]  }
0x1f3: {  	v16 =	vld [tilespmem:$0x7E00]  }
0x1f4: {  	v17 =	vld [tilespmem:$0x7E10]  }
0x1f5: {  	v18 =	vld [tilespmem:$0x7E20]  }
0x1f6: {  	v19 =	vld [tilespmem:$0x7E30]  }
0x1f7: {  	v20 =	vld [tilespmem:$0x7E40]  }
0x1f8: {  	v21 =	vld [tilespmem:$0x7E50]  }
0x1f9: {  	v22 =	vld [tilespmem:$0x7E60]  }
0x1fa: {  	v23 =	vld [tilespmem:$0x7E70]  }
0x1fb: {  	v24 =	vld [tilespmem:$0x7E80]  }
0x1fc: {  	v25 =	vld [tilespmem:$0x7E90]  }
0x1fd: {  	v26 =	vld [tilespmem:$0x7EA0]  }
0x1fe: {  	v27 =	vld [tilespmem:$0x7EB0]  }
0x1ff: {  	v28 =	vld [tilespmem:$0x7EC0]  }
0x200: {  	v29 =	vld [tilespmem:$0x7ED0]  }
0x201: {  	v30 =	vld [tilespmem:$0x7EE0]  }
0x202: {  	v60 =	vld [tilespmem:$0x7EF0]  }
0x203: {  	v32 =	vld [tilespmem:$0x7F00]  }
0x204: {  	v33 =	vld [tilespmem:$0x7F10]  }
0x205: {  	v61 =	vld [tilespmem:$0x7F20]  }
0x206: {  	v62 =	vld [tilespmem:$0x7F30]  }
0x207: {  	v36 =	vld [tilespmem:$0x7F40]  }
0x208: {  	v37 =	vld [tilespmem:$0x7F50]  }
0x209: {  	v63 =	vld [tilespmem:$0x7F60]  }
0x20a: {  	v39 =	vld [tilespmem:$0x7F70]  }
0x20b: {  	v40 =	vld [tilespmem:$0x7F80]  }
0x20c: {  	v41 =	vld [tilespmem:$0x7F90]  }
0x20d: {  	v42 =	vld [tilespmem:$0x7FA0]  }
0x20e: {  	v43 =	vld [tilespmem:$0x7FB0]  }
0x20f: {  	v44 =	vld [tilespmem:$0x7FC0]  }
0x210: {  	v45 =	vld [tilespmem:$0x7FD0]  }
0x211: {  	v46 =	vld [tilespmem:$0x7FE0]  }
0x212: {  	v47 =	vld [tilespmem:$0x7FF0]  }
0x213: {  	v48 =	vld [tilespmem:$0x8000]  }
0x214: {  	v49 =	vld [tilespmem:$0x8010]  }
0x215: {  	v50 =	vld [tilespmem:$0x8020]  }
0x216: {  	v51 =	vld [tilespmem:$0x8030]  }
0x217: {  	v52 =	vld [tilespmem:$0x8040]  }
0x218: {  	v53 =	vld [tilespmem:$0x8050]  }
0x219: {  	v54 =	vld [tilespmem:$0x8060]  }
0x21a: {  	v55 =	vld [tilespmem:$0x8070];
	v0 =	vadd.f32 $0.0e+00, v0;
	v2 =	vadd.f32 $0.0e+00, v58  }
0x21b: {  	v56 =	vld [tilespmem:$0x8080];
	v1 =	vadd.f32 $0.0e+00, v57;
	v3 =	vadd.f32 $0.0e+00, v59  }
0x21c: {  	v34 =	vld [tilespmem:$0x81C0];
	v0 =	vadd.f32 v4, v0;
	v2 =	vadd.f32 v6, v2  }
0x21d: {  	v35 =	vld [tilespmem:$0x81D0];
	v1 =	vadd.f32 v5, v1;
	v3 =	vadd.f32 v7, v3  }
0x21e: {  	v38 =	vld [tilespmem:$0x8200];
	v0 =	vadd.f32 v8, v0;
	v2 =	vadd.f32 v10, v2  }
0x21f: {  	v57 =	vld [tilespmem:$0x8130];
	v1 =	vadd.f32 v9, v1;
	v3 =	vadd.f32 v11, v3  }
0x220: {  	v58 =	vld [tilespmem:$0x8140];
	v0 =	vadd.f32 v12, v0;
	v2 =	vadd.f32 v14, v2  }
0x221: {  	v59 =	vld [tilespmem:$0x8150];
	v1 =	vadd.f32 v13, v1;
	v3 =	vadd.f32 v15, v3  }
0x222: {  	v4 =	vld [tilespmem:$0x8090];
	v0 =	vadd.f32 v16, v0;
	v2 =	vadd.f32 v18, v2  }
0x223: {  	v5 =	vld [tilespmem:$0x80A0];
	v1 =	vadd.f32 v17, v1;
	v3 =	vadd.f32 v19, v3  }
0x224: {  	v6 =	vld [tilespmem:$0x80B0];
	v0 =	vadd.f32 v20, v0;
	v2 =	vadd.f32 v22, v2  }
0x225: {  	v7 =	vld [tilespmem:$0x80C0];
	v1 =	vadd.f32 v21, v1;
	v3 =	vadd.f32 v23, v3  }
0x226: {  	v8 =	vld [tilespmem:$0x80D0];
	v0 =	vadd.f32 v24, v0;
	v2 =	vadd.f32 v26, v2  }
0x227: {  	v9 =	vld [tilespmem:$0x80E0];
	v1 =	vadd.f32 v25, v1;
	v3 =	vadd.f32 v27, v3  }
0x228: {  	v10 =	vld [tilespmem:$0x80F0];
	v0 =	vadd.f32 v28, v0;
	v2 =	vadd.f32 v30, v2  }
0x229: {  	v11 =	vld [tilespmem:$0x8100];
	v1 =	vadd.f32 v29, v1;
	v3 =	vadd.f32 v60, v3  }
0x22a: {  	v12 =	vld [tilespmem:$0x8110];
	v0 =	vadd.f32 v32, v0;
	v2 =	vadd.f32 v61, v2  }
0x22b: {  	v13 =	vld [tilespmem:$0x8120];
	v1 =	vadd.f32 v33, v1;
	v3 =	vadd.f32 v62, v3  }
0x22c: {  	v60 =	vld [tilespmem:$0x8160];
	v0 =	vadd.f32 v36, v0;
	v2 =	vadd.f32 v63, v2  }
0x22d: {  	v61 =	vld [tilespmem:$0x8170];
	v1 =	vadd.f32 v37, v1;
	v3 =	vadd.f32 v39, v3  }
0x22e: {  	v62 =	vld [tilespmem:$0x8180];
	v0 =	vadd.f32 v40, v0;
	v2 =	vadd.f32 v42, v2  }
0x22f: {  	v32 =	vld [tilespmem:$0x81A0];
	v1 =	vadd.f32 v41, v1;
	v3 =	vadd.f32 v43, v3  }
0x230: {  	v33 =	vld [tilespmem:$0x81B0];
	v0 =	vadd.f32 v44, v0;
	v2 =	vadd.f32 v46, v2  }
0x231: {  	v63 =	vld [tilespmem:$0x8190];
	v1 =	vadd.f32 v45, v1;
	v3 =	vadd.f32 v47, v3  }
0x232: {  	v36 =	vld [tilespmem:$0x81E0];
	v0 =	vadd.f32 v48, v0;
	v2 =	vadd.f32 v50, v2  }
0x233: {  	v37 =	vld [tilespmem:$0x81F0];
	v1 =	vadd.f32 v49, v1;
	v3 =	vadd.f32 v51, v3  }
0x234: {  	v39 =	vld [tilespmem:$0x8210];
	v0 =	vadd.f32 v52, v0;
	v2 =	vadd.f32 v54, v2  }
0x235: {  	v40 =	vld [tilespmem:$0x8220];
	v1 =	vadd.f32 v53, v1;
	v3 =	vadd.f32 v55, v3  }
0x236: {  	v41 =	vld [tilespmem:$0x8230];
	v0 =	vadd.f32 v56, v0;
	v2 =	vadd.f32 v5, v2  }
0x237: {  	v42 =	vld [tilespmem:$0x8240];
	v1 =	vadd.f32 v4, v1;
	v3 =	vadd.f32 v6, v3  }
0x238: {  	v43 =	vld [tilespmem:$0x8250];
	v0 =	vadd.f32 v7, v0;
	v2 =	vadd.f32 v9, v2  }
0x239: {  	v44 =	vld [tilespmem:$0x8260];
	v1 =	vadd.f32 v8, v1;
	v3 =	vadd.f32 v10, v3  }
0x23a: {  	v45 =	vld [tilespmem:$0x8270];
	v0 =	vadd.f32 v11, v0;
	v2 =	vadd.f32 v13, v2  }
0x23b: {  	v46 =	vld [tilespmem:$0x8280];
	v1 =	vadd.f32 v12, v1;
	v3 =	vadd.f32 v57, v3  }
0x23c: {  	v47 =	vld [tilespmem:$0x8290];
	v0 =	vadd.f32 v58, v0;
	v2 =	vadd.f32 v60, v2  }
0x23d: {  	v48 =	vld [tilespmem:$0x82A0];
	v1 =	vadd.f32 v59, v1;
	v3 =	vadd.f32 v61, v3  }
0x23e: {  	v49 =	vld [tilespmem:$0x82B0];
	v0 =	vadd.f32 v62, v0;
	v2 =	vadd.f32 v32, v2  }
0x23f: {  	v50 =	vld [tilespmem:$0x82C0];
	v1 =	vadd.f32 v63, v1;
	v3 =	vadd.f32 v33, v3  }
0x240: {  	v51 =	vld [tilespmem:$0x82D0];
	v0 =	vadd.f32 v34, v0;
	v2 =	vadd.f32 v36, v2  }
0x241: {  	v52 =	vld [tilespmem:$0x82E0];
	v1 =	vadd.f32 v35, v1;
	v3 =	vadd.f32 v37, v3  }
0x242: {  	v53 =	vld [tilespmem:$0x82F0];
	v0 =	vadd.f32 v38, v0;
	v2 =	vadd.f32 v40, v2  }
0x243: {  	v54 =	vld [tilespmem:$0x8300];
	v1 =	vadd.f32 v39, v1;
	v3 =	vadd.f32 v41, v3  }
0x244: {  	v55 =	vld [tilespmem:$0x8310];
	v0 =	vadd.f32 v42, v0;
	v2 =	vadd.f32 v44, v2  }
0x245: {  	v56 =	vld [tilespmem:$0x8320];
	v1 =	vadd.f32 v43, v1;
	v3 =	vadd.f32 v45, v3  }
0x246: {  	v57 =	vld [tilespmem:$0x8330];
	v0 =	vadd.f32 v46, v0;
	v2 =	vadd.f32 v48, v2  }
0x247: {  	v1 =	vadd.f32 v47, v1;
	v3 =	vadd.f32 v49, v3  }
0x248: {  	v0 =	vadd.f32 v50, v0;
	v2 =	vadd.f32 v52, v2  }
0x249: {  	v1 =	vadd.f32 v51, v1;
	v3 =	vadd.f32 v53, v3  }
0x24a: {  	v0 =	vadd.f32 v54, v0;
	v2 =	vadd.f32 v56, v2  }
0x24b: {  	v1 =	vadd.f32 v55, v1;
	v3 =	vadd.f32 v57, v3  }
0x24c: {  	v0 =	vadd.f32 v2, v0  }
0x24d: {  	v1 =	vadd.f32 v3, v1  }
0x24e: {  	v0 =	vmul.f32 $1.999999960e-02, v0  }
0x24f: {  	v1 =	vmul.f32 $1.999999960e-02, v1  }
0x250: {  	[tilespmem:s18+$0x0] =	vst v0  }
0x251: {  	[tilespmem:s18+$0x10] =	vst v1  }
0x252: {  	v0 =	vld [tilespmem:$0x8340]  }
0x253: {  	v1 =	vld [tilespmem:$0x8350]  }
0x254: {  	v58 =	vld [tilespmem:$0x8360]  }
0x255: {  	v59 =	vld [tilespmem:$0x8370]  }
0x256: {  	v4 =	vld [tilespmem:$0x8380]  }
0x257: {  	v5 =	vld [tilespmem:$0x8390]  }
0x258: {  	v6 =	vld [tilespmem:$0x83A0]  }
0x259: {  	v7 =	vld [tilespmem:$0x83B0]  }
0x25a: {  	v8 =	vld [tilespmem:$0x83C0]  }
0x25b: {  	v9 =	vld [tilespmem:$0x83D0]  }
0x25c: {  	v10 =	vld [tilespmem:$0x83E0]  }
0x25d: {  	v11 =	vld [tilespmem:$0x83F0]  }
0x25e: {  	v12 =	vld [tilespmem:$0x8400]  }
0x25f: {  	v13 =	vld [tilespmem:$0x8410]  }
0x260: {  	v14 =	vld [tilespmem:$0x8420]  }
0x261: {  	v15 =	vld [tilespmem:$0x8430]  }
0x262: {  	v16 =	vld [tilespmem:$0x8440]  }
0x263: {  	v17 =	vld [tilespmem:$0x8450]  }
0x264: {  	v18 =	vld [tilespmem:$0x8460]  }
0x265: {  	v19 =	vld [tilespmem:$0x8470]  }
0x266: {  	v20 =	vld [tilespmem:$0x8480]  }
0x267: {  	v21 =	vld [tilespmem:$0x8490]  }
0x268: {  	v22 =	vld [tilespmem:$0x84A0]  }
0x269: {  	v23 =	vld [tilespmem:$0x84B0]  }
0x26a: {  	v24 =	vld [tilespmem:$0x84C0]  }
0x26b: {  	v25 =	vld [tilespmem:$0x84D0]  }
0x26c: {  	v26 =	vld [tilespmem:$0x84E0]  }
0x26d: {  	v27 =	vld [tilespmem:$0x84F0]  }
0x26e: {  	v28 =	vld [tilespmem:$0x8500]  }
0x26f: {  	v29 =	vld [tilespmem:$0x8510]  }
0x270: {  	v30 =	vld [tilespmem:$0x8520]  }
0x271: {  	v60 =	vld [tilespmem:$0x8530]  }
0x272: {  	v32 =	vld [tilespmem:$0x8540]  }
0x273: {  	v33 =	vld [tilespmem:$0x8550]  }
0x274: {  	v61 =	vld [tilespmem:$0x8560]  }
0x275: {  	v62 =	vld [tilespmem:$0x8570]  }
0x276: {  	v36 =	vld [tilespmem:$0x8580]  }
0x277: {  	v37 =	vld [tilespmem:$0x8590]  }
0x278: {  	v63 =	vld [tilespmem:$0x85A0]  }
0x279: {  	v39 =	vld [tilespmem:$0x85B0]  }
0x27a: {  	v40 =	vld [tilespmem:$0x85C0]  }
0x27b: {  	v41 =	vld [tilespmem:$0x85D0]  }
0x27c: {  	v42 =	vld [tilespmem:$0x85E0]  }
0x27d: {  	v43 =	vld [tilespmem:$0x85F0]  }
0x27e: {  	v44 =	vld [tilespmem:$0x8600]  }
0x27f: {  	v45 =	vld [tilespmem:$0x8610]  }
0x280: {  	v46 =	vld [tilespmem:$0x8620]  }
0x281: {  	v47 =	vld [tilespmem:$0x8630]  }
0x282: {  	v48 =	vld [tilespmem:$0x8640]  }
0x283: {  	v49 =	vld [tilespmem:$0x8650]  }
0x284: {  	v50 =	vld [tilespmem:$0x8660]  }
0x285: {  	v51 =	vld [tilespmem:$0x8670]  }
0x286: {  	v52 =	vld [tilespmem:$0x8680]  }
0x287: {  	v53 =	vld [tilespmem:$0x8690]  }
0x288: {  	v54 =	vld [tilespmem:$0x86A0]  }
0x289: {  	v55 =	vld [tilespmem:$0x86B0];
	v0 =	vadd.f32 $0.0e+00, v0;
	v2 =	vadd.f32 $0.0e+00, v58  }
0x28a: {  	v56 =	vld [tilespmem:$0x86C0];
	v1 =	vadd.f32 $0.0e+00, v1;
	v3 =	vadd.f32 $0.0e+00, v59  }
0x28b: {  	v57 =	vld [tilespmem:$0x8770];
	v0 =	vadd.f32 v4, v0;
	v2 =	vadd.f32 v6, v2  }
0x28c: {  	v34 =	vld [tilespmem:$0x8800];
	v1 =	vadd.f32 v5, v1;
	v3 =	vadd.f32 v7, v3  }
0x28d: {  	v35 =	vld [tilespmem:$0x8810];
	v0 =	vadd.f32 v8, v0;
	v2 =	vadd.f32 v10, v2  }
0x28e: {  	v38 =	vld [tilespmem:$0x8840];
	v1 =	vadd.f32 v9, v1;
	v3 =	vadd.f32 v11, v3  }
0x28f: {  	v58 =	vld [tilespmem:$0x8780];
	v0 =	vadd.f32 v12, v0;
	v2 =	vadd.f32 v14, v2  }
0x290: {  	v59 =	vld [tilespmem:$0x8790];
	v1 =	vadd.f32 v13, v1;
	v3 =	vadd.f32 v15, v3  }
0x291: {  	v4 =	vld [tilespmem:$0x86D0];
	v0 =	vadd.f32 v16, v0;
	v2 =	vadd.f32 v18, v2  }
0x292: {  	v5 =	vld [tilespmem:$0x86E0];
	v1 =	vadd.f32 v17, v1;
	v3 =	vadd.f32 v19, v3  }
0x293: {  	v6 =	vld [tilespmem:$0x86F0];
	v0 =	vadd.f32 v20, v0;
	v2 =	vadd.f32 v22, v2  }
0x294: {  	v7 =	vld [tilespmem:$0x8700];
	v1 =	vadd.f32 v21, v1;
	v3 =	vadd.f32 v23, v3  }
0x295: {  	v8 =	vld [tilespmem:$0x8710];
	v0 =	vadd.f32 v24, v0;
	v2 =	vadd.f32 v26, v2  }
0x296: {  	v9 =	vld [tilespmem:$0x8720];
	v1 =	vadd.f32 v25, v1;
	v3 =	vadd.f32 v27, v3  }
0x297: {  	v10 =	vld [tilespmem:$0x8730];
	v0 =	vadd.f32 v28, v0;
	v2 =	vadd.f32 v30, v2  }
0x298: {  	v11 =	vld [tilespmem:$0x8740];
	v1 =	vadd.f32 v29, v1;
	v3 =	vadd.f32 v60, v3  }
0x299: {  	v12 =	vld [tilespmem:$0x8750];
	v0 =	vadd.f32 v32, v0;
	v2 =	vadd.f32 v61, v2  }
0x29a: {  	v13 =	vld [tilespmem:$0x8760];
	v1 =	vadd.f32 v33, v1;
	v3 =	vadd.f32 v62, v3  }
0x29b: {  	v60 =	vld [tilespmem:$0x87A0];
	v0 =	vadd.f32 v36, v0;
	v2 =	vadd.f32 v63, v2  }
0x29c: {  	v61 =	vld [tilespmem:$0x87B0];
	v1 =	vadd.f32 v37, v1;
	v3 =	vadd.f32 v39, v3  }
0x29d: {  	v62 =	vld [tilespmem:$0x87C0];
	v0 =	vadd.f32 v40, v0;
	v2 =	vadd.f32 v42, v2  }
0x29e: {  	v32 =	vld [tilespmem:$0x87E0];
	v1 =	vadd.f32 v41, v1;
	v3 =	vadd.f32 v43, v3  }
0x29f: {  	v33 =	vld [tilespmem:$0x87F0];
	v0 =	vadd.f32 v44, v0;
	v2 =	vadd.f32 v46, v2  }
0x2a0: {  	v63 =	vld [tilespmem:$0x87D0];
	v1 =	vadd.f32 v45, v1;
	v3 =	vadd.f32 v47, v3  }
0x2a1: {  	v36 =	vld [tilespmem:$0x8820];
	v0 =	vadd.f32 v48, v0;
	v2 =	vadd.f32 v50, v2  }
0x2a2: {  	v37 =	vld [tilespmem:$0x8830];
	v1 =	vadd.f32 v49, v1;
	v3 =	vadd.f32 v51, v3  }
0x2a3: {  	v39 =	vld [tilespmem:$0x8850];
	v0 =	vadd.f32 v52, v0;
	v2 =	vadd.f32 v54, v2  }
0x2a4: {  	v40 =	vld [tilespmem:$0x8860];
	v1 =	vadd.f32 v53, v1;
	v3 =	vadd.f32 v55, v3  }
0x2a5: {  	v41 =	vld [tilespmem:$0x8870];
	v0 =	vadd.f32 v56, v0;
	v2 =	vadd.f32 v5, v2  }
0x2a6: {  	v42 =	vld [tilespmem:$0x8880];
	v1 =	vadd.f32 v4, v1;
	v3 =	vadd.f32 v6, v3  }
0x2a7: {  	v43 =	vld [tilespmem:$0x8890];
	v0 =	vadd.f32 v7, v0;
	v2 =	vadd.f32 v9, v2  }
0x2a8: {  	v44 =	vld [tilespmem:$0x88A0];
	v1 =	vadd.f32 v8, v1;
	v3 =	vadd.f32 v10, v3  }
0x2a9: {  	v45 =	vld [tilespmem:$0x88B0];
	v0 =	vadd.f32 v11, v0;
	v2 =	vadd.f32 v13, v2  }
0x2aa: {  	v46 =	vld [tilespmem:$0x88C0];
	v1 =	vadd.f32 v12, v1;
	v3 =	vadd.f32 v57, v3  }
0x2ab: {  	v47 =	vld [tilespmem:$0x88D0];
	v0 =	vadd.f32 v58, v0;
	v2 =	vadd.f32 v60, v2  }
0x2ac: {  	v48 =	vld [tilespmem:$0x88E0];
	v1 =	vadd.f32 v59, v1;
	v3 =	vadd.f32 v61, v3  }
0x2ad: {  	v49 =	vld [tilespmem:$0x88F0];
	v0 =	vadd.f32 v62, v0;
	v2 =	vadd.f32 v32, v2  }
0x2ae: {  	v50 =	vld [tilespmem:$0x8900];
	v1 =	vadd.f32 v63, v1;
	v3 =	vadd.f32 v33, v3  }
0x2af: {  	v51 =	vld [tilespmem:$0x8910];
	v0 =	vadd.f32 v34, v0;
	v2 =	vadd.f32 v36, v2  }
0x2b0: {  	v52 =	vld [tilespmem:$0x8920];
	v1 =	vadd.f32 v35, v1;
	v3 =	vadd.f32 v37, v3  }
0x2b1: {  	v53 =	vld [tilespmem:$0x8930];
	v0 =	vadd.f32 v38, v0;
	v2 =	vadd.f32 v40, v2  }
0x2b2: {  	v54 =	vld [tilespmem:$0x8940];
	v1 =	vadd.f32 v39, v1;
	v3 =	vadd.f32 v41, v3  }
0x2b3: {  	v55 =	vld [tilespmem:$0x8950];
	v0 =	vadd.f32 v42, v0;
	v2 =	vadd.f32 v44, v2  }
0x2b4: {  	v56 =	vld [tilespmem:$0x8960];
	v1 =	vadd.f32 v43, v1;
	v3 =	vadd.f32 v45, v3  }
0x2b5: {  	v57 =	vld [tilespmem:$0x8970];
	v0 =	vadd.f32 v46, v0;
	v2 =	vadd.f32 v48, v2  }
0x2b6: {  	v1 =	vadd.f32 v47, v1;
	v3 =	vadd.f32 v49, v3  }
0x2b7: {  	v0 =	vadd.f32 v50, v0;
	v2 =	vadd.f32 v52, v2  }
0x2b8: {  	v1 =	vadd.f32 v51, v1;
	v3 =	vadd.f32 v53, v3  }
0x2b9: {  	v0 =	vadd.f32 v54, v0;
	v2 =	vadd.f32 v56, v2  }
0x2ba: {  	v1 =	vadd.f32 v55, v1;
	v3 =	vadd.f32 v57, v3  }
0x2bb: {  	v0 =	vadd.f32 v2, v0  }
0x2bc: {  	v1 =	vadd.f32 v3, v1  }
0x2bd: {  	v0 =	vmul.f32 $1.999999960e-02, v0  }
0x2be: {  	v1 =	vmul.f32 $1.999999960e-02, v1  }
0x2bf: {  	[tilespmem:s18+$0x80] =	vst v0  }
0x2c0: {  	[tilespmem:s18+$0x90] =	vst v1  }
0x2c1: {  	v0 =	vld [tilespmem:$0x8980]  }
0x2c2: {  	v1 =	vld [tilespmem:$0x8990]  }
0x2c3: {  	v58 =	vld [tilespmem:$0x89A0]  }
0x2c4: {  	v59 =	vld [tilespmem:$0x89B0]  }
0x2c5: {  	v4 =	vld [tilespmem:$0x89C0]  }
0x2c6: {  	v5 =	vld [tilespmem:$0x89D0]  }
0x2c7: {  	v6 =	vld [tilespmem:$0x89E0]  }
0x2c8: {  	v7 =	vld [tilespmem:$0x89F0]  }
0x2c9: {  	v8 =	vld [tilespmem:$0x8A00]  }
0x2ca: {  	v9 =	vld [tilespmem:$0x8A10]  }
0x2cb: {  	v10 =	vld [tilespmem:$0x8A20]  }
0x2cc: {  	v11 =	vld [tilespmem:$0x8A30]  }
0x2cd: {  	v12 =	vld [tilespmem:$0x8A40]  }
0x2ce: {  	v13 =	vld [tilespmem:$0x8A50]  }
0x2cf: {  	v14 =	vld [tilespmem:$0x8A60]  }
0x2d0: {  	v15 =	vld [tilespmem:$0x8A70]  }
0x2d1: {  	v16 =	vld [tilespmem:$0x8A80]  }
0x2d2: {  	v17 =	vld [tilespmem:$0x8A90]  }
0x2d3: {  	v18 =	vld [tilespmem:$0x8AA0]  }
0x2d4: {  	v19 =	vld [tilespmem:$0x8AB0]  }
0x2d5: {  	v20 =	vld [tilespmem:$0x8AC0]  }
0x2d6: {  	v21 =	vld [tilespmem:$0x8AD0]  }
0x2d7: {  	v22 =	vld [tilespmem:$0x8AE0]  }
0x2d8: {  	v23 =	vld [tilespmem:$0x8AF0]  }
0x2d9: {  	v24 =	vld [tilespmem:$0x8B00]  }
0x2da: {  	v25 =	vld [tilespmem:$0x8B10]  }
0x2db: {  	v26 =	vld [tilespmem:$0x8B20]  }
0x2dc: {  	v27 =	vld [tilespmem:$0x8B30]  }
0x2dd: {  	v28 =	vld [tilespmem:$0x8B40]  }
0x2de: {  	v29 =	vld [tilespmem:$0x8B50]  }
0x2df: {  	v30 =	vld [tilespmem:$0x8B60]  }
0x2e0: {  	v60 =	vld [tilespmem:$0x8B70]  }
0x2e1: {  	v32 =	vld [tilespmem:$0x8B80]  }
0x2e2: {  	v33 =	vld [tilespmem:$0x8B90]  }
0x2e3: {  	v61 =	vld [tilespmem:$0x8BA0]  }
0x2e4: {  	v62 =	vld [tilespmem:$0x8BB0]  }
0x2e5: {  	v36 =	vld [tilespmem:$0x8BC0]  }
0x2e6: {  	v37 =	vld [tilespmem:$0x8BD0]  }
0x2e7: {  	v63 =	vld [tilespmem:$0x8BE0]  }
0x2e8: {  	v39 =	vld [tilespmem:$0x8BF0]  }
0x2e9: {  	v40 =	vld [tilespmem:$0x8C00]  }
0x2ea: {  	v41 =	vld [tilespmem:$0x8C10]  }
0x2eb: {  	v42 =	vld [tilespmem:$0x8C20]  }
0x2ec: {  	v43 =	vld [tilespmem:$0x8C30]  }
0x2ed: {  	v44 =	vld [tilespmem:$0x8C40]  }
0x2ee: {  	v45 =	vld [tilespmem:$0x8C50]  }
0x2ef: {  	v46 =	vld [tilespmem:$0x8C60]  }
0x2f0: {  	v47 =	vld [tilespmem:$0x8C70]  }
0x2f1: {  	v48 =	vld [tilespmem:$0x8C80]  }
0x2f2: {  	v49 =	vld [tilespmem:$0x8C90]  }
0x2f3: {  	v50 =	vld [tilespmem:$0x8CA0]  }
0x2f4: {  	v51 =	vld [tilespmem:$0x8CB0]  }
0x2f5: {  	v52 =	vld [tilespmem:$0x8CC0]  }
0x2f6: {  	v53 =	vld [tilespmem:$0x8CD0]  }
0x2f7: {  	v54 =	vld [tilespmem:$0x8CE0]  }
0x2f8: {  	v55 =	vld [tilespmem:$0x8CF0];
	v0 =	vadd.f32 $0.0e+00, v0;
	v2 =	vadd.f32 $0.0e+00, v58  }
0x2f9: {  	v56 =	vld [tilespmem:$0x8D00];
	v1 =	vadd.f32 $0.0e+00, v1;
	v3 =	vadd.f32 $0.0e+00, v59  }
0x2fa: {  	v57 =	vld [tilespmem:$0x8DB0];
	v0 =	vadd.f32 v4, v0;
	v2 =	vadd.f32 v6, v2  }
0x2fb: {  	v34 =	vld [tilespmem:$0x8E40];
	v1 =	vadd.f32 v5, v1;
	v3 =	vadd.f32 v7, v3  }
0x2fc: {  	v35 =	vld [tilespmem:$0x8E50];
	v0 =	vadd.f32 v8, v0;
	v2 =	vadd.f32 v10, v2  }
0x2fd: {  	v38 =	vld [tilespmem:$0x8E80];
	v1 =	vadd.f32 v9, v1;
	v3 =	vadd.f32 v11, v3  }
0x2fe: {  	v58 =	vld [tilespmem:$0x8DC0];
	v0 =	vadd.f32 v12, v0;
	v2 =	vadd.f32 v14, v2  }
0x2ff: {  	v59 =	vld [tilespmem:$0x8DD0];
	v1 =	vadd.f32 v13, v1;
	v3 =	vadd.f32 v15, v3  }
0x300: {  	v4 =	vld [tilespmem:$0x8D10];
	v0 =	vadd.f32 v16, v0;
	v2 =	vadd.f32 v18, v2  }
0x301: {  	v5 =	vld [tilespmem:$0x8D20];
	v1 =	vadd.f32 v17, v1;
	v3 =	vadd.f32 v19, v3  }
0x302: {  	v6 =	vld [tilespmem:$0x8D30];
	v0 =	vadd.f32 v20, v0;
	v2 =	vadd.f32 v22, v2  }
0x303: {  	v7 =	vld [tilespmem:$0x8D40];
	v1 =	vadd.f32 v21, v1;
	v3 =	vadd.f32 v23, v3  }
0x304: {  	v8 =	vld [tilespmem:$0x8D50];
	v0 =	vadd.f32 v24, v0;
	v2 =	vadd.f32 v26, v2  }
0x305: {  	v9 =	vld [tilespmem:$0x8D60];
	v1 =	vadd.f32 v25, v1;
	v3 =	vadd.f32 v27, v3  }
0x306: {  	v10 =	vld [tilespmem:$0x8D70];
	v0 =	vadd.f32 v28, v0;
	v2 =	vadd.f32 v30, v2  }
0x307: {  	v11 =	vld [tilespmem:$0x8D80];
	v1 =	vadd.f32 v29, v1;
	v3 =	vadd.f32 v60, v3  }
0x308: {  	v12 =	vld [tilespmem:$0x8D90];
	v0 =	vadd.f32 v32, v0;
	v2 =	vadd.f32 v61, v2  }
0x309: {  	v13 =	vld [tilespmem:$0x8DA0];
	v1 =	vadd.f32 v33, v1;
	v3 =	vadd.f32 v62, v3  }
0x30a: {  	v60 =	vld [tilespmem:$0x8DE0];
	v0 =	vadd.f32 v36, v0;
	v2 =	vadd.f32 v63, v2  }
0x30b: {  	v61 =	vld [tilespmem:$0x8DF0];
	v1 =	vadd.f32 v37, v1;
	v3 =	vadd.f32 v39, v3  }
0x30c: {  	v62 =	vld [tilespmem:$0x8E00];
	v0 =	vadd.f32 v40, v0;
	v2 =	vadd.f32 v42, v2  }
0x30d: {  	v32 =	vld [tilespmem:$0x8E20];
	v1 =	vadd.f32 v41, v1;
	v3 =	vadd.f32 v43, v3  }
0x30e: {  	v33 =	vld [tilespmem:$0x8E30];
	v0 =	vadd.f32 v44, v0;
	v2 =	vadd.f32 v46, v2  }
0x30f: {  	v63 =	vld [tilespmem:$0x8E10];
	v1 =	vadd.f32 v45, v1;
	v3 =	vadd.f32 v47, v3  }
0x310: {  	v36 =	vld [tilespmem:$0x8E60];
	v0 =	vadd.f32 v48, v0;
	v2 =	vadd.f32 v50, v2  }
0x311: {  	v37 =	vld [tilespmem:$0x8E70];
	v1 =	vadd.f32 v49, v1;
	v3 =	vadd.f32 v51, v3  }
0x312: {  	v39 =	vld [tilespmem:$0x8E90];
	v0 =	vadd.f32 v52, v0;
	v2 =	vadd.f32 v54, v2  }
0x313: {  	v40 =	vld [tilespmem:$0x8EA0];
	v1 =	vadd.f32 v53, v1;
	v3 =	vadd.f32 v55, v3  }
0x314: {  	v41 =	vld [tilespmem:$0x8EB0];
	v0 =	vadd.f32 v56, v0;
	v2 =	vadd.f32 v5, v2  }
0x315: {  	v42 =	vld [tilespmem:$0x8EC0];
	v1 =	vadd.f32 v4, v1;
	v3 =	vadd.f32 v6, v3  }
0x316: {  	v43 =	vld [tilespmem:$0x8ED0];
	v0 =	vadd.f32 v7, v0;
	v2 =	vadd.f32 v9, v2  }
0x317: {  	v44 =	vld [tilespmem:$0x8EE0];
	v1 =	vadd.f32 v8, v1;
	v3 =	vadd.f32 v10, v3  }
0x318: {  	v45 =	vld [tilespmem:$0x8EF0];
	v0 =	vadd.f32 v11, v0;
	v2 =	vadd.f32 v13, v2  }
0x319: {  	v46 =	vld [tilespmem:$0x8F00];
	v1 =	vadd.f32 v12, v1;
	v3 =	vadd.f32 v57, v3  }
0x31a: {  	v47 =	vld [tilespmem:$0x8F10];
	v0 =	vadd.f32 v58, v0;
	v2 =	vadd.f32 v60, v2  }
0x31b: {  	v48 =	vld [tilespmem:$0x8F20];
	v1 =	vadd.f32 v59, v1;
	v3 =	vadd.f32 v61, v3  }
0x31c: {  	v49 =	vld [tilespmem:$0x8F30];
	v0 =	vadd.f32 v62, v0;
	v2 =	vadd.f32 v32, v2  }
0x31d: {  	v50 =	vld [tilespmem:$0x8F40];
	v1 =	vadd.f32 v63, v1;
	v3 =	vadd.f32 v33, v3  }
0x31e: {  	v51 =	vld [tilespmem:$0x8F50];
	v0 =	vadd.f32 v34, v0;
	v2 =	vadd.f32 v36, v2  }
0x31f: {  	v52 =	vld [tilespmem:$0x8F60];
	v1 =	vadd.f32 v35, v1;
	v3 =	vadd.f32 v37, v3  }
0x320: {  	v53 =	vld [tilespmem:$0x8F70];
	v0 =	vadd.f32 v38, v0;
	v2 =	vadd.f32 v40, v2  }
0x321: {  	v54 =	vld [tilespmem:$0x8F80];
	v1 =	vadd.f32 v39, v1;
	v3 =	vadd.f32 v41, v3  }
0x322: {  	v55 =	vld [tilespmem:$0x8F90];
	v0 =	vadd.f32 v42, v0;
	v2 =	vadd.f32 v44, v2  }
0x323: {  	v56 =	vld [tilespmem:$0x8FA0];
	v1 =	vadd.f32 v43, v1;
	v3 =	vadd.f32 v45, v3  }
0x324: {  	v57 =	vld [tilespmem:$0x8FB0];
	v0 =	vadd.f32 v46, v0;
	v2 =	vadd.f32 v48, v2  }
0x325: {  	v1 =	vadd.f32 v47, v1;
	v3 =	vadd.f32 v49, v3  }
0x326: {  	v0 =	vadd.f32 v50, v0;
	v2 =	vadd.f32 v52, v2  }
0x327: {  	v1 =	vadd.f32 v51, v1;
	v3 =	vadd.f32 v53, v3  }
0x328: {  	v0 =	vadd.f32 v54, v0;
	v2 =	vadd.f32 v56, v2  }
0x329: {  	v1 =	vadd.f32 v55, v1;
	v3 =	vadd.f32 v57, v3  }
0x32a: {  	v0 =	vadd.f32 v2, v0  }
0x32b: {  	v1 =	vadd.f32 v3, v1  }
0x32c: {  	v0 =	vmul.f32 $1.999999960e-02, v0  }
0x32d: {  	v1 =	vmul.f32 $1.999999960e-02, v1  }
0x32e: {  	[tilespmem:s18+$0x100] =	vst v0  }
0x32f: {  	[tilespmem:s18+$0x110] =	vst v1  }
0x330: {  	v0 =	vld [tilespmem:$0x8FC0]  }
0x331: {  	v1 =	vld [tilespmem:$0x8FD0]  }
0x332: {  	v58 =	vld [tilespmem:$0x8FE0]  }
0x333: {  	v59 =	vld [tilespmem:$0x8FF0]  }
0x334: {  	v4 =	vld [tilespmem:$0x9000]  }
0x335: {  	v5 =	vld [tilespmem:$0x9010]  }
0x336: {  	v6 =	vld [tilespmem:$0x9020]  }
0x337: {  	v7 =	vld [tilespmem:$0x9030]  }
0x338: {  	v8 =	vld [tilespmem:$0x9040]  }
0x339: {  	v9 =	vld [tilespmem:$0x9050]  }
0x33a: {  	v10 =	vld [tilespmem:$0x9060]  }
0x33b: {  	v11 =	vld [tilespmem:$0x9070]  }
0x33c: {  	v12 =	vld [tilespmem:$0x9080]  }
0x33d: {  	v13 =	vld [tilespmem:$0x9090]  }
0x33e: {  	v14 =	vld [tilespmem:$0x90A0]  }
0x33f: {  	v15 =	vld [tilespmem:$0x90B0]  }
0x340: {  	v16 =	vld [tilespmem:$0x90C0]  }
0x341: {  	v17 =	vld [tilespmem:$0x90D0]  }
0x342: {  	v18 =	vld [tilespmem:$0x90E0]  }
0x343: {  	v19 =	vld [tilespmem:$0x90F0]  }
0x344: {  	v20 =	vld [tilespmem:$0x9100]  }
0x345: {  	v21 =	vld [tilespmem:$0x9110]  }
0x346: {  	v22 =	vld [tilespmem:$0x9120]  }
0x347: {  	v23 =	vld [tilespmem:$0x9130]  }
0x348: {  	v24 =	vld [tilespmem:$0x9140]  }
0x349: {  	v25 =	vld [tilespmem:$0x9150]  }
0x34a: {  	v60 =	vld [tilespmem:$0x9160]  }
0x34b: {  	v61 =	vld [tilespmem:$0x9170]  }
0x34c: {  	v28 =	vld [tilespmem:$0x9180]  }
0x34d: {  	v29 =	vld [tilespmem:$0x9190]  }
0x34e: {  	v62 =	vld [tilespmem:$0x91A0]  }
0x34f: {  	v63 =	vld [tilespmem:$0x91B0]  }
0x350: {  	v32 =	vld [tilespmem:$0x91C0]  }
0x351: {  	v33 =	vld [tilespmem:$0x91D0]  }
0x352: {  	v34 =	vld [tilespmem:$0x91E0]  }
0x353: {  	v35 =	vld [tilespmem:$0x91F0]  }
0x354: {  	v36 =	vld [tilespmem:$0x9200]  }
0x355: {  	v37 =	vld [tilespmem:$0x9210]  }
0x356: {  	v38 =	vld [tilespmem:$0x9220]  }
0x357: {  	v39 =	vld [tilespmem:$0x9230]  }
0x358: {  	v40 =	vld [tilespmem:$0x9240]  }
0x359: {  	v41 =	vld [tilespmem:$0x9250]  }
0x35a: {  	v42 =	vld [tilespmem:$0x9260]  }
0x35b: {  	v43 =	vld [tilespmem:$0x9270]  }
0x35c: {  	v44 =	vld [tilespmem:$0x9280]  }
0x35d: {  	v45 =	vld [tilespmem:$0x9290]  }
0x35e: {  	v46 =	vld [tilespmem:$0x92A0]  }
0x35f: {  	v47 =	vld [tilespmem:$0x92B0]  }
0x360: {  	v48 =	vld [tilespmem:$0x92C0]  }
0x361: {  	v49 =	vld [tilespmem:$0x92D0]  }
0x362: {  	v50 =	vld [tilespmem:$0x92E0]  }
0x363: {  	v51 =	vld [tilespmem:$0x92F0]  }
0x364: {  	v52 =	vld [tilespmem:$0x9300]  }
0x365: {  	v53 =	vld [tilespmem:$0x9310]  }
0x366: {  	v54 =	vld [tilespmem:$0x9320]  }
0x367: {  	v55 =	vld [tilespmem:$0x9330];
	v0 =	vadd.f32 $0.0e+00, v0;
	v2 =	vadd.f32 $0.0e+00, v58  }
0x368: {  	v56 =	vld [tilespmem:$0x9340];
	v1 =	vadd.f32 $0.0e+00, v1;
	v3 =	vadd.f32 $0.0e+00, v59  }
0x369: {  	v57 =	vld [tilespmem:$0x93C0];
	v0 =	vadd.f32 v4, v0;
	v2 =	vadd.f32 v6, v2  }
0x36a: {  	v58 =	vld [tilespmem:$0x93D0];
	v1 =	vadd.f32 v5, v1;
	v3 =	vadd.f32 v7, v3  }
0x36b: {  	v59 =	vld [tilespmem:$0x93E0];
	v0 =	vadd.f32 v8, v0;
	v2 =	vadd.f32 v10, v2  }
0x36c: {  	v4 =	vld [tilespmem:$0x9350];
	v1 =	vadd.f32 v9, v1;
	v3 =	vadd.f32 v11, v3  }
0x36d: {  	v5 =	vld [tilespmem:$0x9360];
	v0 =	vadd.f32 v12, v0;
	v2 =	vadd.f32 v14, v2  }
0x36e: {  	v6 =	vld [tilespmem:$0x9370];
	v1 =	vadd.f32 v13, v1;
	v3 =	vadd.f32 v15, v3  }
0x36f: {  	v7 =	vld [tilespmem:$0x9380];
	v0 =	vadd.f32 v16, v0;
	v2 =	vadd.f32 v18, v2  }
0x370: {  	v8 =	vld [tilespmem:$0x9390];
	v1 =	vadd.f32 v17, v1;
	v3 =	vadd.f32 v19, v3  }
0x371: {  	v9 =	vld [tilespmem:$0x93A0];
	v0 =	vadd.f32 v20, v0;
	v2 =	vadd.f32 v22, v2  }
0x372: {  	v10 =	vld [tilespmem:$0x93B0];
	v1 =	vadd.f32 v21, v1;
	v3 =	vadd.f32 v23, v3  }
0x373: {  	v0 =	vadd.f32 v24, v0;
	v2 =	vadd.f32 v60, v2;
	v60 =	vld [tilespmem:$0x93F0]  }
0x374: {  	v1 =	vadd.f32 v25, v1;
	v3 =	vadd.f32 v61, v3;
	v61 =	vld [tilespmem:$0x9400]  }
0x375: {  	v0 =	vadd.f32 v28, v0;
	v2 =	vadd.f32 v62, v2;
	v62 =	vld [tilespmem:$0x9410]  }
0x376: {  	v1 =	vadd.f32 v29, v1;
	v3 =	vadd.f32 v63, v3;
	v63 =	vld [tilespmem:$0x9420]  }
0x377: {  	v0 =	vadd.f32 v32, v0;
	v2 =	vadd.f32 v34, v2;
	v34 =	vld [tilespmem:$0x9430]  }
0x378: {  	v1 =	vadd.f32 v33, v1;
	v3 =	vadd.f32 v35, v3;
	v35 =	vld [tilespmem:$0x9440]  }
0x379: {  	v0 =	vadd.f32 v36, v0;
	v2 =	vadd.f32 v38, v2;
	v36 =	vld [tilespmem:$0x9450]  }
0x37a: {  	v1 =	vadd.f32 v37, v1;
	v3 =	vadd.f32 v39, v3;
	v38 =	vld [tilespmem:$0x9460]  }
0x37b: {  	v39 =	vld [tilespmem:$0x9470];
	v0 =	vadd.f32 v40, v0;
	v2 =	vadd.f32 v42, v2  }
0x37c: {  	v1 =	vadd.f32 v41, v1;
	v3 =	vadd.f32 v43, v3;
	v40 =	vld [tilespmem:$0x9480]  }
0x37d: {  	v41 =	vld [tilespmem:$0x9490];
	v0 =	vadd.f32 v44, v0;
	v2 =	vadd.f32 v46, v2  }
0x37e: {  	v42 =	vld [tilespmem:$0x94A0];
	v1 =	vadd.f32 v45, v1;
	v3 =	vadd.f32 v47, v3  }
0x37f: {  	v43 =	vld [tilespmem:$0x94B0];
	v0 =	vadd.f32 v48, v0;
	v2 =	vadd.f32 v50, v2  }
0x380: {  	v44 =	vld [tilespmem:$0x94C0];
	v1 =	vadd.f32 v49, v1;
	v3 =	vadd.f32 v51, v3  }
0x381: {  	v45 =	vld [tilespmem:$0x94D0];
	v0 =	vadd.f32 v52, v0;
	v2 =	vadd.f32 v54, v2  }
0x382: {  	v46 =	vld [tilespmem:$0x94E0];
	v1 =	vadd.f32 v53, v1;
	v3 =	vadd.f32 v55, v3  }
0x383: {  	v47 =	vld [tilespmem:$0x94F0];
	v0 =	vadd.f32 v56, v0;
	v2 =	vadd.f32 v5, v2  }
0x384: {  	v48 =	vld [tilespmem:$0x9500];
	v1 =	vadd.f32 v4, v1;
	v3 =	vadd.f32 v6, v3  }
0x385: {  	v49 =	vld [tilespmem:$0x9510];
	v0 =	vadd.f32 v7, v0;
	v2 =	vadd.f32 v9, v2  }
0x386: {  	v50 =	vld [tilespmem:$0x9520];
	v1 =	vadd.f32 v8, v1;
	v3 =	vadd.f32 v10, v3  }
0x387: {  	v51 =	vld [tilespmem:$0x9530];
	v0 =	vadd.f32 v57, v0;
	v2 =	vadd.f32 v59, v2  }
0x388: {  	v52 =	vld [tilespmem:$0x9540];
	v1 =	vadd.f32 v58, v1;
	v3 =	vadd.f32 v60, v3  }
0x389: {  	v53 =	vld [tilespmem:$0x9550];
	v0 =	vadd.f32 v61, v0;
	v2 =	vadd.f32 v63, v2  }
0x38a: {  	v54 =	vld [tilespmem:$0x9560];
	v1 =	vadd.f32 v62, v1;
	v3 =	vadd.f32 v34, v3  }
0x38b: {  	v55 =	vld [tilespmem:$0x9570];
	v0 =	vadd.f32 v35, v0;
	v2 =	vadd.f32 v38, v2  }
0x38c: {  	v56 =	vld [tilespmem:$0x9580];
	v1 =	vadd.f32 v36, v1;
	v3 =	vadd.f32 v39, v3  }
0x38d: {  	v57 =	vld [tilespmem:$0x9590];
	v0 =	vadd.f32 v40, v0;
	v2 =	vadd.f32 v42, v2  }
0x38e: {  	v58 =	vld [tilespmem:$0x95A0];
	v1 =	vadd.f32 v41, v1;
	v3 =	vadd.f32 v43, v3  }
0x38f: {  	v59 =	vld [tilespmem:$0x95B0];
	v0 =	vadd.f32 v44, v0;
	v2 =	vadd.f32 v46, v2  }
0x390: {  	v60 =	vld [tilespmem:$0x95C0];
	v1 =	vadd.f32 v45, v1;
	v3 =	vadd.f32 v47, v3  }
0x391: {  	v61 =	vld [tilespmem:$0x95D0];
	v0 =	vadd.f32 v48, v0;
	v2 =	vadd.f32 v50, v2  }
0x392: {  	v62 =	vld [tilespmem:$0x95E0];
	v1 =	vadd.f32 v49, v1;
	v3 =	vadd.f32 v51, v3  }
0x393: {  	v63 =	vld [tilespmem:$0x95F0];
	v0 =	vadd.f32 v52, v0;
	v2 =	vadd.f32 v54, v2  }
0x394: {  	v1 =	vadd.f32 v53, v1;
	v3 =	vadd.f32 v55, v3  }
0x395: {  	v0 =	vadd.f32 v56, v0;
	v2 =	vadd.f32 v58, v2  }
0x396: {  	v1 =	vadd.f32 v57, v1;
	v3 =	vadd.f32 v59, v3  }
0x397: {  	v0 =	vadd.f32 v60, v0;
	v2 =	vadd.f32 v62, v2  }
0x398: {  	s19 =	sadd.s32 $0x640, s19;
	v1 =	vadd.f32 v61, v1;
	v3 =	vadd.f32 v63, v3  }
0x399: {  	p0 =	sne.s32 s19, $0x19000;
	v0 =	vadd.f32 v2, v0  }
.Ltmp0:
0x39a: {  	v1 =	vadd.f32 v3, v1;
	(pc) =	sbr.rel @p0 .LBB2_2-.Ltmp0, $4  }
0x39b: {  	v0 =	vmul.f32 $1.999999960e-02, v0  }
0x39c: {  	v1 =	vmul.f32 $1.999999960e-02, v1  }
0x39d: {  	[tilespmem:s18+$0x180] =	vst v0  }
0x39e: {  	[tilespmem:s18+$0x190] =	vst v1;
	s18 =	sadd.s32 $0x400, s18  }
0x39f: {  	s17 =	sadd.s32 $0x1, s17  }
0x3a0: {  	p0 =	sne.s32 s17, s6  }
.Ltmp1:
0x3a1: {  	_ = 	snop;
	(pc) =	sbr.rel @p0 .LBB2_1-.Ltmp1, $4  }
0x3a2: {  	[hbm4b:s5+s2] =	stream.linear.scatter [tilespmem:s16], [sflag:$0x3], $0x10000, $0x38;
	[tilespmem:$0x19600] =	vst v63  }
0x3a3: {  	_ =	swait.ge [sflag:s7], $0x10000  }
0x3a4: {  	[sflag:s7] =	ssyncset.done $0x0  }
0x3a5: {  	[sflag:s7] =	ssyncadd.s32 $0xFFFF0000  }
0x3a6: {  	_ =	sfence.sel $0x180000  }
0x3a7: {  	[bflag:$0x0] =	sbarrier.arrive $0xFFFF  }
0x3a8: {  	p0 =	sne.s32 s0, $0x0;
	_ =	strace $0x9000004A  }
0x3a9: {  	s0 =	sadd.s32 @!p0 $0x100000, s1;
	[bflag:$0x2] =	sbarrier.arrive $0xFFFF  }
0x3aa: {  	[sflag:s0] =	ssyncadd.tile.s32 @!p0 $0x1;
	_ =	shalt  }
.Lfunc_end2:
_tile_overlayer_lowered:
.L_overlay_start_2:
0x3ab: {  	(tag) =	ssettag $0x2  }
0x3ac: {  	s0 =	rddreg [dreg:$0x0];
	s2 =	stileid.u32  }
0x3ad: {  	s1 =	rddreg [dreg:$0x1];
	p0 =	sne.s32 s2, $0x0  }
0x3ae: {  	s3 =	rddreg [dreg:$0x2];
	[bflag:$0x3] =	sbarrier.arrive $0xFFFF;
	s2 =	simm.s32 @!p0 $0x1C03  }
0x3af: {  	[timem:s3], [sflag:s2] =	dma.local @!p0 [hbm:s0], s1  }
0x3b0: {  	s0 =	simm.s32 @!p0 $0x3  }
0x3b1: {  	_ =	swait.ge @!p0 [sflag:s0], s1  }
0x3b2: {  	s1 =	ssub.s32 @!p0 $0x0, s1;
	[sflag:s0] =	ssyncset.done @!p0 $0x0  }
0x3b3: {  	[sflag:s0] =	ssyncadd.s32 @!p0 s1  }
0x3b4: {  	[bflag:$0x3] =	sbarrier.arrive $0xFFFF  }
0x3b5: {  	_ =	shalt  }

</sc_bundles>
